<compile_context>
chip_gen: v7x
topology: tpu7x:2x2x1
jax: 0.10.2.dev20260603
libtpu: 0.0.44.dev20260713+nightly
codegen_flags: <defaults>
</compile_context>

<pallas_src>
import functools
import jax
import jax.numpy as jnp
from jax import lax
from jax.experimental import pallas as pl
from jax.experimental.pallas import tpu as pltpu, tpu_sc as plsc

P = 524288
M = 131072
C = 64
T = 32
Q = P // T
NB = 128
R = M // NB
NBT = NB // T
CHK = 2048
NV = 16
PADP = P + NB * 8 + 256

_mesh = plsc.VectorSubcoreMesh(core_axis_name="c", subcore_axis_name="s")
_cp = pltpu.CompilerParams(needs_layout_passes=False, use_tc_tiling_on_sc=False)


def _rank16(k16):
    seven = jnp.full((NV,), 7, jnp.int32)
    return lax.div(k16 - 3, seven)


def _iota():
    return lax.iota(jnp.int32, NV)


@functools.partial(
    pl.kernel,
    out_type=jax.ShapeDtypeStruct((T * NB,), jnp.int32),
    mesh=_mesh,
    compiler_params=_cp,
    scratch_types=[pltpu.VMEM((CHK,), jnp.int32), pltpu.VMEM((NB,), jnp.int32)],
)
def _k1(pts_hbm, counts_hbm, keys_v, hist):
    wid = lax.axis_index("c") * 16 + lax.axis_index("s")
    ones = jnp.ones((NV,), jnp.int32)

    def zero_b(i, c):
        hist[pl.ds(i * NV, NV)] = jnp.zeros((NV,), jnp.int32)
        return c

    lax.fori_loop(0, NB // NV, zero_b, 0)

    def chunk(ch, c):
        base = pl.multiple_of(wid * Q + ch * CHK, 8)
        pltpu.sync_copy(pts_hbm.at[pl.ds(base, CHK)], keys_v)

        def vec(v, c2):
            k16 = keys_v[pl.ds(v * NV, NV)]
            b16 = lax.shift_right_logical(_rank16(k16), 10)
            plsc.addupdate_scatter(hist, [b16], ones)
            return c2

        lax.fori_loop(0, CHK // NV, vec, 0)
        return c

    lax.fori_loop(0, Q // CHK, chunk, 0)
    pltpu.sync_copy(hist, counts_hbm.at[pl.ds(wid * NB, NB)])


@functools.partial(
    pl.kernel,
    out_type=(
        jax.ShapeDtypeStruct((PADP,), jnp.int32),
        jax.ShapeDtypeStruct((PADP,), jnp.int32),
    ),
    mesh=_mesh,
    compiler_params=_cp,
    scratch_types=[
        pltpu.VMEM((CHK,), jnp.int32),
        pltpu.VMEM((T * NB,), jnp.int32),
        pltpu.VMEM((NB,), jnp.int32),
        pltpu.VMEM((NB,), jnp.int32),
        pltpu.VMEM((NB,), jnp.int32),
        pltpu.VMEM((CHK // 128, 128), jnp.int32),
        pltpu.VMEM((CHK,), jnp.int32),
        pltpu.VMEM((CHK,), jnp.int32),
        pltpu.SemaphoreType.DMA,
    ],
)
def _k2(pts_hbm, counts_hbm, pid_hbm, rank_hbm, keys_v, cnt_all, totv, partial,
        cursor, posb, pidb, rnkb, sem):
    wid = lax.axis_index("c") * 16 + lax.axis_index("s")
    iota = _iota()
    ones = jnp.ones((NV,), jnp.int32)

    pltpu.sync_copy(counts_hbm, cnt_all)

    for bg in range(NB // NV):
        def col(t, carry):
            at, ap = carry
            g = plsc.load_gather(cnt_all, [t * NB + bg * NV + iota])
            return at + g, ap + jnp.where(t < wid, g, 0)

        at, ap = lax.fori_loop(0, T, col, (jnp.zeros((NV,), jnp.int32),) * 2)
        totv[pl.ds(bg * NV, NV)] = at
        partial[pl.ds(bg * NV, NV)] = ap

    carry = jnp.int32(0)
    for bg in range(NB // NV):
        t16 = totv[pl.ds(bg * NV, NV)]
        a8 = lax.shift_left(lax.shift_right_logical(t16 + 7, 3), 3)
        incl = plsc.cumsum(a8)
        excl = incl - a8 + carry
        cursor[pl.ds(bg * NV, NV)] = excl + partial[pl.ds(bg * NV, NV)]
        carry = carry + incl[15]

    def pchunk(ch, _c):
        base = pl.multiple_of(wid * Q + ch * CHK, 8)
        pltpu.sync_copy(pts_hbm.at[pl.ds(base, CHK)], keys_v)

        def vec(v, c2):
            off = v * NV
            k16 = keys_v[pl.ds(off, NV)]
            r16 = _rank16(k16)
            b16 = lax.shift_right_logical(r16, 10)
            occ, _ = plsc.scan_count(b16)
            basec = plsc.load_gather(cursor, [b16])
            pos = basec + occ - 1
            plsc.addupdate_scatter(cursor, [b16], ones)
            row = lax.div(v, 8)
            col = lax.rem(v, 8) * NV
            posb[row, pl.ds(col, NV)] = pos
            pidb[pl.ds(off, NV)] = wid * Q + ch * CHK + off + iota
            rnkb[pl.ds(off, NV)] = r16
            return c2

        lax.fori_loop(0, CHK // NV, vec, 0)
        handles = []
        for sb in range(CHK // 128):
            handles.append(pltpu.async_copy(
                pidb.at[pl.ds(sb * 128, 128)], pid_hbm.at[posb.at[sb]], sem))
            handles.append(pltpu.async_copy(
                rnkb.at[pl.ds(sb * 128, 128)], rank_hbm.at[posb.at[sb]], sem))
        for h in handles:
            h.wait()
        return _c

    lax.fori_loop(0, Q // CHK, pchunk, 0)


@functools.partial(
    pl.kernel,
    out_type=jax.ShapeDtypeStruct((M, C), jnp.float32),
    mesh=_mesh,
    compiler_params=_cp,
    scratch_types=[
        pltpu.VMEM((T * NB,), jnp.int32),
        pltpu.VMEM((NB,), jnp.int32),
        pltpu.VMEM((NB,), jnp.int32),
        pltpu.VMEM((CHK,), jnp.int32),
        pltpu.VMEM((T, 128), jnp.int32),
        pltpu.VMEM((2, 128), jnp.int32),
        pltpu.VMEM((256,), jnp.int32),
        pltpu.VMEM((256, C), jnp.float32),
        pltpu.VMEM((R, C), jnp.float32),
        pltpu.VMEM((R,), jnp.float32),
        pltpu.SemaphoreType.DMA,
    ],
)
def _k3(feats_hbm, tgt_hbm, counts_hbm, pid_hbm, rank_hbm, out_hbm,
        cnt_all, totv, Sv, tkey, lutbuf, pidx, rankx, rows, acc, cntv, sem):
    wid = lax.axis_index("c") * 16 + lax.axis_index("s")
    iota = _iota()
    onesf = jnp.ones((NV,), jnp.float32)

    pltpu.sync_copy(counts_hbm, cnt_all)

    for bg in range(NB // NV):
        def col(t, at):
            return at + plsc.load_gather(cnt_all, [t * NB + bg * NV + iota])

        at = lax.fori_loop(0, T, col, jnp.zeros((NV,), jnp.int32))
        totv[pl.ds(bg * NV, NV)] = at
    carry = jnp.int32(0)
    for bg in range(NB // NV):
        t16 = totv[pl.ds(bg * NV, NV)]
        a8 = lax.shift_left(lax.shift_right_logical(t16 + 7, 3), 3)
        incl = plsc.cumsum(a8)
        Sv[pl.ds(bg * NV, NV)] = incl - a8 + carry
        carry = carry + incl[15]

    def lchunk(ch, c):
        base = pl.multiple_of(ch * CHK, 8)
        pltpu.sync_copy(tgt_hbm.at[pl.ds(base, CHK)], tkey)

        def vec(v, c2):
            k16 = tkey[pl.ds(v * NV, NV)]
            local = _rank16(k16) - wid * (NBT * R)
            m = (local >= 0) & (local < NBT * R)
            lc = jnp.where(m, local, 0)
            j16 = ch * CHK + v * NV + iota
            plsc.store_scatter(
                lutbuf,
                [lax.shift_right_logical(lc, 7), lax.bitwise_and(lc, 127)],
                j16, mask=m)
            return c2

        lax.fori_loop(0, CHK // NV, vec, 0)
        return c

    lax.fori_loop(0, M // CHK, lchunk, 0)

    def bucket(bi, _c):
        b = wid * NBT + bi

        def zr(r, c):
            for cg in range(C // NV):
                acc[r, pl.ds(cg * NV, NV)] = jnp.zeros((NV,), jnp.float32)
            return c

        lax.fori_loop(0, R, zr, 0)

        def zc(i, c):
            cntv[pl.ds(i * NV, NV)] = jnp.zeros((NV,), jnp.float32)
            return c

        lax.fori_loop(0, R // NV, zc, 0)

        vb = pl.multiple_of(lax.div(b, 16) * NV, 8)
        lane = lax.rem(b, 16)
        n_b = jnp.sum(jnp.where(iota == lane, totv[pl.ds(vb, NV)], 0))
        s_b = jnp.sum(jnp.where(iota == lane, Sv[pl.ds(vb, NV)], 0))

        def chunk(ci, c):
            off = pl.multiple_of(s_b + ci * 256, 8)
            pltpu.sync_copy(pid_hbm.at[pl.ds(off, 128)], pidx.at[0])
            pltpu.sync_copy(pid_hbm.at[pl.ds(off + 128, 128)], pidx.at[1])
            pltpu.sync_copy(rank_hbm.at[pl.ds(off, 256)], rankx)
            rem = n_b - ci * 256

            def san(j, c2):
                r = lax.div(j, 8)
                cg = lax.rem(j, 8)
                v = pidx[r, pl.ds(cg * NV, NV)]
                m = (r * 128 + cg * NV + iota) < rem
                pidx[r, pl.ds(cg * NV, NV)] = jnp.where(m, v, 0)
                return c2

            lax.fori_loop(0, 16, san, 0)

            h0 = pltpu.async_copy(feats_hbm.at[pidx.at[0]],
                                  rows.at[pl.ds(0, 128)], sem)
            h1 = pltpu.async_copy(feats_hbm.at[pidx.at[1]],
                                  rows.at[pl.ds(128, 128)], sem)
            h0.wait()
            h1.wait()

            def pv(p, c2):
                pb = p * NV
                rl = rankx[pl.ds(pb, NV)] - b * R
                m = (pb + iota) < rem
                rl = jnp.where(m, rl, 0)
                plsc.addupdate_scatter(cntv, [rl], onesf, mask=m)
                if True:
                    return c2
                for i in range(NV):
                    r = rl[i]
                    w = jnp.where(pb + i < rem, 1.0, 0.0)
                    for jg in range(C // NV):
                        sl = pl.ds(jg * NV, NV)
                        acc[r, sl] = acc[r, sl] + rows[pb + i, sl] * w
                return c2

            lax.fori_loop(0, 16, pv, 0)
            return c

        nch = lax.div(n_b + 255, 256)
        lax.fori_loop(0, nch, chunk, 0)

        def dv(rg, c):
            c16 = cntv[pl.ds(rg * NV, NV)]
            inv = 1.0 / jnp.maximum(c16, 1.0)
            for i in range(NV):
                r = rg * NV + i
                s = inv[i]
                for jg in range(C // NV):
                    sl = pl.ds(jg * NV, NV)
                    acc[r, sl] = acc[r, sl] * s
            return c

        lax.fori_loop(0, R // NV, dv, 0)

        hs = []
        for sb in range(R // 128):
            hs.append(pltpu.async_copy(
                acc.at[pl.ds(sb * 128, 128)],
                out_hbm.at[lutbuf.at[bi * 8 + sb]], sem))
        for h in hs:
            h.wait()
        return _c

    lax.fori_loop(0, NBT, bucket, 0)


def kernel(feats, pts_key, tgt_key):
    feats = feats.astype(jnp.float32)
    pts_key = pts_key.astype(jnp.int32)
    tgt_key = tgt_key.astype(jnp.int32)
    counts = _k1(pts_key)
    pid_part, rank_part = _k2(pts_key, counts)
    return _k3(feats, tgt_key, counts, pid_part, rank_part)

# --- scband reference (transcript-rebuilt; emitter-appended) ---
"""Pipeline reference for scband-economicgrasp-multi-88158498718150 (READ-ONLY COPY).

The authoritative reference and input builder live on the scoring server;
editing this copy changes nothing except your own understanding.
"""

import jax, jax.numpy as jnp
import numpy as np

P = 524288
M = 131072
C = 64

def setup_inputs(seed: int = 0) -> dict:
    key = jax.random.key(seed)
    k1, k2, k3 = jax.random.split(key, 3)
    feats = jax.random.normal(k1, (P, C), dtype=jnp.float32)
    # unique voxel keys (packed (b,x,y,z) hashes in the original); permuted so the sort is nontrivial
    base = jnp.arange(M) * 7 + 3
    tgt_key = jax.random.permutation(k2, base)
    # every point maps to some existing target voxel (the original raises if not)
    assign = jax.random.randint(k3, (P,), 0, M)
    pts_key = tgt_key[assign]
    return {"feats": feats, "pts_key": pts_key, "tgt_key": tgt_key}

def reference(feats, pts_key, tgt_key):
    # Faithful translation of TDUnet_InterFuse._build_img_sparse_like core:
    # sort target keys, searchsorted point keys, map to target rows, scatter-mean features.
    M_ = tgt_key.shape[0]
    order = jnp.argsort(tgt_key)
    tgt_key_sorted = tgt_key[order]
    pos = jnp.searchsorted(tgt_key_sorted, pts_key)
    pos = jnp.clip(pos, 0, M_ - 1)
    tgt_idx = order[pos]
    # _scatter_mean: index_add_ of feats and of ones, then divide by clamped count
    sums = jnp.zeros((M_, feats.shape[1]), dtype=feats.dtype).at[tgt_idx].add(feats)
    cnt = jnp.zeros((M_, 1), dtype=feats.dtype).at[tgt_idx].add(jnp.ones((feats.shape[0], 1), dtype=feats.dtype))
    return sums / jnp.maximum(cnt, 1.0)

if __name__ == "__main__":
    import jax
    _d = setup_inputs()
    print(jax.jit(kernel)(*tuple(_d.values())))

</pallas_src>

<mosaic_0001>
#map = affine_map<(d0, d1) -> (0)>
module attributes {stable_mosaic.version = 14 : i64} {
  func.func @_k2(%arg0: i32, %arg1: i32, %arg2: memref<524288xi32, #tpu.memory_space<hbm>>, %arg3: memref<4096xi32, #tpu.memory_space<hbm>>, %arg4: memref<525568xi32, #tpu.memory_space<hbm>>, %arg5: memref<525568xi32, #tpu.memory_space<hbm>>, %arg6: memref<2048xi32, #tpu.memory_space<vmem>>, %arg7: memref<4096xi32, #tpu.memory_space<vmem>>, %arg8: memref<128xi32, #tpu.memory_space<vmem>>, %arg9: memref<128xi32, #tpu.memory_space<vmem>>, %arg10: memref<128xi32, #tpu.memory_space<vmem>>, %arg11: memref<16x128xi32, #tpu.memory_space<vmem>>, %arg12: memref<2048xi32, #tpu.memory_space<vmem>>, %arg13: memref<2048xi32, #tpu.memory_space<vmem>>, %arg14: memref<!tpu.dma_semaphore, #tpu.memory_space<semaphore_mem>>) attributes {dimension_semantics = [#tpu.dimension_semantics<core_parallel>, #tpu.dimension_semantics<subcore_parallel>], iteration_bounds = array<i64: 2, 16>, scalar_prefetch = 0 : i64, scratch_operands = 9 : i64, tpu.core_type = #tpu.core_type<sc_vector_subcore>, window_params = [{transform_indices = #map}, {transform_indices = #map}, {transform_indices = #map}, {transform_indices = #map}]} {
    %mul3A = arith.constant 16 : i32
    %mul3A_0 = arith.muli %arg0, %mul3A : i32
    %add3A = arith.addi %mul3A_0, %arg1 : i32
    %iota3A = tpu.iota {dimensions = array<i32: 0>} : vector<16xi32>
    %broadcast_in_dim3A = arith.constant 1 : i32
    %broadcast_in_dim3A_1 = vector.broadcast %broadcast_in_dim3A : i32 to vector<16xi32>
    "tpu.region"() ({
      %run_scoped3A = tpu.sem_alloc : memref<!tpu.dma_semaphore, #tpu.memory_space<semaphore_mem>>
      tpu.enqueue_dma source(%arg3 : memref<4096xi32, #tpu.memory_space<hbm>>) target(%arg7 : memref<4096xi32, #tpu.memory_space<vmem>>) target_semaphore(%run_scoped3A : memref<!tpu.dma_semaphore, #tpu.memory_space<semaphore_mem>>)
      tpu.wait_dma2 semaphore(%run_scoped3A : memref<!tpu.dma_semaphore, #tpu.memory_space<semaphore_mem>>) src(%arg3 : memref<4096xi32, #tpu.memory_space<hbm>>) dst(%arg7 : memref<4096xi32, #tpu.memory_space<vmem>>)
      tpu.yield
    }) : () -> ()
    %broadcast_in_dim3A_2 = arith.constant 0 : i32
    %broadcast_in_dim3A_3 = vector.broadcast %broadcast_in_dim3A_2 : i32 to vector<16xi32>
    %scan3A = arith.constant 0 : i32
    %scan3A_4 = arith.constant 32 : i32
    %scan3A_5 = arith.addi %scan3A, %scan3A_4 : i32
    %scan3A_6 = arith.constant 1 : i32
    %scan3A_7:2 = scf.for %scan3A_297 = %scan3A to %scan3A_5 step %scan3A_6 iter_args(%scan3A_298 = %broadcast_in_dim3A_3, %scan3A_299 = %broadcast_in_dim3A_3) -> (vector<16xi32>, vector<16xi32>)  : i32 {
      %mul3A_300 = arith.constant 128 : i32
      %mul3A_301 = arith.muli %scan3A_297, %mul3A_300 : i32
      %add3A_302 = arith.constant 0 : i32
      %add3A_303 = arith.addi %mul3A_301, %add3A_302 : i32
      %add3A_304 = vector.broadcast %add3A_303 : i32 to vector<16xi32>
      %add3A_305 = arith.addi %add3A_304, %iota3A : vector<16xi32>
      %gather3A = tpu.vector_load_idx %arg7[%add3A_305] : memref<4096xi32, #tpu.memory_space<vmem>>[vector<16xi32>], vector<16xi32>,
      %add3A_306 = arith.addi %scan3A_298, %gather3A : vector<16xi32>
      %lt3A = arith.cmpi slt, %scan3A_297, %add3A : i32
      %jit3A = arith.constant 0 : i32
      %broadcast_in_dim3A_307 = vector.broadcast %jit3A : i32 to vector<16xi32>
      %select_n3A = arith.select %lt3A, %gather3A, %broadcast_in_dim3A_307 : vector<16xi32>
      %add3A_308 = arith.addi %scan3A_299, %select_n3A : vector<16xi32>
      scf.yield %add3A_306, %add3A_308 : vector<16xi32>, vector<16xi32>
    }
    %scan3A_8 = arith.constant 32 : i32
    %swap3A = arith.constant 0 : index
    %swap3A_9 = tpu.vector_load %arg8[%swap3A] {strides = array<i32>} : memref<128xi32, #tpu.memory_space<vmem>>, vector<16xi32>,
    tpu.vector_store %arg8[%swap3A], %scan3A_7#0 {strides = array<i32>} : memref<128xi32, #tpu.memory_space<vmem>>, vector<16xi32>,
    %swap3A_10 = arith.constant 0 : index
    %swap3A_11 = tpu.vector_load %arg9[%swap3A_10] {strides = array<i32>} : memref<128xi32, #tpu.memory_space<vmem>>, vector<16xi32>,
    tpu.vector_store %arg9[%swap3A_10], %scan3A_7#1 {strides = array<i32>} : memref<128xi32, #tpu.memory_space<vmem>>, vector<16xi32>,
    %broadcast_in_dim3A_12 = arith.constant 0 : i32
    %broadcast_in_dim3A_13 = vector.broadcast %broadcast_in_dim3A_12 : i32 to vector<16xi32>
    %scan3A_14 = arith.constant 0 : i32
    %scan3A_15 = arith.constant 32 : i32
    %scan3A_16 = arith.addi %scan3A_14, %scan3A_15 : i32
    %scan3A_17 = arith.constant 1 : i32
    %scan3A_18:2 = scf.for %scan3A_297 = %scan3A_14 to %scan3A_16 step %scan3A_17 iter_args(%scan3A_298 = %broadcast_in_dim3A_13, %scan3A_299 = %broadcast_in_dim3A_13) -> (vector<16xi32>, vector<16xi32>)  : i32 {
      %mul3A_300 = arith.constant 128 : i32
      %mul3A_301 = arith.muli %scan3A_297, %mul3A_300 : i32
      %add3A_302 = arith.constant 16 : i32
      %add3A_303 = arith.addi %mul3A_301, %add3A_302 : i32
      %add3A_304 = vector.broadcast %add3A_303 : i32 to vector<16xi32>
      %add3A_305 = arith.addi %add3A_304, %iota3A : vector<16xi32>
      %gather3A = tpu.vector_load_idx %arg7[%add3A_305] : memref<4096xi32, #tpu.memory_space<vmem>>[vector<16xi32>], vector<16xi32>,
      %add3A_306 = arith.addi %scan3A_298, %gather3A : vector<16xi32>
      %lt3A = arith.cmpi slt, %scan3A_297, %add3A : i32
      %jit3A = arith.constant 0 : i32
      %broadcast_in_dim3A_307 = vector.broadcast %jit3A : i32 to vector<16xi32>
      %select_n3A = arith.select %lt3A, %gather3A, %broadcast_in_dim3A_307 : vector<16xi32>
      %add3A_308 = arith.addi %scan3A_299, %select_n3A : vector<16xi32>
      scf.yield %add3A_306, %add3A_308 : vector<16xi32>, vector<16xi32>
    }
    %scan3A_19 = arith.constant 32 : i32
    %swap3A_20 = arith.constant 16 : index
    %swap3A_21 = tpu.vector_load %arg8[%swap3A_20] {strides = array<i32>} : memref<128xi32, #tpu.memory_space<vmem>>, vector<16xi32>,
    tpu.vector_store %arg8[%swap3A_20], %scan3A_18#0 {strides = array<i32>} : memref<128xi32, #tpu.memory_space<vmem>>, vector<16xi32>,
    %swap3A_22 = arith.constant 16 : index
    %swap3A_23 = tpu.vector_load %arg9[%swap3A_22] {strides = array<i32>} : memref<128xi32, #tpu.memory_space<vmem>>, vector<16xi32>,
    tpu.vector_store %arg9[%swap3A_22], %scan3A_18#1 {strides = array<i32>} : memref<128xi32, #tpu.memory_space<vmem>>, vector<16xi32>,
    %broadcast_in_dim3A_24 = arith.constant 0 : i32
    %broadcast_in_dim3A_25 = vector.broadcast %broadcast_in_dim3A_24 : i32 to vector<16xi32>
    %scan3A_26 = arith.constant 0 : i32
    %scan3A_27 = arith.constant 32 : i32
    %scan3A_28 = arith.addi %scan3A_26, %scan3A_27 : i32
    %scan3A_29 = arith.constant 1 : i32
    %scan3A_30:2 = scf.for %scan3A_297 = %scan3A_26 to %scan3A_28 step %scan3A_29 iter_args(%scan3A_298 = %broadcast_in_dim3A_25, %scan3A_299 = %broadcast_in_dim3A_25) -> (vector<16xi32>, vector<16xi32>)  : i32 {
      %mul3A_300 = arith.constant 128 : i32
      %mul3A_301 = arith.muli %scan3A_297, %mul3A_300 : i32
      %add3A_302 = arith.constant 32 : i32
      %add3A_303 = arith.addi %mul3A_301, %add3A_302 : i32
      %add3A_304 = vector.broadcast %add3A_303 : i32 to vector<16xi32>
      %add3A_305 = arith.addi %add3A_304, %iota3A : vector<16xi32>
      %gather3A = tpu.vector_load_idx %arg7[%add3A_305] : memref<4096xi32, #tpu.memory_space<vmem>>[vector<16xi32>], vector<16xi32>,
      %add3A_306 = arith.addi %scan3A_298, %gather3A : vector<16xi32>
      %lt3A = arith.cmpi slt, %scan3A_297, %add3A : i32
      %jit3A = arith.constant 0 : i32
      %broadcast_in_dim3A_307 = vector.broadcast %jit3A : i32 to vector<16xi32>
      %select_n3A = arith.select %lt3A, %gather3A, %broadcast_in_dim3A_307 : vector<16xi32>
      %add3A_308 = arith.addi %scan3A_299, %select_n3A : vector<16xi32>
      scf.yield %add3A_306, %add3A_308 : vector<16xi32>, vector<16xi32>
    }
    %scan3A_31 = arith.constant 32 : i32
    %swap3A_32 = arith.constant 32 : index
    %swap3A_33 = tpu.vector_load %arg8[%swap3A_32] {strides = array<i32>} : memref<128xi32, #tpu.memory_space<vmem>>, vector<16xi32>,
    tpu.vector_store %arg8[%swap3A_32], %scan3A_30#0 {strides = array<i32>} : memref<128xi32, #tpu.memory_space<vmem>>, vector<16xi32>,
    %swap3A_34 = arith.constant 32 : index
    %swap3A_35 = tpu.vector_load %arg9[%swap3A_34] {strides = array<i32>} : memref<128xi32, #tpu.memory_space<vmem>>, vector<16xi32>,
    tpu.vector_store %arg9[%swap3A_34], %scan3A_30#1 {strides = array<i32>} : memref<128xi32, #tpu.memory_space<vmem>>, vector<16xi32>,
    %broadcast_in_dim3A_36 = arith.constant 0 : i32
    %broadcast_in_dim3A_37 = vector.broadcast %broadcast_in_dim3A_36 : i32 to vector<16xi32>
    %scan3A_38 = arith.constant 0 : i32
    %scan3A_39 = arith.constant 32 : i32
    %scan3A_40 = arith.addi %scan3A_38, %scan3A_39 : i32
    %scan3A_41 = arith.constant 1 : i32
    %scan3A_42:2 = scf.for %scan3A_297 = %scan3A_38 to %scan3A_40 step %scan3A_41 iter_args(%scan3A_298 = %broadcast_in_dim3A_37, %scan3A_299 = %broadcast_in_dim3A_37) -> (vector<16xi32>, vector<16xi32>)  : i32 {
      %mul3A_300 = arith.constant 128 : i32
      %mul3A_301 = arith.muli %scan3A_297, %mul3A_300 : i32
      %add3A_302 = arith.constant 48 : i32
      %add3A_303 = arith.addi %mul3A_301, %add3A_302 : i32
      %add3A_304 = vector.broadcast %add3A_303 : i32 to vector<16xi32>
      %add3A_305 = arith.addi %add3A_304, %iota3A : vector<16xi32>
      %gather3A = tpu.vector_load_idx %arg7[%add3A_305] : memref<4096xi32, #tpu.memory_space<vmem>>[vector<16xi32>], vector<16xi32>,
      %add3A_306 = arith.addi %scan3A_298, %gather3A : vector<16xi32>
      %lt3A = arith.cmpi slt, %scan3A_297, %add3A : i32
      %jit3A = arith.constant 0 : i32
      %broadcast_in_dim3A_307 = vector.broadcast %jit3A : i32 to vector<16xi32>
      %select_n3A = arith.select %lt3A, %gather3A, %broadcast_in_dim3A_307 : vector<16xi32>
      %add3A_308 = arith.addi %scan3A_299, %select_n3A : vector<16xi32>
      scf.yield %add3A_306, %add3A_308 : vector<16xi32>, vector<16xi32>
    }
    %scan3A_43 = arith.constant 32 : i32
    %swap3A_44 = arith.constant 48 : index
    %swap3A_45 = tpu.vector_load %arg8[%swap3A_44] {strides = array<i32>} : memref<128xi32, #tpu.memory_space<vmem>>, vector<16xi32>,
    tpu.vector_store %arg8[%swap3A_44], %scan3A_42#0 {strides = array<i32>} : memref<128xi32, #tpu.memory_space<vmem>>, vector<16xi32>,
    %swap3A_46 = arith.constant 48 : index
    %swap3A_47 = tpu.vector_load %arg9[%swap3A_46] {strides = array<i32>} : memref<128xi32, #tpu.memory_space<vmem>>, vector<16xi32>,
    tpu.vector_store %arg9[%swap3A_46], %scan3A_42#1 {strides = array<i32>} : memref<128xi32, #tpu.memory_space<vmem>>, vector<16xi32>,
    %broadcast_in_dim3A_48 = arith.constant 0 : i32
    %broadcast_in_dim3A_49 = vector.broadcast %broadcast_in_dim3A_48 : i32 to vector<16xi32>
    %scan3A_50 = arith.constant 0 : i32
    %scan3A_51 = arith.constant 32 : i32
    %scan3A_52 = arith.addi %scan3A_50, %scan3A_51 : i32
    %scan3A_53 = arith.constant 1 : i32
    %scan3A_54:2 = scf.for %scan3A_297 = %scan3A_50 to %scan3A_52 step %scan3A_53 iter_args(%scan3A_298 = %broadcast_in_dim3A_49, %scan3A_299 = %broadcast_in_dim3A_49) -> (vector<16xi32>, vector<16xi32>)  : i32 {
      %mul3A_300 = arith.constant 128 : i32
      %mul3A_301 = arith.muli %scan3A_297, %mul3A_300 : i32
      %add3A_302 = arith.constant 64 : i32
      %add3A_303 = arith.addi %mul3A_301, %add3A_302 : i32
      %add3A_304 = vector.broadcast %add3A_303 : i32 to vector<16xi32>
      %add3A_305 = arith.addi %add3A_304, %iota3A : vector<16xi32>
      %gather3A = tpu.vector_load_idx %arg7[%add3A_305] : memref<4096xi32, #tpu.memory_space<vmem>>[vector<16xi32>], vector<16xi32>,
      %add3A_306 = arith.addi %scan3A_298, %gather3A : vector<16xi32>
      %lt3A = arith.cmpi slt, %scan3A_297, %add3A : i32
      %jit3A = arith.constant 0 : i32
      %broadcast_in_dim3A_307 = vector.broadcast %jit3A : i32 to vector<16xi32>
      %select_n3A = arith.select %lt3A, %gather3A, %broadcast_in_dim3A_307 : vector<16xi32>
      %add3A_308 = arith.addi %scan3A_299, %select_n3A : vector<16xi32>
      scf.yield %add3A_306, %add3A_308 : vector<16xi32>, vector<16xi32>
    }
    %scan3A_55 = arith.constant 32 : i32
    %swap3A_56 = arith.constant 64 : index
    %swap3A_57 = tpu.vector_load %arg8[%swap3A_56] {strides = array<i32>} : memref<128xi32, #tpu.memory_space<vmem>>, vector<16xi32>,
    tpu.vector_store %arg8[%swap3A_56], %scan3A_54#0 {strides = array<i32>} : memref<128xi32, #tpu.memory_space<vmem>>, vector<16xi32>,
    %swap3A_58 = arith.constant 64 : index
    %swap3A_59 = tpu.vector_load %arg9[%swap3A_58] {strides = array<i32>} : memref<128xi32, #tpu.memory_space<vmem>>, vector<16xi32>,
    tpu.vector_store %arg9[%swap3A_58], %scan3A_54#1 {strides = array<i32>} : memref<128xi32, #tpu.memory_space<vmem>>, vector<16xi32>,
    %broadcast_in_dim3A_60 = arith.constant 0 : i32
    %broadcast_in_dim3A_61 = vector.broadcast %broadcast_in_dim3A_60 : i32 to vector<16xi32>
    %scan3A_62 = arith.constant 0 : i32
    %scan3A_63 = arith.constant 32 : i32
    %scan3A_64 = arith.addi %scan3A_62, %scan3A_63 : i32
    %scan3A_65 = arith.constant 1 : i32
    %scan3A_66:2 = scf.for %scan3A_297 = %scan3A_62 to %scan3A_64 step %scan3A_65 iter_args(%scan3A_298 = %broadcast_in_dim3A_61, %scan3A_299 = %broadcast_in_dim3A_61) -> (vector<16xi32>, vector<16xi32>)  : i32 {
      %mul3A_300 = arith.constant 128 : i32
      %mul3A_301 = arith.muli %scan3A_297, %mul3A_300 : i32
      %add3A_302 = arith.constant 80 : i32
      %add3A_303 = arith.addi %mul3A_301, %add3A_302 : i32
      %add3A_304 = vector.broadcast %add3A_303 : i32 to vector<16xi32>
      %add3A_305 = arith.addi %add3A_304, %iota3A : vector<16xi32>
      %gather3A = tpu.vector_load_idx %arg7[%add3A_305] : memref<4096xi32, #tpu.memory_space<vmem>>[vector<16xi32>], vector<16xi32>,
      %add3A_306 = arith.addi %scan3A_298, %gather3A : vector<16xi32>
      %lt3A = arith.cmpi slt, %scan3A_297, %add3A : i32
      %jit3A = arith.constant 0 : i32
      %broadcast_in_dim3A_307 = vector.broadcast %jit3A : i32 to vector<16xi32>
      %select_n3A = arith.select %lt3A, %gather3A, %broadcast_in_dim3A_307 : vector<16xi32>
      %add3A_308 = arith.addi %scan3A_299, %select_n3A : vector<16xi32>
      scf.yield %add3A_306, %add3A_308 : vector<16xi32>, vector<16xi32>
    }
    %scan3A_67 = arith.constant 32 : i32
    %swap3A_68 = arith.constant 80 : index
    %swap3A_69 = tpu.vector_load %arg8[%swap3A_68] {strides = array<i32>} : memref<128xi32, #tpu.memory_space<vmem>>, vector<16xi32>,
    tpu.vector_store %arg8[%swap3A_68], %scan3A_66#0 {strides = array<i32>} : memref<128xi32, #tpu.memory_space<vmem>>, vector<16xi32>,
    %swap3A_70 = arith.constant 80 : index
    %swap3A_71 = tpu.vector_load %arg9[%swap3A_70] {strides = array<i32>} : memref<128xi32, #tpu.memory_space<vmem>>, vector<16xi32>,
    tpu.vector_store %arg9[%swap3A_70], %scan3A_66#1 {strides = array<i32>} : memref<128xi32, #tpu.memory_space<vmem>>, vector<16xi32>,
    %broadcast_in_dim3A_72 = arith.constant 0 : i32
    %broadcast_in_dim3A_73 = vector.broadcast %broadcast_in_dim3A_72 : i32 to vector<16xi32>
    %scan3A_74 = arith.constant 0 : i32
    %scan3A_75 = arith.constant 32 : i32
    %scan3A_76 = arith.addi %scan3A_74, %scan3A_75 : i32
    %scan3A_77 = arith.constant 1 : i32
    %scan3A_78:2 = scf.for %scan3A_297 = %scan3A_74 to %scan3A_76 step %scan3A_77 iter_args(%scan3A_298 = %broadcast_in_dim3A_73, %scan3A_299 = %broadcast_in_dim3A_73) -> (vector<16xi32>, vector<16xi32>)  : i32 {
      %mul3A_300 = arith.constant 128 : i32
      %mul3A_301 = arith.muli %scan3A_297, %mul3A_300 : i32
      %add3A_302 = arith.constant 96 : i32
      %add3A_303 = arith.addi %mul3A_301, %add3A_302 : i32
      %add3A_304 = vector.broadcast %add3A_303 : i32 to vector<16xi32>
      %add3A_305 = arith.addi %add3A_304, %iota3A : vector<16xi32>
      %gather3A = tpu.vector_load_idx %arg7[%add3A_305] : memref<4096xi32, #tpu.memory_space<vmem>>[vector<16xi32>], vector<16xi32>,
      %add3A_306 = arith.addi %scan3A_298, %gather3A : vector<16xi32>
      %lt3A = arith.cmpi slt, %scan3A_297, %add3A : i32
      %jit3A = arith.constant 0 : i32
      %broadcast_in_dim3A_307 = vector.broadcast %jit3A : i32 to vector<16xi32>
      %select_n3A = arith.select %lt3A, %gather3A, %broadcast_in_dim3A_307 : vector<16xi32>
      %add3A_308 = arith.addi %scan3A_299, %select_n3A : vector<16xi32>
      scf.yield %add3A_306, %add3A_308 : vector<16xi32>, vector<16xi32>
    }
    %scan3A_79 = arith.constant 32 : i32
    %swap3A_80 = arith.constant 96 : index
    %swap3A_81 = tpu.vector_load %arg8[%swap3A_80] {strides = array<i32>} : memref<128xi32, #tpu.memory_space<vmem>>, vector<16xi32>,
    tpu.vector_store %arg8[%swap3A_80], %scan3A_78#0 {strides = array<i32>} : memref<128xi32, #tpu.memory_space<vmem>>, vector<16xi32>,
    %swap3A_82 = arith.constant 96 : index
    %swap3A_83 = tpu.vector_load %arg9[%swap3A_82] {strides = array<i32>} : memref<128xi32, #tpu.memory_space<vmem>>, vector<16xi32>,
    tpu.vector_store %arg9[%swap3A_82], %scan3A_78#1 {strides = array<i32>} : memref<128xi32, #tpu.memory_space<vmem>>, vector<16xi32>,
    %broadcast_in_dim3A_84 = arith.constant 0 : i32
    %broadcast_in_dim3A_85 = vector.broadcast %broadcast_in_dim3A_84 : i32 to vector<16xi32>
    %scan3A_86 = arith.constant 0 : i32
    %scan3A_87 = arith.constant 32 : i32
    %scan3A_88 = arith.addi %scan3A_86, %scan3A_87 : i32
    %scan3A_89 = arith.constant 1 : i32
    %scan3A_90:2 = scf.for %scan3A_297 = %scan3A_86 to %scan3A_88 step %scan3A_89 iter_args(%scan3A_298 = %broadcast_in_dim3A_85, %scan3A_299 = %broadcast_in_dim3A_85) -> (vector<16xi32>, vector<16xi32>)  : i32 {
      %mul3A_300 = arith.constant 128 : i32
      %mul3A_301 = arith.muli %scan3A_297, %mul3A_300 : i32
      %add3A_302 = arith.constant 112 : i32
      %add3A_303 = arith.addi %mul3A_301, %add3A_302 : i32
      %add3A_304 = vector.broadcast %add3A_303 : i32 to vector<16xi32>
      %add3A_305 = arith.addi %add3A_304, %iota3A : vector<16xi32>
      %gather3A = tpu.vector_load_idx %arg7[%add3A_305] : memref<4096xi32, #tpu.memory_space<vmem>>[vector<16xi32>], vector<16xi32>,
      %add3A_306 = arith.addi %scan3A_298, %gather3A : vector<16xi32>
      %lt3A = arith.cmpi slt, %scan3A_297, %add3A : i32
      %jit3A = arith.constant 0 : i32
      %broadcast_in_dim3A_307 = vector.broadcast %jit3A : i32 to vector<16xi32>
      %select_n3A = arith.select %lt3A, %gather3A, %broadcast_in_dim3A_307 : vector<16xi32>
      %add3A_308 = arith.addi %scan3A_299, %select_n3A : vector<16xi32>
      scf.yield %add3A_306, %add3A_308 : vector<16xi32>, vector<16xi32>
    }
    %scan3A_91 = arith.constant 32 : i32
    %swap3A_92 = arith.constant 112 : index
    %swap3A_93 = tpu.vector_load %arg8[%swap3A_92] {strides = array<i32>} : memref<128xi32, #tpu.memory_space<vmem>>, vector<16xi32>,
    tpu.vector_store %arg8[%swap3A_92], %scan3A_90#0 {strides = array<i32>} : memref<128xi32, #tpu.memory_space<vmem>>, vector<16xi32>,
    %swap3A_94 = arith.constant 112 : index
    %swap3A_95 = tpu.vector_load %arg9[%swap3A_94] {strides = array<i32>} : memref<128xi32, #tpu.memory_space<vmem>>, vector<16xi32>,
    tpu.vector_store %arg9[%swap3A_94], %scan3A_90#1 {strides = array<i32>} : memref<128xi32, #tpu.memory_space<vmem>>, vector<16xi32>,
    %get3A = arith.constant 0 : index
    %get3A_96 = tpu.vector_load %arg8[%get3A] {strides = array<i32>} : memref<128xi32, #tpu.memory_space<vmem>>, vector<16xi32>,
    %add3A_97 = arith.constant 7 : i32
    %add3A_98 = vector.broadcast %add3A_97 : i32 to vector<16xi32>
    %add3A_99 = arith.addi %get3A_96, %add3A_98 : vector<16xi32>
    %shift_right_logical3A = arith.constant 3 : i32
    %shift_right_logical3A_100 = vector.broadcast %shift_right_logical3A : i32 to vector<16xi32>
    %shift_right_logical3A_101 = arith.shrui %add3A_99, %shift_right_logical3A_100 : vector<16xi32>
    %shift_left3A = arith.constant 3 : i32
    %shift_left3A_102 = vector.broadcast %shift_left3A : i32 to vector<16xi32>
    %shift_left3A_103 = arith.shli %shift_right_logical3A_101, %shift_left3A_102 : vector<16xi32>
    %broadcast_in_dim3A_104 = arith.constant true
    %broadcast_in_dim3A_105 = vector.broadcast %broadcast_in_dim3A_104 : i1 to vector<16xi1>
    %masked_cumsum3A = tpu.scan <sum>, %shift_left3A_103 masked %broadcast_in_dim3A_105 : vector<16xi32>, vector<16xi1> -> vector<16xi32>
    %sub3A = arith.subi %masked_cumsum3A, %shift_left3A_103 : vector<16xi32>
    %add3A_106 = arith.constant 0 : i32
    %add3A_107 = vector.broadcast %add3A_106 : i32 to vector<16xi32>
    %add3A_108 = arith.addi %sub3A, %add3A_107 : vector<16xi32>
    %get3A_109 = arith.constant 0 : index
    %get3A_110 = tpu.vector_load %arg9[%get3A_109] {strides = array<i32>} : memref<128xi32, #tpu.memory_space<vmem>>, vector<16xi32>,
    %add3A_111 = arith.addi %add3A_108, %get3A_110 : vector<16xi32>
    %swap3A_112 = arith.constant 0 : index
    %swap3A_113 = tpu.vector_load %arg10[%swap3A_112] {strides = array<i32>} : memref<128xi32, #tpu.memory_space<vmem>>, vector<16xi32>,
    tpu.vector_store %arg10[%swap3A_112], %add3A_111 {strides = array<i32>} : memref<128xi32, #tpu.memory_space<vmem>>, vector<16xi32>,
    %slice3A = vector.extract_strided_slice %masked_cumsum3A {offsets = [15], sizes = [1], strides = [1]} : vector<16xi32> to vector<1xi32>
    %squeeze3A = vector.extract %slice3A[0] : i32 from vector<1xi32>
    %add3A_114 = arith.constant 0 : i32
    %add3A_115 = arith.addi %add3A_114, %squeeze3A : i32
    %get3A_116 = arith.constant 16 : index
    %get3A_117 = tpu.vector_load %arg8[%get3A_116] {strides = array<i32>} : memref<128xi32, #tpu.memory_space<vmem>>, vector<16xi32>,
    %add3A_118 = arith.constant 7 : i32
    %add3A_119 = vector.broadcast %add3A_118 : i32 to vector<16xi32>
    %add3A_120 = arith.addi %get3A_117, %add3A_119 : vector<16xi32>
    %shift_right_logical3A_121 = arith.constant 3 : i32
    %shift_right_logical3A_122 = vector.broadcast %shift_right_logical3A_121 : i32 to vector<16xi32>
    %shift_right_logical3A_123 = arith.shrui %add3A_120, %shift_right_logical3A_122 : vector<16xi32>
    %shift_left3A_124 = arith.constant 3 : i32
    %shift_left3A_125 = vector.broadcast %shift_left3A_124 : i32 to vector<16xi32>
    %shift_left3A_126 = arith.shli %shift_right_logical3A_123, %shift_left3A_125 : vector<16xi32>
    %broadcast_in_dim3A_127 = arith.constant true
    %broadcast_in_dim3A_128 = vector.broadcast %broadcast_in_dim3A_127 : i1 to vector<16xi1>
    %masked_cumsum3A_129 = tpu.scan <sum>, %shift_left3A_126 masked %broadcast_in_dim3A_128 : vector<16xi32>, vector<16xi1> -> vector<16xi32>
    %sub3A_130 = arith.subi %masked_cumsum3A_129, %shift_left3A_126 : vector<16xi32>
    %add3A_131 = vector.broadcast %add3A_115 : i32 to vector<16xi32>
    %add3A_132 = arith.addi %sub3A_130, %add3A_131 : vector<16xi32>
    %get3A_133 = arith.constant 16 : index
    %get3A_134 = tpu.vector_load %arg9[%get3A_133] {strides = array<i32>} : memref<128xi32, #tpu.memory_space<vmem>>, vector<16xi32>,
    %add3A_135 = arith.addi %add3A_132, %get3A_134 : vector<16xi32>
    %swap3A_136 = arith.constant 16 : index
    %swap3A_137 = tpu.vector_load %arg10[%swap3A_136] {strides = array<i32>} : memref<128xi32, #tpu.memory_space<vmem>>, vector<16xi32>,
    tpu.vector_store %arg10[%swap3A_136], %add3A_135 {strides = array<i32>} : memref<128xi32, #tpu.memory_space<vmem>>, vector<16xi32>,
    %slice3A_138 = vector.extract_strided_slice %masked_cumsum3A_129 {offsets = [15], sizes = [1], strides = [1]} : vector<16xi32> to vector<1xi32>
    %squeeze3A_139 = vector.extract %slice3A_138[0] : i32 from vector<1xi32>
    %add3A_140 = arith.addi %add3A_115, %squeeze3A_139 : i32
    %get3A_141 = arith.constant 32 : index
    %get3A_142 = tpu.vector_load %arg8[%get3A_141] {strides = array<i32>} : memref<128xi32, #tpu.memory_space<vmem>>, vector<16xi32>,
    %add3A_143 = arith.constant 7 : i32
    %add3A_144 = vector.broadcast %add3A_143 : i32 to vector<16xi32>
    %add3A_145 = arith.addi %get3A_142, %add3A_144 : vector<16xi32>
    %shift_right_logical3A_146 = arith.constant 3 : i32
    %shift_right_logical3A_147 = vector.broadcast %shift_right_logical3A_146 : i32 to vector<16xi32>
    %shift_right_logical3A_148 = arith.shrui %add3A_145, %shift_right_logical3A_147 : vector<16xi32>
    %shift_left3A_149 = arith.constant 3 : i32
    %shift_left3A_150 = vector.broadcast %shift_left3A_149 : i32 to vector<16xi32>
    %shift_left3A_151 = arith.shli %shift_right_logical3A_148, %shift_left3A_150 : vector<16xi32>
    %broadcast_in_dim3A_152 = arith.constant true
    %broadcast_in_dim3A_153 = vector.broadcast %broadcast_in_dim3A_152 : i1 to vector<16xi1>
    %masked_cumsum3A_154 = tpu.scan <sum>, %shift_left3A_151 masked %broadcast_in_dim3A_153 : vector<16xi32>, vector<16xi1> -> vector<16xi32>
    %sub3A_155 = arith.subi %masked_cumsum3A_154, %shift_left3A_151 : vector<16xi32>
    %add3A_156 = vector.broadcast %add3A_140 : i32 to vector<16xi32>
    %add3A_157 = arith.addi %sub3A_155, %add3A_156 : vector<16xi32>
    %get3A_158 = arith.constant 32 : index
    %get3A_159 = tpu.vector_load %arg9[%get3A_158] {strides = array<i32>} : memref<128xi32, #tpu.memory_space<vmem>>, vector<16xi32>,
    %add3A_160 = arith.addi %add3A_157, %get3A_159 : vector<16xi32>
    %swap3A_161 = arith.constant 32 : index
    %swap3A_162 = tpu.vector_load %arg10[%swap3A_161] {strides = array<i32>} : memref<128xi32, #tpu.memory_space<vmem>>, vector<16xi32>,
    tpu.vector_store %arg10[%swap3A_161], %add3A_160 {strides = array<i32>} : memref<128xi32, #tpu.memory_space<vmem>>, vector<16xi32>,
    %slice3A_163 = vector.extract_strided_slice %masked_cumsum3A_154 {offsets = [15], sizes = [1], strides = [1]} : vector<16xi32> to vector<1xi32>
    %squeeze3A_164 = vector.extract %slice3A_163[0] : i32 from vector<1xi32>
    %add3A_165 = arith.addi %add3A_140, %squeeze3A_164 : i32
    %get3A_166 = arith.constant 48 : index
    %get3A_167 = tpu.vector_load %arg8[%get3A_166] {strides = array<i32>} : memref<128xi32, #tpu.memory_space<vmem>>, vector<16xi32>,
    %add3A_168 = arith.constant 7 : i32
    %add3A_169 = vector.broadcast %add3A_168 : i32 to vector<16xi32>
    %add3A_170 = arith.addi %get3A_167, %add3A_169 : vector<16xi32>
    %shift_right_logical3A_171 = arith.constant 3 : i32
    %shift_right_logical3A_172 = vector.broadcast %shift_right_logical3A_171 : i32 to vector<16xi32>
    %shift_right_logical3A_173 = arith.shrui %add3A_170, %shift_right_logical3A_172 : vector<16xi32>
    %shift_left3A_174 = arith.constant 3 : i32
    %shift_left3A_175 = vector.broadcast %shift_left3A_174 : i32 to vector<16xi32>
    %shift_left3A_176 = arith.shli %shift_right_logical3A_173, %shift_left3A_175 : vector<16xi32>
    %broadcast_in_dim3A_177 = arith.constant true
    %broadcast_in_dim3A_178 = vector.broadcast %broadcast_in_dim3A_177 : i1 to vector<16xi1>
    %masked_cumsum3A_179 = tpu.scan <sum>, %shift_left3A_176 masked %broadcast_in_dim3A_178 : vector<16xi32>, vector<16xi1> -> vector<16xi32>
    %sub3A_180 = arith.subi %masked_cumsum3A_179, %shift_left3A_176 : vector<16xi32>
    %add3A_181 = vector.broadcast %add3A_165 : i32 to vector<16xi32>
    %add3A_182 = arith.addi %sub3A_180, %add3A_181 : vector<16xi32>
    %get3A_183 = arith.constant 48 : index
    %get3A_184 = tpu.vector_load %arg9[%get3A_183] {strides = array<i32>} : memref<128xi32, #tpu.memory_space<vmem>>, vector<16xi32>,
    %add3A_185 = arith.addi %add3A_182, %get3A_184 : vector<16xi32>
    %swap3A_186 = arith.constant 48 : index
    %swap3A_187 = tpu.vector_load %arg10[%swap3A_186] {strides = array<i32>} : memref<128xi32, #tpu.memory_space<vmem>>, vector<16xi32>,
    tpu.vector_store %arg10[%swap3A_186], %add3A_185 {strides = array<i32>} : memref<128xi32, #tpu.memory_space<vmem>>, vector<16xi32>,
    %slice3A_188 = vector.extract_strided_slice %masked_cumsum3A_179 {offsets = [15], sizes = [1], strides = [1]} : vector<16xi32> to vector<1xi32>
    %squeeze3A_189 = vector.extract %slice3A_188[0] : i32 from vector<1xi32>
    %add3A_190 = arith.addi %add3A_165, %squeeze3A_189 : i32
    %get3A_191 = arith.constant 64 : index
    %get3A_192 = tpu.vector_load %arg8[%get3A_191] {strides = array<i32>} : memref<128xi32, #tpu.memory_space<vmem>>, vector<16xi32>,
    %add3A_193 = arith.constant 7 : i32
    %add3A_194 = vector.broadcast %add3A_193 : i32 to vector<16xi32>
    %add3A_195 = arith.addi %get3A_192, %add3A_194 : vector<16xi32>
    %shift_right_logical3A_196 = arith.constant 3 : i32
    %shift_right_logical3A_197 = vector.broadcast %shift_right_logical3A_196 : i32 to vector<16xi32>
    %shift_right_logical3A_198 = arith.shrui %add3A_195, %shift_right_logical3A_197 : vector<16xi32>
    %shift_left3A_199 = arith.constant 3 : i32
    %shift_left3A_200 = vector.broadcast %shift_left3A_199 : i32 to vector<16xi32>
    %shift_left3A_201 = arith.shli %shift_right_logical3A_198, %shift_left3A_200 : vector<16xi32>
    %broadcast_in_dim3A_202 = arith.constant true
    %broadcast_in_dim3A_203 = vector.broadcast %broadcast_in_dim3A_202 : i1 to vector<16xi1>
    %masked_cumsum3A_204 = tpu.scan <sum>, %shift_left3A_201 masked %broadcast_in_dim3A_203 : vector<16xi32>, vector<16xi1> -> vector<16xi32>
    %sub3A_205 = arith.subi %masked_cumsum3A_204, %shift_left3A_201 : vector<16xi32>
    %add3A_206 = vector.broadcast %add3A_190 : i32 to vector<16xi32>
    %add3A_207 = arith.addi %sub3A_205, %add3A_206 : vector<16xi32>
    %get3A_208 = arith.constant 64 : index
    %get3A_209 = tpu.vector_load %arg9[%get3A_208] {strides = array<i32>} : memref<128xi32, #tpu.memory_space<vmem>>, vector<16xi32>,
    %add3A_210 = arith.addi %add3A_207, %get3A_209 : vector<16xi32>
    %swap3A_211 = arith.constant 64 : index
    %swap3A_212 = tpu.vector_load %arg10[%swap3A_211] {strides = array<i32>} : memref<128xi32, #tpu.memory_space<vmem>>, vector<16xi32>,
    tpu.vector_store %arg10[%swap3A_211], %add3A_210 {strides = array<i32>} : memref<128xi32, #tpu.memory_space<vmem>>, vector<16xi32>,
    %slice3A_213 = vector.extract_strided_slice %masked_cumsum3A_204 {offsets = [15], sizes = [1], strides = [1]} : vector<16xi32> to vector<1xi32>
    %squeeze3A_214 = vector.extract %slice3A_213[0] : i32 from vector<1xi32>
    %add3A_215 = arith.addi %add3A_190, %squeeze3A_214 : i32
    %get3A_216 = arith.constant 80 : index
    %get3A_217 = tpu.vector_load %arg8[%get3A_216] {strides = array<i32>} : memref<128xi32, #tpu.memory_space<vmem>>, vector<16xi32>,
    %add3A_218 = arith.constant 7 : i32
    %add3A_219 = vector.broadcast %add3A_218 : i32 to vector<16xi32>
    %add3A_220 = arith.addi %get3A_217, %add3A_219 : vector<16xi32>
    %shift_right_logical3A_221 = arith.constant 3 : i32
    %shift_right_logical3A_222 = vector.broadcast %shift_right_logical3A_221 : i32 to vector<16xi32>
    %shift_right_logical3A_223 = arith.shrui %add3A_220, %shift_right_logical3A_222 : vector<16xi32>
    %shift_left3A_224 = arith.constant 3 : i32
    %shift_left3A_225 = vector.broadcast %shift_left3A_224 : i32 to vector<16xi32>
    %shift_left3A_226 = arith.shli %shift_right_logical3A_223, %shift_left3A_225 : vector<16xi32>
    %broadcast_in_dim3A_227 = arith.constant true
    %broadcast_in_dim3A_228 = vector.broadcast %broadcast_in_dim3A_227 : i1 to vector<16xi1>
    %masked_cumsum3A_229 = tpu.scan <sum>, %shift_left3A_226 masked %broadcast_in_dim3A_228 : vector<16xi32>, vector<16xi1> -> vector<16xi32>
    %sub3A_230 = arith.subi %masked_cumsum3A_229, %shift_left3A_226 : vector<16xi32>
    %add3A_231 = vector.broadcast %add3A_215 : i32 to vector<16xi32>
    %add3A_232 = arith.addi %sub3A_230, %add3A_231 : vector<16xi32>
    %get3A_233 = arith.constant 80 : index
    %get3A_234 = tpu.vector_load %arg9[%get3A_233] {strides = array<i32>} : memref<128xi32, #tpu.memory_space<vmem>>, vector<16xi32>,
    %add3A_235 = arith.addi %add3A_232, %get3A_234 : vector<16xi32>
    %swap3A_236 = arith.constant 80 : index
    %swap3A_237 = tpu.vector_load %arg10[%swap3A_236] {strides = array<i32>} : memref<128xi32, #tpu.memory_space<vmem>>, vector<16xi32>,
    tpu.vector_store %arg10[%swap3A_236], %add3A_235 {strides = array<i32>} : memref<128xi32, #tpu.memory_space<vmem>>, vector<16xi32>,
    %slice3A_238 = vector.extract_strided_slice %masked_cumsum3A_229 {offsets = [15], sizes = [1], strides = [1]} : vector<16xi32> to vector<1xi32>
    %squeeze3A_239 = vector.extract %slice3A_238[0] : i32 from vector<1xi32>
    %add3A_240 = arith.addi %add3A_215, %squeeze3A_239 : i32
    %get3A_241 = arith.constant 96 : index
    %get3A_242 = tpu.vector_load %arg8[%get3A_241] {strides = array<i32>} : memref<128xi32, #tpu.memory_space<vmem>>, vector<16xi32>,
    %add3A_243 = arith.constant 7 : i32
    %add3A_244 = vector.broadcast %add3A_243 : i32 to vector<16xi32>
    %add3A_245 = arith.addi %get3A_242, %add3A_244 : vector<16xi32>
    %shift_right_logical3A_246 = arith.constant 3 : i32
    %shift_right_logical3A_247 = vector.broadcast %shift_right_logical3A_246 : i32 to vector<16xi32>
    %shift_right_logical3A_248 = arith.shrui %add3A_245, %shift_right_logical3A_247 : vector<16xi32>
    %shift_left3A_249 = arith.constant 3 : i32
    %shift_left3A_250 = vector.broadcast %shift_left3A_249 : i32 to vector<16xi32>
    %shift_left3A_251 = arith.shli %shift_right_logical3A_248, %shift_left3A_250 : vector<16xi32>
    %broadcast_in_dim3A_252 = arith.constant true
    %broadcast_in_dim3A_253 = vector.broadcast %broadcast_in_dim3A_252 : i1 to vector<16xi1>
    %masked_cumsum3A_254 = tpu.scan <sum>, %shift_left3A_251 masked %broadcast_in_dim3A_253 : vector<16xi32>, vector<16xi1> -> vector<16xi32>
    %sub3A_255 = arith.subi %masked_cumsum3A_254, %shift_left3A_251 : vector<16xi32>
    %add3A_256 = vector.broadcast %add3A_240 : i32 to vector<16xi32>
    %add3A_257 = arith.addi %sub3A_255, %add3A_256 : vector<16xi32>
    %get3A_258 = arith.constant 96 : index
    %get3A_259 = tpu.vector_load %arg9[%get3A_258] {strides = array<i32>} : memref<128xi32, #tpu.memory_space<vmem>>, vector<16xi32>,
    %add3A_260 = arith.addi %add3A_257, %get3A_259 : vector<16xi32>
    %swap3A_261 = arith.constant 96 : index
    %swap3A_262 = tpu.vector_load %arg10[%swap3A_261] {strides = array<i32>} : memref<128xi32, #tpu.memory_space<vmem>>, vector<16xi32>,
    tpu.vector_store %arg10[%swap3A_261], %add3A_260 {strides = array<i32>} : memref<128xi32, #tpu.memory_space<vmem>>, vector<16xi32>,
    %slice3A_263 = vector.extract_strided_slice %masked_cumsum3A_254 {offsets = [15], sizes = [1], strides = [1]} : vector<16xi32> to vector<1xi32>
    %squeeze3A_264 = vector.extract %slice3A_263[0] : i32 from vector<1xi32>
    %add3A_265 = arith.addi %add3A_240, %squeeze3A_264 : i32
    %get3A_266 = arith.constant 112 : index
    %get3A_267 = tpu.vector_load %arg8[%get3A_266] {strides = array<i32>} : memref<128xi32, #tpu.memory_space<vmem>>, vector<16xi32>,
    %add3A_268 = arith.constant 7 : i32
    %add3A_269 = vector.broadcast %add3A_268 : i32 to vector<16xi32>
    %add3A_270 = arith.addi %get3A_267, %add3A_269 : vector<16xi32>
    %shift_right_logical3A_271 = arith.constant 3 : i32
    %shift_right_logical3A_272 = vector.broadcast %shift_right_logical3A_271 : i32 to vector<16xi32>
    %shift_right_logical3A_273 = arith.shrui %add3A_270, %shift_right_logical3A_272 : vector<16xi32>
    %shift_left3A_274 = arith.constant 3 : i32
    %shift_left3A_275 = vector.broadcast %shift_left3A_274 : i32 to vector<16xi32>
    %shift_left3A_276 = arith.shli %shift_right_logical3A_273, %shift_left3A_275 : vector<16xi32>
    %broadcast_in_dim3A_277 = arith.constant true
    %broadcast_in_dim3A_278 = vector.broadcast %broadcast_in_dim3A_277 : i1 to vector<16xi1>
    %masked_cumsum3A_279 = tpu.scan <sum>, %shift_left3A_276 masked %broadcast_in_dim3A_278 : vector<16xi32>, vector<16xi1> -> vector<16xi32>
    %sub3A_280 = arith.subi %masked_cumsum3A_279, %shift_left3A_276 : vector<16xi32>
    %add3A_281 = vector.broadcast %add3A_265 : i32 to vector<16xi32>
    %add3A_282 = arith.addi %sub3A_280, %add3A_281 : vector<16xi32>
    %get3A_283 = arith.constant 112 : index
    %get3A_284 = tpu.vector_load %arg9[%get3A_283] {strides = array<i32>} : memref<128xi32, #tpu.memory_space<vmem>>, vector<16xi32>,
    %add3A_285 = arith.addi %add3A_282, %get3A_284 : vector<16xi32>
    %swap3A_286 = arith.constant 112 : index
    %swap3A_287 = tpu.vector_load %arg10[%swap3A_286] {strides = array<i32>} : memref<128xi32, #tpu.memory_space<vmem>>, vector<16xi32>,
    tpu.vector_store %arg10[%swap3A_286], %add3A_285 {strides = array<i32>} : memref<128xi32, #tpu.memory_space<vmem>>, vector<16xi32>,
    %slice3A_288 = vector.extract_strided_slice %masked_cumsum3A_279 {offsets = [15], sizes = [1], strides = [1]} : vector<16xi32> to vector<1xi32>
    %squeeze3A_289 = vector.extract %slice3A_288[0] : i32 from vector<1xi32>
    %add3A_290 = arith.addi %add3A_265, %squeeze3A_289 : i32
    %scan3A_291 = arith.constant 0 : i32
    %scan3A_292 = arith.constant 0 : i32
    %scan3A_293 = arith.constant 8 : i32
    %scan3A_294 = arith.addi %scan3A_292, %scan3A_293 : i32
    %scan3A_295 = arith.constant 1 : i32
    scf.for %scan3A_297 = %scan3A_292 to %scan3A_294 step %scan3A_295  : i32 {
      %mul3A_298 = arith.constant 16384 : i32
      %mul3A_299 = arith.muli %add3A, %mul3A_298 : i32
      %mul3A_300 = arith.constant 2048 : i32
      %mul3A_301 = arith.muli %scan3A_297, %mul3A_300 : i32
      %add3A_302 = arith.addi %mul3A_299, %mul3A_301 : i32
      %multiple_of3A = tpu.assume_multiple %add3A_302, 8 : i32
      "tpu.region"() ({
        %run_scoped3A = tpu.sem_alloc : memref<!tpu.dma_semaphore, #tpu.memory_space<semaphore_mem>>
        %dma_start3A_819 = tpu.memref_slice %arg2[%multiple_of3A] : memref<524288xi32, #tpu.memory_space<hbm>> -> memref<2048xi32, #tpu.memory_space<hbm>>
        %dma_start3A_820 = tpu.memref_slice %arg2[%multiple_of3A] : memref<524288xi32, #tpu.memory_space<hbm>> -> memref<2048xi32, #tpu.memory_space<hbm>>
        tpu.enqueue_dma source(%dma_start3A_820 : memref<2048xi32, #tpu.memory_space<hbm>>) target(%arg6 : memref<2048xi32, #tpu.memory_space<vmem>>) target_semaphore(%run_scoped3A : memref<!tpu.dma_semaphore, #tpu.memory_space<semaphore_mem>>)
        %dma_wait3A_821 = tpu.memref_slice %arg2[%multiple_of3A] : memref<524288xi32, #tpu.memory_space<hbm>> -> memref<2048xi32, #tpu.memory_space<hbm>>
        %dma_wait3A_822 = tpu.memref_slice %arg2[%multiple_of3A] : memref<524288xi32, #tpu.memory_space<hbm>> -> memref<2048xi32, #tpu.memory_space<hbm>>
        tpu.wait_dma2 semaphore(%run_scoped3A : memref<!tpu.dma_semaphore, #tpu.memory_space<semaphore_mem>>) src(%dma_wait3A_822 : memref<2048xi32, #tpu.memory_space<hbm>>) dst(%arg6 : memref<2048xi32, #tpu.memory_space<vmem>>)
        tpu.yield
      }) : () -> ()
      %scan3A_303 = arith.constant 0 : i32
      %scan3A_304 = arith.constant 0 : i32
      %scan3A_305 = arith.constant 128 : i32
      %scan3A_306 = arith.addi %scan3A_304, %scan3A_305 : i32
      %scan3A_307 = arith.constant 1 : i32
      scf.for %scan3A_819 = %scan3A_304 to %scan3A_306 step %scan3A_307  : i32 {
        %mul3A_820 = arith.constant 16 : i32
        %mul3A_821 = arith.muli %scan3A_819, %mul3A_820 : i32
        %get3A_822 = arith.index_cast %mul3A_821 : i32 to index
        %get3A_823 = tpu.vector_load %arg6[%get3A_822] {strides = array<i32>} : memref<2048xi32, #tpu.memory_space<vmem>>, vector<16xi32>,
        %broadcast_in_dim3A_824 = arith.constant 7 : i32
        %broadcast_in_dim3A_825 = vector.broadcast %broadcast_in_dim3A_824 : i32 to vector<16xi32>
        %sub3A_826 = arith.constant 3 : i32
        %sub3A_827 = vector.broadcast %sub3A_826 : i32 to vector<16xi32>
        %sub3A_828 = arith.subi %get3A_823, %sub3A_827 : vector<16xi32>
        %div3A = arith.divsi %sub3A_828, %broadcast_in_dim3A_825 : vector<16xi32>
        %shift_right_logical3A_829 = arith.constant 10 : i32
        %shift_right_logical3A_830 = vector.broadcast %shift_right_logical3A_829 : i32 to vector<16xi32>
        %shift_right_logical3A_831 = arith.shrui %div3A, %shift_right_logical3A_830 : vector<16xi32>
        %broadcast_in_dim3A_832 = arith.constant true
        %broadcast_in_dim3A_833 = vector.broadcast %broadcast_in_dim3A_832 : i1 to vector<16xi1>
        %unique3A, %unique3A_834 = tpu.scan_count mask(%broadcast_in_dim3A_833 : vector<16xi1>) value(%shift_right_logical3A_831 : vector<16xi32>) : vector<16xi1>, vector<16xi32>
        %gather3A = tpu.vector_load_idx %arg10[%shift_right_logical3A_831] : memref<128xi32, #tpu.memory_space<vmem>>[vector<16xi32>], vector<16xi32>,
        %add3A_835 = arith.addi %gather3A, %unique3A_834 : vector<16xi32>
        %sub3A_836 = arith.constant 1 : i32
        %sub3A_837 = vector.broadcast %sub3A_836 : i32 to vector<16xi32>
        %sub3A_838 = arith.subi %add3A_835, %sub3A_837 : vector<16xi32>
        tpu.vector_store_idx %arg10[%shift_right_logical3A_831], %broadcast_in_dim3A_1 {add = true} : memref<128xi32, #tpu.memory_space<vmem>>[vector<16xi32>], vector<16xi32>,
        %div3A_839 = arith.constant 8 : i32
        %div3A_840 = arith.divsi %scan3A_819, %div3A_839 : i32
        %rem3A = arith.constant 8 : i32
        %rem3A_841 = arith.remsi %scan3A_819, %rem3A : i32
        %mul3A_842 = arith.constant 16 : i32
        %mul3A_843 = arith.muli %rem3A_841, %mul3A_842 : i32
        %swap3A_844 = arith.index_cast %div3A_840 : i32 to index
        %swap3A_845 = arith.index_cast %mul3A_843 : i32 to index
        %swap3A_846 = tpu.vector_load %arg11[%swap3A_844, %swap3A_845] {strides = array<i32>} : memref<16x128xi32, #tpu.memory_space<vmem>>, vector<16xi32>,
        tpu.vector_store %arg11[%swap3A_844, %swap3A_845], %sub3A_838 {strides = array<i32>} : memref<16x128xi32, #tpu.memory_space<vmem>>, vector<16xi32>,
        %mul3A_847 = arith.constant 16384 : i32
        %mul3A_848 = arith.muli %add3A, %mul3A_847 : i32
        %mul3A_849 = arith.constant 2048 : i32
        %mul3A_850 = arith.muli %scan3A_297, %mul3A_849 : i32
        %add3A_851 = arith.addi %mul3A_848, %mul3A_850 : i32
        %add3A_852 = arith.addi %add3A_851, %mul3A_821 : i32
        %add3A_853 = vector.broadcast %add3A_852 : i32 to vector<16xi32>
        %add3A_854 = arith.addi %add3A_853, %iota3A : vector<16xi32>
        %swap3A_855 = arith.index_cast %mul3A_821 : i32 to index
        %swap3A_856 = tpu.vector_load %arg12[%swap3A_855] {strides = array<i32>} : memref<2048xi32, #tpu.memory_space<vmem>>, vector<16xi32>,
        tpu.vector_store %arg12[%swap3A_855], %add3A_854 {strides = array<i32>} : memref<2048xi32, #tpu.memory_space<vmem>>, vector<16xi32>,
        %swap3A_857 = arith.index_cast %mul3A_821 : i32 to index
        %swap3A_858 = tpu.vector_load %arg13[%swap3A_857] {strides = array<i32>} : memref<2048xi32, #tpu.memory_space<vmem>>, vector<16xi32>,
        tpu.vector_store %arg13[%swap3A_857], %div3A {strides = array<i32>} : memref<2048xi32, #tpu.memory_space<vmem>>, vector<16xi32>,
      }
      %scan3A_308 = arith.constant 128 : i32
      %dma_start3A = arith.constant 0 : i32
      %dma_start3A_309 = arith.constant 0 : i32
      %dma_start3A_310 = tpu.memref_slice %arg12[%dma_start3A_309] : memref<2048xi32, #tpu.memory_space<vmem>> -> memref<128xi32, #tpu.memory_space<vmem>>
      %dma_start3A_311 = arith.constant 0 : i32
      %dma_start3A_312 = tpu.memref_slice %arg11[%dma_start3A, %dma_start3A_311] : memref<16x128xi32, #tpu.memory_space<vmem>> -> memref<1x128xi32, #tpu.memory_space<vmem>>
      %dma_start3A_313 = tpu.memref_squeeze %dma_start3A_312 : memref<1x128xi32, #tpu.memory_space<vmem>> -> memref<128xi32, #tpu.memory_space<vmem>>
      %dma_start3A_314 = arith.constant 0 : i32
      %dma_start3A_315 = tpu.memref_slice %arg4[%dma_start3A_314] : memref<525568xi32, #tpu.memory_space<hbm>> -> memref<525568xi32, #tpu.memory_space<hbm>>
      tpu.enqueue_indirect_dma source(%dma_start3A_310 : memref<128xi32, #tpu.memory_space<vmem>>) target(%dma_start3A_315 : memref<525568xi32, #tpu.memory_space<hbm>>) offsets(%dma_start3A_313 : memref<128xi32, #tpu.memory_space<vmem>>) semaphore(%arg14 : memref<!tpu.dma_semaphore, #tpu.memory_space<semaphore_mem>>)
      %dma_start3A_316 = arith.constant 0 : i32
      %dma_start3A_317 = arith.constant 0 : i32
      %dma_start3A_318 = tpu.memref_slice %arg13[%dma_start3A_317] : memref<2048xi32, #tpu.memory_space<vmem>> -> memref<128xi32, #tpu.memory_space<vmem>>
      %dma_start3A_319 = arith.constant 0 : i32
      %dma_start3A_320 = tpu.memref_slice %arg11[%dma_start3A_316, %dma_start3A_319] : memref<16x128xi32, #tpu.memory_space<vmem>> -> memref<1x128xi32, #tpu.memory_space<vmem>>
      %dma_start3A_321 = tpu.memref_squeeze %dma_start3A_320 : memref<1x128xi32, #tpu.memory_space<vmem>> -> memref<128xi32, #tpu.memory_space<vmem>>
      %dma_start3A_322 = arith.constant 0 : i32
      %dma_start3A_323 = tpu.memref_slice %arg5[%dma_start3A_322] : memref<525568xi32, #tpu.memory_space<hbm>> -> memref<525568xi32, #tpu.memory_space<hbm>>
      tpu.enqueue_indirect_dma source(%dma_start3A_318 : memref<128xi32, #tpu.memory_space<vmem>>) target(%dma_start3A_323 : memref<525568xi32, #tpu.memory_space<hbm>>) offsets(%dma_start3A_321 : memref<128xi32, #tpu.memory_space<vmem>>) semaphore(%arg14 : memref<!tpu.dma_semaphore, #tpu.memory_space<semaphore_mem>>)
      %dma_start3A_324 = arith.constant 1 : i32
      %dma_start3A_325 = arith.constant 128 : i32
      %dma_start3A_326 = tpu.memref_slice %arg12[%dma_start3A_325] : memref<2048xi32, #tpu.memory_space<vmem>> -> memref<128xi32, #tpu.memory_space<vmem>>
      %dma_start3A_327 = arith.constant 0 : i32
      %dma_start3A_328 = tpu.memref_slice %arg11[%dma_start3A_324, %dma_start3A_327] : memref<16x128xi32, #tpu.memory_space<vmem>> -> memref<1x128xi32, #tpu.memory_space<vmem>>
      %dma_start3A_329 = tpu.memref_squeeze %dma_start3A_328 : memref<1x128xi32, #tpu.memory_space<vmem>> -> memref<128xi32, #tpu.memory_space<vmem>>
      %dma_start3A_330 = arith.constant 0 : i32
      %dma_start3A_331 = tpu.memref_slice %arg4[%dma_start3A_330] : memref<525568xi32, #tpu.memory_space<hbm>> -> memref<525568xi32, #tpu.memory_space<hbm>>
      tpu.enqueue_indirect_dma source(%dma_start3A_326 : memref<128xi32, #tpu.memory_space<vmem>>) target(%dma_start3A_331 : memref<525568xi32, #tpu.memory_space<hbm>>) offsets(%dma_start3A_329 : memref<128xi32, #tpu.memory_space<vmem>>) semaphore(%arg14 : memref<!tpu.dma_semaphore, #tpu.memory_space<semaphore_mem>>)
      %dma_start3A_332 = arith.constant 1 : i32
      %dma_start3A_333 = arith.constant 128 : i32
      %dma_start3A_334 = tpu.memref_slice %arg13[%dma_start3A_333] : memref<2048xi32, #tpu.memory_space<vmem>> -> memref<128xi32, #tpu.memory_space<vmem>>
      %dma_start3A_335 = arith.constant 0 : i32
      %dma_start3A_336 = tpu.memref_slice %arg11[%dma_start3A_332, %dma_start3A_335] : memref<16x128xi32, #tpu.memory_space<vmem>> -> memref<1x128xi32, #tpu.memory_space<vmem>>
      %dma_start3A_337 = tpu.memref_squeeze %dma_start3A_336 : memref<1x128xi32, #tpu.memory_space<vmem>> -> memref<128xi32, #tpu.memory_space<vmem>>
      %dma_start3A_338 = arith.constant 0 : i32
      %dma_start3A_339 = tpu.memref_slice %arg5[%dma_start3A_338] : memref<525568xi32, #tpu.memory_space<hbm>> -> memref<525568xi32, #tpu.memory_space<hbm>>
      tpu.enqueue_indirect_dma source(%dma_start3A_334 : memref<128xi32, #tpu.memory_space<vmem>>) target(%dma_start3A_339 : memref<525568xi32, #tpu.memory_space<hbm>>) offsets(%dma_start3A_337 : memref<128xi32, #tpu.memory_space<vmem>>) semaphore(%arg14 : memref<!tpu.dma_semaphore, #tpu.memory_space<semaphore_mem>>)
      %dma_start3A_340 = arith.constant 2 : i32
      %dma_start3A_341 = arith.constant 256 : i32
      %dma_start3A_342 = tpu.memref_slice %arg12[%dma_start3A_341] : memref<2048xi32, #tpu.memory_space<vmem>> -> memref<128xi32, #tpu.memory_space<vmem>>
      %dma_start3A_343 = arith.constant 0 : i32
      %dma_start3A_344 = tpu.memref_slice %arg11[%dma_start3A_340, %dma_start3A_343] : memref<16x128xi32, #tpu.memory_space<vmem>> -> memref<1x128xi32, #tpu.memory_space<vmem>>
      %dma_start3A_345 = tpu.memref_squeeze %dma_start3A_344 : memref<1x128xi32, #tpu.memory_space<vmem>> -> memref<128xi32, #tpu.memory_space<vmem>>
      %dma_start3A_346 = arith.constant 0 : i32
      %dma_start3A_347 = tpu.memref_slice %arg4[%dma_start3A_346] : memref<525568xi32, #tpu.memory_space<hbm>> -> memref<525568xi32, #tpu.memory_space<hbm>>
      tpu.enqueue_indirect_dma source(%dma_start3A_342 : memref<128xi32, #tpu.memory_space<vmem>>) target(%dma_start3A_347 : memref<525568xi32, #tpu.memory_space<hbm>>) offsets(%dma_start3A_345 : memref<128xi32, #tpu.memory_space<vmem>>) semaphore(%arg14 : memref<!tpu.dma_semaphore, #tpu.memory_space<semaphore_mem>>)
      %dma_start3A_348 = arith.constant 2 : i32
      %dma_start3A_349 = arith.constant 256 : i32
      %dma_start3A_350 = tpu.memref_slice %arg13[%dma_start3A_349] : memref<2048xi32, #tpu.memory_space<vmem>> -> memref<128xi32, #tpu.memory_space<vmem>>
      %dma_start3A_351 = arith.constant 0 : i32
      %dma_start3A_352 = tpu.memref_slice %arg11[%dma_start3A_348, %dma_start3A_351] : memref<16x128xi32, #tpu.memory_space<vmem>> -> memref<1x128xi32, #tpu.memory_space<vmem>>
      %dma_start3A_353 = tpu.memref_squeeze %dma_start3A_352 : memref<1x128xi32, #tpu.memory_space<vmem>> -> memref<128xi32, #tpu.memory_space<vmem>>
      %dma_start3A_354 = arith.constant 0 : i32
      %dma_start3A_355 = tpu.memref_slice %arg5[%dma_start3A_354] : memref<525568xi32, #tpu.memory_space<hbm>> -> memref<525568xi32, #tpu.memory_space<hbm>>
      tpu.enqueue_indirect_dma source(%dma_start3A_350 : memref<128xi32, #tpu.memory_space<vmem>>) target(%dma_start3A_355 : memref<525568xi32, #tpu.memory_space<hbm>>) offsets(%dma_start3A_353 : memref<128xi32, #tpu.memory_space<vmem>>) semaphore(%arg14 : memref<!tpu.dma_semaphore, #tpu.memory_space<semaphore_mem>>)
      %dma_start3A_356 = arith.constant 3 : i32
      %dma_start3A_357 = arith.constant 384 : i32
      %dma_start3A_358 = tpu.memref_slice %arg12[%dma_start3A_357] : memref<2048xi32, #tpu.memory_space<vmem>> -> memref<128xi32, #tpu.memory_space<vmem>>
      %dma_start3A_359 = arith.constant 0 : i32
      %dma_start3A_360 = tpu.memref_slice %arg11[%dma_start3A_356, %dma_start3A_359] : memref<16x128xi32, #tpu.memory_space<vmem>> -> memref<1x128xi32, #tpu.memory_space<vmem>>
      %dma_start3A_361 = tpu.memref_squeeze %dma_start3A_360 : memref<1x128xi32, #tpu.memory_space<vmem>> -> memref<128xi32, #tpu.memory_space<vmem>>
      %dma_start3A_362 = arith.constant 0 : i32
      %dma_start3A_363 = tpu.memref_slice %arg4[%dma_start3A_362] : memref<525568xi32, #tpu.memory_space<hbm>> -> memref<525568xi32, #tpu.memory_space<hbm>>
      tpu.enqueue_indirect_dma source(%dma_start3A_358 : memref<128xi32, #tpu.memory_space<vmem>>) target(%dma_start3A_363 : memref<525568xi32, #tpu.memory_space<hbm>>) offsets(%dma_start3A_361 : memref<128xi32, #tpu.memory_space<vmem>>) semaphore(%arg14 : memref<!tpu.dma_semaphore, #tpu.memory_space<semaphore_mem>>)
      %dma_start3A_364 = arith.constant 3 : i32
      %dma_start3A_365 = arith.constant 384 : i32
      %dma_start3A_366 = tpu.memref_slice %arg13[%dma_start3A_365] : memref<2048xi32, #tpu.memory_space<vmem>> -> memref<128xi32, #tpu.memory_space<vmem>>
      %dma_start3A_367 = arith.constant 0 : i32
      %dma_start3A_368 = tpu.memref_slice %arg11[%dma_start3A_364, %dma_start3A_367] : memref<16x128xi32, #tpu.memory_space<vmem>> -> memref<1x128xi32, #tpu.memory_space<vmem>>
      %dma_start3A_369 = tpu.memref_squeeze %dma_start3A_368 : memref<1x128xi32, #tpu.memory_space<vmem>> -> memref<128xi32, #tpu.memory_space<vmem>>
      %dma_start3A_370 = arith.constant 0 : i32
      %dma_start3A_371 = tpu.memref_slice %arg5[%dma_start3A_370] : memref<525568xi32, #tpu.memory_space<hbm>> -> memref<525568xi32, #tpu.memory_space<hbm>>
      tpu.enqueue_indirect_dma source(%dma_start3A_366 : memref<128xi32, #tpu.memory_space<vmem>>) target(%dma_start3A_371 : memref<525568xi32, #tpu.memory_space<hbm>>) offsets(%dma_start3A_369 : memref<128xi32, #tpu.memory_space<vmem>>) semaphore(%arg14 : memref<!tpu.dma_semaphore, #tpu.memory_space<semaphore_mem>>)
      %dma_start3A_372 = arith.constant 4 : i32
      %dma_start3A_373 = arith.constant 512 : i32
      %dma_start3A_374 = tpu.memref_slice %arg12[%dma_start3A_373] : memref<2048xi32, #tpu.memory_space<vmem>> -> memref<128xi32, #tpu.memory_space<vmem>>
      %dma_start3A_375 = arith.constant 0 : i32
      %dma_start3A_376 = tpu.memref_slice %arg11[%dma_start3A_372, %dma_start3A_375] : memref<16x128xi32, #tpu.memory_space<vmem>> -> memref<1x128xi32, #tpu.memory_space<vmem>>
      %dma_start3A_377 = tpu.memref_squeeze %dma_start3A_376 : memref<1x128xi32, #tpu.memory_space<vmem>> -> memref<128xi32, #tpu.memory_space<vmem>>
      %dma_start3A_378 = arith.constant 0 : i32
      %dma_start3A_379 = tpu.memref_slice %arg4[%dma_start3A_378] : memref<525568xi32, #tpu.memory_space<hbm>> -> memref<525568xi32, #tpu.memory_space<hbm>>
      tpu.enqueue_indirect_dma source(%dma_start3A_374 : memref<128xi32, #tpu.memory_space<vmem>>) target(%dma_start3A_379 : memref<525568xi32, #tpu.memory_space<hbm>>) offsets(%dma_start3A_377 : memref<128xi32, #tpu.memory_space<vmem>>) semaphore(%arg14 : memref<!tpu.dma_semaphore, #tpu.memory_space<semaphore_mem>>)
      %dma_start3A_380 = arith.constant 4 : i32
      %dma_start3A_381 = arith.constant 512 : i32
      %dma_start3A_382 = tpu.memref_slice %arg13[%dma_start3A_381] : memref<2048xi32, #tpu.memory_space<vmem>> -> memref<128xi32, #tpu.memory_space<vmem>>
      %dma_start3A_383 = arith.constant 0 : i32
      %dma_start3A_384 = tpu.memref_slice %arg11[%dma_start3A_380, %dma_start3A_383] : memref<16x128xi32, #tpu.memory_space<vmem>> -> memref<1x128xi32, #tpu.memory_space<vmem>>
      %dma_start3A_385 = tpu.memref_squeeze %dma_start3A_384 : memref<1x128xi32, #tpu.memory_space<vmem>> -> memref<128xi32, #tpu.memory_space<vmem>>
      %dma_start3A_386 = arith.constant 0 : i32
      %dma_start3A_387 = tpu.memref_slice %arg5[%dma_start3A_386] : memref<525568xi32, #tpu.memory_space<hbm>> -> memref<525568xi32, #tpu.memory_space<hbm>>
      tpu.enqueue_indirect_dma source(%dma_start3A_382 : memref<128xi32, #tpu.memory_space<vmem>>) target(%dma_start3A_387 : memref<525568xi32, #tpu.memory_space<hbm>>) offsets(%dma_start3A_385 : memref<128xi32, #tpu.memory_space<vmem>>) semaphore(%arg14 : memref<!tpu.dma_semaphore, #tpu.memory_space<semaphore_mem>>)
      %dma_start3A_388 = arith.constant 5 : i32
      %dma_start3A_389 = arith.constant 640 : i32
      %dma_start3A_390 = tpu.memref_slice %arg12[%dma_start3A_389] : memref<2048xi32, #tpu.memory_space<vmem>> -> memref<128xi32, #tpu.memory_space<vmem>>
      %dma_start3A_391 = arith.constant 0 : i32
      %dma_start3A_392 = tpu.memref_slice %arg11[%dma_start3A_388, %dma_start3A_391] : memref<16x128xi32, #tpu.memory_space<vmem>> -> memref<1x128xi32, #tpu.memory_space<vmem>>
      %dma_start3A_393 = tpu.memref_squeeze %dma_start3A_392 : memref<1x128xi32, #tpu.memory_space<vmem>> -> memref<128xi32, #tpu.memory_space<vmem>>
      %dma_start3A_394 = arith.constant 0 : i32
      %dma_start3A_395 = tpu.memref_slice %arg4[%dma_start3A_394] : memref<525568xi32, #tpu.memory_space<hbm>> -> memref<525568xi32, #tpu.memory_space<hbm>>
      tpu.enqueue_indirect_dma source(%dma_start3A_390 : memref<128xi32, #tpu.memory_space<vmem>>) target(%dma_start3A_395 : memref<525568xi32, #tpu.memory_space<hbm>>) offsets(%dma_start3A_393 : memref<128xi32, #tpu.memory_space<vmem>>) semaphore(%arg14 : memref<!tpu.dma_semaphore, #tpu.memory_space<semaphore_mem>>)
      %dma_start3A_396 = arith.constant 5 : i32
      %dma_start3A_397 = arith.constant 640 : i32
      %dma_start3A_398 = tpu.memref_slice %arg13[%dma_start3A_397] : memref<2048xi32, #tpu.memory_space<vmem>> -> memref<128xi32, #tpu.memory_space<vmem>>
      %dma_start3A_399 = arith.constant 0 : i32
      %dma_start3A_400 = tpu.memref_slice %arg11[%dma_start3A_396, %dma_start3A_399] : memref<16x128xi32, #tpu.memory_space<vmem>> -> memref<1x128xi32, #tpu.memory_space<vmem>>
      %dma_start3A_401 = tpu.memref_squeeze %dma_start3A_400 : memref<1x128xi32, #tpu.memory_space<vmem>> -> memref<128xi32, #tpu.memory_space<vmem>>
      %dma_start3A_402 = arith.constant 0 : i32
      %dma_start3A_403 = tpu.memref_slice %arg5[%dma_start3A_402] : memref<525568xi32, #tpu.memory_space<hbm>> -> memref<525568xi32, #tpu.memory_space<hbm>>
      tpu.enqueue_indirect_dma source(%dma_start3A_398 : memref<128xi32, #tpu.memory_space<vmem>>) target(%dma_start3A_403 : memref<525568xi32, #tpu.memory_space<hbm>>) offsets(%dma_start3A_401 : memref<128xi32, #tpu.memory_space<vmem>>) semaphore(%arg14 : memref<!tpu.dma_semaphore, #tpu.memory_space<semaphore_mem>>)
      %dma_start3A_404 = arith.constant 6 : i32
      %dma_start3A_405 = arith.constant 768 : i32
      %dma_start3A_406 = tpu.memref_slice %arg12[%dma_start3A_405] : memref<2048xi32, #tpu.memory_space<vmem>> -> memref<128xi32, #tpu.memory_space<vmem>>
      %dma_start3A_407 = arith.constant 0 : i32
      %dma_start3A_408 = tpu.memref_slice %arg11[%dma_start3A_404, %dma_start3A_407] : memref<16x128xi32, #tpu.memory_space<vmem>> -> memref<1x128xi32, #tpu.memory_space<vmem>>
      %dma_start3A_409 = tpu.memref_squeeze %dma_start3A_408 : memref<1x128xi32, #tpu.memory_space<vmem>> -> memref<128xi32, #tpu.memory_space<vmem>>
      %dma_start3A_410 = arith.constant 0 : i32
      %dma_start3A_411 = tpu.memref_slice %arg4[%dma_start3A_410] : memref<525568xi32, #tpu.memory_space<hbm>> -> memref<525568xi32, #tpu.memory_space<hbm>>
      tpu.enqueue_indirect_dma source(%dma_start3A_406 : memref<128xi32, #tpu.memory_space<vmem>>) target(%dma_start3A_411 : memref<525568xi32, #tpu.memory_space<hbm>>) offsets(%dma_start3A_409 : memref<128xi32, #tpu.memory_space<vmem>>) semaphore(%arg14 : memref<!tpu.dma_semaphore, #tpu.memory_space<semaphore_mem>>)
      %dma_start3A_412 = arith.constant 6 : i32
      %dma_start3A_413 = arith.constant 768 : i32
      %dma_start3A_414 = tpu.memref_slice %arg13[%dma_start3A_413] : memref<2048xi32, #tpu.memory_space<vmem>> -> memref<128xi32, #tpu.memory_space<vmem>>
      %dma_start3A_415 = arith.constant 0 : i32
      %dma_start3A_416 = tpu.memref_slice %arg11[%dma_start3A_412, %dma_start3A_415] : memref<16x128xi32, #tpu.memory_space<vmem>> -> memref<1x128xi32, #tpu.memory_space<vmem>>
      %dma_start3A_417 = tpu.memref_squeeze %dma_start3A_416 : memref<1x128xi32, #tpu.memory_space<vmem>> -> memref<128xi32, #tpu.memory_space<vmem>>
      %dma_start3A_418 = arith.constant 0 : i32
      %dma_start3A_419 = tpu.memref_slice %arg5[%dma_start3A_418] : memref<525568xi32, #tpu.memory_space<hbm>> -> memref<525568xi32, #tpu.memory_space<hbm>>
      tpu.enqueue_indirect_dma source(%dma_start3A_414 : memref<128xi32, #tpu.memory_space<vmem>>) target(%dma_start3A_419 : memref<525568xi32, #tpu.memory_space<hbm>>) offsets(%dma_start3A_417 : memref<128xi32, #tpu.memory_space<vmem>>) semaphore(%arg14 : memref<!tpu.dma_semaphore, #tpu.memory_space<semaphore_mem>>)
      %dma_start3A_420 = arith.constant 7 : i32
      %dma_start3A_421 = arith.constant 896 : i32
      %dma_start3A_422 = tpu.memref_slice %arg12[%dma_start3A_421] : memref<2048xi32, #tpu.memory_space<vmem>> -> memref<128xi32, #tpu.memory_space<vmem>>
      %dma_start3A_423 = arith.constant 0 : i32
      %dma_start3A_424 = tpu.memref_slice %arg11[%dma_start3A_420, %dma_start3A_423] : memref<16x128xi32, #tpu.memory_space<vmem>> -> memref<1x128xi32, #tpu.memory_space<vmem>>
      %dma_start3A_425 = tpu.memref_squeeze %dma_start3A_424 : memref<1x128xi32, #tpu.memory_space<vmem>> -> memref<128xi32, #tpu.memory_space<vmem>>
      %dma_start3A_426 = arith.constant 0 : i32
      %dma_start3A_427 = tpu.memref_slice %arg4[%dma_start3A_426] : memref<525568xi32, #tpu.memory_space<hbm>> -> memref<525568xi32, #tpu.memory_space<hbm>>
      tpu.enqueue_indirect_dma source(%dma_start3A_422 : memref<128xi32, #tpu.memory_space<vmem>>) target(%dma_start3A_427 : memref<525568xi32, #tpu.memory_space<hbm>>) offsets(%dma_start3A_425 : memref<128xi32, #tpu.memory_space<vmem>>) semaphore(%arg14 : memref<!tpu.dma_semaphore, #tpu.memory_space<semaphore_mem>>)
      %dma_start3A_428 = arith.constant 7 : i32
      %dma_start3A_429 = arith.constant 896 : i32
      %dma_start3A_430 = tpu.memref_slice %arg13[%dma_start3A_429] : memref<2048xi32, #tpu.memory_space<vmem>> -> memref<128xi32, #tpu.memory_space<vmem>>
      %dma_start3A_431 = arith.constant 0 : i32
      %dma_start3A_432 = tpu.memref_slice %arg11[%dma_start3A_428, %dma_start3A_431] : memref<16x128xi32, #tpu.memory_space<vmem>> -> memref<1x128xi32, #tpu.memory_space<vmem>>
      %dma_start3A_433 = tpu.memref_squeeze %dma_start3A_432 : memref<1x128xi32, #tpu.memory_space<vmem>> -> memref<128xi32, #tpu.memory_space<vmem>>
      %dma_start3A_434 = arith.constant 0 : i32
      %dma_start3A_435 = tpu.memref_slice %arg5[%dma_start3A_434] : memref<525568xi32, #tpu.memory_space<hbm>> -> memref<525568xi32, #tpu.memory_space<hbm>>
      tpu.enqueue_indirect_dma source(%dma_start3A_430 : memref<128xi32, #tpu.memory_space<vmem>>) target(%dma_start3A_435 : memref<525568xi32, #tpu.memory_space<hbm>>) offsets(%dma_start3A_433 : memref<128xi32, #tpu.memory_space<vmem>>) semaphore(%arg14 : memref<!tpu.dma_semaphore, #tpu.memory_space<semaphore_mem>>)
      %dma_start3A_436 = arith.constant 8 : i32
      %dma_start3A_437 = arith.constant 1024 : i32
      %dma_start3A_438 = tpu.memref_slice %arg12[%dma_start3A_437] : memref<2048xi32, #tpu.memory_space<vmem>> -> memref<128xi32, #tpu.memory_space<vmem>>
      %dma_start3A_439 = arith.constant 0 : i32
      %dma_start3A_440 = tpu.memref_slice %arg11[%dma_start3A_436, %dma_start3A_439] : memref<16x128xi32, #tpu.memory_space<vmem>> -> memref<1x128xi32, #tpu.memory_space<vmem>>
      %dma_start3A_441 = tpu.memref_squeeze %dma_start3A_440 : memref<1x128xi32, #tpu.memory_space<vmem>> -> memref<128xi32, #tpu.memory_space<vmem>>
      %dma_start3A_442 = arith.constant 0 : i32
      %dma_start3A_443 = tpu.memref_slice %arg4[%dma_start3A_442] : memref<525568xi32, #tpu.memory_space<hbm>> -> memref<525568xi32, #tpu.memory_space<hbm>>
      tpu.enqueue_indirect_dma source(%dma_start3A_438 : memref<128xi32, #tpu.memory_space<vmem>>) target(%dma_start3A_443 : memref<525568xi32, #tpu.memory_space<hbm>>) offsets(%dma_start3A_441 : memref<128xi32, #tpu.memory_space<vmem>>) semaphore(%arg14 : memref<!tpu.dma_semaphore, #tpu.memory_space<semaphore_mem>>)
      %dma_start3A_444 = arith.constant 8 : i32
      %dma_start3A_445 = arith.constant 1024 : i32
      %dma_start3A_446 = tpu.memref_slice %arg13[%dma_start3A_445] : memref<2048xi32, #tpu.memory_space<vmem>> -> memref<128xi32, #tpu.memory_space<vmem>>
      %dma_start3A_447 = arith.constant 0 : i32
      %dma_start3A_448 = tpu.memref_slice %arg11[%dma_start3A_444, %dma_start3A_447] : memref<16x128xi32, #tpu.memory_space<vmem>> -> memref<1x128xi32, #tpu.memory_space<vmem>>
      %dma_start3A_449 = tpu.memref_squeeze %dma_start3A_448 : memref<1x128xi32, #tpu.memory_space<vmem>> -> memref<128xi32, #tpu.memory_space<vmem>>
      %dma_start3A_450 = arith.constant 0 : i32
      %dma_start3A_451 = tpu.memref_slice %arg5[%dma_start3A_450] : memref<525568xi32, #tpu.memory_space<hbm>> -> memref<525568xi32, #tpu.memory_space<hbm>>
      tpu.enqueue_indirect_dma source(%dma_start3A_446 : memref<128xi32, #tpu.memory_space<vmem>>) target(%dma_start3A_451 : memref<525568xi32, #tpu.memory_space<hbm>>) offsets(%dma_start3A_449 : memref<128xi32, #tpu.memory_space<vmem>>) semaphore(%arg14 : memref<!tpu.dma_semaphore, #tpu.memory_space<semaphore_mem>>)
      %dma_start3A_452 = arith.constant 9 : i32
      %dma_start3A_453 = arith.constant 1152 : i32
      %dma_start3A_454 = tpu.memref_slice %arg12[%dma_start3A_453] : memref<2048xi32, #tpu.memory_space<vmem>> -> memref<128xi32, #tpu.memory_space<vmem>>
      %dma_start3A_455 = arith.constant 0 : i32
      %dma_start3A_456 = tpu.memref_slice %arg11[%dma_start3A_452, %dma_start3A_455] : memref<16x128xi32, #tpu.memory_space<vmem>> -> memref<1x128xi32, #tpu.memory_space<vmem>>
      %dma_start3A_457 = tpu.memref_squeeze %dma_start3A_456 : memref<1x128xi32, #tpu.memory_space<vmem>> -> memref<128xi32, #tpu.memory_space<vmem>>
      %dma_start3A_458 = arith.constant 0 : i32
      %dma_start3A_459 = tpu.memref_slice %arg4[%dma_start3A_458] : memref<525568xi32, #tpu.memory_space<hbm>> -> memref<525568xi32, #tpu.memory_space<hbm>>
      tpu.enqueue_indirect_dma source(%dma_start3A_454 : memref<128xi32, #tpu.memory_space<vmem>>) target(%dma_start3A_459 : memref<525568xi32, #tpu.memory_space<hbm>>) offsets(%dma_start3A_457 : memref<128xi32, #tpu.memory_space<vmem>>) semaphore(%arg14 : memref<!tpu.dma_semaphore, #tpu.memory_space<semaphore_mem>>)
      %dma_start3A_460 = arith.constant 9 : i32
      %dma_start3A_461 = arith.constant 1152 : i32
      %dma_start3A_462 = tpu.memref_slice %arg13[%dma_start3A_461] : memref<2048xi32, #tpu.memory_space<vmem>> -> memref<128xi32, #tpu.memory_space<vmem>>
      %dma_start3A_463 = arith.constant 0 : i32
      %dma_start3A_464 = tpu.memref_slice %arg11[%dma_start3A_460, %dma_start3A_463] : memref<16x128xi32, #tpu.memory_space<vmem>> -> memref<1x128xi32, #tpu.memory_space<vmem>>
      %dma_start3A_465 = tpu.memref_squeeze %dma_start3A_464 : memref<1x128xi32, #tpu.memory_space<vmem>> -> memref<128xi32, #tpu.memory_space<vmem>>
      %dma_start3A_466 = arith.constant 0 : i32
      %dma_start3A_467 = tpu.memref_slice %arg5[%dma_start3A_466] : memref<525568xi32, #tpu.memory_space<hbm>> -> memref<525568xi32, #tpu.memory_space<hbm>>
      tpu.enqueue_indirect_dma source(%dma_start3A_462 : memref<128xi32, #tpu.memory_space<vmem>>) target(%dma_start3A_467 : memref<525568xi32, #tpu.memory_space<hbm>>) offsets(%dma_start3A_465 : memref<128xi32, #tpu.memory_space<vmem>>) semaphore(%arg14 : memref<!tpu.dma_semaphore, #tpu.memory_space<semaphore_mem>>)
      %dma_start3A_468 = arith.constant 10 : i32
      %dma_start3A_469 = arith.constant 1280 : i32
      %dma_start3A_470 = tpu.memref_slice %arg12[%dma_start3A_469] : memref<2048xi32, #tpu.memory_space<vmem>> -> memref<128xi32, #tpu.memory_space<vmem>>
      %dma_start3A_471 = arith.constant 0 : i32
      %dma_start3A_472 = tpu.memref_slice %arg11[%dma_start3A_468, %dma_start3A_471] : memref<16x128xi32, #tpu.memory_space<vmem>> -> memref<1x128xi32, #tpu.memory_space<vmem>>
      %dma_start3A_473 = tpu.memref_squeeze %dma_start3A_472 : memref<1x128xi32, #tpu.memory_space<vmem>> -> memref<128xi32, #tpu.memory_space<vmem>>
      %dma_start3A_474 = arith.constant 0 : i32
      %dma_start3A_475 = tpu.memref_slice %arg4[%dma_start3A_474] : memref<525568xi32, #tpu.memory_space<hbm>> -> memref<525568xi32, #tpu.memory_space<hbm>>
      tpu.enqueue_indirect_dma source(%dma_start3A_470 : memref<128xi32, #tpu.memory_space<vmem>>) target(%dma_start3A_475 : memref<525568xi32, #tpu.memory_space<hbm>>) offsets(%dma_start3A_473 : memref<128xi32, #tpu.memory_space<vmem>>) semaphore(%arg14 : memref<!tpu.dma_semaphore, #tpu.memory_space<semaphore_mem>>)
      %dma_start3A_476 = arith.constant 10 : i32
      %dma_start3A_477 = arith.constant 1280 : i32
      %dma_start3A_478 = tpu.memref_slice %arg13[%dma_start3A_477] : memref<2048xi32, #tpu.memory_space<vmem>> -> memref<128xi32, #tpu.memory_space<vmem>>
      %dma_start3A_479 = arith.constant 0 : i32
      %dma_start3A_480 = tpu.memref_slice %arg11[%dma_start3A_476, %dma_start3A_479] : memref<16x128xi32, #tpu.memory_space<vmem>> -> memref<1x128xi32, #tpu.memory_space<vmem>>
      %dma_start3A_481 = tpu.memref_squeeze %dma_start3A_480 : memref<1x128xi32, #tpu.memory_space<vmem>> -> memref<128xi32, #tpu.memory_space<vmem>>
      %dma_start3A_482 = arith.constant 0 : i32
      %dma_start3A_483 = tpu.memref_slice %arg5[%dma_start3A_482] : memref<525568xi32, #tpu.memory_space<hbm>> -> memref<525568xi32, #tpu.memory_space<hbm>>
      tpu.enqueue_indirect_dma source(%dma_start3A_478 : memref<128xi32, #tpu.memory_space<vmem>>) target(%dma_start3A_483 : memref<525568xi32, #tpu.memory_space<hbm>>) offsets(%dma_start3A_481 : memref<128xi32, #tpu.memory_space<vmem>>) semaphore(%arg14 : memref<!tpu.dma_semaphore, #tpu.memory_space<semaphore_mem>>)
      %dma_start3A_484 = arith.constant 11 : i32
      %dma_start3A_485 = arith.constant 1408 : i32
      %dma_start3A_486 = tpu.memref_slice %arg12[%dma_start3A_485] : memref<2048xi32, #tpu.memory_space<vmem>> -> memref<128xi32, #tpu.memory_space<vmem>>
      %dma_start3A_487 = arith.constant 0 : i32
      %dma_start3A_488 = tpu.memref_slice %arg11[%dma_start3A_484, %dma_start3A_487] : memref<16x128xi32, #tpu.memory_space<vmem>> -> memref<1x128xi32, #tpu.memory_space<vmem>>
      %dma_start3A_489 = tpu.memref_squeeze %dma_start3A_488 : memref<1x128xi32, #tpu.memory_space<vmem>> -> memref<128xi32, #tpu.memory_space<vmem>>
      %dma_start3A_490 = arith.constant 0 : i32
      %dma_start3A_491 = tpu.memref_slice %arg4[%dma_start3A_490] : memref<525568xi32, #tpu.memory_space<hbm>> -> memref<525568xi32, #tpu.memory_space<hbm>>
      tpu.enqueue_indirect_dma source(%dma_start3A_486 : memref<128xi32, #tpu.memory_space<vmem>>) target(%dma_start3A_491 : memref<525568xi32, #tpu.memory_space<hbm>>) offsets(%dma_start3A_489 : memref<128xi32, #tpu.memory_space<vmem>>) semaphore(%arg14 : memref<!tpu.dma_semaphore, #tpu.memory_space<semaphore_mem>>)
      %dma_start3A_492 = arith.constant 11 : i32
      %dma_start3A_493 = arith.constant 1408 : i32
      %dma_start3A_494 = tpu.memref_slice %arg13[%dma_start3A_493] : memref<2048xi32, #tpu.memory_space<vmem>> -> memref<128xi32, #tpu.memory_space<vmem>>
      %dma_start3A_495 = arith.constant 0 : i32
      %dma_start3A_496 = tpu.memref_slice %arg11[%dma_start3A_492, %dma_start3A_495] : memref<16x128xi32, #tpu.memory_space<vmem>> -> memref<1x128xi32, #tpu.memory_space<vmem>>
      %dma_start3A_497 = tpu.memref_squeeze %dma_start3A_496 : memref<1x128xi32, #tpu.memory_space<vmem>> -> memref<128xi32, #tpu.memory_space<vmem>>
      %dma_start3A_498 = arith.constant 0 : i32
      %dma_start3A_499 = tpu.memref_slice %arg5[%dma_start3A_498] : memref<525568xi32, #tpu.memory_space<hbm>> -> memref<525568xi32, #tpu.memory_space<hbm>>
      tpu.enqueue_indirect_dma source(%dma_start3A_494 : memref<128xi32, #tpu.memory_space<vmem>>) target(%dma_start3A_499 : memref<525568xi32, #tpu.memory_space<hbm>>) offsets(%dma_start3A_497 : memref<128xi32, #tpu.memory_space<vmem>>) semaphore(%arg14 : memref<!tpu.dma_semaphore, #tpu.memory_space<semaphore_mem>>)
      %dma_start3A_500 = arith.constant 12 : i32
      %dma_start3A_501 = arith.constant 1536 : i32
      %dma_start3A_502 = tpu.memref_slice %arg12[%dma_start3A_501] : memref<2048xi32, #tpu.memory_space<vmem>> -> memref<128xi32, #tpu.memory_space<vmem>>
      %dma_start3A_503 = arith.constant 0 : i32
      %dma_start3A_504 = tpu.memref_slice %arg11[%dma_start3A_500, %dma_start3A_503] : memref<16x128xi32, #tpu.memory_space<vmem>> -> memref<1x128xi32, #tpu.memory_space<vmem>>
      %dma_start3A_505 = tpu.memref_squeeze %dma_start3A_504 : memref<1x128xi32, #tpu.memory_space<vmem>> -> memref<128xi32, #tpu.memory_space<vmem>>
      %dma_start3A_506 = arith.constant 0 : i32
      %dma_start3A_507 = tpu.memref_slice %arg4[%dma_start3A_506] : memref<525568xi32, #tpu.memory_space<hbm>> -> memref<525568xi32, #tpu.memory_space<hbm>>
      tpu.enqueue_indirect_dma source(%dma_start3A_502 : memref<128xi32, #tpu.memory_space<vmem>>) target(%dma_start3A_507 : memref<525568xi32, #tpu.memory_space<hbm>>) offsets(%dma_start3A_505 : memref<128xi32, #tpu.memory_space<vmem>>) semaphore(%arg14 : memref<!tpu.dma_semaphore, #tpu.memory_space<semaphore_mem>>)
      %dma_start3A_508 = arith.constant 12 : i32
      %dma_start3A_509 = arith.constant 1536 : i32
      %dma_start3A_510 = tpu.memref_slice %arg13[%dma_start3A_509] : memref<2048xi32, #tpu.memory_space<vmem>> -> memref<128xi32, #tpu.memory_space<vmem>>
      %dma_start3A_511 = arith.constant 0 : i32
      %dma_start3A_512 = tpu.memref_slice %arg11[%dma_start3A_508, %dma_start3A_511] : memref<16x128xi32, #tpu.memory_space<vmem>> -> memref<1x128xi32, #tpu.memory_space<vmem>>
      %dma_start3A_513 = tpu.memref_squeeze %dma_start3A_512 : memref<1x128xi32, #tpu.memory_space<vmem>> -> memref<128xi32, #tpu.memory_space<vmem>>
      %dma_start3A_514 = arith.constant 0 : i32
      %dma_start3A_515 = tpu.memref_slice %arg5[%dma_start3A_514] : memref<525568xi32, #tpu.memory_space<hbm>> -> memref<525568xi32, #tpu.memory_space<hbm>>
      tpu.enqueue_indirect_dma source(%dma_start3A_510 : memref<128xi32, #tpu.memory_space<vmem>>) target(%dma_start3A_515 : memref<525568xi32, #tpu.memory_space<hbm>>) offsets(%dma_start3A_513 : memref<128xi32, #tpu.memory_space<vmem>>) semaphore(%arg14 : memref<!tpu.dma_semaphore, #tpu.memory_space<semaphore_mem>>)
      %dma_start3A_516 = arith.constant 13 : i32
      %dma_start3A_517 = arith.constant 1664 : i32
      %dma_start3A_518 = tpu.memref_slice %arg12[%dma_start3A_517] : memref<2048xi32, #tpu.memory_space<vmem>> -> memref<128xi32, #tpu.memory_space<vmem>>
      %dma_start3A_519 = arith.constant 0 : i32
      %dma_start3A_520 = tpu.memref_slice %arg11[%dma_start3A_516, %dma_start3A_519] : memref<16x128xi32, #tpu.memory_space<vmem>> -> memref<1x128xi32, #tpu.memory_space<vmem>>
      %dma_start3A_521 = tpu.memref_squeeze %dma_start3A_520 : memref<1x128xi32, #tpu.memory_space<vmem>> -> memref<128xi32, #tpu.memory_space<vmem>>
      %dma_start3A_522 = arith.constant 0 : i32
      %dma_start3A_523 = tpu.memref_slice %arg4[%dma_start3A_522] : memref<525568xi32, #tpu.memory_space<hbm>> -> memref<525568xi32, #tpu.memory_space<hbm>>
      tpu.enqueue_indirect_dma source(%dma_start3A_518 : memref<128xi32, #tpu.memory_space<vmem>>) target(%dma_start3A_523 : memref<525568xi32, #tpu.memory_space<hbm>>) offsets(%dma_start3A_521 : memref<128xi32, #tpu.memory_space<vmem>>) semaphore(%arg14 : memref<!tpu.dma_semaphore, #tpu.memory_space<semaphore_mem>>)
      %dma_start3A_524 = arith.constant 13 : i32
      %dma_start3A_525 = arith.constant 1664 : i32
      %dma_start3A_526 = tpu.memref_slice %arg13[%dma_start3A_525] : memref<2048xi32, #tpu.memory_space<vmem>> -> memref<128xi32, #tpu.memory_space<vmem>>
      %dma_start3A_527 = arith.constant 0 : i32
      %dma_start3A_528 = tpu.memref_slice %arg11[%dma_start3A_524, %dma_start3A_527] : memref<16x128xi32, #tpu.memory_space<vmem>> -> memref<1x128xi32, #tpu.memory_space<vmem>>
      %dma_start3A_529 = tpu.memref_squeeze %dma_start3A_528 : memref<1x128xi32, #tpu.memory_space<vmem>> -> memref<128xi32, #tpu.memory_space<vmem>>
      %dma_start3A_530 = arith.constant 0 : i32
      %dma_start3A_531 = tpu.memref_slice %arg5[%dma_start3A_530] : memref<525568xi32, #tpu.memory_space<hbm>> -> memref<525568xi32, #tpu.memory_space<hbm>>
      tpu.enqueue_indirect_dma source(%dma_start3A_526 : memref<128xi32, #tpu.memory_space<vmem>>) target(%dma_start3A_531 : memref<525568xi32, #tpu.memory_space<hbm>>) offsets(%dma_start3A_529 : memref<128xi32, #tpu.memory_space<vmem>>) semaphore(%arg14 : memref<!tpu.dma_semaphore, #tpu.memory_space<semaphore_mem>>)
      %dma_start3A_532 = arith.constant 14 : i32
      %dma_start3A_533 = arith.constant 1792 : i32
      %dma_start3A_534 = tpu.memref_slice %arg12[%dma_start3A_533] : memref<2048xi32, #tpu.memory_space<vmem>> -> memref<128xi32, #tpu.memory_space<vmem>>
      %dma_start3A_535 = arith.constant 0 : i32
      %dma_start3A_536 = tpu.memref_slice %arg11[%dma_start3A_532, %dma_start3A_535] : memref<16x128xi32, #tpu.memory_space<vmem>> -> memref<1x128xi32, #tpu.memory_space<vmem>>
      %dma_start3A_537 = tpu.memref_squeeze %dma_start3A_536 : memref<1x128xi32, #tpu.memory_space<vmem>> -> memref<128xi32, #tpu.memory_space<vmem>>
      %dma_start3A_538 = arith.constant 0 : i32
      %dma_start3A_539 = tpu.memref_slice %arg4[%dma_start3A_538] : memref<525568xi32, #tpu.memory_space<hbm>> -> memref<525568xi32, #tpu.memory_space<hbm>>
      tpu.enqueue_indirect_dma source(%dma_start3A_534 : memref<128xi32, #tpu.memory_space<vmem>>) target(%dma_start3A_539 : memref<525568xi32, #tpu.memory_space<hbm>>) offsets(%dma_start3A_537 : memref<128xi32, #tpu.memory_space<vmem>>) semaphore(%arg14 : memref<!tpu.dma_semaphore, #tpu.memory_space<semaphore_mem>>)
      %dma_start3A_540 = arith.constant 14 : i32
      %dma_start3A_541 = arith.constant 1792 : i32
      %dma_start3A_542 = tpu.memref_slice %arg13[%dma_start3A_541] : memref<2048xi32, #tpu.memory_space<vmem>> -> memref<128xi32, #tpu.memory_space<vmem>>
      %dma_start3A_543 = arith.constant 0 : i32
      %dma_start3A_544 = tpu.memref_slice %arg11[%dma_start3A_540, %dma_start3A_543] : memref<16x128xi32, #tpu.memory_space<vmem>> -> memref<1x128xi32, #tpu.memory_space<vmem>>
      %dma_start3A_545 = tpu.memref_squeeze %dma_start3A_544 : memref<1x128xi32, #tpu.memory_space<vmem>> -> memref<128xi32, #tpu.memory_space<vmem>>
      %dma_start3A_546 = arith.constant 0 : i32
      %dma_start3A_547 = tpu.memref_slice %arg5[%dma_start3A_546] : memref<525568xi32, #tpu.memory_space<hbm>> -> memref<525568xi32, #tpu.memory_space<hbm>>
      tpu.enqueue_indirect_dma source(%dma_start3A_542 : memref<128xi32, #tpu.memory_space<vmem>>) target(%dma_start3A_547 : memref<525568xi32, #tpu.memory_space<hbm>>) offsets(%dma_start3A_545 : memref<128xi32, #tpu.memory_space<vmem>>) semaphore(%arg14 : memref<!tpu.dma_semaphore, #tpu.memory_space<semaphore_mem>>)
      %dma_start3A_548 = arith.constant 15 : i32
      %dma_start3A_549 = arith.constant 1920 : i32
      %dma_start3A_550 = tpu.memref_slice %arg12[%dma_start3A_549] : memref<2048xi32, #tpu.memory_space<vmem>> -> memref<128xi32, #tpu.memory_space<vmem>>
      %dma_start3A_551 = arith.constant 0 : i32
      %dma_start3A_552 = tpu.memref_slice %arg11[%dma_start3A_548, %dma_start3A_551] : memref<16x128xi32, #tpu.memory_space<vmem>> -> memref<1x128xi32, #tpu.memory_space<vmem>>
      %dma_start3A_553 = tpu.memref_squeeze %dma_start3A_552 : memref<1x128xi32, #tpu.memory_space<vmem>> -> memref<128xi32, #tpu.memory_space<vmem>>
      %dma_start3A_554 = arith.constant 0 : i32
      %dma_start3A_555 = tpu.memref_slice %arg4[%dma_start3A_554] : memref<525568xi32, #tpu.memory_space<hbm>> -> memref<525568xi32, #tpu.memory_space<hbm>>
      tpu.enqueue_indirect_dma source(%dma_start3A_550 : memref<128xi32, #tpu.memory_space<vmem>>) target(%dma_start3A_555 : memref<525568xi32, #tpu.memory_space<hbm>>) offsets(%dma_start3A_553 : memref<128xi32, #tpu.memory_space<vmem>>) semaphore(%arg14 : memref<!tpu.dma_semaphore, #tpu.memory_space<semaphore_mem>>)
      %dma_start3A_556 = arith.constant 15 : i32
      %dma_start3A_557 = arith.constant 1920 : i32
      %dma_start3A_558 = tpu.memref_slice %arg13[%dma_start3A_557] : memref<2048xi32, #tpu.memory_space<vmem>> -> memref<128xi32, #tpu.memory_space<vmem>>
      %dma_start3A_559 = arith.constant 0 : i32
      %dma_start3A_560 = tpu.memref_slice %arg11[%dma_start3A_556, %dma_start3A_559] : memref<16x128xi32, #tpu.memory_space<vmem>> -> memref<1x128xi32, #tpu.memory_space<vmem>>
      %dma_start3A_561 = tpu.memref_squeeze %dma_start3A_560 : memref<1x128xi32, #tpu.memory_space<vmem>> -> memref<128xi32, #tpu.memory_space<vmem>>
      %dma_start3A_562 = arith.constant 0 : i32
      %dma_start3A_563 = tpu.memref_slice %arg5[%dma_start3A_562] : memref<525568xi32, #tpu.memory_space<hbm>> -> memref<525568xi32, #tpu.memory_space<hbm>>
      tpu.enqueue_indirect_dma source(%dma_start3A_558 : memref<128xi32, #tpu.memory_space<vmem>>) target(%dma_start3A_563 : memref<525568xi32, #tpu.memory_space<hbm>>) offsets(%dma_start3A_561 : memref<128xi32, #tpu.memory_space<vmem>>) semaphore(%arg14 : memref<!tpu.dma_semaphore, #tpu.memory_space<semaphore_mem>>)
      %dma_wait3A = arith.constant 0 : i32
      %dma_wait3A_564 = arith.constant 0 : i32
      %dma_wait3A_565 = tpu.memref_slice %arg12[%dma_wait3A_564] : memref<2048xi32, #tpu.memory_space<vmem>> -> memref<128xi32, #tpu.memory_space<vmem>>
      %dma_wait3A_566 = arith.constant 0 : i32
      %dma_wait3A_567 = tpu.memref_slice %arg11[%dma_wait3A, %dma_wait3A_566] : memref<16x128xi32, #tpu.memory_space<vmem>> -> memref<1x128xi32, #tpu.memory_space<vmem>>
      %dma_wait3A_568 = tpu.memref_squeeze %dma_wait3A_567 : memref<1x128xi32, #tpu.memory_space<vmem>> -> memref<128xi32, #tpu.memory_space<vmem>>
      %dma_wait3A_569 = arith.constant 0 : i32
      %dma_wait3A_570 = tpu.memref_slice %arg4[%dma_wait3A_569] : memref<525568xi32, #tpu.memory_space<hbm>> -> memref<525568xi32, #tpu.memory_space<hbm>>
      tpu.wait_indirect_dma semaphore(%arg14 : memref<!tpu.dma_semaphore, #tpu.memory_space<semaphore_mem>>) src(%dma_wait3A_565 : memref<128xi32, #tpu.memory_space<vmem>>) dst(%dma_wait3A_570 : memref<525568xi32, #tpu.memory_space<hbm>>)
      %dma_wait3A_571 = arith.constant 0 : i32
      %dma_wait3A_572 = arith.constant 0 : i32
      %dma_wait3A_573 = tpu.memref_slice %arg13[%dma_wait3A_572] : memref<2048xi32, #tpu.memory_space<vmem>> -> memref<128xi32, #tpu.memory_space<vmem>>
      %dma_wait3A_574 = arith.constant 0 : i32
      %dma_wait3A_575 = tpu.memref_slice %arg11[%dma_wait3A_571, %dma_wait3A_574] : memref<16x128xi32, #tpu.memory_space<vmem>> -> memref<1x128xi32, #tpu.memory_space<vmem>>
      %dma_wait3A_576 = tpu.memref_squeeze %dma_wait3A_575 : memref<1x128xi32, #tpu.memory_space<vmem>> -> memref<128xi32, #tpu.memory_space<vmem>>
      %dma_wait3A_577 = arith.constant 0 : i32
      %dma_wait3A_578 = tpu.memref_slice %arg5[%dma_wait3A_577] : memref<525568xi32, #tpu.memory_space<hbm>> -> memref<525568xi32, #tpu.memory_space<hbm>>
      tpu.wait_indirect_dma semaphore(%arg14 : memref<!tpu.dma_semaphore, #tpu.memory_space<semaphore_mem>>) src(%dma_wait3A_573 : memref<128xi32, #tpu.memory_space<vmem>>) dst(%dma_wait3A_578 : memref<525568xi32, #tpu.memory_space<hbm>>)
      %dma_wait3A_579 = arith.constant 1 : i32
      %dma_wait3A_580 = arith.constant 128 : i32
      %dma_wait3A_581 = tpu.memref_slice %arg12[%dma_wait3A_580] : memref<2048xi32, #tpu.memory_space<vmem>> -> memref<128xi32, #tpu.memory_space<vmem>>
      %dma_wait3A_582 = arith.constant 0 : i32
      %dma_wait3A_583 = tpu.memref_slice %arg11[%dma_wait3A_579, %dma_wait3A_582] : memref<16x128xi32, #tpu.memory_space<vmem>> -> memref<1x128xi32, #tpu.memory_space<vmem>>
      %dma_wait3A_584 = tpu.memref_squeeze %dma_wait3A_583 : memref<1x128xi32, #tpu.memory_space<vmem>> -> memref<128xi32, #tpu.memory_space<vmem>>
      %dma_wait3A_585 = arith.constant 0 : i32
      %dma_wait3A_586 = tpu.memref_slice %arg4[%dma_wait3A_585] : memref<525568xi32, #tpu.memory_space<hbm>> -> memref<525568xi32, #tpu.memory_space<hbm>>
      tpu.wait_indirect_dma semaphore(%arg14 : memref<!tpu.dma_semaphore, #tpu.memory_space<semaphore_mem>>) src(%dma_wait3A_581 : memref<128xi32, #tpu.memory_space<vmem>>) dst(%dma_wait3A_586 : memref<525568xi32, #tpu.memory_space<hbm>>)
      %dma_wait3A_587 = arith.constant 1 : i32
      %dma_wait3A_588 = arith.constant 128 : i32
      %dma_wait3A_589 = tpu.memref_slice %arg13[%dma_wait3A_588] : memref<2048xi32, #tpu.memory_space<vmem>> -> memref<128xi32, #tpu.memory_space<vmem>>
      %dma_wait3A_590 = arith.constant 0 : i32
      %dma_wait3A_591 = tpu.memref_slice %arg11[%dma_wait3A_587, %dma_wait3A_590] : memref<16x128xi32, #tpu.memory_space<vmem>> -> memref<1x128xi32, #tpu.memory_space<vmem>>
      %dma_wait3A_592 = tpu.memref_squeeze %dma_wait3A_591 : memref<1x128xi32, #tpu.memory_space<vmem>> -> memref<128xi32, #tpu.memory_space<vmem>>
      %dma_wait3A_593 = arith.constant 0 : i32
      %dma_wait3A_594 = tpu.memref_slice %arg5[%dma_wait3A_593] : memref<525568xi32, #tpu.memory_space<hbm>> -> memref<525568xi32, #tpu.memory_space<hbm>>
      tpu.wait_indirect_dma semaphore(%arg14 : memref<!tpu.dma_semaphore, #tpu.memory_space<semaphore_mem>>) src(%dma_wait3A_589 : memref<128xi32, #tpu.memory_space<vmem>>) dst(%dma_wait3A_594 : memref<525568xi32, #tpu.memory_space<hbm>>)
      %dma_wait3A_595 = arith.constant 2 : i32
      %dma_wait3A_596 = arith.constant 256 : i32
      %dma_wait3A_597 = tpu.memref_slice %arg12[%dma_wait3A_596] : memref<2048xi32, #tpu.memory_space<vmem>> -> memref<128xi32, #tpu.memory_space<vmem>>
      %dma_wait3A_598 = arith.constant 0 : i32
      %dma_wait3A_599 = tpu.memref_slice %arg11[%dma_wait3A_595, %dma_wait3A_598] : memref<16x128xi32, #tpu.memory_space<vmem>> -> memref<1x128xi32, #tpu.memory_space<vmem>>
      %dma_wait3A_600 = tpu.memref_squeeze %dma_wait3A_599 : memref<1x128xi32, #tpu.memory_space<vmem>> -> memref<128xi32, #tpu.memory_space<vmem>>
      %dma_wait3A_601 = arith.constant 0 : i32
      %dma_wait3A_602 = tpu.memref_slice %arg4[%dma_wait3A_601] : memref<525568xi32, #tpu.memory_space<hbm>> -> memref<525568xi32, #tpu.memory_space<hbm>>
      tpu.wait_indirect_dma semaphore(%arg14 : memref<!tpu.dma_semaphore, #tpu.memory_space<semaphore_mem>>) src(%dma_wait3A_597 : memref<128xi32, #tpu.memory_space<vmem>>) dst(%dma_wait3A_602 : memref<525568xi32, #tpu.memory_space<hbm>>)
      %dma_wait3A_603 = arith.constant 2 : i32
      %dma_wait3A_604 = arith.constant 256 : i32
      %dma_wait3A_605 = tpu.memref_slice %arg13[%dma_wait3A_604] : memref<2048xi32, #tpu.memory_space<vmem>> -> memref<128xi32, #tpu.memory_space<vmem>>
      %dma_wait3A_606 = arith.constant 0 : i32
      %dma_wait3A_607 = tpu.memref_slice %arg11[%dma_wait3A_603, %dma_wait3A_606] : memref<16x128xi32, #tpu.memory_space<vmem>> -> memref<1x128xi32, #tpu.memory_space<vmem>>
      %dma_wait3A_608 = tpu.memref_squeeze %dma_wait3A_607 : memref<1x128xi32, #tpu.memory_space<vmem>> -> memref<128xi32, #tpu.memory_space<vmem>>
      %dma_wait3A_609 = arith.constant 0 : i32
      %dma_wait3A_610 = tpu.memref_slice %arg5[%dma_wait3A_609] : memref<525568xi32, #tpu.memory_space<hbm>> -> memref<525568xi32, #tpu.memory_space<hbm>>
      tpu.wait_indirect_dma semaphore(%arg14 : memref<!tpu.dma_semaphore, #tpu.memory_space<semaphore_mem>>) src(%dma_wait3A_605 : memref<128xi32, #tpu.memory_space<vmem>>) dst(%dma_wait3A_610 : memref<525568xi32, #tpu.memory_space<hbm>>)
      %dma_wait3A_611 = arith.constant 3 : i32
      %dma_wait3A_612 = arith.constant 384 : i32
      %dma_wait3A_613 = tpu.memref_slice %arg12[%dma_wait3A_612] : memref<2048xi32, #tpu.memory_space<vmem>> -> memref<128xi32, #tpu.memory_space<vmem>>
      %dma_wait3A_614 = arith.constant 0 : i32
      %dma_wait3A_615 = tpu.memref_slice %arg11[%dma_wait3A_611, %dma_wait3A_614] : memref<16x128xi32, #tpu.memory_space<vmem>> -> memref<1x128xi32, #tpu.memory_space<vmem>>
      %dma_wait3A_616 = tpu.memref_squeeze %dma_wait3A_615 : memref<1x128xi32, #tpu.memory_space<vmem>> -> memref<128xi32, #tpu.memory_space<vmem>>
      %dma_wait3A_617 = arith.constant 0 : i32
      %dma_wait3A_618 = tpu.memref_slice %arg4[%dma_wait3A_617] : memref<525568xi32, #tpu.memory_space<hbm>> -> memref<525568xi32, #tpu.memory_space<hbm>>
      tpu.wait_indirect_dma semaphore(%arg14 : memref<!tpu.dma_semaphore, #tpu.memory_space<semaphore_mem>>) src(%dma_wait3A_613 : memref<128xi32, #tpu.memory_space<vmem>>) dst(%dma_wait3A_618 : memref<525568xi32, #tpu.memory_space<hbm>>)
      %dma_wait3A_619 = arith.constant 3 : i32
      %dma_wait3A_620 = arith.constant 384 : i32
      %dma_wait3A_621 = tpu.memref_slice %arg13[%dma_wait3A_620] : memref<2048xi32, #tpu.memory_space<vmem>> -> memref<128xi32, #tpu.memory_space<vmem>>
      %dma_wait3A_622 = arith.constant 0 : i32
      %dma_wait3A_623 = tpu.memref_slice %arg11[%dma_wait3A_619, %dma_wait3A_622] : memref<16x128xi32, #tpu.memory_space<vmem>> -> memref<1x128xi32, #tpu.memory_space<vmem>>
      %dma_wait3A_624 = tpu.memref_squeeze %dma_wait3A_623 : memref<1x128xi32, #tpu.memory_space<vmem>> -> memref<128xi32, #tpu.memory_space<vmem>>
      %dma_wait3A_625 = arith.constant 0 : i32
      %dma_wait3A_626 = tpu.memref_slice %arg5[%dma_wait3A_625] : memref<525568xi32, #tpu.memory_space<hbm>> -> memref<525568xi32, #tpu.memory_space<hbm>>
      tpu.wait_indirect_dma semaphore(%arg14 : memref<!tpu.dma_semaphore, #tpu.memory_space<semaphore_mem>>) src(%dma_wait3A_621 : memref<128xi32, #tpu.memory_space<vmem>>) dst(%dma_wait3A_626 : memref<525568xi32, #tpu.memory_space<hbm>>)
      %dma_wait3A_627 = arith.constant 4 : i32
      %dma_wait3A_628 = arith.constant 512 : i32
      %dma_wait3A_629 = tpu.memref_slice %arg12[%dma_wait3A_628] : memref<2048xi32, #tpu.memory_space<vmem>> -> memref<128xi32, #tpu.memory_space<vmem>>
      %dma_wait3A_630 = arith.constant 0 : i32
      %dma_wait3A_631 = tpu.memref_slice %arg11[%dma_wait3A_627, %dma_wait3A_630] : memref<16x128xi32, #tpu.memory_space<vmem>> -> memref<1x128xi32, #tpu.memory_space<vmem>>
      %dma_wait3A_632 = tpu.memref_squeeze %dma_wait3A_631 : memref<1x128xi32, #tpu.memory_space<vmem>> -> memref<128xi32, #tpu.memory_space<vmem>>
      %dma_wait3A_633 = arith.constant 0 : i32
      %dma_wait3A_634 = tpu.memref_slice %arg4[%dma_wait3A_633] : memref<525568xi32, #tpu.memory_space<hbm>> -> memref<525568xi32, #tpu.memory_space<hbm>>
      tpu.wait_indirect_dma semaphore(%arg14 : memref<!tpu.dma_semaphore, #tpu.memory_space<semaphore_mem>>) src(%dma_wait3A_629 : memref<128xi32, #tpu.memory_space<vmem>>) dst(%dma_wait3A_634 : memref<525568xi32, #tpu.memory_space<hbm>>)
      %dma_wait3A_635 = arith.constant 4 : i32
      %dma_wait3A_636 = arith.constant 512 : i32
      %dma_wait3A_637 = tpu.memref_slice %arg13[%dma_wait3A_636] : memref<2048xi32, #tpu.memory_space<vmem>> -> memref<128xi32, #tpu.memory_space<vmem>>
      %dma_wait3A_638 = arith.constant 0 : i32
      %dma_wait3A_639 = tpu.memref_slice %arg11[%dma_wait3A_635, %dma_wait3A_638] : memref<16x128xi32, #tpu.memory_space<vmem>> -> memref<1x128xi32, #tpu.memory_space<vmem>>
      %dma_wait3A_640 = tpu.memref_squeeze %dma_wait3A_639 : memref<1x128xi32, #tpu.memory_space<vmem>> -> memref<128xi32, #tpu.memory_space<vmem>>
      %dma_wait3A_641 = arith.constant 0 : i32
      %dma_wait3A_642 = tpu.memref_slice %arg5[%dma_wait3A_641] : memref<525568xi32, #tpu.memory_space<hbm>> -> memref<525568xi32, #tpu.memory_space<hbm>>
      tpu.wait_indirect_dma semaphore(%arg14 : memref<!tpu.dma_semaphore, #tpu.memory_space<semaphore_mem>>) src(%dma_wait3A_637 : memref<128xi32, #tpu.memory_space<vmem>>) dst(%dma_wait3A_642 : memref<525568xi32, #tpu.memory_space<hbm>>)
      %dma_wait3A_643 = arith.constant 5 : i32
      %dma_wait3A_644 = arith.constant 640 : i32
      %dma_wait3A_645 = tpu.memref_slice %arg12[%dma_wait3A_644] : memref<2048xi32, #tpu.memory_space<vmem>> -> memref<128xi32, #tpu.memory_space<vmem>>
      %dma_wait3A_646 = arith.constant 0 : i32
      %dma_wait3A_647 = tpu.memref_slice %arg11[%dma_wait3A_643, %dma_wait3A_646] : memref<16x128xi32, #tpu.memory_space<vmem>> -> memref<1x128xi32, #tpu.memory_space<vmem>>
      %dma_wait3A_648 = tpu.memref_squeeze %dma_wait3A_647 : memref<1x128xi32, #tpu.memory_space<vmem>> -> memref<128xi32, #tpu.memory_space<vmem>>
      %dma_wait3A_649 = arith.constant 0 : i32
      %dma_wait3A_650 = tpu.memref_slice %arg4[%dma_wait3A_649] : memref<525568xi32, #tpu.memory_space<hbm>> -> memref<525568xi32, #tpu.memory_space<hbm>>
      tpu.wait_indirect_dma semaphore(%arg14 : memref<!tpu.dma_semaphore, #tpu.memory_space<semaphore_mem>>) src(%dma_wait3A_645 : memref<128xi32, #tpu.memory_space<vmem>>) dst(%dma_wait3A_650 : memref<525568xi32, #tpu.memory_space<hbm>>)
      %dma_wait3A_651 = arith.constant 5 : i32
      %dma_wait3A_652 = arith.constant 640 : i32
      %dma_wait3A_653 = tpu.memref_slice %arg13[%dma_wait3A_652] : memref<2048xi32, #tpu.memory_space<vmem>> -> memref<128xi32, #tpu.memory_space<vmem>>
      %dma_wait3A_654 = arith.constant 0 : i32
      %dma_wait3A_655 = tpu.memref_slice %arg11[%dma_wait3A_651, %dma_wait3A_654] : memref<16x128xi32, #tpu.memory_space<vmem>> -> memref<1x128xi32, #tpu.memory_space<vmem>>
      %dma_wait3A_656 = tpu.memref_squeeze %dma_wait3A_655 : memref<1x128xi32, #tpu.memory_space<vmem>> -> memref<128xi32, #tpu.memory_space<vmem>>
      %dma_wait3A_657 = arith.constant 0 : i32
      %dma_wait3A_658 = tpu.memref_slice %arg5[%dma_wait3A_657] : memref<525568xi32, #tpu.memory_space<hbm>> -> memref<525568xi32, #tpu.memory_space<hbm>>
      tpu.wait_indirect_dma semaphore(%arg14 : memref<!tpu.dma_semaphore, #tpu.memory_space<semaphore_mem>>) src(%dma_wait3A_653 : memref<128xi32, #tpu.memory_space<vmem>>) dst(%dma_wait3A_658 : memref<525568xi32, #tpu.memory_space<hbm>>)
      %dma_wait3A_659 = arith.constant 6 : i32
      %dma_wait3A_660 = arith.constant 768 : i32
      %dma_wait3A_661 = tpu.memref_slice %arg12[%dma_wait3A_660] : memref<2048xi32, #tpu.memory_space<vmem>> -> memref<128xi32, #tpu.memory_space<vmem>>
      %dma_wait3A_662 = arith.constant 0 : i32
      %dma_wait3A_663 = tpu.memref_slice %arg11[%dma_wait3A_659, %dma_wait3A_662] : memref<16x128xi32, #tpu.memory_space<vmem>> -> memref<1x128xi32, #tpu.memory_space<vmem>>
      %dma_wait3A_664 = tpu.memref_squeeze %dma_wait3A_663 : memref<1x128xi32, #tpu.memory_space<vmem>> -> memref<128xi32, #tpu.memory_space<vmem>>
      %dma_wait3A_665 = arith.constant 0 : i32
      %dma_wait3A_666 = tpu.memref_slice %arg4[%dma_wait3A_665] : memref<525568xi32, #tpu.memory_space<hbm>> -> memref<525568xi32, #tpu.memory_space<hbm>>
      tpu.wait_indirect_dma semaphore(%arg14 : memref<!tpu.dma_semaphore, #tpu.memory_space<semaphore_mem>>) src(%dma_wait3A_661 : memref<128xi32, #tpu.memory_space<vmem>>) dst(%dma_wait3A_666 : memref<525568xi32, #tpu.memory_space<hbm>>)
      %dma_wait3A_667 = arith.constant 6 : i32
      %dma_wait3A_668 = arith.constant 768 : i32
      %dma_wait3A_669 = tpu.memref_slice %arg13[%dma_wait3A_668] : memref<2048xi32, #tpu.memory_space<vmem>> -> memref<128xi32, #tpu.memory_space<vmem>>
      %dma_wait3A_670 = arith.constant 0 : i32
      %dma_wait3A_671 = tpu.memref_slice %arg11[%dma_wait3A_667, %dma_wait3A_670] : memref<16x128xi32, #tpu.memory_space<vmem>> -> memref<1x128xi32, #tpu.memory_space<vmem>>
      %dma_wait3A_672 = tpu.memref_squeeze %dma_wait3A_671 : memref<1x128xi32, #tpu.memory_space<vmem>> -> memref<128xi32, #tpu.memory_space<vmem>>
      %dma_wait3A_673 = arith.constant 0 : i32
      %dma_wait3A_674 = tpu.memref_slice %arg5[%dma_wait3A_673] : memref<525568xi32, #tpu.memory_space<hbm>> -> memref<525568xi32, #tpu.memory_space<hbm>>
      tpu.wait_indirect_dma semaphore(%arg14 : memref<!tpu.dma_semaphore, #tpu.memory_space<semaphore_mem>>) src(%dma_wait3A_669 : memref<128xi32, #tpu.memory_space<vmem>>) dst(%dma_wait3A_674 : memref<525568xi32, #tpu.memory_space<hbm>>)
      %dma_wait3A_675 = arith.constant 7 : i32
      %dma_wait3A_676 = arith.constant 896 : i32
      %dma_wait3A_677 = tpu.memref_slice %arg12[%dma_wait3A_676] : memref<2048xi32, #tpu.memory_space<vmem>> -> memref<128xi32, #tpu.memory_space<vmem>>
      %dma_wait3A_678 = arith.constant 0 : i32
      %dma_wait3A_679 = tpu.memref_slice %arg11[%dma_wait3A_675, %dma_wait3A_678] : memref<16x128xi32, #tpu.memory_space<vmem>> -> memref<1x128xi32, #tpu.memory_space<vmem>>
      %dma_wait3A_680 = tpu.memref_squeeze %dma_wait3A_679 : memref<1x128xi32, #tpu.memory_space<vmem>> -> memref<128xi32, #tpu.memory_space<vmem>>
      %dma_wait3A_681 = arith.constant 0 : i32
      %dma_wait3A_682 = tpu.memref_slice %arg4[%dma_wait3A_681] : memref<525568xi32, #tpu.memory_space<hbm>> -> memref<525568xi32, #tpu.memory_space<hbm>>
      tpu.wait_indirect_dma semaphore(%arg14 : memref<!tpu.dma_semaphore, #tpu.memory_space<semaphore_mem>>) src(%dma_wait3A_677 : memref<128xi32, #tpu.memory_space<vmem>>) dst(%dma_wait3A_682 : memref<525568xi32, #tpu.memory_space<hbm>>)
      %dma_wait3A_683 = arith.constant 7 : i32
      %dma_wait3A_684 = arith.constant 896 : i32
      %dma_wait3A_685 = tpu.memref_slice %arg13[%dma_wait3A_684] : memref<2048xi32, #tpu.memory_space<vmem>> -> memref<128xi32, #tpu.memory_space<vmem>>
      %dma_wait3A_686 = arith.constant 0 : i32
      %dma_wait3A_687 = tpu.memref_slice %arg11[%dma_wait3A_683, %dma_wait3A_686] : memref<16x128xi32, #tpu.memory_space<vmem>> -> memref<1x128xi32, #tpu.memory_space<vmem>>
      %dma_wait3A_688 = tpu.memref_squeeze %dma_wait3A_687 : memref<1x128xi32, #tpu.memory_space<vmem>> -> memref<128xi32, #tpu.memory_space<vmem>>
      %dma_wait3A_689 = arith.constant 0 : i32
      %dma_wait3A_690 = tpu.memref_slice %arg5[%dma_wait3A_689] : memref<525568xi32, #tpu.memory_space<hbm>> -> memref<525568xi32, #tpu.memory_space<hbm>>
      tpu.wait_indirect_dma semaphore(%arg14 : memref<!tpu.dma_semaphore, #tpu.memory_space<semaphore_mem>>) src(%dma_wait3A_685 : memref<128xi32, #tpu.memory_space<vmem>>) dst(%dma_wait3A_690 : memref<525568xi32, #tpu.memory_space<hbm>>)
      %dma_wait3A_691 = arith.constant 8 : i32
      %dma_wait3A_692 = arith.constant 1024 : i32
      %dma_wait3A_693 = tpu.memref_slice %arg12[%dma_wait3A_692] : memref<2048xi32, #tpu.memory_space<vmem>> -> memref<128xi32, #tpu.memory_space<vmem>>
      %dma_wait3A_694 = arith.constant 0 : i32
      %dma_wait3A_695 = tpu.memref_slice %arg11[%dma_wait3A_691, %dma_wait3A_694] : memref<16x128xi32, #tpu.memory_space<vmem>> -> memref<1x128xi32, #tpu.memory_space<vmem>>
      %dma_wait3A_696 = tpu.memref_squeeze %dma_wait3A_695 : memref<1x128xi32, #tpu.memory_space<vmem>> -> memref<128xi32, #tpu.memory_space<vmem>>
      %dma_wait3A_697 = arith.constant 0 : i32
      %dma_wait3A_698 = tpu.memref_slice %arg4[%dma_wait3A_697] : memref<525568xi32, #tpu.memory_space<hbm>> -> memref<525568xi32, #tpu.memory_space<hbm>>
      tpu.wait_indirect_dma semaphore(%arg14 : memref<!tpu.dma_semaphore, #tpu.memory_space<semaphore_mem>>) src(%dma_wait3A_693 : memref<128xi32, #tpu.memory_space<vmem>>) dst(%dma_wait3A_698 : memref<525568xi32, #tpu.memory_space<hbm>>)
      %dma_wait3A_699 = arith.constant 8 : i32
      %dma_wait3A_700 = arith.constant 1024 : i32
      %dma_wait3A_701 = tpu.memref_slice %arg13[%dma_wait3A_700] : memref<2048xi32, #tpu.memory_space<vmem>> -> memref<128xi32, #tpu.memory_space<vmem>>
      %dma_wait3A_702 = arith.constant 0 : i32
      %dma_wait3A_703 = tpu.memref_slice %arg11[%dma_wait3A_699, %dma_wait3A_702] : memref<16x128xi32, #tpu.memory_space<vmem>> -> memref<1x128xi32, #tpu.memory_space<vmem>>
      %dma_wait3A_704 = tpu.memref_squeeze %dma_wait3A_703 : memref<1x128xi32, #tpu.memory_space<vmem>> -> memref<128xi32, #tpu.memory_space<vmem>>
      %dma_wait3A_705 = arith.constant 0 : i32
      %dma_wait3A_706 = tpu.memref_slice %arg5[%dma_wait3A_705] : memref<525568xi32, #tpu.memory_space<hbm>> -> memref<525568xi32, #tpu.memory_space<hbm>>
      tpu.wait_indirect_dma semaphore(%arg14 : memref<!tpu.dma_semaphore, #tpu.memory_space<semaphore_mem>>) src(%dma_wait3A_701 : memref<128xi32, #tpu.memory_space<vmem>>) dst(%dma_wait3A_706 : memref<525568xi32, #tpu.memory_space<hbm>>)
      %dma_wait3A_707 = arith.constant 9 : i32
      %dma_wait3A_708 = arith.constant 1152 : i32
      %dma_wait3A_709 = tpu.memref_slice %arg12[%dma_wait3A_708] : memref<2048xi32, #tpu.memory_space<vmem>> -> memref<128xi32, #tpu.memory_space<vmem>>
      %dma_wait3A_710 = arith.constant 0 : i32
      %dma_wait3A_711 = tpu.memref_slice %arg11[%dma_wait3A_707, %dma_wait3A_710] : memref<16x128xi32, #tpu.memory_space<vmem>> -> memref<1x128xi32, #tpu.memory_space<vmem>>
      %dma_wait3A_712 = tpu.memref_squeeze %dma_wait3A_711 : memref<1x128xi32, #tpu.memory_space<vmem>> -> memref<128xi32, #tpu.memory_space<vmem>>
      %dma_wait3A_713 = arith.constant 0 : i32
      %dma_wait3A_714 = tpu.memref_slice %arg4[%dma_wait3A_713] : memref<525568xi32, #tpu.memory_space<hbm>> -> memref<525568xi32, #tpu.memory_space<hbm>>
      tpu.wait_indirect_dma semaphore(%arg14 : memref<!tpu.dma_semaphore, #tpu.memory_space<semaphore_mem>>) src(%dma_wait3A_709 : memref<128xi32, #tpu.memory_space<vmem>>) dst(%dma_wait3A_714 : memref<525568xi32, #tpu.memory_space<hbm>>)
      %dma_wait3A_715 = arith.constant 9 : i32
      %dma_wait3A_716 = arith.constant 1152 : i32
      %dma_wait3A_717 = tpu.memref_slice %arg13[%dma_wait3A_716] : memref<2048xi32, #tpu.memory_space<vmem>> -> memref<128xi32, #tpu.memory_space<vmem>>
      %dma_wait3A_718 = arith.constant 0 : i32
      %dma_wait3A_719 = tpu.memref_slice %arg11[%dma_wait3A_715, %dma_wait3A_718] : memref<16x128xi32, #tpu.memory_space<vmem>> -> memref<1x128xi32, #tpu.memory_space<vmem>>
      %dma_wait3A_720 = tpu.memref_squeeze %dma_wait3A_719 : memref<1x128xi32, #tpu.memory_space<vmem>> -> memref<128xi32, #tpu.memory_space<vmem>>
      %dma_wait3A_721 = arith.constant 0 : i32
      %dma_wait3A_722 = tpu.memref_slice %arg5[%dma_wait3A_721] : memref<525568xi32, #tpu.memory_space<hbm>> -> memref<525568xi32, #tpu.memory_space<hbm>>
      tpu.wait_indirect_dma semaphore(%arg14 : memref<!tpu.dma_semaphore, #tpu.memory_space<semaphore_mem>>) src(%dma_wait3A_717 : memref<128xi32, #tpu.memory_space<vmem>>) dst(%dma_wait3A_722 : memref<525568xi32, #tpu.memory_space<hbm>>)
      %dma_wait3A_723 = arith.constant 10 : i32
      %dma_wait3A_724 = arith.constant 1280 : i32
      %dma_wait3A_725 = tpu.memref_slice %arg12[%dma_wait3A_724] : memref<2048xi32, #tpu.memory_space<vmem>> -> memref<128xi32, #tpu.memory_space<vmem>>
      %dma_wait3A_726 = arith.constant 0 : i32
      %dma_wait3A_727 = tpu.memref_slice %arg11[%dma_wait3A_723, %dma_wait3A_726] : memref<16x128xi32, #tpu.memory_space<vmem>> -> memref<1x128xi32, #tpu.memory_space<vmem>>
      %dma_wait3A_728 = tpu.memref_squeeze %dma_wait3A_727 : memref<1x128xi32, #tpu.memory_space<vmem>> -> memref<128xi32, #tpu.memory_space<vmem>>
      %dma_wait3A_729 = arith.constant 0 : i32
      %dma_wait3A_730 = tpu.memref_slice %arg4[%dma_wait3A_729] : memref<525568xi32, #tpu.memory_space<hbm>> -> memref<525568xi32, #tpu.memory_space<hbm>>
      tpu.wait_indirect_dma semaphore(%arg14 : memref<!tpu.dma_semaphore, #tpu.memory_space<semaphore_mem>>) src(%dma_wait3A_725 : memref<128xi32, #tpu.memory_space<vmem>>) dst(%dma_wait3A_730 : memref<525568xi32, #tpu.memory_space<hbm>>)
      %dma_wait3A_731 = arith.constant 10 : i32
      %dma_wait3A_732 = arith.constant 1280 : i32
      %dma_wait3A_733 = tpu.memref_slice %arg13[%dma_wait3A_732] : memref<2048xi32, #tpu.memory_space<vmem>> -> memref<128xi32, #tpu.memory_space<vmem>>
      %dma_wait3A_734 = arith.constant 0 : i32
      %dma_wait3A_735 = tpu.memref_slice %arg11[%dma_wait3A_731, %dma_wait3A_734] : memref<16x128xi32, #tpu.memory_space<vmem>> -> memref<1x128xi32, #tpu.memory_space<vmem>>
      %dma_wait3A_736 = tpu.memref_squeeze %dma_wait3A_735 : memref<1x128xi32, #tpu.memory_space<vmem>> -> memref<128xi32, #tpu.memory_space<vmem>>
      %dma_wait3A_737 = arith.constant 0 : i32
      %dma_wait3A_738 = tpu.memref_slice %arg5[%dma_wait3A_737] : memref<525568xi32, #tpu.memory_space<hbm>> -> memref<525568xi32, #tpu.memory_space<hbm>>
      tpu.wait_indirect_dma semaphore(%arg14 : memref<!tpu.dma_semaphore, #tpu.memory_space<semaphore_mem>>) src(%dma_wait3A_733 : memref<128xi32, #tpu.memory_space<vmem>>) dst(%dma_wait3A_738 : memref<525568xi32, #tpu.memory_space<hbm>>)
      %dma_wait3A_739 = arith.constant 11 : i32
      %dma_wait3A_740 = arith.constant 1408 : i32
      %dma_wait3A_741 = tpu.memref_slice %arg12[%dma_wait3A_740] : memref<2048xi32, #tpu.memory_space<vmem>> -> memref<128xi32, #tpu.memory_space<vmem>>
      %dma_wait3A_742 = arith.constant 0 : i32
      %dma_wait3A_743 = tpu.memref_slice %arg11[%dma_wait3A_739, %dma_wait3A_742] : memref<16x128xi32, #tpu.memory_space<vmem>> -> memref<1x128xi32, #tpu.memory_space<vmem>>
      %dma_wait3A_744 = tpu.memref_squeeze %dma_wait3A_743 : memref<1x128xi32, #tpu.memory_space<vmem>> -> memref<128xi32, #tpu.memory_space<vmem>>
      %dma_wait3A_745 = arith.constant 0 : i32
      %dma_wait3A_746 = tpu.memref_slice %arg4[%dma_wait3A_745] : memref<525568xi32, #tpu.memory_space<hbm>> -> memref<525568xi32, #tpu.memory_space<hbm>>
      tpu.wait_indirect_dma semaphore(%arg14 : memref<!tpu.dma_semaphore, #tpu.memory_space<semaphore_mem>>) src(%dma_wait3A_741 : memref<128xi32, #tpu.memory_space<vmem>>) dst(%dma_wait3A_746 : memref<525568xi32, #tpu.memory_space<hbm>>)
      %dma_wait3A_747 = arith.constant 11 : i32
      %dma_wait3A_748 = arith.constant 1408 : i32
      %dma_wait3A_749 = tpu.memref_slice %arg13[%dma_wait3A_748] : memref<2048xi32, #tpu.memory_space<vmem>> -> memref<128xi32, #tpu.memory_space<vmem>>
      %dma_wait3A_750 = arith.constant 0 : i32
      %dma_wait3A_751 = tpu.memref_slice %arg11[%dma_wait3A_747, %dma_wait3A_750] : memref<16x128xi32, #tpu.memory_space<vmem>> -> memref<1x128xi32, #tpu.memory_space<vmem>>
      %dma_wait3A_752 = tpu.memref_squeeze %dma_wait3A_751 : memref<1x128xi32, #tpu.memory_space<vmem>> -> memref<128xi32, #tpu.memory_space<vmem>>
      %dma_wait3A_753 = arith.constant 0 : i32
      %dma_wait3A_754 = tpu.memref_slice %arg5[%dma_wait3A_753] : memref<525568xi32, #tpu.memory_space<hbm>> -> memref<525568xi32, #tpu.memory_space<hbm>>
      tpu.wait_indirect_dma semaphore(%arg14 : memref<!tpu.dma_semaphore, #tpu.memory_space<semaphore_mem>>) src(%dma_wait3A_749 : memref<128xi32, #tpu.memory_space<vmem>>) dst(%dma_wait3A_754 : memref<525568xi32, #tpu.memory_space<hbm>>)
      %dma_wait3A_755 = arith.constant 12 : i32
      %dma_wait3A_756 = arith.constant 1536 : i32
      %dma_wait3A_757 = tpu.memref_slice %arg12[%dma_wait3A_756] : memref<2048xi32, #tpu.memory_space<vmem>> -> memref<128xi32, #tpu.memory_space<vmem>>
      %dma_wait3A_758 = arith.constant 0 : i32
      %dma_wait3A_759 = tpu.memref_slice %arg11[%dma_wait3A_755, %dma_wait3A_758] : memref<16x128xi32, #tpu.memory_space<vmem>> -> memref<1x128xi32, #tpu.memory_space<vmem>>
      %dma_wait3A_760 = tpu.memref_squeeze %dma_wait3A_759 : memref<1x128xi32, #tpu.memory_space<vmem>> -> memref<128xi32, #tpu.memory_space<vmem>>
      %dma_wait3A_761 = arith.constant 0 : i32
      %dma_wait3A_762 = tpu.memref_slice %arg4[%dma_wait3A_761] : memref<525568xi32, #tpu.memory_space<hbm>> -> memref<525568xi32, #tpu.memory_space<hbm>>
      tpu.wait_indirect_dma semaphore(%arg14 : memref<!tpu.dma_semaphore, #tpu.memory_space<semaphore_mem>>) src(%dma_wait3A_757 : memref<128xi32, #tpu.memory_space<vmem>>) dst(%dma_wait3A_762 : memref<525568xi32, #tpu.memory_space<hbm>>)
      %dma_wait3A_763 = arith.constant 12 : i32
      %dma_wait3A_764 = arith.constant 1536 : i32
      %dma_wait3A_765 = tpu.memref_slice %arg13[%dma_wait3A_764] : memref<2048xi32, #tpu.memory_space<vmem>> -> memref<128xi32, #tpu.memory_space<vmem>>
      %dma_wait3A_766 = arith.constant 0 : i32
      %dma_wait3A_767 = tpu.memref_slice %arg11[%dma_wait3A_763, %dma_wait3A_766] : memref<16x128xi32, #tpu.memory_space<vmem>> -> memref<1x128xi32, #tpu.memory_space<vmem>>
      %dma_wait3A_768 = tpu.memref_squeeze %dma_wait3A_767 : memref<1x128xi32, #tpu.memory_space<vmem>> -> memref<128xi32, #tpu.memory_space<vmem>>
      %dma_wait3A_769 = arith.constant 0 : i32
      %dma_wait3A_770 = tpu.memref_slice %arg5[%dma_wait3A_769] : memref<525568xi32, #tpu.memory_space<hbm>> -> memref<525568xi32, #tpu.memory_space<hbm>>
      tpu.wait_indirect_dma semaphore(%arg14 : memref<!tpu.dma_semaphore, #tpu.memory_space<semaphore_mem>>) src(%dma_wait3A_765 : memref<128xi32, #tpu.memory_space<vmem>>) dst(%dma_wait3A_770 : memref<525568xi32, #tpu.memory_space<hbm>>)
      %dma_wait3A_771 = arith.constant 13 : i32
      %dma_wait3A_772 = arith.constant 1664 : i32
      %dma_wait3A_773 = tpu.memref_slice %arg12[%dma_wait3A_772] : memref<2048xi32, #tpu.memory_space<vmem>> -> memref<128xi32, #tpu.memory_space<vmem>>
      %dma_wait3A_774 = arith.constant 0 : i32
      %dma_wait3A_775 = tpu.memref_slice %arg11[%dma_wait3A_771, %dma_wait3A_774] : memref<16x128xi32, #tpu.memory_space<vmem>> -> memref<1x128xi32, #tpu.memory_space<vmem>>
      %dma_wait3A_776 = tpu.memref_squeeze %dma_wait3A_775 : memref<1x128xi32, #tpu.memory_space<vmem>> -> memref<128xi32, #tpu.memory_space<vmem>>
      %dma_wait3A_777 = arith.constant 0 : i32
      %dma_wait3A_778 = tpu.memref_slice %arg4[%dma_wait3A_777] : memref<525568xi32, #tpu.memory_space<hbm>> -> memref<525568xi32, #tpu.memory_space<hbm>>
      tpu.wait_indirect_dma semaphore(%arg14 : memref<!tpu.dma_semaphore, #tpu.memory_space<semaphore_mem>>) src(%dma_wait3A_773 : memref<128xi32, #tpu.memory_space<vmem>>) dst(%dma_wait3A_778 : memref<525568xi32, #tpu.memory_space<hbm>>)
      %dma_wait3A_779 = arith.constant 13 : i32
      %dma_wait3A_780 = arith.constant 1664 : i32
      %dma_wait3A_781 = tpu.memref_slice %arg13[%dma_wait3A_780] : memref<2048xi32, #tpu.memory_space<vmem>> -> memref<128xi32, #tpu.memory_space<vmem>>
      %dma_wait3A_782 = arith.constant 0 : i32
      %dma_wait3A_783 = tpu.memref_slice %arg11[%dma_wait3A_779, %dma_wait3A_782] : memref<16x128xi32, #tpu.memory_space<vmem>> -> memref<1x128xi32, #tpu.memory_space<vmem>>
      %dma_wait3A_784 = tpu.memref_squeeze %dma_wait3A_783 : memref<1x128xi32, #tpu.memory_space<vmem>> -> memref<128xi32, #tpu.memory_space<vmem>>
      %dma_wait3A_785 = arith.constant 0 : i32
      %dma_wait3A_786 = tpu.memref_slice %arg5[%dma_wait3A_785] : memref<525568xi32, #tpu.memory_space<hbm>> -> memref<525568xi32, #tpu.memory_space<hbm>>
      tpu.wait_indirect_dma semaphore(%arg14 : memref<!tpu.dma_semaphore, #tpu.memory_space<semaphore_mem>>) src(%dma_wait3A_781 : memref<128xi32, #tpu.memory_space<vmem>>) dst(%dma_wait3A_786 : memref<525568xi32, #tpu.memory_space<hbm>>)
      %dma_wait3A_787 = arith.constant 14 : i32
      %dma_wait3A_788 = arith.constant 1792 : i32
      %dma_wait3A_789 = tpu.memref_slice %arg12[%dma_wait3A_788] : memref<2048xi32, #tpu.memory_space<vmem>> -> memref<128xi32, #tpu.memory_space<vmem>>
      %dma_wait3A_790 = arith.constant 0 : i32
      %dma_wait3A_791 = tpu.memref_slice %arg11[%dma_wait3A_787, %dma_wait3A_790] : memref<16x128xi32, #tpu.memory_space<vmem>> -> memref<1x128xi32, #tpu.memory_space<vmem>>
      %dma_wait3A_792 = tpu.memref_squeeze %dma_wait3A_791 : memref<1x128xi32, #tpu.memory_space<vmem>> -> memref<128xi32, #tpu.memory_space<vmem>>
      %dma_wait3A_793 = arith.constant 0 : i32
      %dma_wait3A_794 = tpu.memref_slice %arg4[%dma_wait3A_793] : memref<525568xi32, #tpu.memory_space<hbm>> -> memref<525568xi32, #tpu.memory_space<hbm>>
      tpu.wait_indirect_dma semaphore(%arg14 : memref<!tpu.dma_semaphore, #tpu.memory_space<semaphore_mem>>) src(%dma_wait3A_789 : memref<128xi32, #tpu.memory_space<vmem>>) dst(%dma_wait3A_794 : memref<525568xi32, #tpu.memory_space<hbm>>)
      %dma_wait3A_795 = arith.constant 14 : i32
      %dma_wait3A_796 = arith.constant 1792 : i32
      %dma_wait3A_797 = tpu.memref_slice %arg13[%dma_wait3A_796] : memref<2048xi32, #tpu.memory_space<vmem>> -> memref<128xi32, #tpu.memory_space<vmem>>
      %dma_wait3A_798 = arith.constant 0 : i32
      %dma_wait3A_799 = tpu.memref_slice %arg11[%dma_wait3A_795, %dma_wait3A_798] : memref<16x128xi32, #tpu.memory_space<vmem>> -> memref<1x128xi32, #tpu.memory_space<vmem>>
      %dma_wait3A_800 = tpu.memref_squeeze %dma_wait3A_799 : memref<1x128xi32, #tpu.memory_space<vmem>> -> memref<128xi32, #tpu.memory_space<vmem>>
      %dma_wait3A_801 = arith.constant 0 : i32
      %dma_wait3A_802 = tpu.memref_slice %arg5[%dma_wait3A_801] : memref<525568xi32, #tpu.memory_space<hbm>> -> memref<525568xi32, #tpu.memory_space<hbm>>
      tpu.wait_indirect_dma semaphore(%arg14 : memref<!tpu.dma_semaphore, #tpu.memory_space<semaphore_mem>>) src(%dma_wait3A_797 : memref<128xi32, #tpu.memory_space<vmem>>) dst(%dma_wait3A_802 : memref<525568xi32, #tpu.memory_space<hbm>>)
      %dma_wait3A_803 = arith.constant 15 : i32
      %dma_wait3A_804 = arith.constant 1920 : i32
      %dma_wait3A_805 = tpu.memref_slice %arg12[%dma_wait3A_804] : memref<2048xi32, #tpu.memory_space<vmem>> -> memref<128xi32, #tpu.memory_space<vmem>>
      %dma_wait3A_806 = arith.constant 0 : i32
      %dma_wait3A_807 = tpu.memref_slice %arg11[%dma_wait3A_803, %dma_wait3A_806] : memref<16x128xi32, #tpu.memory_space<vmem>> -> memref<1x128xi32, #tpu.memory_space<vmem>>
      %dma_wait3A_808 = tpu.memref_squeeze %dma_wait3A_807 : memref<1x128xi32, #tpu.memory_space<vmem>> -> memref<128xi32, #tpu.memory_space<vmem>>
      %dma_wait3A_809 = arith.constant 0 : i32
      %dma_wait3A_810 = tpu.memref_slice %arg4[%dma_wait3A_809] : memref<525568xi32, #tpu.memory_space<hbm>> -> memref<525568xi32, #tpu.memory_space<hbm>>
      tpu.wait_indirect_dma semaphore(%arg14 : memref<!tpu.dma_semaphore, #tpu.memory_space<semaphore_mem>>) src(%dma_wait3A_805 : memref<128xi32, #tpu.memory_space<vmem>>) dst(%dma_wait3A_810 : memref<525568xi32, #tpu.memory_space<hbm>>)
      %dma_wait3A_811 = arith.constant 15 : i32
      %dma_wait3A_812 = arith.constant 1920 : i32
      %dma_wait3A_813 = tpu.memref_slice %arg13[%dma_wait3A_812] : memref<2048xi32, #tpu.memory_space<vmem>> -> memref<128xi32, #tpu.memory_space<vmem>>
      %dma_wait3A_814 = arith.constant 0 : i32
      %dma_wait3A_815 = tpu.memref_slice %arg11[%dma_wait3A_811, %dma_wait3A_814] : memref<16x128xi32, #tpu.memory_space<vmem>> -> memref<1x128xi32, #tpu.memory_space<vmem>>
      %dma_wait3A_816 = tpu.memref_squeeze %dma_wait3A_815 : memref<1x128xi32, #tpu.memory_space<vmem>> -> memref<128xi32, #tpu.memory_space<vmem>>
      %dma_wait3A_817 = arith.constant 0 : i32
      %dma_wait3A_818 = tpu.memref_slice %arg5[%dma_wait3A_817] : memref<525568xi32, #tpu.memory_space<hbm>> -> memref<525568xi32, #tpu.memory_space<hbm>>
      tpu.wait_indirect_dma semaphore(%arg14 : memref<!tpu.dma_semaphore, #tpu.memory_space<semaphore_mem>>) src(%dma_wait3A_813 : memref<128xi32, #tpu.memory_space<vmem>>) dst(%dma_wait3A_818 : memref<525568xi32, #tpu.memory_space<hbm>>)
    }
    %scan3A_296 = arith.constant 8 : i32
    return
  }
}

#map = affine_map<(d0, d1) -> (0)>
module attributes {stable_mosaic.version = 14 : i64} {
  func.func @_k1(%arg0: i32, %arg1: i32, %arg2: memref<524288xi32, #tpu.memory_space<hbm>>, %arg3: memref<4096xi32, #tpu.memory_space<hbm>>, %arg4: memref<2048xi32, #tpu.memory_space<vmem>>, %arg5: memref<128xi32, #tpu.memory_space<vmem>>) attributes {dimension_semantics = [#tpu.dimension_semantics<core_parallel>, #tpu.dimension_semantics<subcore_parallel>], iteration_bounds = array<i64: 2, 16>, scalar_prefetch = 0 : i64, scratch_operands = 2 : i64, tpu.core_type = #tpu.core_type<sc_vector_subcore>, window_params = [{transform_indices = #map}, {transform_indices = #map}]} {
    %mul3A = arith.constant 16 : i32
    %mul3A_0 = arith.muli %arg0, %mul3A : i32
    %add3A = arith.addi %mul3A_0, %arg1 : i32
    %broadcast_in_dim3A = arith.constant 1 : i32
    %broadcast_in_dim3A_1 = vector.broadcast %broadcast_in_dim3A : i32 to vector<16xi32>
    %scan3A = arith.constant 0 : i32
    %scan3A_2 = arith.constant 0 : i32
    %scan3A_3 = arith.constant 8 : i32
    %scan3A_4 = arith.addi %scan3A_2, %scan3A_3 : i32
    %scan3A_5 = arith.constant 1 : i32
    scf.for %scan3A_15 = %scan3A_2 to %scan3A_4 step %scan3A_5  : i32 {
      %broadcast_in_dim3A_16 = arith.constant 0 : i32
      %broadcast_in_dim3A_17 = vector.broadcast %broadcast_in_dim3A_16 : i32 to vector<16xi32>
      %mul3A_18 = arith.constant 16 : i32
      %mul3A_19 = arith.muli %scan3A_15, %mul3A_18 : i32
      %swap3A = arith.index_cast %mul3A_19 : i32 to index
      %swap3A_20 = tpu.vector_load %arg5[%swap3A] {strides = array<i32>} : memref<128xi32, #tpu.memory_space<vmem>>, vector<16xi32>,
      tpu.vector_store %arg5[%swap3A], %broadcast_in_dim3A_17 {strides = array<i32>} : memref<128xi32, #tpu.memory_space<vmem>>, vector<16xi32>,
    }
    %scan3A_6 = arith.constant 8 : i32
    %scan3A_7 = arith.constant 0 : i32
    %scan3A_8 = arith.constant 0 : i32
    %scan3A_9 = arith.constant 8 : i32
    %scan3A_10 = arith.addi %scan3A_8, %scan3A_9 : i32
    %scan3A_11 = arith.constant 1 : i32
    scf.for %scan3A_15 = %scan3A_8 to %scan3A_10 step %scan3A_11  : i32 {
      %mul3A_16 = arith.constant 16384 : i32
      %mul3A_17 = arith.muli %add3A, %mul3A_16 : i32
      %mul3A_18 = arith.constant 2048 : i32
      %mul3A_19 = arith.muli %scan3A_15, %mul3A_18 : i32
      %add3A_20 = arith.addi %mul3A_17, %mul3A_19 : i32
      %multiple_of3A = tpu.assume_multiple %add3A_20, 8 : i32
      "tpu.region"() ({
        %run_scoped3A = tpu.sem_alloc : memref<!tpu.dma_semaphore, #tpu.memory_space<semaphore_mem>>
        %dma_start3A = tpu.memref_slice %arg2[%multiple_of3A] : memref<524288xi32, #tpu.memory_space<hbm>> -> memref<2048xi32, #tpu.memory_space<hbm>>
        %dma_start3A_27 = tpu.memref_slice %arg2[%multiple_of3A] : memref<524288xi32, #tpu.memory_space<hbm>> -> memref<2048xi32, #tpu.memory_space<hbm>>
        tpu.enqueue_dma source(%dma_start3A_27 : memref<2048xi32, #tpu.memory_space<hbm>>) target(%arg4 : memref<2048xi32, #tpu.memory_space<vmem>>) target_semaphore(%run_scoped3A : memref<!tpu.dma_semaphore, #tpu.memory_space<semaphore_mem>>)
        %dma_wait3A = tpu.memref_slice %arg2[%multiple_of3A] : memref<524288xi32, #tpu.memory_space<hbm>> -> memref<2048xi32, #tpu.memory_space<hbm>>
        %dma_wait3A_28 = tpu.memref_slice %arg2[%multiple_of3A] : memref<524288xi32, #tpu.memory_space<hbm>> -> memref<2048xi32, #tpu.memory_space<hbm>>
        tpu.wait_dma2 semaphore(%run_scoped3A : memref<!tpu.dma_semaphore, #tpu.memory_space<semaphore_mem>>) src(%dma_wait3A_28 : memref<2048xi32, #tpu.memory_space<hbm>>) dst(%arg4 : memref<2048xi32, #tpu.memory_space<vmem>>)
        tpu.yield
      }) : () -> ()
      %scan3A_21 = arith.constant 0 : i32
      %scan3A_22 = arith.constant 0 : i32
      %scan3A_23 = arith.constant 128 : i32
      %scan3A_24 = arith.addi %scan3A_22, %scan3A_23 : i32
      %scan3A_25 = arith.constant 1 : i32
      scf.for %scan3A_27 = %scan3A_22 to %scan3A_24 step %scan3A_25  : i32 {
        %mul3A_28 = arith.constant 16 : i32
        %mul3A_29 = arith.muli %scan3A_27, %mul3A_28 : i32
        %get3A = arith.index_cast %mul3A_29 : i32 to index
        %get3A_30 = tpu.vector_load %arg4[%get3A] {strides = array<i32>} : memref<2048xi32, #tpu.memory_space<vmem>>, vector<16xi32>,
        %broadcast_in_dim3A_31 = arith.constant 7 : i32
        %broadcast_in_dim3A_32 = vector.broadcast %broadcast_in_dim3A_31 : i32 to vector<16xi32>
        %sub3A = arith.constant 3 : i32
        %sub3A_33 = vector.broadcast %sub3A : i32 to vector<16xi32>
        %sub3A_34 = arith.subi %get3A_30, %sub3A_33 : vector<16xi32>
        %div3A = arith.divsi %sub3A_34, %broadcast_in_dim3A_32 : vector<16xi32>
        %shift_right_logical3A = arith.constant 10 : i32
        %shift_right_logical3A_35 = vector.broadcast %shift_right_logical3A : i32 to vector<16xi32>
        %shift_right_logical3A_36 = arith.shrui %div3A, %shift_right_logical3A_35 : vector<16xi32>
        tpu.vector_store_idx %arg5[%shift_right_logical3A_36], %broadcast_in_dim3A_1 {add = true} : memref<128xi32, #tpu.memory_space<vmem>>[vector<16xi32>], vector<16xi32>,
      }
      %scan3A_26 = arith.constant 128 : i32
    }
    %scan3A_12 = arith.constant 8 : i32
    %mul3A_13 = arith.constant 128 : i32
    %mul3A_14 = arith.muli %add3A, %mul3A_13 : i32
    "tpu.region"() ({
      %run_scoped3A = tpu.sem_alloc : memref<!tpu.dma_semaphore, #tpu.memory_space<semaphore_mem>>
      %dma_start3A = tpu.memref_slice %arg3[%mul3A_14] : memref<4096xi32, #tpu.memory_space<hbm>> -> memref<128xi32, #tpu.memory_space<hbm>>
      %dma_start3A_15 = tpu.memref_slice %arg3[%mul3A_14] : memref<4096xi32, #tpu.memory_space<hbm>> -> memref<128xi32, #tpu.memory_space<hbm>>
      tpu.enqueue_dma source(%arg5 : memref<128xi32, #tpu.memory_space<vmem>>) target(%dma_start3A_15 : memref<128xi32, #tpu.memory_space<hbm>>) target_semaphore(%run_scoped3A : memref<!tpu.dma_semaphore, #tpu.memory_space<semaphore_mem>>)
      %dma_wait3A = tpu.memref_slice %arg3[%mul3A_14] : memref<4096xi32, #tpu.memory_space<hbm>> -> memref<128xi32, #tpu.memory_space<hbm>>
      %dma_wait3A_16 = tpu.memref_slice %arg3[%mul3A_14] : memref<4096xi32, #tpu.memory_space<hbm>> -> memref<128xi32, #tpu.memory_space<hbm>>
      tpu.wait_dma2 semaphore(%run_scoped3A : memref<!tpu.dma_semaphore, #tpu.memory_space<semaphore_mem>>) src(%arg5 : memref<128xi32, #tpu.memory_space<vmem>>) dst(%dma_wait3A_16 : memref<128xi32, #tpu.memory_space<hbm>>)
      tpu.yield
    }) : () -> ()
    return
  }
}

#map = affine_map<(d0, d1) -> (0, 0)>
#map1 = affine_map<(d0, d1) -> (0)>
module attributes {stable_mosaic.version = 14 : i64} {
  func.func @_k3(%arg0: i32, %arg1: i32, %arg2: memref<524288x64xf32, #tpu.memory_space<hbm>>, %arg3: memref<131072xi32, #tpu.memory_space<hbm>>, %arg4: memref<4096xi32, #tpu.memory_space<hbm>>, %arg5: memref<525568xi32, #tpu.memory_space<hbm>>, %arg6: memref<525568xi32, #tpu.memory_space<hbm>>, %arg7: memref<131072x64xf32, #tpu.memory_space<hbm>>, %arg8: memref<4096xi32, #tpu.memory_space<vmem>>, %arg9: memref<128xi32, #tpu.memory_space<vmem>>, %arg10: memref<128xi32, #tpu.memory_space<vmem>>, %arg11: memref<2048xi32, #tpu.memory_space<vmem>>, %arg12: memref<32x128xi32, #tpu.memory_space<vmem>>, %arg13: memref<2x128xi32, #tpu.memory_space<vmem>>, %arg14: memref<256xi32, #tpu.memory_space<vmem>>, %arg15: memref<256x64xf32, #tpu.memory_space<vmem>>, %arg16: memref<1024x64xf32, #tpu.memory_space<vmem>>, %arg17: memref<1024xf32, #tpu.memory_space<vmem>>, %arg18: memref<!tpu.dma_semaphore, #tpu.memory_space<semaphore_mem>>) attributes {dimension_semantics = [#tpu.dimension_semantics<core_parallel>, #tpu.dimension_semantics<subcore_parallel>], iteration_bounds = array<i64: 2, 16>, scalar_prefetch = 0 : i64, scratch_operands = 11 : i64, tpu.core_type = #tpu.core_type<sc_vector_subcore>, window_params = [{transform_indices = #map}, {transform_indices = #map1}, {transform_indices = #map1}, {transform_indices = #map1}, {transform_indices = #map1}, {transform_indices = #map}]} {
    %mul3A = arith.constant 16 : i32
    %mul3A_0 = arith.muli %arg0, %mul3A : i32
    %add3A = arith.addi %mul3A_0, %arg1 : i32
    %iota3A = tpu.iota {dimensions = array<i32: 0>} : vector<16xi32>
    %broadcast_in_dim3A = arith.constant 1.000000e+00 : f32
    %broadcast_in_dim3A_1 = vector.broadcast %broadcast_in_dim3A : f32 to vector<16xf32>
    "tpu.region"() ({
      %run_scoped3A = tpu.sem_alloc : memref<!tpu.dma_semaphore, #tpu.memory_space<semaphore_mem>>
      tpu.enqueue_dma source(%arg4 : memref<4096xi32, #tpu.memory_space<hbm>>) target(%arg8 : memref<4096xi32, #tpu.memory_space<vmem>>) target_semaphore(%run_scoped3A : memref<!tpu.dma_semaphore, #tpu.memory_space<semaphore_mem>>)
      tpu.wait_dma2 semaphore(%run_scoped3A : memref<!tpu.dma_semaphore, #tpu.memory_space<semaphore_mem>>) src(%arg4 : memref<4096xi32, #tpu.memory_space<hbm>>) dst(%arg8 : memref<4096xi32, #tpu.memory_space<vmem>>)
      tpu.yield
    }) : () -> ()
    %broadcast_in_dim3A_2 = arith.constant 0 : i32
    %broadcast_in_dim3A_3 = vector.broadcast %broadcast_in_dim3A_2 : i32 to vector<16xi32>
    %scan3A = arith.constant 0 : i32
    %scan3A_4 = arith.constant 32 : i32
    %scan3A_5 = arith.addi %scan3A, %scan3A_4 : i32
    %scan3A_6 = arith.constant 1 : i32
    %scan3A_7 = scf.for %scan3A_263 = %scan3A to %scan3A_5 step %scan3A_6 iter_args(%scan3A_264 = %broadcast_in_dim3A_3) -> (vector<16xi32>)  : i32 {
      %mul3A_265 = arith.constant 128 : i32
      %mul3A_266 = arith.muli %scan3A_263, %mul3A_265 : i32
      %add3A_267 = arith.constant 0 : i32
      %add3A_268 = arith.addi %mul3A_266, %add3A_267 : i32
      %add3A_269 = vector.broadcast %add3A_268 : i32 to vector<16xi32>
      %add3A_270 = arith.addi %add3A_269, %iota3A : vector<16xi32>
      %gather3A = tpu.vector_load_idx %arg8[%add3A_270] : memref<4096xi32, #tpu.memory_space<vmem>>[vector<16xi32>], vector<16xi32>,
      %add3A_271 = arith.addi %scan3A_264, %gather3A : vector<16xi32>
      scf.yield %add3A_271 : vector<16xi32>
    }
    %scan3A_8 = arith.constant 32 : i32
    %swap3A = arith.constant 0 : index
    %swap3A_9 = tpu.vector_load %arg9[%swap3A] {strides = array<i32>} : memref<128xi32, #tpu.memory_space<vmem>>, vector<16xi32>,
    tpu.vector_store %arg9[%swap3A], %scan3A_7 {strides = array<i32>} : memref<128xi32, #tpu.memory_space<vmem>>, vector<16xi32>,
    %broadcast_in_dim3A_10 = arith.constant 0 : i32
    %broadcast_in_dim3A_11 = vector.broadcast %broadcast_in_dim3A_10 : i32 to vector<16xi32>
    %scan3A_12 = arith.constant 0 : i32
    %scan3A_13 = arith.constant 32 : i32
    %scan3A_14 = arith.addi %scan3A_12, %scan3A_13 : i32
    %scan3A_15 = arith.constant 1 : i32
    %scan3A_16 = scf.for %scan3A_263 = %scan3A_12 to %scan3A_14 step %scan3A_15 iter_args(%scan3A_264 = %broadcast_in_dim3A_11) -> (vector<16xi32>)  : i32 {
      %mul3A_265 = arith.constant 128 : i32
      %mul3A_266 = arith.muli %scan3A_263, %mul3A_265 : i32
      %add3A_267 = arith.constant 16 : i32
      %add3A_268 = arith.addi %mul3A_266, %add3A_267 : i32
      %add3A_269 = vector.broadcast %add3A_268 : i32 to vector<16xi32>
      %add3A_270 = arith.addi %add3A_269, %iota3A : vector<16xi32>
      %gather3A = tpu.vector_load_idx %arg8[%add3A_270] : memref<4096xi32, #tpu.memory_space<vmem>>[vector<16xi32>], vector<16xi32>,
      %add3A_271 = arith.addi %scan3A_264, %gather3A : vector<16xi32>
      scf.yield %add3A_271 : vector<16xi32>
    }
    %scan3A_17 = arith.constant 32 : i32
    %swap3A_18 = arith.constant 16 : index
    %swap3A_19 = tpu.vector_load %arg9[%swap3A_18] {strides = array<i32>} : memref<128xi32, #tpu.memory_space<vmem>>, vector<16xi32>,
    tpu.vector_store %arg9[%swap3A_18], %scan3A_16 {strides = array<i32>} : memref<128xi32, #tpu.memory_space<vmem>>, vector<16xi32>,
    %broadcast_in_dim3A_20 = arith.constant 0 : i32
    %broadcast_in_dim3A_21 = vector.broadcast %broadcast_in_dim3A_20 : i32 to vector<16xi32>
    %scan3A_22 = arith.constant 0 : i32
    %scan3A_23 = arith.constant 32 : i32
    %scan3A_24 = arith.addi %scan3A_22, %scan3A_23 : i32
    %scan3A_25 = arith.constant 1 : i32
    %scan3A_26 = scf.for %scan3A_263 = %scan3A_22 to %scan3A_24 step %scan3A_25 iter_args(%scan3A_264 = %broadcast_in_dim3A_21) -> (vector<16xi32>)  : i32 {
      %mul3A_265 = arith.constant 128 : i32
      %mul3A_266 = arith.muli %scan3A_263, %mul3A_265 : i32
      %add3A_267 = arith.constant 32 : i32
      %add3A_268 = arith.addi %mul3A_266, %add3A_267 : i32
      %add3A_269 = vector.broadcast %add3A_268 : i32 to vector<16xi32>
      %add3A_270 = arith.addi %add3A_269, %iota3A : vector<16xi32>
      %gather3A = tpu.vector_load_idx %arg8[%add3A_270] : memref<4096xi32, #tpu.memory_space<vmem>>[vector<16xi32>], vector<16xi32>,
      %add3A_271 = arith.addi %scan3A_264, %gather3A : vector<16xi32>
      scf.yield %add3A_271 : vector<16xi32>
    }
    %scan3A_27 = arith.constant 32 : i32
    %swap3A_28 = arith.constant 32 : index
    %swap3A_29 = tpu.vector_load %arg9[%swap3A_28] {strides = array<i32>} : memref<128xi32, #tpu.memory_space<vmem>>, vector<16xi32>,
    tpu.vector_store %arg9[%swap3A_28], %scan3A_26 {strides = array<i32>} : memref<128xi32, #tpu.memory_space<vmem>>, vector<16xi32>,
    %broadcast_in_dim3A_30 = arith.constant 0 : i32
    %broadcast_in_dim3A_31 = vector.broadcast %broadcast_in_dim3A_30 : i32 to vector<16xi32>
    %scan3A_32 = arith.constant 0 : i32
    %scan3A_33 = arith.constant 32 : i32
    %scan3A_34 = arith.addi %scan3A_32, %scan3A_33 : i32
    %scan3A_35 = arith.constant 1 : i32
    %scan3A_36 = scf.for %scan3A_263 = %scan3A_32 to %scan3A_34 step %scan3A_35 iter_args(%scan3A_264 = %broadcast_in_dim3A_31) -> (vector<16xi32>)  : i32 {
      %mul3A_265 = arith.constant 128 : i32
      %mul3A_266 = arith.muli %scan3A_263, %mul3A_265 : i32
      %add3A_267 = arith.constant 48 : i32
      %add3A_268 = arith.addi %mul3A_266, %add3A_267 : i32
      %add3A_269 = vector.broadcast %add3A_268 : i32 to vector<16xi32>
      %add3A_270 = arith.addi %add3A_269, %iota3A : vector<16xi32>
      %gather3A = tpu.vector_load_idx %arg8[%add3A_270] : memref<4096xi32, #tpu.memory_space<vmem>>[vector<16xi32>], vector<16xi32>,
      %add3A_271 = arith.addi %scan3A_264, %gather3A : vector<16xi32>
      scf.yield %add3A_271 : vector<16xi32>
    }
    %scan3A_37 = arith.constant 32 : i32
    %swap3A_38 = arith.constant 48 : index
    %swap3A_39 = tpu.vector_load %arg9[%swap3A_38] {strides = array<i32>} : memref<128xi32, #tpu.memory_space<vmem>>, vector<16xi32>,
    tpu.vector_store %arg9[%swap3A_38], %scan3A_36 {strides = array<i32>} : memref<128xi32, #tpu.memory_space<vmem>>, vector<16xi32>,
    %broadcast_in_dim3A_40 = arith.constant 0 : i32
    %broadcast_in_dim3A_41 = vector.broadcast %broadcast_in_dim3A_40 : i32 to vector<16xi32>
    %scan3A_42 = arith.constant 0 : i32
    %scan3A_43 = arith.constant 32 : i32
    %scan3A_44 = arith.addi %scan3A_42, %scan3A_43 : i32
    %scan3A_45 = arith.constant 1 : i32
    %scan3A_46 = scf.for %scan3A_263 = %scan3A_42 to %scan3A_44 step %scan3A_45 iter_args(%scan3A_264 = %broadcast_in_dim3A_41) -> (vector<16xi32>)  : i32 {
      %mul3A_265 = arith.constant 128 : i32
      %mul3A_266 = arith.muli %scan3A_263, %mul3A_265 : i32
      %add3A_267 = arith.constant 64 : i32
      %add3A_268 = arith.addi %mul3A_266, %add3A_267 : i32
      %add3A_269 = vector.broadcast %add3A_268 : i32 to vector<16xi32>
      %add3A_270 = arith.addi %add3A_269, %iota3A : vector<16xi32>
      %gather3A = tpu.vector_load_idx %arg8[%add3A_270] : memref<4096xi32, #tpu.memory_space<vmem>>[vector<16xi32>], vector<16xi32>,
      %add3A_271 = arith.addi %scan3A_264, %gather3A : vector<16xi32>
      scf.yield %add3A_271 : vector<16xi32>
    }
    %scan3A_47 = arith.constant 32 : i32
    %swap3A_48 = arith.constant 64 : index
    %swap3A_49 = tpu.vector_load %arg9[%swap3A_48] {strides = array<i32>} : memref<128xi32, #tpu.memory_space<vmem>>, vector<16xi32>,
    tpu.vector_store %arg9[%swap3A_48], %scan3A_46 {strides = array<i32>} : memref<128xi32, #tpu.memory_space<vmem>>, vector<16xi32>,
    %broadcast_in_dim3A_50 = arith.constant 0 : i32
    %broadcast_in_dim3A_51 = vector.broadcast %broadcast_in_dim3A_50 : i32 to vector<16xi32>
    %scan3A_52 = arith.constant 0 : i32
    %scan3A_53 = arith.constant 32 : i32
    %scan3A_54 = arith.addi %scan3A_52, %scan3A_53 : i32
    %scan3A_55 = arith.constant 1 : i32
    %scan3A_56 = scf.for %scan3A_263 = %scan3A_52 to %scan3A_54 step %scan3A_55 iter_args(%scan3A_264 = %broadcast_in_dim3A_51) -> (vector<16xi32>)  : i32 {
      %mul3A_265 = arith.constant 128 : i32
      %mul3A_266 = arith.muli %scan3A_263, %mul3A_265 : i32
      %add3A_267 = arith.constant 80 : i32
      %add3A_268 = arith.addi %mul3A_266, %add3A_267 : i32
      %add3A_269 = vector.broadcast %add3A_268 : i32 to vector<16xi32>
      %add3A_270 = arith.addi %add3A_269, %iota3A : vector<16xi32>
      %gather3A = tpu.vector_load_idx %arg8[%add3A_270] : memref<4096xi32, #tpu.memory_space<vmem>>[vector<16xi32>], vector<16xi32>,
      %add3A_271 = arith.addi %scan3A_264, %gather3A : vector<16xi32>
      scf.yield %add3A_271 : vector<16xi32>
    }
    %scan3A_57 = arith.constant 32 : i32
    %swap3A_58 = arith.constant 80 : index
    %swap3A_59 = tpu.vector_load %arg9[%swap3A_58] {strides = array<i32>} : memref<128xi32, #tpu.memory_space<vmem>>, vector<16xi32>,
    tpu.vector_store %arg9[%swap3A_58], %scan3A_56 {strides = array<i32>} : memref<128xi32, #tpu.memory_space<vmem>>, vector<16xi32>,
    %broadcast_in_dim3A_60 = arith.constant 0 : i32
    %broadcast_in_dim3A_61 = vector.broadcast %broadcast_in_dim3A_60 : i32 to vector<16xi32>
    %scan3A_62 = arith.constant 0 : i32
    %scan3A_63 = arith.constant 32 : i32
    %scan3A_64 = arith.addi %scan3A_62, %scan3A_63 : i32
    %scan3A_65 = arith.constant 1 : i32
    %scan3A_66 = scf.for %scan3A_263 = %scan3A_62 to %scan3A_64 step %scan3A_65 iter_args(%scan3A_264 = %broadcast_in_dim3A_61) -> (vector<16xi32>)  : i32 {
      %mul3A_265 = arith.constant 128 : i32
      %mul3A_266 = arith.muli %scan3A_263, %mul3A_265 : i32
      %add3A_267 = arith.constant 96 : i32
      %add3A_268 = arith.addi %mul3A_266, %add3A_267 : i32
      %add3A_269 = vector.broadcast %add3A_268 : i32 to vector<16xi32>
      %add3A_270 = arith.addi %add3A_269, %iota3A : vector<16xi32>
      %gather3A = tpu.vector_load_idx %arg8[%add3A_270] : memref<4096xi32, #tpu.memory_space<vmem>>[vector<16xi32>], vector<16xi32>,
      %add3A_271 = arith.addi %scan3A_264, %gather3A : vector<16xi32>
      scf.yield %add3A_271 : vector<16xi32>
    }
    %scan3A_67 = arith.constant 32 : i32
    %swap3A_68 = arith.constant 96 : index
    %swap3A_69 = tpu.vector_load %arg9[%swap3A_68] {strides = array<i32>} : memref<128xi32, #tpu.memory_space<vmem>>, vector<16xi32>,
    tpu.vector_store %arg9[%swap3A_68], %scan3A_66 {strides = array<i32>} : memref<128xi32, #tpu.memory_space<vmem>>, vector<16xi32>,
    %broadcast_in_dim3A_70 = arith.constant 0 : i32
    %broadcast_in_dim3A_71 = vector.broadcast %broadcast_in_dim3A_70 : i32 to vector<16xi32>
    %scan3A_72 = arith.constant 0 : i32
    %scan3A_73 = arith.constant 32 : i32
    %scan3A_74 = arith.addi %scan3A_72, %scan3A_73 : i32
    %scan3A_75 = arith.constant 1 : i32
    %scan3A_76 = scf.for %scan3A_263 = %scan3A_72 to %scan3A_74 step %scan3A_75 iter_args(%scan3A_264 = %broadcast_in_dim3A_71) -> (vector<16xi32>)  : i32 {
      %mul3A_265 = arith.constant 128 : i32
      %mul3A_266 = arith.muli %scan3A_263, %mul3A_265 : i32
      %add3A_267 = arith.constant 112 : i32
      %add3A_268 = arith.addi %mul3A_266, %add3A_267 : i32
      %add3A_269 = vector.broadcast %add3A_268 : i32 to vector<16xi32>
      %add3A_270 = arith.addi %add3A_269, %iota3A : vector<16xi32>
      %gather3A = tpu.vector_load_idx %arg8[%add3A_270] : memref<4096xi32, #tpu.memory_space<vmem>>[vector<16xi32>], vector<16xi32>,
      %add3A_271 = arith.addi %scan3A_264, %gather3A : vector<16xi32>
      scf.yield %add3A_271 : vector<16xi32>
    }
    %scan3A_77 = arith.constant 32 : i32
    %swap3A_78 = arith.constant 112 : index
    %swap3A_79 = tpu.vector_load %arg9[%swap3A_78] {strides = array<i32>} : memref<128xi32, #tpu.memory_space<vmem>>, vector<16xi32>,
    tpu.vector_store %arg9[%swap3A_78], %scan3A_76 {strides = array<i32>} : memref<128xi32, #tpu.memory_space<vmem>>, vector<16xi32>,
    %get3A = arith.constant 0 : index
    %get3A_80 = tpu.vector_load %arg9[%get3A] {strides = array<i32>} : memref<128xi32, #tpu.memory_space<vmem>>, vector<16xi32>,
    %add3A_81 = arith.constant 7 : i32
    %add3A_82 = vector.broadcast %add3A_81 : i32 to vector<16xi32>
    %add3A_83 = arith.addi %get3A_80, %add3A_82 : vector<16xi32>
    %shift_right_logical3A = arith.constant 3 : i32
    %shift_right_logical3A_84 = vector.broadcast %shift_right_logical3A : i32 to vector<16xi32>
    %shift_right_logical3A_85 = arith.shrui %add3A_83, %shift_right_logical3A_84 : vector<16xi32>
    %shift_left3A = arith.constant 3 : i32
    %shift_left3A_86 = vector.broadcast %shift_left3A : i32 to vector<16xi32>
    %shift_left3A_87 = arith.shli %shift_right_logical3A_85, %shift_left3A_86 : vector<16xi32>
    %broadcast_in_dim3A_88 = arith.constant true
    %broadcast_in_dim3A_89 = vector.broadcast %broadcast_in_dim3A_88 : i1 to vector<16xi1>
    %masked_cumsum3A = tpu.scan <sum>, %shift_left3A_87 masked %broadcast_in_dim3A_89 : vector<16xi32>, vector<16xi1> -> vector<16xi32>
    %sub3A = arith.subi %masked_cumsum3A, %shift_left3A_87 : vector<16xi32>
    %add3A_90 = arith.constant 0 : i32
    %add3A_91 = vector.broadcast %add3A_90 : i32 to vector<16xi32>
    %add3A_92 = arith.addi %sub3A, %add3A_91 : vector<16xi32>
    %swap3A_93 = arith.constant 0 : index
    %swap3A_94 = tpu.vector_load %arg10[%swap3A_93] {strides = array<i32>} : memref<128xi32, #tpu.memory_space<vmem>>, vector<16xi32>,
    tpu.vector_store %arg10[%swap3A_93], %add3A_92 {strides = array<i32>} : memref<128xi32, #tpu.memory_space<vmem>>, vector<16xi32>,
    %slice3A = vector.extract_strided_slice %masked_cumsum3A {offsets = [15], sizes = [1], strides = [1]} : vector<16xi32> to vector<1xi32>
    %squeeze3A = vector.extract %slice3A[0] : i32 from vector<1xi32>
    %add3A_95 = arith.constant 0 : i32
    %add3A_96 = arith.addi %add3A_95, %squeeze3A : i32
    %get3A_97 = arith.constant 16 : index
    %get3A_98 = tpu.vector_load %arg9[%get3A_97] {strides = array<i32>} : memref<128xi32, #tpu.memory_space<vmem>>, vector<16xi32>,
    %add3A_99 = arith.constant 7 : i32
    %add3A_100 = vector.broadcast %add3A_99 : i32 to vector<16xi32>
    %add3A_101 = arith.addi %get3A_98, %add3A_100 : vector<16xi32>
    %shift_right_logical3A_102 = arith.constant 3 : i32
    %shift_right_logical3A_103 = vector.broadcast %shift_right_logical3A_102 : i32 to vector<16xi32>
    %shift_right_logical3A_104 = arith.shrui %add3A_101, %shift_right_logical3A_103 : vector<16xi32>
    %shift_left3A_105 = arith.constant 3 : i32
    %shift_left3A_106 = vector.broadcast %shift_left3A_105 : i32 to vector<16xi32>
    %shift_left3A_107 = arith.shli %shift_right_logical3A_104, %shift_left3A_106 : vector<16xi32>
    %broadcast_in_dim3A_108 = arith.constant true
    %broadcast_in_dim3A_109 = vector.broadcast %broadcast_in_dim3A_108 : i1 to vector<16xi1>
    %masked_cumsum3A_110 = tpu.scan <sum>, %shift_left3A_107 masked %broadcast_in_dim3A_109 : vector<16xi32>, vector<16xi1> -> vector<16xi32>
    %sub3A_111 = arith.subi %masked_cumsum3A_110, %shift_left3A_107 : vector<16xi32>
    %add3A_112 = vector.broadcast %add3A_96 : i32 to vector<16xi32>
    %add3A_113 = arith.addi %sub3A_111, %add3A_112 : vector<16xi32>
    %swap3A_114 = arith.constant 16 : index
    %swap3A_115 = tpu.vector_load %arg10[%swap3A_114] {strides = array<i32>} : memref<128xi32, #tpu.memory_space<vmem>>, vector<16xi32>,
    tpu.vector_store %arg10[%swap3A_114], %add3A_113 {strides = array<i32>} : memref<128xi32, #tpu.memory_space<vmem>>, vector<16xi32>,
    %slice3A_116 = vector.extract_strided_slice %masked_cumsum3A_110 {offsets = [15], sizes = [1], strides = [1]} : vector<16xi32> to vector<1xi32>
    %squeeze3A_117 = vector.extract %slice3A_116[0] : i32 from vector<1xi32>
    %add3A_118 = arith.addi %add3A_96, %squeeze3A_117 : i32
    %get3A_119 = arith.constant 32 : index
    %get3A_120 = tpu.vector_load %arg9[%get3A_119] {strides = array<i32>} : memref<128xi32, #tpu.memory_space<vmem>>, vector<16xi32>,
    %add3A_121 = arith.constant 7 : i32
    %add3A_122 = vector.broadcast %add3A_121 : i32 to vector<16xi32>
    %add3A_123 = arith.addi %get3A_120, %add3A_122 : vector<16xi32>
    %shift_right_logical3A_124 = arith.constant 3 : i32
    %shift_right_logical3A_125 = vector.broadcast %shift_right_logical3A_124 : i32 to vector<16xi32>
    %shift_right_logical3A_126 = arith.shrui %add3A_123, %shift_right_logical3A_125 : vector<16xi32>
    %shift_left3A_127 = arith.constant 3 : i32
    %shift_left3A_128 = vector.broadcast %shift_left3A_127 : i32 to vector<16xi32>
    %shift_left3A_129 = arith.shli %shift_right_logical3A_126, %shift_left3A_128 : vector<16xi32>
    %broadcast_in_dim3A_130 = arith.constant true
    %broadcast_in_dim3A_131 = vector.broadcast %broadcast_in_dim3A_130 : i1 to vector<16xi1>
    %masked_cumsum3A_132 = tpu.scan <sum>, %shift_left3A_129 masked %broadcast_in_dim3A_131 : vector<16xi32>, vector<16xi1> -> vector<16xi32>
    %sub3A_133 = arith.subi %masked_cumsum3A_132, %shift_left3A_129 : vector<16xi32>
    %add3A_134 = vector.broadcast %add3A_118 : i32 to vector<16xi32>
    %add3A_135 = arith.addi %sub3A_133, %add3A_134 : vector<16xi32>
    %swap3A_136 = arith.constant 32 : index
    %swap3A_137 = tpu.vector_load %arg10[%swap3A_136] {strides = array<i32>} : memref<128xi32, #tpu.memory_space<vmem>>, vector<16xi32>,
    tpu.vector_store %arg10[%swap3A_136], %add3A_135 {strides = array<i32>} : memref<128xi32, #tpu.memory_space<vmem>>, vector<16xi32>,
    %slice3A_138 = vector.extract_strided_slice %masked_cumsum3A_132 {offsets = [15], sizes = [1], strides = [1]} : vector<16xi32> to vector<1xi32>
    %squeeze3A_139 = vector.extract %slice3A_138[0] : i32 from vector<1xi32>
    %add3A_140 = arith.addi %add3A_118, %squeeze3A_139 : i32
    %get3A_141 = arith.constant 48 : index
    %get3A_142 = tpu.vector_load %arg9[%get3A_141] {strides = array<i32>} : memref<128xi32, #tpu.memory_space<vmem>>, vector<16xi32>,
    %add3A_143 = arith.constant 7 : i32
    %add3A_144 = vector.broadcast %add3A_143 : i32 to vector<16xi32>
    %add3A_145 = arith.addi %get3A_142, %add3A_144 : vector<16xi32>
    %shift_right_logical3A_146 = arith.constant 3 : i32
    %shift_right_logical3A_147 = vector.broadcast %shift_right_logical3A_146 : i32 to vector<16xi32>
    %shift_right_logical3A_148 = arith.shrui %add3A_145, %shift_right_logical3A_147 : vector<16xi32>
    %shift_left3A_149 = arith.constant 3 : i32
    %shift_left3A_150 = vector.broadcast %shift_left3A_149 : i32 to vector<16xi32>
    %shift_left3A_151 = arith.shli %shift_right_logical3A_148, %shift_left3A_150 : vector<16xi32>
    %broadcast_in_dim3A_152 = arith.constant true
    %broadcast_in_dim3A_153 = vector.broadcast %broadcast_in_dim3A_152 : i1 to vector<16xi1>
    %masked_cumsum3A_154 = tpu.scan <sum>, %shift_left3A_151 masked %broadcast_in_dim3A_153 : vector<16xi32>, vector<16xi1> -> vector<16xi32>
    %sub3A_155 = arith.subi %masked_cumsum3A_154, %shift_left3A_151 : vector<16xi32>
    %add3A_156 = vector.broadcast %add3A_140 : i32 to vector<16xi32>
    %add3A_157 = arith.addi %sub3A_155, %add3A_156 : vector<16xi32>
    %swap3A_158 = arith.constant 48 : index
    %swap3A_159 = tpu.vector_load %arg10[%swap3A_158] {strides = array<i32>} : memref<128xi32, #tpu.memory_space<vmem>>, vector<16xi32>,
    tpu.vector_store %arg10[%swap3A_158], %add3A_157 {strides = array<i32>} : memref<128xi32, #tpu.memory_space<vmem>>, vector<16xi32>,
    %slice3A_160 = vector.extract_strided_slice %masked_cumsum3A_154 {offsets = [15], sizes = [1], strides = [1]} : vector<16xi32> to vector<1xi32>
    %squeeze3A_161 = vector.extract %slice3A_160[0] : i32 from vector<1xi32>
    %add3A_162 = arith.addi %add3A_140, %squeeze3A_161 : i32
    %get3A_163 = arith.constant 64 : index
    %get3A_164 = tpu.vector_load %arg9[%get3A_163] {strides = array<i32>} : memref<128xi32, #tpu.memory_space<vmem>>, vector<16xi32>,
    %add3A_165 = arith.constant 7 : i32
    %add3A_166 = vector.broadcast %add3A_165 : i32 to vector<16xi32>
    %add3A_167 = arith.addi %get3A_164, %add3A_166 : vector<16xi32>
    %shift_right_logical3A_168 = arith.constant 3 : i32
    %shift_right_logical3A_169 = vector.broadcast %shift_right_logical3A_168 : i32 to vector<16xi32>
    %shift_right_logical3A_170 = arith.shrui %add3A_167, %shift_right_logical3A_169 : vector<16xi32>
    %shift_left3A_171 = arith.constant 3 : i32
    %shift_left3A_172 = vector.broadcast %shift_left3A_171 : i32 to vector<16xi32>
    %shift_left3A_173 = arith.shli %shift_right_logical3A_170, %shift_left3A_172 : vector<16xi32>
    %broadcast_in_dim3A_174 = arith.constant true
    %broadcast_in_dim3A_175 = vector.broadcast %broadcast_in_dim3A_174 : i1 to vector<16xi1>
    %masked_cumsum3A_176 = tpu.scan <sum>, %shift_left3A_173 masked %broadcast_in_dim3A_175 : vector<16xi32>, vector<16xi1> -> vector<16xi32>
    %sub3A_177 = arith.subi %masked_cumsum3A_176, %shift_left3A_173 : vector<16xi32>
    %add3A_178 = vector.broadcast %add3A_162 : i32 to vector<16xi32>
    %add3A_179 = arith.addi %sub3A_177, %add3A_178 : vector<16xi32>
    %swap3A_180 = arith.constant 64 : index
    %swap3A_181 = tpu.vector_load %arg10[%swap3A_180] {strides = array<i32>} : memref<128xi32, #tpu.memory_space<vmem>>, vector<16xi32>,
    tpu.vector_store %arg10[%swap3A_180], %add3A_179 {strides = array<i32>} : memref<128xi32, #tpu.memory_space<vmem>>, vector<16xi32>,
    %slice3A_182 = vector.extract_strided_slice %masked_cumsum3A_176 {offsets = [15], sizes = [1], strides = [1]} : vector<16xi32> to vector<1xi32>
    %squeeze3A_183 = vector.extract %slice3A_182[0] : i32 from vector<1xi32>
    %add3A_184 = arith.addi %add3A_162, %squeeze3A_183 : i32
    %get3A_185 = arith.constant 80 : index
    %get3A_186 = tpu.vector_load %arg9[%get3A_185] {strides = array<i32>} : memref<128xi32, #tpu.memory_space<vmem>>, vector<16xi32>,
    %add3A_187 = arith.constant 7 : i32
    %add3A_188 = vector.broadcast %add3A_187 : i32 to vector<16xi32>
    %add3A_189 = arith.addi %get3A_186, %add3A_188 : vector<16xi32>
    %shift_right_logical3A_190 = arith.constant 3 : i32
    %shift_right_logical3A_191 = vector.broadcast %shift_right_logical3A_190 : i32 to vector<16xi32>
    %shift_right_logical3A_192 = arith.shrui %add3A_189, %shift_right_logical3A_191 : vector<16xi32>
    %shift_left3A_193 = arith.constant 3 : i32
    %shift_left3A_194 = vector.broadcast %shift_left3A_193 : i32 to vector<16xi32>
    %shift_left3A_195 = arith.shli %shift_right_logical3A_192, %shift_left3A_194 : vector<16xi32>
    %broadcast_in_dim3A_196 = arith.constant true
    %broadcast_in_dim3A_197 = vector.broadcast %broadcast_in_dim3A_196 : i1 to vector<16xi1>
    %masked_cumsum3A_198 = tpu.scan <sum>, %shift_left3A_195 masked %broadcast_in_dim3A_197 : vector<16xi32>, vector<16xi1> -> vector<16xi32>
    %sub3A_199 = arith.subi %masked_cumsum3A_198, %shift_left3A_195 : vector<16xi32>
    %add3A_200 = vector.broadcast %add3A_184 : i32 to vector<16xi32>
    %add3A_201 = arith.addi %sub3A_199, %add3A_200 : vector<16xi32>
    %swap3A_202 = arith.constant 80 : index
    %swap3A_203 = tpu.vector_load %arg10[%swap3A_202] {strides = array<i32>} : memref<128xi32, #tpu.memory_space<vmem>>, vector<16xi32>,
    tpu.vector_store %arg10[%swap3A_202], %add3A_201 {strides = array<i32>} : memref<128xi32, #tpu.memory_space<vmem>>, vector<16xi32>,
    %slice3A_204 = vector.extract_strided_slice %masked_cumsum3A_198 {offsets = [15], sizes = [1], strides = [1]} : vector<16xi32> to vector<1xi32>
    %squeeze3A_205 = vector.extract %slice3A_204[0] : i32 from vector<1xi32>
    %add3A_206 = arith.addi %add3A_184, %squeeze3A_205 : i32
    %get3A_207 = arith.constant 96 : index
    %get3A_208 = tpu.vector_load %arg9[%get3A_207] {strides = array<i32>} : memref<128xi32, #tpu.memory_space<vmem>>, vector<16xi32>,
    %add3A_209 = arith.constant 7 : i32
    %add3A_210 = vector.broadcast %add3A_209 : i32 to vector<16xi32>
    %add3A_211 = arith.addi %get3A_208, %add3A_210 : vector<16xi32>
    %shift_right_logical3A_212 = arith.constant 3 : i32
    %shift_right_logical3A_213 = vector.broadcast %shift_right_logical3A_212 : i32 to vector<16xi32>
    %shift_right_logical3A_214 = arith.shrui %add3A_211, %shift_right_logical3A_213 : vector<16xi32>
    %shift_left3A_215 = arith.constant 3 : i32
    %shift_left3A_216 = vector.broadcast %shift_left3A_215 : i32 to vector<16xi32>
    %shift_left3A_217 = arith.shli %shift_right_logical3A_214, %shift_left3A_216 : vector<16xi32>
    %broadcast_in_dim3A_218 = arith.constant true
    %broadcast_in_dim3A_219 = vector.broadcast %broadcast_in_dim3A_218 : i1 to vector<16xi1>
    %masked_cumsum3A_220 = tpu.scan <sum>, %shift_left3A_217 masked %broadcast_in_dim3A_219 : vector<16xi32>, vector<16xi1> -> vector<16xi32>
    %sub3A_221 = arith.subi %masked_cumsum3A_220, %shift_left3A_217 : vector<16xi32>
    %add3A_222 = vector.broadcast %add3A_206 : i32 to vector<16xi32>
    %add3A_223 = arith.addi %sub3A_221, %add3A_222 : vector<16xi32>
    %swap3A_224 = arith.constant 96 : index
    %swap3A_225 = tpu.vector_load %arg10[%swap3A_224] {strides = array<i32>} : memref<128xi32, #tpu.memory_space<vmem>>, vector<16xi32>,
    tpu.vector_store %arg10[%swap3A_224], %add3A_223 {strides = array<i32>} : memref<128xi32, #tpu.memory_space<vmem>>, vector<16xi32>,
    %slice3A_226 = vector.extract_strided_slice %masked_cumsum3A_220 {offsets = [15], sizes = [1], strides = [1]} : vector<16xi32> to vector<1xi32>
    %squeeze3A_227 = vector.extract %slice3A_226[0] : i32 from vector<1xi32>
    %add3A_228 = arith.addi %add3A_206, %squeeze3A_227 : i32
    %get3A_229 = arith.constant 112 : index
    %get3A_230 = tpu.vector_load %arg9[%get3A_229] {strides = array<i32>} : memref<128xi32, #tpu.memory_space<vmem>>, vector<16xi32>,
    %add3A_231 = arith.constant 7 : i32
    %add3A_232 = vector.broadcast %add3A_231 : i32 to vector<16xi32>
    %add3A_233 = arith.addi %get3A_230, %add3A_232 : vector<16xi32>
    %shift_right_logical3A_234 = arith.constant 3 : i32
    %shift_right_logical3A_235 = vector.broadcast %shift_right_logical3A_234 : i32 to vector<16xi32>
    %shift_right_logical3A_236 = arith.shrui %add3A_233, %shift_right_logical3A_235 : vector<16xi32>
    %shift_left3A_237 = arith.constant 3 : i32
    %shift_left3A_238 = vector.broadcast %shift_left3A_237 : i32 to vector<16xi32>
    %shift_left3A_239 = arith.shli %shift_right_logical3A_236, %shift_left3A_238 : vector<16xi32>
    %broadcast_in_dim3A_240 = arith.constant true
    %broadcast_in_dim3A_241 = vector.broadcast %broadcast_in_dim3A_240 : i1 to vector<16xi1>
    %masked_cumsum3A_242 = tpu.scan <sum>, %shift_left3A_239 masked %broadcast_in_dim3A_241 : vector<16xi32>, vector<16xi1> -> vector<16xi32>
    %sub3A_243 = arith.subi %masked_cumsum3A_242, %shift_left3A_239 : vector<16xi32>
    %add3A_244 = vector.broadcast %add3A_228 : i32 to vector<16xi32>
    %add3A_245 = arith.addi %sub3A_243, %add3A_244 : vector<16xi32>
    %swap3A_246 = arith.constant 112 : index
    %swap3A_247 = tpu.vector_load %arg10[%swap3A_246] {strides = array<i32>} : memref<128xi32, #tpu.memory_space<vmem>>, vector<16xi32>,
    tpu.vector_store %arg10[%swap3A_246], %add3A_245 {strides = array<i32>} : memref<128xi32, #tpu.memory_space<vmem>>, vector<16xi32>,
    %slice3A_248 = vector.extract_strided_slice %masked_cumsum3A_242 {offsets = [15], sizes = [1], strides = [1]} : vector<16xi32> to vector<1xi32>
    %squeeze3A_249 = vector.extract %slice3A_248[0] : i32 from vector<1xi32>
    %add3A_250 = arith.addi %add3A_228, %squeeze3A_249 : i32
    %scan3A_251 = arith.constant 0 : i32
    %scan3A_252 = arith.constant 0 : i32
    %scan3A_253 = arith.constant 64 : i32
    %scan3A_254 = arith.addi %scan3A_252, %scan3A_253 : i32
    %scan3A_255 = arith.constant 1 : i32
    scf.for %scan3A_263 = %scan3A_252 to %scan3A_254 step %scan3A_255  : i32 {
      %mul3A_264 = arith.constant 2048 : i32
      %mul3A_265 = arith.muli %scan3A_263, %mul3A_264 : i32
      %multiple_of3A = tpu.assume_multiple %mul3A_265, 8 : i32
      "tpu.region"() ({
        %run_scoped3A = tpu.sem_alloc : memref<!tpu.dma_semaphore, #tpu.memory_space<semaphore_mem>>
        %dma_start3A = tpu.memref_slice %arg3[%multiple_of3A] : memref<131072xi32, #tpu.memory_space<hbm>> -> memref<2048xi32, #tpu.memory_space<hbm>>
        %dma_start3A_272 = tpu.memref_slice %arg3[%multiple_of3A] : memref<131072xi32, #tpu.memory_space<hbm>> -> memref<2048xi32, #tpu.memory_space<hbm>>
        tpu.enqueue_dma source(%dma_start3A_272 : memref<2048xi32, #tpu.memory_space<hbm>>) target(%arg11 : memref<2048xi32, #tpu.memory_space<vmem>>) target_semaphore(%run_scoped3A : memref<!tpu.dma_semaphore, #tpu.memory_space<semaphore_mem>>)
        %dma_wait3A = tpu.memref_slice %arg3[%multiple_of3A] : memref<131072xi32, #tpu.memory_space<hbm>> -> memref<2048xi32, #tpu.memory_space<hbm>>
        %dma_wait3A_273 = tpu.memref_slice %arg3[%multiple_of3A] : memref<131072xi32, #tpu.memory_space<hbm>> -> memref<2048xi32, #tpu.memory_space<hbm>>
        tpu.wait_dma2 semaphore(%run_scoped3A : memref<!tpu.dma_semaphore, #tpu.memory_space<semaphore_mem>>) src(%dma_wait3A_273 : memref<2048xi32, #tpu.memory_space<hbm>>) dst(%arg11 : memref<2048xi32, #tpu.memory_space<vmem>>)
        tpu.yield
      }) : () -> ()
      %scan3A_266 = arith.constant 0 : i32
      %scan3A_267 = arith.constant 0 : i32
      %scan3A_268 = arith.constant 128 : i32
      %scan3A_269 = arith.addi %scan3A_267, %scan3A_268 : i32
      %scan3A_270 = arith.constant 1 : i32
      scf.for %scan3A_272 = %scan3A_267 to %scan3A_269 step %scan3A_270  : i32 {
        %mul3A_273 = arith.constant 16 : i32
        %mul3A_274 = arith.muli %scan3A_272, %mul3A_273 : i32
        %get3A_275 = arith.index_cast %mul3A_274 : i32 to index
        %get3A_276 = tpu.vector_load %arg11[%get3A_275] {strides = array<i32>} : memref<2048xi32, #tpu.memory_space<vmem>>, vector<16xi32>,
        %broadcast_in_dim3A_277 = arith.constant 7 : i32
        %broadcast_in_dim3A_278 = vector.broadcast %broadcast_in_dim3A_277 : i32 to vector<16xi32>
        %sub3A_279 = arith.constant 3 : i32
        %sub3A_280 = vector.broadcast %sub3A_279 : i32 to vector<16xi32>
        %sub3A_281 = arith.subi %get3A_276, %sub3A_280 : vector<16xi32>
        %div3A = arith.divsi %sub3A_281, %broadcast_in_dim3A_278 : vector<16xi32>
        %mul3A_282 = arith.constant 4096 : i32
        %mul3A_283 = arith.muli %add3A, %mul3A_282 : i32
        %sub3A_284 = vector.broadcast %mul3A_283 : i32 to vector<16xi32>
        %sub3A_285 = arith.subi %div3A, %sub3A_284 : vector<16xi32>
        %ge3A = arith.constant 0 : i32
        %ge3A_286 = vector.broadcast %ge3A : i32 to vector<16xi32>
        %ge3A_287 = arith.cmpi sge, %sub3A_285, %ge3A_286 : vector<16xi32>
        %lt3A = arith.constant 4096 : i32
        %lt3A_288 = vector.broadcast %lt3A : i32 to vector<16xi32>
        %lt3A_289 = arith.cmpi slt, %sub3A_285, %lt3A_288 : vector<16xi32>
        %and3A = arith.andi %ge3A_287, %lt3A_289 : vector<16xi1>
        %jit3A = arith.constant 0 : i32
        %broadcast_in_dim3A_290 = vector.broadcast %jit3A : i32 to vector<16xi32>
        %select_n3A = arith.select %and3A, %sub3A_285, %broadcast_in_dim3A_290 : vector<16xi1>, vector<16xi32>
        %mul3A_291 = arith.constant 2048 : i32
        %mul3A_292 = arith.muli %scan3A_263, %mul3A_291 : i32
        %mul3A_293 = arith.constant 16 : i32
        %mul3A_294 = arith.muli %scan3A_272, %mul3A_293 : i32
        %add3A_295 = arith.addi %mul3A_292, %mul3A_294 : i32
        %add3A_296 = vector.broadcast %add3A_295 : i32 to vector<16xi32>
        %add3A_297 = arith.addi %add3A_296, %iota3A : vector<16xi32>
        %shift_right_logical3A_298 = arith.constant 7 : i32
        %shift_right_logical3A_299 = vector.broadcast %shift_right_logical3A_298 : i32 to vector<16xi32>
        %shift_right_logical3A_300 = arith.shrui %select_n3A, %shift_right_logical3A_299 : vector<16xi32>
        %and3A_301 = arith.constant 127 : i32
        %and3A_302 = vector.broadcast %and3A_301 : i32 to vector<16xi32>
        %and3A_303 = arith.andi %select_n3A, %and3A_302 : vector<16xi32>
        tpu.vector_store_idx %arg12[%shift_right_logical3A_300, %and3A_303], %add3A_297 masked %and3A : memref<32x128xi32, #tpu.memory_space<vmem>>[vector<16xi32>, vector<16xi32>], vector<16xi32>, vector<16xi1>
      }
      %scan3A_271 = arith.constant 128 : i32
    }
    %scan3A_256 = arith.constant 64 : i32
    %scan3A_257 = arith.constant 0 : i32
    %scan3A_258 = arith.constant 0 : i32
    %scan3A_259 = arith.constant 4 : i32
    %scan3A_260 = arith.addi %scan3A_258, %scan3A_259 : i32
    %scan3A_261 = arith.constant 1 : i32
    scf.for %scan3A_263 = %scan3A_258 to %scan3A_260 step %scan3A_261  : i32 {
      %mul3A_264 = arith.constant 4 : i32
      %mul3A_265 = arith.muli %add3A, %mul3A_264 : i32
      %add3A_266 = arith.addi %mul3A_265, %scan3A_263 : i32
      %scan3A_267 = arith.constant 0 : i32
      %scan3A_268 = arith.constant 0 : i32
      %scan3A_269 = arith.constant 1024 : i32
      %scan3A_270 = arith.addi %scan3A_268, %scan3A_269 : i32
      %scan3A_271 = arith.constant 1 : i32
      scf.for %scan3A_494 = %scan3A_268 to %scan3A_270 step %scan3A_271  : i32 {
        %broadcast_in_dim3A_495 = arith.constant 0.000000e+00 : f32
        %broadcast_in_dim3A_496 = vector.broadcast %broadcast_in_dim3A_495 : f32 to vector<16xf32>
        %swap3A_497 = arith.index_cast %scan3A_494 : i32 to index
        %swap3A_498 = arith.constant 0 : index
        %swap3A_499 = tpu.vector_load %arg16[%swap3A_497, %swap3A_498] {strides = array<i32>} : memref<1024x64xf32, #tpu.memory_space<vmem>>, vector<16xf32>,
        tpu.vector_store %arg16[%swap3A_497, %swap3A_498], %broadcast_in_dim3A_496 {strides = array<i32>} : memref<1024x64xf32, #tpu.memory_space<vmem>>, vector<16xf32>,
        %broadcast_in_dim3A_500 = arith.constant 0.000000e+00 : f32
        %broadcast_in_dim3A_501 = vector.broadcast %broadcast_in_dim3A_500 : f32 to vector<16xf32>
        %swap3A_502 = arith.index_cast %scan3A_494 : i32 to index
        %swap3A_503 = arith.constant 16 : index
        %swap3A_504 = tpu.vector_load %arg16[%swap3A_502, %swap3A_503] {strides = array<i32>} : memref<1024x64xf32, #tpu.memory_space<vmem>>, vector<16xf32>,
        tpu.vector_store %arg16[%swap3A_502, %swap3A_503], %broadcast_in_dim3A_501 {strides = array<i32>} : memref<1024x64xf32, #tpu.memory_space<vmem>>, vector<16xf32>,
        %broadcast_in_dim3A_505 = arith.constant 0.000000e+00 : f32
        %broadcast_in_dim3A_506 = vector.broadcast %broadcast_in_dim3A_505 : f32 to vector<16xf32>
        %swap3A_507 = arith.index_cast %scan3A_494 : i32 to index
        %swap3A_508 = arith.constant 32 : index
        %swap3A_509 = tpu.vector_load %arg16[%swap3A_507, %swap3A_508] {strides = array<i32>} : memref<1024x64xf32, #tpu.memory_space<vmem>>, vector<16xf32>,
        tpu.vector_store %arg16[%swap3A_507, %swap3A_508], %broadcast_in_dim3A_506 {strides = array<i32>} : memref<1024x64xf32, #tpu.memory_space<vmem>>, vector<16xf32>,
        %broadcast_in_dim3A_510 = arith.constant 0.000000e+00 : f32
        %broadcast_in_dim3A_511 = vector.broadcast %broadcast_in_dim3A_510 : f32 to vector<16xf32>
        %swap3A_512 = arith.index_cast %scan3A_494 : i32 to index
        %swap3A_513 = arith.constant 48 : index
        %swap3A_514 = tpu.vector_load %arg16[%swap3A_512, %swap3A_513] {strides = array<i32>} : memref<1024x64xf32, #tpu.memory_space<vmem>>, vector<16xf32>,
        tpu.vector_store %arg16[%swap3A_512, %swap3A_513], %broadcast_in_dim3A_511 {strides = array<i32>} : memref<1024x64xf32, #tpu.memory_space<vmem>>, vector<16xf32>,
      }
      %scan3A_272 = arith.constant 1024 : i32
      %scan3A_273 = arith.constant 0 : i32
      %scan3A_274 = arith.constant 0 : i32
      %scan3A_275 = arith.constant 64 : i32
      %scan3A_276 = arith.addi %scan3A_274, %scan3A_275 : i32
      %scan3A_277 = arith.constant 1 : i32
      scf.for %scan3A_494 = %scan3A_274 to %scan3A_276 step %scan3A_277  : i32 {
        %broadcast_in_dim3A_495 = arith.constant 0.000000e+00 : f32
        %broadcast_in_dim3A_496 = vector.broadcast %broadcast_in_dim3A_495 : f32 to vector<16xf32>
        %mul3A_497 = arith.constant 16 : i32
        %mul3A_498 = arith.muli %scan3A_494, %mul3A_497 : i32
        %swap3A_499 = arith.index_cast %mul3A_498 : i32 to index
        %swap3A_500 = tpu.vector_load %arg17[%swap3A_499] {strides = array<i32>} : memref<1024xf32, #tpu.memory_space<vmem>>, vector<16xf32>,
        tpu.vector_store %arg17[%swap3A_499], %broadcast_in_dim3A_496 {strides = array<i32>} : memref<1024xf32, #tpu.memory_space<vmem>>, vector<16xf32>,
      }
      %scan3A_278 = arith.constant 64 : i32
      %div3A = arith.constant 16 : i32
      %div3A_279 = arith.divsi %add3A_266, %div3A : i32
      %mul3A_280 = arith.constant 16 : i32
      %mul3A_281 = arith.muli %div3A_279, %mul3A_280 : i32
      %multiple_of3A = tpu.assume_multiple %mul3A_281, 8 : i32
      %rem3A = arith.constant 16 : i32
      %rem3A_282 = arith.remsi %add3A_266, %rem3A : i32
      %eq3A = vector.broadcast %rem3A_282 : i32 to vector<16xi32>
      %eq3A_283 = arith.cmpi eq, %iota3A, %eq3A : vector<16xi32>
      %get3A_284 = arith.index_cast %multiple_of3A : i32 to index
      %get3A_285 = tpu.vector_load %arg9[%get3A_284] {strides = array<i32>} : memref<128xi32, #tpu.memory_space<vmem>>, vector<16xi32>,
      %jit3A = arith.constant 0 : i32
      %broadcast_in_dim3A_286 = vector.broadcast %jit3A : i32 to vector<16xi32>
      %select_n3A = arith.select %eq3A_283, %get3A_285, %broadcast_in_dim3A_286 : vector<16xi1>, vector<16xi32>
      %reduce_sum3A = arith.constant true
      %reduce_sum3A_287 = vector.broadcast %reduce_sum3A : i1 to vector<16xi1>
      %reduce_sum3A_288 = tpu.scan <sum>, %select_n3A masked %reduce_sum3A_287 : vector<16xi32>, vector<16xi1> -> vector<16xi32>
      %reduce_sum3A_289 = vector.extract %reduce_sum3A_288[15] : i32 from vector<16xi32>
      %eq3A_290 = vector.broadcast %rem3A_282 : i32 to vector<16xi32>
      %eq3A_291 = arith.cmpi eq, %iota3A, %eq3A_290 : vector<16xi32>
      %get3A_292 = arith.index_cast %multiple_of3A : i32 to index
      %get3A_293 = tpu.vector_load %arg10[%get3A_292] {strides = array<i32>} : memref<128xi32, #tpu.memory_space<vmem>>, vector<16xi32>,
      %jit3A_294 = arith.constant 0 : i32
      %broadcast_in_dim3A_295 = vector.broadcast %jit3A_294 : i32 to vector<16xi32>
      %select_n3A_296 = arith.select %eq3A_291, %get3A_293, %broadcast_in_dim3A_295 : vector<16xi1>, vector<16xi32>
      %reduce_sum3A_297 = arith.constant true
      %reduce_sum3A_298 = vector.broadcast %reduce_sum3A_297 : i1 to vector<16xi1>
      %reduce_sum3A_299 = tpu.scan <sum>, %select_n3A_296 masked %reduce_sum3A_298 : vector<16xi32>, vector<16xi1> -> vector<16xi32>
      %reduce_sum3A_300 = vector.extract %reduce_sum3A_299[15] : i32 from vector<16xi32>
      %add3A_301 = arith.constant 255 : i32
      %add3A_302 = arith.addi %reduce_sum3A_289, %add3A_301 : i32
      %div3A_303 = arith.constant 256 : i32
      %div3A_304 = arith.divsi %add3A_302, %div3A_303 : i32
      %while3A = arith.constant 0 : i32
      %while3A_305 = arith.constant 0 : i32
      %while3A_306 = arith.subi %div3A_304, %while3A_305 : i32
      %while3A_307 = arith.addi %while3A_305, %while3A_306 : i32
      %while3A_308 = arith.constant 1 : i32
      %while3A_309 = arith.divsi %while3A_306, %while3A_308 : i32
      %while3A_310 = arith.muli %while3A_309, %while3A_308 : i32
      %while3A_311 = arith.addi %while3A_305, %while3A_310 : i32
      %while3A_312 = arith.constant 1 : i32
      scf.for %while3A_494 = %while3A_305 to %while3A_311 step %while3A_312  : i32 {
        %mul3A_495 = arith.constant 256 : i32
        %mul3A_496 = arith.muli %while3A_494, %mul3A_495 : i32
        %add3A_497 = arith.addi %reduce_sum3A_300, %mul3A_496 : i32
        %multiple_of3A_498 = tpu.assume_multiple %add3A_497, 8 : i32
        %run_scoped3A = arith.constant 0 : i32
        "tpu.region"() ({
          %run_scoped3A_557 = tpu.sem_alloc : memref<!tpu.dma_semaphore, #tpu.memory_space<semaphore_mem>>
          %dma_start3A_558 = arith.constant 0 : i32
          %dma_start3A_559 = tpu.memref_slice %arg13[%run_scoped3A, %dma_start3A_558] : memref<2x128xi32, #tpu.memory_space<vmem>> -> memref<1x128xi32, #tpu.memory_space<vmem>>
          %dma_start3A_560 = tpu.memref_squeeze %dma_start3A_559 : memref<1x128xi32, #tpu.memory_space<vmem>> -> memref<128xi32, #tpu.memory_space<vmem>>
          %dma_start3A_561 = tpu.memref_slice %arg5[%multiple_of3A_498] : memref<525568xi32, #tpu.memory_space<hbm>> -> memref<128xi32, #tpu.memory_space<hbm>>
          %dma_start3A_562 = arith.constant 0 : i32
          %dma_start3A_563 = tpu.memref_slice %arg13[%run_scoped3A, %dma_start3A_562] : memref<2x128xi32, #tpu.memory_space<vmem>> -> memref<1x128xi32, #tpu.memory_space<vmem>>
          %dma_start3A_564 = tpu.memref_squeeze %dma_start3A_563 : memref<1x128xi32, #tpu.memory_space<vmem>> -> memref<128xi32, #tpu.memory_space<vmem>>
          %dma_start3A_565 = tpu.memref_slice %arg5[%multiple_of3A_498] : memref<525568xi32, #tpu.memory_space<hbm>> -> memref<128xi32, #tpu.memory_space<hbm>>
          tpu.enqueue_dma source(%dma_start3A_565 : memref<128xi32, #tpu.memory_space<hbm>>) target(%dma_start3A_564 : memref<128xi32, #tpu.memory_space<vmem>>) target_semaphore(%run_scoped3A_557 : memref<!tpu.dma_semaphore, #tpu.memory_space<semaphore_mem>>)
          %dma_wait3A_566 = arith.constant 0 : i32
          %dma_wait3A_567 = tpu.memref_slice %arg13[%run_scoped3A, %dma_wait3A_566] : memref<2x128xi32, #tpu.memory_space<vmem>> -> memref<1x128xi32, #tpu.memory_space<vmem>>
          %dma_wait3A_568 = tpu.memref_squeeze %dma_wait3A_567 : memref<1x128xi32, #tpu.memory_space<vmem>> -> memref<128xi32, #tpu.memory_space<vmem>>
          %dma_wait3A_569 = tpu.memref_slice %arg5[%multiple_of3A_498] : memref<525568xi32, #tpu.memory_space<hbm>> -> memref<128xi32, #tpu.memory_space<hbm>>
          %dma_wait3A_570 = arith.constant 0 : i32
          %dma_wait3A_571 = tpu.memref_slice %arg13[%run_scoped3A, %dma_wait3A_570] : memref<2x128xi32, #tpu.memory_space<vmem>> -> memref<1x128xi32, #tpu.memory_space<vmem>>
          %dma_wait3A_572 = tpu.memref_squeeze %dma_wait3A_571 : memref<1x128xi32, #tpu.memory_space<vmem>> -> memref<128xi32, #tpu.memory_space<vmem>>
          %dma_wait3A_573 = tpu.memref_slice %arg5[%multiple_of3A_498] : memref<525568xi32, #tpu.memory_space<hbm>> -> memref<128xi32, #tpu.memory_space<hbm>>
          tpu.wait_dma2 semaphore(%run_scoped3A_557 : memref<!tpu.dma_semaphore, #tpu.memory_space<semaphore_mem>>) src(%dma_wait3A_573 : memref<128xi32, #tpu.memory_space<hbm>>) dst(%dma_wait3A_572 : memref<128xi32, #tpu.memory_space<vmem>>)
          tpu.yield
        }) : () -> ()
        %add3A_499 = arith.constant 128 : i32
        %add3A_500 = arith.addi %multiple_of3A_498, %add3A_499 : i32
        %run_scoped3A_501 = arith.constant 1 : i32
        "tpu.region"() ({
          %run_scoped3A_557 = tpu.sem_alloc : memref<!tpu.dma_semaphore, #tpu.memory_space<semaphore_mem>>
          %dma_start3A_558 = arith.constant 0 : i32
          %dma_start3A_559 = tpu.memref_slice %arg13[%run_scoped3A_501, %dma_start3A_558] : memref<2x128xi32, #tpu.memory_space<vmem>> -> memref<1x128xi32, #tpu.memory_space<vmem>>
          %dma_start3A_560 = tpu.memref_squeeze %dma_start3A_559 : memref<1x128xi32, #tpu.memory_space<vmem>> -> memref<128xi32, #tpu.memory_space<vmem>>
          %dma_start3A_561 = tpu.memref_slice %arg5[%add3A_500] : memref<525568xi32, #tpu.memory_space<hbm>> -> memref<128xi32, #tpu.memory_space<hbm>>
          %dma_start3A_562 = arith.constant 0 : i32
          %dma_start3A_563 = tpu.memref_slice %arg13[%run_scoped3A_501, %dma_start3A_562] : memref<2x128xi32, #tpu.memory_space<vmem>> -> memref<1x128xi32, #tpu.memory_space<vmem>>
          %dma_start3A_564 = tpu.memref_squeeze %dma_start3A_563 : memref<1x128xi32, #tpu.memory_space<vmem>> -> memref<128xi32, #tpu.memory_space<vmem>>
          %dma_start3A_565 = tpu.memref_slice %arg5[%add3A_500] : memref<525568xi32, #tpu.memory_space<hbm>> -> memref<128xi32, #tpu.memory_space<hbm>>
          tpu.enqueue_dma source(%dma_start3A_565 : memref<128xi32, #tpu.memory_space<hbm>>) target(%dma_start3A_564 : memref<128xi32, #tpu.memory_space<vmem>>) target_semaphore(%run_scoped3A_557 : memref<!tpu.dma_semaphore, #tpu.memory_space<semaphore_mem>>)
          %dma_wait3A_566 = arith.constant 0 : i32
          %dma_wait3A_567 = tpu.memref_slice %arg13[%run_scoped3A_501, %dma_wait3A_566] : memref<2x128xi32, #tpu.memory_space<vmem>> -> memref<1x128xi32, #tpu.memory_space<vmem>>
          %dma_wait3A_568 = tpu.memref_squeeze %dma_wait3A_567 : memref<1x128xi32, #tpu.memory_space<vmem>> -> memref<128xi32, #tpu.memory_space<vmem>>
          %dma_wait3A_569 = tpu.memref_slice %arg5[%add3A_500] : memref<525568xi32, #tpu.memory_space<hbm>> -> memref<128xi32, #tpu.memory_space<hbm>>
          %dma_wait3A_570 = arith.constant 0 : i32
          %dma_wait3A_571 = tpu.memref_slice %arg13[%run_scoped3A_501, %dma_wait3A_570] : memref<2x128xi32, #tpu.memory_space<vmem>> -> memref<1x128xi32, #tpu.memory_space<vmem>>
          %dma_wait3A_572 = tpu.memref_squeeze %dma_wait3A_571 : memref<1x128xi32, #tpu.memory_space<vmem>> -> memref<128xi32, #tpu.memory_space<vmem>>
          %dma_wait3A_573 = tpu.memref_slice %arg5[%add3A_500] : memref<525568xi32, #tpu.memory_space<hbm>> -> memref<128xi32, #tpu.memory_space<hbm>>
          tpu.wait_dma2 semaphore(%run_scoped3A_557 : memref<!tpu.dma_semaphore, #tpu.memory_space<semaphore_mem>>) src(%dma_wait3A_573 : memref<128xi32, #tpu.memory_space<hbm>>) dst(%dma_wait3A_572 : memref<128xi32, #tpu.memory_space<vmem>>)
          tpu.yield
        }) : () -> ()
        "tpu.region"() ({
          %run_scoped3A_557 = tpu.sem_alloc : memref<!tpu.dma_semaphore, #tpu.memory_space<semaphore_mem>>
          %dma_start3A_558 = tpu.memref_slice %arg6[%multiple_of3A_498] : memref<525568xi32, #tpu.memory_space<hbm>> -> memref<256xi32, #tpu.memory_space<hbm>>
          %dma_start3A_559 = tpu.memref_slice %arg6[%multiple_of3A_498] : memref<525568xi32, #tpu.memory_space<hbm>> -> memref<256xi32, #tpu.memory_space<hbm>>
          tpu.enqueue_dma source(%dma_start3A_559 : memref<256xi32, #tpu.memory_space<hbm>>) target(%arg14 : memref<256xi32, #tpu.memory_space<vmem>>) target_semaphore(%run_scoped3A_557 : memref<!tpu.dma_semaphore, #tpu.memory_space<semaphore_mem>>)
          %dma_wait3A_560 = tpu.memref_slice %arg6[%multiple_of3A_498] : memref<525568xi32, #tpu.memory_space<hbm>> -> memref<256xi32, #tpu.memory_space<hbm>>
          %dma_wait3A_561 = tpu.memref_slice %arg6[%multiple_of3A_498] : memref<525568xi32, #tpu.memory_space<hbm>> -> memref<256xi32, #tpu.memory_space<hbm>>
          tpu.wait_dma2 semaphore(%run_scoped3A_557 : memref<!tpu.dma_semaphore, #tpu.memory_space<semaphore_mem>>) src(%dma_wait3A_561 : memref<256xi32, #tpu.memory_space<hbm>>) dst(%arg14 : memref<256xi32, #tpu.memory_space<vmem>>)
          tpu.yield
        }) : () -> ()
        %mul3A_502 = arith.constant 256 : i32
        %mul3A_503 = arith.muli %while3A_494, %mul3A_502 : i32
        %sub3A_504 = arith.subi %reduce_sum3A_289, %mul3A_503 : i32
        %scan3A_505 = arith.constant 0 : i32
        %scan3A_506 = arith.constant 0 : i32
        %scan3A_507 = arith.constant 16 : i32
        %scan3A_508 = arith.addi %scan3A_506, %scan3A_507 : i32
        %scan3A_509 = arith.constant 1 : i32
        scf.for %scan3A_557 = %scan3A_506 to %scan3A_508 step %scan3A_509  : i32 {
          %div3A_558 = arith.constant 8 : i32
          %div3A_559 = arith.divsi %scan3A_557, %div3A_558 : i32
          %rem3A_560 = arith.constant 8 : i32
          %rem3A_561 = arith.remsi %scan3A_557, %rem3A_560 : i32
          %mul3A_562 = arith.constant 16 : i32
          %mul3A_563 = arith.muli %rem3A_561, %mul3A_562 : i32
          %get3A_564 = arith.index_cast %div3A_559 : i32 to index
          %get3A_565 = arith.index_cast %mul3A_563 : i32 to index
          %get3A_566 = tpu.vector_load %arg13[%get3A_564, %get3A_565] {strides = array<i32>} : memref<2x128xi32, #tpu.memory_space<vmem>>, vector<16xi32>,
          %mul3A_567 = arith.constant 128 : i32
          %mul3A_568 = arith.muli %div3A_559, %mul3A_567 : i32
          %mul3A_569 = arith.constant 16 : i32
          %mul3A_570 = arith.muli %rem3A_561, %mul3A_569 : i32
          %add3A_571 = arith.addi %mul3A_568, %mul3A_570 : i32
          %add3A_572 = vector.broadcast %add3A_571 : i32 to vector<16xi32>
          %add3A_573 = arith.addi %add3A_572, %iota3A : vector<16xi32>
          %lt3A = vector.broadcast %sub3A_504 : i32 to vector<16xi32>
          %lt3A_574 = arith.cmpi slt, %add3A_573, %lt3A : vector<16xi32>
          %jit3A_575 = arith.constant 0 : i32
          %broadcast_in_dim3A_576 = vector.broadcast %jit3A_575 : i32 to vector<16xi32>
          %select_n3A_577 = arith.select %lt3A_574, %get3A_566, %broadcast_in_dim3A_576 : vector<16xi1>, vector<16xi32>
          %mul3A_578 = arith.constant 16 : i32
          %mul3A_579 = arith.muli %rem3A_561, %mul3A_578 : i32
          %swap3A_580 = arith.index_cast %div3A_559 : i32 to index
          %swap3A_581 = arith.index_cast %mul3A_579 : i32 to index
          %swap3A_582 = tpu.vector_load %arg13[%swap3A_580, %swap3A_581] {strides = array<i32>} : memref<2x128xi32, #tpu.memory_space<vmem>>, vector<16xi32>,
          tpu.vector_store %arg13[%swap3A_580, %swap3A_581], %select_n3A_577 {strides = array<i32>} : memref<2x128xi32, #tpu.memory_space<vmem>>, vector<16xi32>,
        }
        %scan3A_510 = arith.constant 16 : i32
        %dma_start3A_511 = arith.constant 0 : i32
        %dma_start3A_512 = arith.constant 0 : i32
        %dma_start3A_513 = arith.constant 0 : i32
        %dma_start3A_514 = tpu.memref_slice %arg15[%dma_start3A_512, %dma_start3A_513] : memref<256x64xf32, #tpu.memory_space<vmem>> -> memref<128x64xf32, #tpu.memory_space<vmem>>
        %dma_start3A_515 = arith.constant 0 : i32
        %dma_start3A_516 = tpu.memref_slice %arg13[%dma_start3A_511, %dma_start3A_515] : memref<2x128xi32, #tpu.memory_space<vmem>> -> memref<1x128xi32, #tpu.memory_space<vmem>>
        %dma_start3A_517 = tpu.memref_squeeze %dma_start3A_516 : memref<1x128xi32, #tpu.memory_space<vmem>> -> memref<128xi32, #tpu.memory_space<vmem>>
        %dma_start3A_518 = arith.constant 0 : i32
        %dma_start3A_519 = arith.constant 0 : i32
        %dma_start3A_520 = tpu.memref_slice %arg2[%dma_start3A_518, %dma_start3A_519] : memref<524288x64xf32, #tpu.memory_space<hbm>> -> memref<524288x64xf32, #tpu.memory_space<hbm>>
        tpu.enqueue_indirect_dma source(%dma_start3A_520 : memref<524288x64xf32, #tpu.memory_space<hbm>>) target(%dma_start3A_514 : memref<128x64xf32, #tpu.memory_space<vmem>>) offsets(%dma_start3A_517 : memref<128xi32, #tpu.memory_space<vmem>>) semaphore(%arg18 : memref<!tpu.dma_semaphore, #tpu.memory_space<semaphore_mem>>)
        %dma_start3A_521 = arith.constant 1 : i32
        %dma_start3A_522 = arith.constant 128 : i32
        %dma_start3A_523 = arith.constant 0 : i32
        %dma_start3A_524 = tpu.memref_slice %arg15[%dma_start3A_522, %dma_start3A_523] : memref<256x64xf32, #tpu.memory_space<vmem>> -> memref<128x64xf32, #tpu.memory_space<vmem>>
        %dma_start3A_525 = arith.constant 0 : i32
        %dma_start3A_526 = tpu.memref_slice %arg13[%dma_start3A_521, %dma_start3A_525] : memref<2x128xi32, #tpu.memory_space<vmem>> -> memref<1x128xi32, #tpu.memory_space<vmem>>
        %dma_start3A_527 = tpu.memref_squeeze %dma_start3A_526 : memref<1x128xi32, #tpu.memory_space<vmem>> -> memref<128xi32, #tpu.memory_space<vmem>>
        %dma_start3A_528 = arith.constant 0 : i32
        %dma_start3A_529 = arith.constant 0 : i32
        %dma_start3A_530 = tpu.memref_slice %arg2[%dma_start3A_528, %dma_start3A_529] : memref<524288x64xf32, #tpu.memory_space<hbm>> -> memref<524288x64xf32, #tpu.memory_space<hbm>>
        tpu.enqueue_indirect_dma source(%dma_start3A_530 : memref<524288x64xf32, #tpu.memory_space<hbm>>) target(%dma_start3A_524 : memref<128x64xf32, #tpu.memory_space<vmem>>) offsets(%dma_start3A_527 : memref<128xi32, #tpu.memory_space<vmem>>) semaphore(%arg18 : memref<!tpu.dma_semaphore, #tpu.memory_space<semaphore_mem>>)
        %dma_wait3A_531 = arith.constant 0 : i32
        %dma_wait3A_532 = arith.constant 0 : i32
        %dma_wait3A_533 = arith.constant 0 : i32
        %dma_wait3A_534 = tpu.memref_slice %arg15[%dma_wait3A_532, %dma_wait3A_533] : memref<256x64xf32, #tpu.memory_space<vmem>> -> memref<128x64xf32, #tpu.memory_space<vmem>>
        %dma_wait3A_535 = arith.constant 0 : i32
        %dma_wait3A_536 = tpu.memref_slice %arg13[%dma_wait3A_531, %dma_wait3A_535] : memref<2x128xi32, #tpu.memory_space<vmem>> -> memref<1x128xi32, #tpu.memory_space<vmem>>
        %dma_wait3A_537 = tpu.memref_squeeze %dma_wait3A_536 : memref<1x128xi32, #tpu.memory_space<vmem>> -> memref<128xi32, #tpu.memory_space<vmem>>
        %dma_wait3A_538 = arith.constant 0 : i32
        %dma_wait3A_539 = arith.constant 0 : i32
        %dma_wait3A_540 = tpu.memref_slice %arg2[%dma_wait3A_538, %dma_wait3A_539] : memref<524288x64xf32, #tpu.memory_space<hbm>> -> memref<524288x64xf32, #tpu.memory_space<hbm>>
        tpu.wait_indirect_dma semaphore(%arg18 : memref<!tpu.dma_semaphore, #tpu.memory_space<semaphore_mem>>) src(%dma_wait3A_540 : memref<524288x64xf32, #tpu.memory_space<hbm>>) dst(%dma_wait3A_534 : memref<128x64xf32, #tpu.memory_space<vmem>>)
        %dma_wait3A_541 = arith.constant 1 : i32
        %dma_wait3A_542 = arith.constant 128 : i32
        %dma_wait3A_543 = arith.constant 0 : i32
        %dma_wait3A_544 = tpu.memref_slice %arg15[%dma_wait3A_542, %dma_wait3A_543] : memref<256x64xf32, #tpu.memory_space<vmem>> -> memref<128x64xf32, #tpu.memory_space<vmem>>
        %dma_wait3A_545 = arith.constant 0 : i32
        %dma_wait3A_546 = tpu.memref_slice %arg13[%dma_wait3A_541, %dma_wait3A_545] : memref<2x128xi32, #tpu.memory_space<vmem>> -> memref<1x128xi32, #tpu.memory_space<vmem>>
        %dma_wait3A_547 = tpu.memref_squeeze %dma_wait3A_546 : memref<1x128xi32, #tpu.memory_space<vmem>> -> memref<128xi32, #tpu.memory_space<vmem>>
        %dma_wait3A_548 = arith.constant 0 : i32
        %dma_wait3A_549 = arith.constant 0 : i32
        %dma_wait3A_550 = tpu.memref_slice %arg2[%dma_wait3A_548, %dma_wait3A_549] : memref<524288x64xf32, #tpu.memory_space<hbm>> -> memref<524288x64xf32, #tpu.memory_space<hbm>>
        tpu.wait_indirect_dma semaphore(%arg18 : memref<!tpu.dma_semaphore, #tpu.memory_space<semaphore_mem>>) src(%dma_wait3A_550 : memref<524288x64xf32, #tpu.memory_space<hbm>>) dst(%dma_wait3A_544 : memref<128x64xf32, #tpu.memory_space<vmem>>)
        %scan3A_551 = arith.constant 0 : i32
        %scan3A_552 = arith.constant 0 : i32
        %scan3A_553 = arith.constant 16 : i32
        %scan3A_554 = arith.addi %scan3A_552, %scan3A_553 : i32
        %scan3A_555 = arith.constant 1 : i32
        scf.for %scan3A_557 = %scan3A_552 to %scan3A_554 step %scan3A_555  : i32 {
          %mul3A_558 = arith.constant 16 : i32
          %mul3A_559 = arith.muli %scan3A_557, %mul3A_558 : i32
          %get3A_560 = arith.index_cast %mul3A_559 : i32 to index
          %get3A_561 = tpu.vector_load %arg14[%get3A_560] {strides = array<i32>} : memref<256xi32, #tpu.memory_space<vmem>>, vector<16xi32>,
          %mul3A_562 = arith.constant 1024 : i32
          %mul3A_563 = arith.muli %add3A_266, %mul3A_562 : i32
          %sub3A_564 = vector.broadcast %mul3A_563 : i32 to vector<16xi32>
          %sub3A_565 = arith.subi %get3A_561, %sub3A_564 : vector<16xi32>
          %add3A_566 = vector.broadcast %mul3A_559 : i32 to vector<16xi32>
          %add3A_567 = arith.addi %add3A_566, %iota3A : vector<16xi32>
          %lt3A = vector.broadcast %sub3A_504 : i32 to vector<16xi32>
          %lt3A_568 = arith.cmpi slt, %add3A_567, %lt3A : vector<16xi32>
          %jit3A_569 = arith.constant 0 : i32
          %broadcast_in_dim3A_570 = vector.broadcast %jit3A_569 : i32 to vector<16xi32>
          %select_n3A_571 = arith.select %lt3A_568, %sub3A_565, %broadcast_in_dim3A_570 : vector<16xi1>, vector<16xi32>
          tpu.vector_store_idx %arg17[%select_n3A_571], %broadcast_in_dim3A_1 masked %lt3A_568 {add = true} : memref<1024xf32, #tpu.memory_space<vmem>>[vector<16xi32>], vector<16xf32>, vector<16xi1>
        }
        %scan3A_556 = arith.constant 16 : i32
      }
      %while3A_313 = arith.constant 1 : i32
      scf.for %while3A_494 = %while3A_311 to %while3A_307 step %while3A_313  : i32 {
        %mul3A_495 = arith.constant 256 : i32
        %mul3A_496 = arith.muli %while3A_494, %mul3A_495 : i32
        %add3A_497 = arith.addi %reduce_sum3A_300, %mul3A_496 : i32
        %multiple_of3A_498 = tpu.assume_multiple %add3A_497, 8 : i32
        %run_scoped3A = arith.constant 0 : i32
        "tpu.region"() ({
          %run_scoped3A_557 = tpu.sem_alloc : memref<!tpu.dma_semaphore, #tpu.memory_space<semaphore_mem>>
          %dma_start3A_558 = arith.constant 0 : i32
          %dma_start3A_559 = tpu.memref_slice %arg13[%run_scoped3A, %dma_start3A_558] : memref<2x128xi32, #tpu.memory_space<vmem>> -> memref<1x128xi32, #tpu.memory_space<vmem>>
          %dma_start3A_560 = tpu.memref_squeeze %dma_start3A_559 : memref<1x128xi32, #tpu.memory_space<vmem>> -> memref<128xi32, #tpu.memory_space<vmem>>
          %dma_start3A_561 = tpu.memref_slice %arg5[%multiple_of3A_498] : memref<525568xi32, #tpu.memory_space<hbm>> -> memref<128xi32, #tpu.memory_space<hbm>>
          %dma_start3A_562 = arith.constant 0 : i32
          %dma_start3A_563 = tpu.memref_slice %arg13[%run_scoped3A, %dma_start3A_562] : memref<2x128xi32, #tpu.memory_space<vmem>> -> memref<1x128xi32, #tpu.memory_space<vmem>>
          %dma_start3A_564 = tpu.memref_squeeze %dma_start3A_563 : memref<1x128xi32, #tpu.memory_space<vmem>> -> memref<128xi32, #tpu.memory_space<vmem>>
          %dma_start3A_565 = tpu.memref_slice %arg5[%multiple_of3A_498] : memref<525568xi32, #tpu.memory_space<hbm>> -> memref<128xi32, #tpu.memory_space<hbm>>
          tpu.enqueue_dma source(%dma_start3A_565 : memref<128xi32, #tpu.memory_space<hbm>>) target(%dma_start3A_564 : memref<128xi32, #tpu.memory_space<vmem>>) target_semaphore(%run_scoped3A_557 : memref<!tpu.dma_semaphore, #tpu.memory_space<semaphore_mem>>)
          %dma_wait3A_566 = arith.constant 0 : i32
          %dma_wait3A_567 = tpu.memref_slice %arg13[%run_scoped3A, %dma_wait3A_566] : memref<2x128xi32, #tpu.memory_space<vmem>> -> memref<1x128xi32, #tpu.memory_space<vmem>>
          %dma_wait3A_568 = tpu.memref_squeeze %dma_wait3A_567 : memref<1x128xi32, #tpu.memory_space<vmem>> -> memref<128xi32, #tpu.memory_space<vmem>>
          %dma_wait3A_569 = tpu.memref_slice %arg5[%multiple_of3A_498] : memref<525568xi32, #tpu.memory_space<hbm>> -> memref<128xi32, #tpu.memory_space<hbm>>
          %dma_wait3A_570 = arith.constant 0 : i32
          %dma_wait3A_571 = tpu.memref_slice %arg13[%run_scoped3A, %dma_wait3A_570] : memref<2x128xi32, #tpu.memory_space<vmem>> -> memref<1x128xi32, #tpu.memory_space<vmem>>
          %dma_wait3A_572 = tpu.memref_squeeze %dma_wait3A_571 : memref<1x128xi32, #tpu.memory_space<vmem>> -> memref<128xi32, #tpu.memory_space<vmem>>
          %dma_wait3A_573 = tpu.memref_slice %arg5[%multiple_of3A_498] : memref<525568xi32, #tpu.memory_space<hbm>> -> memref<128xi32, #tpu.memory_space<hbm>>
          tpu.wait_dma2 semaphore(%run_scoped3A_557 : memref<!tpu.dma_semaphore, #tpu.memory_space<semaphore_mem>>) src(%dma_wait3A_573 : memref<128xi32, #tpu.memory_space<hbm>>) dst(%dma_wait3A_572 : memref<128xi32, #tpu.memory_space<vmem>>)
          tpu.yield
        }) : () -> ()
        %add3A_499 = arith.constant 128 : i32
        %add3A_500 = arith.addi %multiple_of3A_498, %add3A_499 : i32
        %run_scoped3A_501 = arith.constant 1 : i32
        "tpu.region"() ({
          %run_scoped3A_557 = tpu.sem_alloc : memref<!tpu.dma_semaphore, #tpu.memory_space<semaphore_mem>>
          %dma_start3A_558 = arith.constant 0 : i32
          %dma_start3A_559 = tpu.memref_slice %arg13[%run_scoped3A_501, %dma_start3A_558] : memref<2x128xi32, #tpu.memory_space<vmem>> -> memref<1x128xi32, #tpu.memory_space<vmem>>
          %dma_start3A_560 = tpu.memref_squeeze %dma_start3A_559 : memref<1x128xi32, #tpu.memory_space<vmem>> -> memref<128xi32, #tpu.memory_space<vmem>>
          %dma_start3A_561 = tpu.memref_slice %arg5[%add3A_500] : memref<525568xi32, #tpu.memory_space<hbm>> -> memref<128xi32, #tpu.memory_space<hbm>>
          %dma_start3A_562 = arith.constant 0 : i32
          %dma_start3A_563 = tpu.memref_slice %arg13[%run_scoped3A_501, %dma_start3A_562] : memref<2x128xi32, #tpu.memory_space<vmem>> -> memref<1x128xi32, #tpu.memory_space<vmem>>
          %dma_start3A_564 = tpu.memref_squeeze %dma_start3A_563 : memref<1x128xi32, #tpu.memory_space<vmem>> -> memref<128xi32, #tpu.memory_space<vmem>>
          %dma_start3A_565 = tpu.memref_slice %arg5[%add3A_500] : memref<525568xi32, #tpu.memory_space<hbm>> -> memref<128xi32, #tpu.memory_space<hbm>>
          tpu.enqueue_dma source(%dma_start3A_565 : memref<128xi32, #tpu.memory_space<hbm>>) target(%dma_start3A_564 : memref<128xi32, #tpu.memory_space<vmem>>) target_semaphore(%run_scoped3A_557 : memref<!tpu.dma_semaphore, #tpu.memory_space<semaphore_mem>>)
          %dma_wait3A_566 = arith.constant 0 : i32
          %dma_wait3A_567 = tpu.memref_slice %arg13[%run_scoped3A_501, %dma_wait3A_566] : memref<2x128xi32, #tpu.memory_space<vmem>> -> memref<1x128xi32, #tpu.memory_space<vmem>>
          %dma_wait3A_568 = tpu.memref_squeeze %dma_wait3A_567 : memref<1x128xi32, #tpu.memory_space<vmem>> -> memref<128xi32, #tpu.memory_space<vmem>>
          %dma_wait3A_569 = tpu.memref_slice %arg5[%add3A_500] : memref<525568xi32, #tpu.memory_space<hbm>> -> memref<128xi32, #tpu.memory_space<hbm>>
          %dma_wait3A_570 = arith.constant 0 : i32
          %dma_wait3A_571 = tpu.memref_slice %arg13[%run_scoped3A_501, %dma_wait3A_570] : memref<2x128xi32, #tpu.memory_space<vmem>> -> memref<1x128xi32, #tpu.memory_space<vmem>>
          %dma_wait3A_572 = tpu.memref_squeeze %dma_wait3A_571 : memref<1x128xi32, #tpu.memory_space<vmem>> -> memref<128xi32, #tpu.memory_space<vmem>>
          %dma_wait3A_573 = tpu.memref_slice %arg5[%add3A_500] : memref<525568xi32, #tpu.memory_space<hbm>> -> memref<128xi32, #tpu.memory_space<hbm>>
          tpu.wait_dma2 semaphore(%run_scoped3A_557 : memref<!tpu.dma_semaphore, #tpu.memory_space<semaphore_mem>>) src(%dma_wait3A_573 : memref<128xi32, #tpu.memory_space<hbm>>) dst(%dma_wait3A_572 : memref<128xi32, #tpu.memory_space<vmem>>)
          tpu.yield
        }) : () -> ()
        "tpu.region"() ({
          %run_scoped3A_557 = tpu.sem_alloc : memref<!tpu.dma_semaphore, #tpu.memory_space<semaphore_mem>>
          %dma_start3A_558 = tpu.memref_slice %arg6[%multiple_of3A_498] : memref<525568xi32, #tpu.memory_space<hbm>> -> memref<256xi32, #tpu.memory_space<hbm>>
          %dma_start3A_559 = tpu.memref_slice %arg6[%multiple_of3A_498] : memref<525568xi32, #tpu.memory_space<hbm>> -> memref<256xi32, #tpu.memory_space<hbm>>
          tpu.enqueue_dma source(%dma_start3A_559 : memref<256xi32, #tpu.memory_space<hbm>>) target(%arg14 : memref<256xi32, #tpu.memory_space<vmem>>) target_semaphore(%run_scoped3A_557 : memref<!tpu.dma_semaphore, #tpu.memory_space<semaphore_mem>>)
          %dma_wait3A_560 = tpu.memref_slice %arg6[%multiple_of3A_498] : memref<525568xi32, #tpu.memory_space<hbm>> -> memref<256xi32, #tpu.memory_space<hbm>>
          %dma_wait3A_561 = tpu.memref_slice %arg6[%multiple_of3A_498] : memref<525568xi32, #tpu.memory_space<hbm>> -> memref<256xi32, #tpu.memory_space<hbm>>
          tpu.wait_dma2 semaphore(%run_scoped3A_557 : memref<!tpu.dma_semaphore, #tpu.memory_space<semaphore_mem>>) src(%dma_wait3A_561 : memref<256xi32, #tpu.memory_space<hbm>>) dst(%arg14 : memref<256xi32, #tpu.memory_space<vmem>>)
          tpu.yield
        }) : () -> ()
        %mul3A_502 = arith.constant 256 : i32
        %mul3A_503 = arith.muli %while3A_494, %mul3A_502 : i32
        %sub3A_504 = arith.subi %reduce_sum3A_289, %mul3A_503 : i32
        %scan3A_505 = arith.constant 0 : i32
        %scan3A_506 = arith.constant 0 : i32
        %scan3A_507 = arith.constant 16 : i32
        %scan3A_508 = arith.addi %scan3A_506, %scan3A_507 : i32
        %scan3A_509 = arith.constant 1 : i32
        scf.for %scan3A_557 = %scan3A_506 to %scan3A_508 step %scan3A_509  : i32 {
          %div3A_558 = arith.constant 8 : i32
          %div3A_559 = arith.divsi %scan3A_557, %div3A_558 : i32
          %rem3A_560 = arith.constant 8 : i32
          %rem3A_561 = arith.remsi %scan3A_557, %rem3A_560 : i32
          %mul3A_562 = arith.constant 16 : i32
          %mul3A_563 = arith.muli %rem3A_561, %mul3A_562 : i32
          %get3A_564 = arith.index_cast %div3A_559 : i32 to index
          %get3A_565 = arith.index_cast %mul3A_563 : i32 to index
          %get3A_566 = tpu.vector_load %arg13[%get3A_564, %get3A_565] {strides = array<i32>} : memref<2x128xi32, #tpu.memory_space<vmem>>, vector<16xi32>,
          %mul3A_567 = arith.constant 128 : i32
          %mul3A_568 = arith.muli %div3A_559, %mul3A_567 : i32
          %mul3A_569 = arith.constant 16 : i32
          %mul3A_570 = arith.muli %rem3A_561, %mul3A_569 : i32
          %add3A_571 = arith.addi %mul3A_568, %mul3A_570 : i32
          %add3A_572 = vector.broadcast %add3A_571 : i32 to vector<16xi32>
          %add3A_573 = arith.addi %add3A_572, %iota3A : vector<16xi32>
          %lt3A = vector.broadcast %sub3A_504 : i32 to vector<16xi32>
          %lt3A_574 = arith.cmpi slt, %add3A_573, %lt3A : vector<16xi32>
          %jit3A_575 = arith.constant 0 : i32
          %broadcast_in_dim3A_576 = vector.broadcast %jit3A_575 : i32 to vector<16xi32>
          %select_n3A_577 = arith.select %lt3A_574, %get3A_566, %broadcast_in_dim3A_576 : vector<16xi1>, vector<16xi32>
          %mul3A_578 = arith.constant 16 : i32
          %mul3A_579 = arith.muli %rem3A_561, %mul3A_578 : i32
          %swap3A_580 = arith.index_cast %div3A_559 : i32 to index
          %swap3A_581 = arith.index_cast %mul3A_579 : i32 to index
          %swap3A_582 = tpu.vector_load %arg13[%swap3A_580, %swap3A_581] {strides = array<i32>} : memref<2x128xi32, #tpu.memory_space<vmem>>, vector<16xi32>,
          tpu.vector_store %arg13[%swap3A_580, %swap3A_581], %select_n3A_577 {strides = array<i32>} : memref<2x128xi32, #tpu.memory_space<vmem>>, vector<16xi32>,
        }
        %scan3A_510 = arith.constant 16 : i32
        %dma_start3A_511 = arith.constant 0 : i32
        %dma_start3A_512 = arith.constant 0 : i32
        %dma_start3A_513 = arith.constant 0 : i32
        %dma_start3A_514 = tpu.memref_slice %arg15[%dma_start3A_512, %dma_start3A_513] : memref<256x64xf32, #tpu.memory_space<vmem>> -> memref<128x64xf32, #tpu.memory_space<vmem>>
        %dma_start3A_515 = arith.constant 0 : i32
        %dma_start3A_516 = tpu.memref_slice %arg13[%dma_start3A_511, %dma_start3A_515] : memref<2x128xi32, #tpu.memory_space<vmem>> -> memref<1x128xi32, #tpu.memory_space<vmem>>
        %dma_start3A_517 = tpu.memref_squeeze %dma_start3A_516 : memref<1x128xi32, #tpu.memory_space<vmem>> -> memref<128xi32, #tpu.memory_space<vmem>>
        %dma_start3A_518 = arith.constant 0 : i32
        %dma_start3A_519 = arith.constant 0 : i32
        %dma_start3A_520 = tpu.memref_slice %arg2[%dma_start3A_518, %dma_start3A_519] : memref<524288x64xf32, #tpu.memory_space<hbm>> -> memref<524288x64xf32, #tpu.memory_space<hbm>>
        tpu.enqueue_indirect_dma source(%dma_start3A_520 : memref<524288x64xf32, #tpu.memory_space<hbm>>) target(%dma_start3A_514 : memref<128x64xf32, #tpu.memory_space<vmem>>) offsets(%dma_start3A_517 : memref<128xi32, #tpu.memory_space<vmem>>) semaphore(%arg18 : memref<!tpu.dma_semaphore, #tpu.memory_space<semaphore_mem>>)
        %dma_start3A_521 = arith.constant 1 : i32
        %dma_start3A_522 = arith.constant 128 : i32
        %dma_start3A_523 = arith.constant 0 : i32
        %dma_start3A_524 = tpu.memref_slice %arg15[%dma_start3A_522, %dma_start3A_523] : memref<256x64xf32, #tpu.memory_space<vmem>> -> memref<128x64xf32, #tpu.memory_space<vmem>>
        %dma_start3A_525 = arith.constant 0 : i32
        %dma_start3A_526 = tpu.memref_slice %arg13[%dma_start3A_521, %dma_start3A_525] : memref<2x128xi32, #tpu.memory_space<vmem>> -> memref<1x128xi32, #tpu.memory_space<vmem>>
        %dma_start3A_527 = tpu.memref_squeeze %dma_start3A_526 : memref<1x128xi32, #tpu.memory_space<vmem>> -> memref<128xi32, #tpu.memory_space<vmem>>
        %dma_start3A_528 = arith.constant 0 : i32
        %dma_start3A_529 = arith.constant 0 : i32
        %dma_start3A_530 = tpu.memref_slice %arg2[%dma_start3A_528, %dma_start3A_529] : memref<524288x64xf32, #tpu.memory_space<hbm>> -> memref<524288x64xf32, #tpu.memory_space<hbm>>
        tpu.enqueue_indirect_dma source(%dma_start3A_530 : memref<524288x64xf32, #tpu.memory_space<hbm>>) target(%dma_start3A_524 : memref<128x64xf32, #tpu.memory_space<vmem>>) offsets(%dma_start3A_527 : memref<128xi32, #tpu.memory_space<vmem>>) semaphore(%arg18 : memref<!tpu.dma_semaphore, #tpu.memory_space<semaphore_mem>>)
        %dma_wait3A_531 = arith.constant 0 : i32
        %dma_wait3A_532 = arith.constant 0 : i32
        %dma_wait3A_533 = arith.constant 0 : i32
        %dma_wait3A_534 = tpu.memref_slice %arg15[%dma_wait3A_532, %dma_wait3A_533] : memref<256x64xf32, #tpu.memory_space<vmem>> -> memref<128x64xf32, #tpu.memory_space<vmem>>
        %dma_wait3A_535 = arith.constant 0 : i32
        %dma_wait3A_536 = tpu.memref_slice %arg13[%dma_wait3A_531, %dma_wait3A_535] : memref<2x128xi32, #tpu.memory_space<vmem>> -> memref<1x128xi32, #tpu.memory_space<vmem>>
        %dma_wait3A_537 = tpu.memref_squeeze %dma_wait3A_536 : memref<1x128xi32, #tpu.memory_space<vmem>> -> memref<128xi32, #tpu.memory_space<vmem>>
        %dma_wait3A_538 = arith.constant 0 : i32
        %dma_wait3A_539 = arith.constant 0 : i32
        %dma_wait3A_540 = tpu.memref_slice %arg2[%dma_wait3A_538, %dma_wait3A_539] : memref<524288x64xf32, #tpu.memory_space<hbm>> -> memref<524288x64xf32, #tpu.memory_space<hbm>>
        tpu.wait_indirect_dma semaphore(%arg18 : memref<!tpu.dma_semaphore, #tpu.memory_space<semaphore_mem>>) src(%dma_wait3A_540 : memref<524288x64xf32, #tpu.memory_space<hbm>>) dst(%dma_wait3A_534 : memref<128x64xf32, #tpu.memory_space<vmem>>)
        %dma_wait3A_541 = arith.constant 1 : i32
        %dma_wait3A_542 = arith.constant 128 : i32
        %dma_wait3A_543 = arith.constant 0 : i32
        %dma_wait3A_544 = tpu.memref_slice %arg15[%dma_wait3A_542, %dma_wait3A_543] : memref<256x64xf32, #tpu.memory_space<vmem>> -> memref<128x64xf32, #tpu.memory_space<vmem>>
        %dma_wait3A_545 = arith.constant 0 : i32
        %dma_wait3A_546 = tpu.memref_slice %arg13[%dma_wait3A_541, %dma_wait3A_545] : memref<2x128xi32, #tpu.memory_space<vmem>> -> memref<1x128xi32, #tpu.memory_space<vmem>>
        %dma_wait3A_547 = tpu.memref_squeeze %dma_wait3A_546 : memref<1x128xi32, #tpu.memory_space<vmem>> -> memref<128xi32, #tpu.memory_space<vmem>>
        %dma_wait3A_548 = arith.constant 0 : i32
        %dma_wait3A_549 = arith.constant 0 : i32
        %dma_wait3A_550 = tpu.memref_slice %arg2[%dma_wait3A_548, %dma_wait3A_549] : memref<524288x64xf32, #tpu.memory_space<hbm>> -> memref<524288x64xf32, #tpu.memory_space<hbm>>
        tpu.wait_indirect_dma semaphore(%arg18 : memref<!tpu.dma_semaphore, #tpu.memory_space<semaphore_mem>>) src(%dma_wait3A_550 : memref<524288x64xf32, #tpu.memory_space<hbm>>) dst(%dma_wait3A_544 : memref<128x64xf32, #tpu.memory_space<vmem>>)
        %scan3A_551 = arith.constant 0 : i32
        %scan3A_552 = arith.constant 0 : i32
        %scan3A_553 = arith.constant 16 : i32
        %scan3A_554 = arith.addi %scan3A_552, %scan3A_553 : i32
        %scan3A_555 = arith.constant 1 : i32
        scf.for %scan3A_557 = %scan3A_552 to %scan3A_554 step %scan3A_555  : i32 {
          %mul3A_558 = arith.constant 16 : i32
          %mul3A_559 = arith.muli %scan3A_557, %mul3A_558 : i32
          %get3A_560 = arith.index_cast %mul3A_559 : i32 to index
          %get3A_561 = tpu.vector_load %arg14[%get3A_560] {strides = array<i32>} : memref<256xi32, #tpu.memory_space<vmem>>, vector<16xi32>,
          %mul3A_562 = arith.constant 1024 : i32
          %mul3A_563 = arith.muli %add3A_266, %mul3A_562 : i32
          %sub3A_564 = vector.broadcast %mul3A_563 : i32 to vector<16xi32>
          %sub3A_565 = arith.subi %get3A_561, %sub3A_564 : vector<16xi32>
          %add3A_566 = vector.broadcast %mul3A_559 : i32 to vector<16xi32>
          %add3A_567 = arith.addi %add3A_566, %iota3A : vector<16xi32>
          %lt3A = vector.broadcast %sub3A_504 : i32 to vector<16xi32>
          %lt3A_568 = arith.cmpi slt, %add3A_567, %lt3A : vector<16xi32>
          %jit3A_569 = arith.constant 0 : i32
          %broadcast_in_dim3A_570 = vector.broadcast %jit3A_569 : i32 to vector<16xi32>
          %select_n3A_571 = arith.select %lt3A_568, %sub3A_565, %broadcast_in_dim3A_570 : vector<16xi1>, vector<16xi32>
          tpu.vector_store_idx %arg17[%select_n3A_571], %broadcast_in_dim3A_1 masked %lt3A_568 {add = true} : memref<1024xf32, #tpu.memory_space<vmem>>[vector<16xi32>], vector<16xf32>, vector<16xi1>
        }
        %scan3A_556 = arith.constant 16 : i32
      }
      %scan3A_314 = arith.constant 0 : i32
      %scan3A_315 = arith.constant 0 : i32
      %scan3A_316 = arith.constant 64 : i32
      %scan3A_317 = arith.addi %scan3A_315, %scan3A_316 : i32
      %scan3A_318 = arith.constant 1 : i32
      scf.for %scan3A_494 = %scan3A_315 to %scan3A_317 step %scan3A_318  : i32 {
        %mul3A_495 = arith.constant 16 : i32
        %mul3A_496 = arith.muli %scan3A_494, %mul3A_495 : i32
        %get3A_497 = arith.index_cast %mul3A_496 : i32 to index
        %get3A_498 = tpu.vector_load %arg17[%get3A_497] {strides = array<i32>} : memref<1024xf32, #tpu.memory_space<vmem>>, vector<16xf32>,
        %max3A = arith.constant 1.000000e+00 : f32
        %max3A_499 = vector.broadcast %max3A : f32 to vector<16xf32>
        %max3A_500 = arith.maximumf %get3A_498, %max3A_499 : vector<16xf32>
        %div3A_501 = arith.constant 1.000000e+00 : f32
        %div3A_502 = vector.broadcast %div3A_501 : f32 to vector<16xf32>
        %div3A_503 = arith.divf %div3A_502, %max3A_500 : vector<16xf32>
        %mul3A_504 = arith.constant 16 : i32
        %mul3A_505 = arith.muli %scan3A_494, %mul3A_504 : i32
        %add3A_506 = arith.constant 0 : i32
        %add3A_507 = arith.addi %mul3A_505, %add3A_506 : i32
        %slice3A_508 = vector.extract_strided_slice %div3A_503 {offsets = [0], sizes = [1], strides = [1]} : vector<16xf32> to vector<1xf32>
        %squeeze3A_509 = vector.extract %slice3A_508[0] : f32 from vector<1xf32>
        %get3A_510 = arith.index_cast %add3A_507 : i32 to index
        %get3A_511 = arith.constant 0 : index
        %get3A_512 = tpu.vector_load %arg16[%get3A_510, %get3A_511] {strides = array<i32>} : memref<1024x64xf32, #tpu.memory_space<vmem>>, vector<16xf32>,
        %mul3A_513 = vector.broadcast %squeeze3A_509 : f32 to vector<16xf32>
        %mul3A_514 = arith.mulf %get3A_512, %mul3A_513 : vector<16xf32>
        %swap3A_515 = arith.index_cast %add3A_507 : i32 to index
        %swap3A_516 = arith.constant 0 : index
        %swap3A_517 = tpu.vector_load %arg16[%swap3A_515, %swap3A_516] {strides = array<i32>} : memref<1024x64xf32, #tpu.memory_space<vmem>>, vector<16xf32>,
        tpu.vector_store %arg16[%swap3A_515, %swap3A_516], %mul3A_514 {strides = array<i32>} : memref<1024x64xf32, #tpu.memory_space<vmem>>, vector<16xf32>,
        %get3A_518 = arith.index_cast %add3A_507 : i32 to index
        %get3A_519 = arith.constant 16 : index
        %get3A_520 = tpu.vector_load %arg16[%get3A_518, %get3A_519] {strides = array<i32>} : memref<1024x64xf32, #tpu.memory_space<vmem>>, vector<16xf32>,
        %mul3A_521 = vector.broadcast %squeeze3A_509 : f32 to vector<16xf32>
        %mul3A_522 = arith.mulf %get3A_520, %mul3A_521 : vector<16xf32>
        %swap3A_523 = arith.index_cast %add3A_507 : i32 to index
        %swap3A_524 = arith.constant 16 : index
        %swap3A_525 = tpu.vector_load %arg16[%swap3A_523, %swap3A_524] {strides = array<i32>} : memref<1024x64xf32, #tpu.memory_space<vmem>>, vector<16xf32>,
        tpu.vector_store %arg16[%swap3A_523, %swap3A_524], %mul3A_522 {strides = array<i32>} : memref<1024x64xf32, #tpu.memory_space<vmem>>, vector<16xf32>,
        %get3A_526 = arith.index_cast %add3A_507 : i32 to index
        %get3A_527 = arith.constant 32 : index
        %get3A_528 = tpu.vector_load %arg16[%get3A_526, %get3A_527] {strides = array<i32>} : memref<1024x64xf32, #tpu.memory_space<vmem>>, vector<16xf32>,
        %mul3A_529 = vector.broadcast %squeeze3A_509 : f32 to vector<16xf32>
        %mul3A_530 = arith.mulf %get3A_528, %mul3A_529 : vector<16xf32>
        %swap3A_531 = arith.index_cast %add3A_507 : i32 to index
        %swap3A_532 = arith.constant 32 : index
        %swap3A_533 = tpu.vector_load %arg16[%swap3A_531, %swap3A_532] {strides = array<i32>} : memref<1024x64xf32, #tpu.memory_space<vmem>>, vector<16xf32>,
        tpu.vector_store %arg16[%swap3A_531, %swap3A_532], %mul3A_530 {strides = array<i32>} : memref<1024x64xf32, #tpu.memory_space<vmem>>, vector<16xf32>,
        %get3A_534 = arith.index_cast %add3A_507 : i32 to index
        %get3A_535 = arith.constant 48 : index
        %get3A_536 = tpu.vector_load %arg16[%get3A_534, %get3A_535] {strides = array<i32>} : memref<1024x64xf32, #tpu.memory_space<vmem>>, vector<16xf32>,
        %mul3A_537 = vector.broadcast %squeeze3A_509 : f32 to vector<16xf32>
        %mul3A_538 = arith.mulf %get3A_536, %mul3A_537 : vector<16xf32>
        %swap3A_539 = arith.index_cast %add3A_507 : i32 to index
        %swap3A_540 = arith.constant 48 : index
        %swap3A_541 = tpu.vector_load %arg16[%swap3A_539, %swap3A_540] {strides = array<i32>} : memref<1024x64xf32, #tpu.memory_space<vmem>>, vector<16xf32>,
        tpu.vector_store %arg16[%swap3A_539, %swap3A_540], %mul3A_538 {strides = array<i32>} : memref<1024x64xf32, #tpu.memory_space<vmem>>, vector<16xf32>,
        %mul3A_542 = arith.constant 16 : i32
        %mul3A_543 = arith.muli %scan3A_494, %mul3A_542 : i32
        %add3A_544 = arith.constant 1 : i32
        %add3A_545 = arith.addi %mul3A_543, %add3A_544 : i32
        %slice3A_546 = vector.extract_strided_slice %div3A_503 {offsets = [1], sizes = [1], strides = [1]} : vector<16xf32> to vector<1xf32>
        %squeeze3A_547 = vector.extract %slice3A_546[0] : f32 from vector<1xf32>
        %get3A_548 = arith.index_cast %add3A_545 : i32 to index
        %get3A_549 = arith.constant 0 : index
        %get3A_550 = tpu.vector_load %arg16[%get3A_548, %get3A_549] {strides = array<i32>} : memref<1024x64xf32, #tpu.memory_space<vmem>>, vector<16xf32>,
        %mul3A_551 = vector.broadcast %squeeze3A_547 : f32 to vector<16xf32>
        %mul3A_552 = arith.mulf %get3A_550, %mul3A_551 : vector<16xf32>
        %swap3A_553 = arith.index_cast %add3A_545 : i32 to index
        %swap3A_554 = arith.constant 0 : index
        %swap3A_555 = tpu.vector_load %arg16[%swap3A_553, %swap3A_554] {strides = array<i32>} : memref<1024x64xf32, #tpu.memory_space<vmem>>, vector<16xf32>,
        tpu.vector_store %arg16[%swap3A_553, %swap3A_554], %mul3A_552 {strides = array<i32>} : memref<1024x64xf32, #tpu.memory_space<vmem>>, vector<16xf32>,
        %get3A_556 = arith.index_cast %add3A_545 : i32 to index
        %get3A_557 = arith.constant 16 : index
        %get3A_558 = tpu.vector_load %arg16[%get3A_556, %get3A_557] {strides = array<i32>} : memref<1024x64xf32, #tpu.memory_space<vmem>>, vector<16xf32>,
        %mul3A_559 = vector.broadcast %squeeze3A_547 : f32 to vector<16xf32>
        %mul3A_560 = arith.mulf %get3A_558, %mul3A_559 : vector<16xf32>
        %swap3A_561 = arith.index_cast %add3A_545 : i32 to index
        %swap3A_562 = arith.constant 16 : index
        %swap3A_563 = tpu.vector_load %arg16[%swap3A_561, %swap3A_562] {strides = array<i32>} : memref<1024x64xf32, #tpu.memory_space<vmem>>, vector<16xf32>,
        tpu.vector_store %arg16[%swap3A_561, %swap3A_562], %mul3A_560 {strides = array<i32>} : memref<1024x64xf32, #tpu.memory_space<vmem>>, vector<16xf32>,
        %get3A_564 = arith.index_cast %add3A_545 : i32 to index
        %get3A_565 = arith.constant 32 : index
        %get3A_566 = tpu.vector_load %arg16[%get3A_564, %get3A_565] {strides = array<i32>} : memref<1024x64xf32, #tpu.memory_space<vmem>>, vector<16xf32>,
        %mul3A_567 = vector.broadcast %squeeze3A_547 : f32 to vector<16xf32>
        %mul3A_568 = arith.mulf %get3A_566, %mul3A_567 : vector<16xf32>
        %swap3A_569 = arith.index_cast %add3A_545 : i32 to index
        %swap3A_570 = arith.constant 32 : index
        %swap3A_571 = tpu.vector_load %arg16[%swap3A_569, %swap3A_570] {strides = array<i32>} : memref<1024x64xf32, #tpu.memory_space<vmem>>, vector<16xf32>,
        tpu.vector_store %arg16[%swap3A_569, %swap3A_570], %mul3A_568 {strides = array<i32>} : memref<1024x64xf32, #tpu.memory_space<vmem>>, vector<16xf32>,
        %get3A_572 = arith.index_cast %add3A_545 : i32 to index
        %get3A_573 = arith.constant 48 : index
        %get3A_574 = tpu.vector_load %arg16[%get3A_572, %get3A_573] {strides = array<i32>} : memref<1024x64xf32, #tpu.memory_space<vmem>>, vector<16xf32>,
        %mul3A_575 = vector.broadcast %squeeze3A_547 : f32 to vector<16xf32>
        %mul3A_576 = arith.mulf %get3A_574, %mul3A_575 : vector<16xf32>
        %swap3A_577 = arith.index_cast %add3A_545 : i32 to index
        %swap3A_578 = arith.constant 48 : index
        %swap3A_579 = tpu.vector_load %arg16[%swap3A_577, %swap3A_578] {strides = array<i32>} : memref<1024x64xf32, #tpu.memory_space<vmem>>, vector<16xf32>,
        tpu.vector_store %arg16[%swap3A_577, %swap3A_578], %mul3A_576 {strides = array<i32>} : memref<1024x64xf32, #tpu.memory_space<vmem>>, vector<16xf32>,
        %mul3A_580 = arith.constant 16 : i32
        %mul3A_581 = arith.muli %scan3A_494, %mul3A_580 : i32
        %add3A_582 = arith.constant 2 : i32
        %add3A_583 = arith.addi %mul3A_581, %add3A_582 : i32
        %slice3A_584 = vector.extract_strided_slice %div3A_503 {offsets = [2], sizes = [1], strides = [1]} : vector<16xf32> to vector<1xf32>
        %squeeze3A_585 = vector.extract %slice3A_584[0] : f32 from vector<1xf32>
        %get3A_586 = arith.index_cast %add3A_583 : i32 to index
        %get3A_587 = arith.constant 0 : index
        %get3A_588 = tpu.vector_load %arg16[%get3A_586, %get3A_587] {strides = array<i32>} : memref<1024x64xf32, #tpu.memory_space<vmem>>, vector<16xf32>,
        %mul3A_589 = vector.broadcast %squeeze3A_585 : f32 to vector<16xf32>
        %mul3A_590 = arith.mulf %get3A_588, %mul3A_589 : vector<16xf32>
        %swap3A_591 = arith.index_cast %add3A_583 : i32 to index
        %swap3A_592 = arith.constant 0 : index
        %swap3A_593 = tpu.vector_load %arg16[%swap3A_591, %swap3A_592] {strides = array<i32>} : memref<1024x64xf32, #tpu.memory_space<vmem>>, vector<16xf32>,
        tpu.vector_store %arg16[%swap3A_591, %swap3A_592], %mul3A_590 {strides = array<i32>} : memref<1024x64xf32, #tpu.memory_space<vmem>>, vector<16xf32>,
        %get3A_594 = arith.index_cast %add3A_583 : i32 to index
        %get3A_595 = arith.constant 16 : index
        %get3A_596 = tpu.vector_load %arg16[%get3A_594, %get3A_595] {strides = array<i32>} : memref<1024x64xf32, #tpu.memory_space<vmem>>, vector<16xf32>,
        %mul3A_597 = vector.broadcast %squeeze3A_585 : f32 to vector<16xf32>
        %mul3A_598 = arith.mulf %get3A_596, %mul3A_597 : vector<16xf32>
        %swap3A_599 = arith.index_cast %add3A_583 : i32 to index
        %swap3A_600 = arith.constant 16 : index
        %swap3A_601 = tpu.vector_load %arg16[%swap3A_599, %swap3A_600] {strides = array<i32>} : memref<1024x64xf32, #tpu.memory_space<vmem>>, vector<16xf32>,
        tpu.vector_store %arg16[%swap3A_599, %swap3A_600], %mul3A_598 {strides = array<i32>} : memref<1024x64xf32, #tpu.memory_space<vmem>>, vector<16xf32>,
        %get3A_602 = arith.index_cast %add3A_583 : i32 to index
        %get3A_603 = arith.constant 32 : index
        %get3A_604 = tpu.vector_load %arg16[%get3A_602, %get3A_603] {strides = array<i32>} : memref<1024x64xf32, #tpu.memory_space<vmem>>, vector<16xf32>,
        %mul3A_605 = vector.broadcast %squeeze3A_585 : f32 to vector<16xf32>
        %mul3A_606 = arith.mulf %get3A_604, %mul3A_605 : vector<16xf32>
        %swap3A_607 = arith.index_cast %add3A_583 : i32 to index
        %swap3A_608 = arith.constant 32 : index
        %swap3A_609 = tpu.vector_load %arg16[%swap3A_607, %swap3A_608] {strides = array<i32>} : memref<1024x64xf32, #tpu.memory_space<vmem>>, vector<16xf32>,
        tpu.vector_store %arg16[%swap3A_607, %swap3A_608], %mul3A_606 {strides = array<i32>} : memref<1024x64xf32, #tpu.memory_space<vmem>>, vector<16xf32>,
        %get3A_610 = arith.index_cast %add3A_583 : i32 to index
        %get3A_611 = arith.constant 48 : index
        %get3A_612 = tpu.vector_load %arg16[%get3A_610, %get3A_611] {strides = array<i32>} : memref<1024x64xf32, #tpu.memory_space<vmem>>, vector<16xf32>,
        %mul3A_613 = vector.broadcast %squeeze3A_585 : f32 to vector<16xf32>
        %mul3A_614 = arith.mulf %get3A_612, %mul3A_613 : vector<16xf32>
        %swap3A_615 = arith.index_cast %add3A_583 : i32 to index
        %swap3A_616 = arith.constant 48 : index
        %swap3A_617 = tpu.vector_load %arg16[%swap3A_615, %swap3A_616] {strides = array<i32>} : memref<1024x64xf32, #tpu.memory_space<vmem>>, vector<16xf32>,
        tpu.vector_store %arg16[%swap3A_615, %swap3A_616], %mul3A_614 {strides = array<i32>} : memref<1024x64xf32, #tpu.memory_space<vmem>>, vector<16xf32>,
        %mul3A_618 = arith.constant 16 : i32
        %mul3A_619 = arith.muli %scan3A_494, %mul3A_618 : i32
        %add3A_620 = arith.constant 3 : i32
        %add3A_621 = arith.addi %mul3A_619, %add3A_620 : i32
        %slice3A_622 = vector.extract_strided_slice %div3A_503 {offsets = [3], sizes = [1], strides = [1]} : vector<16xf32> to vector<1xf32>
        %squeeze3A_623 = vector.extract %slice3A_622[0] : f32 from vector<1xf32>
        %get3A_624 = arith.index_cast %add3A_621 : i32 to index
        %get3A_625 = arith.constant 0 : index
        %get3A_626 = tpu.vector_load %arg16[%get3A_624, %get3A_625] {strides = array<i32>} : memref<1024x64xf32, #tpu.memory_space<vmem>>, vector<16xf32>,
        %mul3A_627 = vector.broadcast %squeeze3A_623 : f32 to vector<16xf32>
        %mul3A_628 = arith.mulf %get3A_626, %mul3A_627 : vector<16xf32>
        %swap3A_629 = arith.index_cast %add3A_621 : i32 to index
        %swap3A_630 = arith.constant 0 : index
        %swap3A_631 = tpu.vector_load %arg16[%swap3A_629, %swap3A_630] {strides = array<i32>} : memref<1024x64xf32, #tpu.memory_space<vmem>>, vector<16xf32>,
        tpu.vector_store %arg16[%swap3A_629, %swap3A_630], %mul3A_628 {strides = array<i32>} : memref<1024x64xf32, #tpu.memory_space<vmem>>, vector<16xf32>,
        %get3A_632 = arith.index_cast %add3A_621 : i32 to index
        %get3A_633 = arith.constant 16 : index
        %get3A_634 = tpu.vector_load %arg16[%get3A_632, %get3A_633] {strides = array<i32>} : memref<1024x64xf32, #tpu.memory_space<vmem>>, vector<16xf32>,
        %mul3A_635 = vector.broadcast %squeeze3A_623 : f32 to vector<16xf32>
        %mul3A_636 = arith.mulf %get3A_634, %mul3A_635 : vector<16xf32>
        %swap3A_637 = arith.index_cast %add3A_621 : i32 to index
        %swap3A_638 = arith.constant 16 : index
        %swap3A_639 = tpu.vector_load %arg16[%swap3A_637, %swap3A_638] {strides = array<i32>} : memref<1024x64xf32, #tpu.memory_space<vmem>>, vector<16xf32>,
        tpu.vector_store %arg16[%swap3A_637, %swap3A_638], %mul3A_636 {strides = array<i32>} : memref<1024x64xf32, #tpu.memory_space<vmem>>, vector<16xf32>,
        %get3A_640 = arith.index_cast %add3A_621 : i32 to index
        %get3A_641 = arith.constant 32 : index
        %get3A_642 = tpu.vector_load %arg16[%get3A_640, %get3A_641] {strides = array<i32>} : memref<1024x64xf32, #tpu.memory_space<vmem>>, vector<16xf32>,
        %mul3A_643 = vector.broadcast %squeeze3A_623 : f32 to vector<16xf32>
        %mul3A_644 = arith.mulf %get3A_642, %mul3A_643 : vector<16xf32>
        %swap3A_645 = arith.index_cast %add3A_621 : i32 to index
        %swap3A_646 = arith.constant 32 : index
        %swap3A_647 = tpu.vector_load %arg16[%swap3A_645, %swap3A_646] {strides = array<i32>} : memref<1024x64xf32, #tpu.memory_space<vmem>>, vector<16xf32>,
        tpu.vector_store %arg16[%swap3A_645, %swap3A_646], %mul3A_644 {strides = array<i32>} : memref<1024x64xf32, #tpu.memory_space<vmem>>, vector<16xf32>,
        %get3A_648 = arith.index_cast %add3A_621 : i32 to index
        %get3A_649 = arith.constant 48 : index
        %get3A_650 = tpu.vector_load %arg16[%get3A_648, %get3A_649] {strides = array<i32>} : memref<1024x64xf32, #tpu.memory_space<vmem>>, vector<16xf32>,
        %mul3A_651 = vector.broadcast %squeeze3A_623 : f32 to vector<16xf32>
        %mul3A_652 = arith.mulf %get3A_650, %mul3A_651 : vector<16xf32>
        %swap3A_653 = arith.index_cast %add3A_621 : i32 to index
        %swap3A_654 = arith.constant 48 : index
        %swap3A_655 = tpu.vector_load %arg16[%swap3A_653, %swap3A_654] {strides = array<i32>} : memref<1024x64xf32, #tpu.memory_space<vmem>>, vector<16xf32>,
        tpu.vector_store %arg16[%swap3A_653, %swap3A_654], %mul3A_652 {strides = array<i32>} : memref<1024x64xf32, #tpu.memory_space<vmem>>, vector<16xf32>,
        %mul3A_656 = arith.constant 16 : i32
        %mul3A_657 = arith.muli %scan3A_494, %mul3A_656 : i32
        %add3A_658 = arith.constant 4 : i32
        %add3A_659 = arith.addi %mul3A_657, %add3A_658 : i32
        %slice3A_660 = vector.extract_strided_slice %div3A_503 {offsets = [4], sizes = [1], strides = [1]} : vector<16xf32> to vector<1xf32>
        %squeeze3A_661 = vector.extract %slice3A_660[0] : f32 from vector<1xf32>
        %get3A_662 = arith.index_cast %add3A_659 : i32 to index
        %get3A_663 = arith.constant 0 : index
        %get3A_664 = tpu.vector_load %arg16[%get3A_662, %get3A_663] {strides = array<i32>} : memref<1024x64xf32, #tpu.memory_space<vmem>>, vector<16xf32>,
        %mul3A_665 = vector.broadcast %squeeze3A_661 : f32 to vector<16xf32>
        %mul3A_666 = arith.mulf %get3A_664, %mul3A_665 : vector<16xf32>
        %swap3A_667 = arith.index_cast %add3A_659 : i32 to index
        %swap3A_668 = arith.constant 0 : index
        %swap3A_669 = tpu.vector_load %arg16[%swap3A_667, %swap3A_668] {strides = array<i32>} : memref<1024x64xf32, #tpu.memory_space<vmem>>, vector<16xf32>,
        tpu.vector_store %arg16[%swap3A_667, %swap3A_668], %mul3A_666 {strides = array<i32>} : memref<1024x64xf32, #tpu.memory_space<vmem>>, vector<16xf32>,
        %get3A_670 = arith.index_cast %add3A_659 : i32 to index
        %get3A_671 = arith.constant 16 : index
        %get3A_672 = tpu.vector_load %arg16[%get3A_670, %get3A_671] {strides = array<i32>} : memref<1024x64xf32, #tpu.memory_space<vmem>>, vector<16xf32>,
        %mul3A_673 = vector.broadcast %squeeze3A_661 : f32 to vector<16xf32>
        %mul3A_674 = arith.mulf %get3A_672, %mul3A_673 : vector<16xf32>
        %swap3A_675 = arith.index_cast %add3A_659 : i32 to index
        %swap3A_676 = arith.constant 16 : index
        %swap3A_677 = tpu.vector_load %arg16[%swap3A_675, %swap3A_676] {strides = array<i32>} : memref<1024x64xf32, #tpu.memory_space<vmem>>, vector<16xf32>,
        tpu.vector_store %arg16[%swap3A_675, %swap3A_676], %mul3A_674 {strides = array<i32>} : memref<1024x64xf32, #tpu.memory_space<vmem>>, vector<16xf32>,
        %get3A_678 = arith.index_cast %add3A_659 : i32 to index
        %get3A_679 = arith.constant 32 : index
        %get3A_680 = tpu.vector_load %arg16[%get3A_678, %get3A_679] {strides = array<i32>} : memref<1024x64xf32, #tpu.memory_space<vmem>>, vector<16xf32>,
        %mul3A_681 = vector.broadcast %squeeze3A_661 : f32 to vector<16xf32>
        %mul3A_682 = arith.mulf %get3A_680, %mul3A_681 : vector<16xf32>
        %swap3A_683 = arith.index_cast %add3A_659 : i32 to index
        %swap3A_684 = arith.constant 32 : index
        %swap3A_685 = tpu.vector_load %arg16[%swap3A_683, %swap3A_684] {strides = array<i32>} : memref<1024x64xf32, #tpu.memory_space<vmem>>, vector<16xf32>,
        tpu.vector_store %arg16[%swap3A_683, %swap3A_684], %mul3A_682 {strides = array<i32>} : memref<1024x64xf32, #tpu.memory_space<vmem>>, vector<16xf32>,
        %get3A_686 = arith.index_cast %add3A_659 : i32 to index
        %get3A_687 = arith.constant 48 : index
        %get3A_688 = tpu.vector_load %arg16[%get3A_686, %get3A_687] {strides = array<i32>} : memref<1024x64xf32, #tpu.memory_space<vmem>>, vector<16xf32>,
        %mul3A_689 = vector.broadcast %squeeze3A_661 : f32 to vector<16xf32>
        %mul3A_690 = arith.mulf %get3A_688, %mul3A_689 : vector<16xf32>
        %swap3A_691 = arith.index_cast %add3A_659 : i32 to index
        %swap3A_692 = arith.constant 48 : index
        %swap3A_693 = tpu.vector_load %arg16[%swap3A_691, %swap3A_692] {strides = array<i32>} : memref<1024x64xf32, #tpu.memory_space<vmem>>, vector<16xf32>,
        tpu.vector_store %arg16[%swap3A_691, %swap3A_692], %mul3A_690 {strides = array<i32>} : memref<1024x64xf32, #tpu.memory_space<vmem>>, vector<16xf32>,
        %mul3A_694 = arith.constant 16 : i32
        %mul3A_695 = arith.muli %scan3A_494, %mul3A_694 : i32
        %add3A_696 = arith.constant 5 : i32
        %add3A_697 = arith.addi %mul3A_695, %add3A_696 : i32
        %slice3A_698 = vector.extract_strided_slice %div3A_503 {offsets = [5], sizes = [1], strides = [1]} : vector<16xf32> to vector<1xf32>
        %squeeze3A_699 = vector.extract %slice3A_698[0] : f32 from vector<1xf32>
        %get3A_700 = arith.index_cast %add3A_697 : i32 to index
        %get3A_701 = arith.constant 0 : index
        %get3A_702 = tpu.vector_load %arg16[%get3A_700, %get3A_701] {strides = array<i32>} : memref<1024x64xf32, #tpu.memory_space<vmem>>, vector<16xf32>,
        %mul3A_703 = vector.broadcast %squeeze3A_699 : f32 to vector<16xf32>
        %mul3A_704 = arith.mulf %get3A_702, %mul3A_703 : vector<16xf32>
        %swap3A_705 = arith.index_cast %add3A_697 : i32 to index
        %swap3A_706 = arith.constant 0 : index
        %swap3A_707 = tpu.vector_load %arg16[%swap3A_705, %swap3A_706] {strides = array<i32>} : memref<1024x64xf32, #tpu.memory_space<vmem>>, vector<16xf32>,
        tpu.vector_store %arg16[%swap3A_705, %swap3A_706], %mul3A_704 {strides = array<i32>} : memref<1024x64xf32, #tpu.memory_space<vmem>>, vector<16xf32>,
        %get3A_708 = arith.index_cast %add3A_697 : i32 to index
        %get3A_709 = arith.constant 16 : index
        %get3A_710 = tpu.vector_load %arg16[%get3A_708, %get3A_709] {strides = array<i32>} : memref<1024x64xf32, #tpu.memory_space<vmem>>, vector<16xf32>,
        %mul3A_711 = vector.broadcast %squeeze3A_699 : f32 to vector<16xf32>
        %mul3A_712 = arith.mulf %get3A_710, %mul3A_711 : vector<16xf32>
        %swap3A_713 = arith.index_cast %add3A_697 : i32 to index
        %swap3A_714 = arith.constant 16 : index
        %swap3A_715 = tpu.vector_load %arg16[%swap3A_713, %swap3A_714] {strides = array<i32>} : memref<1024x64xf32, #tpu.memory_space<vmem>>, vector<16xf32>,
        tpu.vector_store %arg16[%swap3A_713, %swap3A_714], %mul3A_712 {strides = array<i32>} : memref<1024x64xf32, #tpu.memory_space<vmem>>, vector<16xf32>,
        %get3A_716 = arith.index_cast %add3A_697 : i32 to index
        %get3A_717 = arith.constant 32 : index
        %get3A_718 = tpu.vector_load %arg16[%get3A_716, %get3A_717] {strides = array<i32>} : memref<1024x64xf32, #tpu.memory_space<vmem>>, vector<16xf32>,
        %mul3A_719 = vector.broadcast %squeeze3A_699 : f32 to vector<16xf32>
        %mul3A_720 = arith.mulf %get3A_718, %mul3A_719 : vector<16xf32>
        %swap3A_721 = arith.index_cast %add3A_697 : i32 to index
        %swap3A_722 = arith.constant 32 : index
        %swap3A_723 = tpu.vector_load %arg16[%swap3A_721, %swap3A_722] {strides = array<i32>} : memref<1024x64xf32, #tpu.memory_space<vmem>>, vector<16xf32>,
        tpu.vector_store %arg16[%swap3A_721, %swap3A_722], %mul3A_720 {strides = array<i32>} : memref<1024x64xf32, #tpu.memory_space<vmem>>, vector<16xf32>,
        %get3A_724 = arith.index_cast %add3A_697 : i32 to index
        %get3A_725 = arith.constant 48 : index
        %get3A_726 = tpu.vector_load %arg16[%get3A_724, %get3A_725] {strides = array<i32>} : memref<1024x64xf32, #tpu.memory_space<vmem>>, vector<16xf32>,
        %mul3A_727 = vector.broadcast %squeeze3A_699 : f32 to vector<16xf32>
        %mul3A_728 = arith.mulf %get3A_726, %mul3A_727 : vector<16xf32>
        %swap3A_729 = arith.index_cast %add3A_697 : i32 to index
        %swap3A_730 = arith.constant 48 : index
        %swap3A_731 = tpu.vector_load %arg16[%swap3A_729, %swap3A_730] {strides = array<i32>} : memref<1024x64xf32, #tpu.memory_space<vmem>>, vector<16xf32>,
        tpu.vector_store %arg16[%swap3A_729, %swap3A_730], %mul3A_728 {strides = array<i32>} : memref<1024x64xf32, #tpu.memory_space<vmem>>, vector<16xf32>,
        %mul3A_732 = arith.constant 16 : i32
        %mul3A_733 = arith.muli %scan3A_494, %mul3A_732 : i32
        %add3A_734 = arith.constant 6 : i32
        %add3A_735 = arith.addi %mul3A_733, %add3A_734 : i32
        %slice3A_736 = vector.extract_strided_slice %div3A_503 {offsets = [6], sizes = [1], strides = [1]} : vector<16xf32> to vector<1xf32>
        %squeeze3A_737 = vector.extract %slice3A_736[0] : f32 from vector<1xf32>
        %get3A_738 = arith.index_cast %add3A_735 : i32 to index
        %get3A_739 = arith.constant 0 : index
        %get3A_740 = tpu.vector_load %arg16[%get3A_738, %get3A_739] {strides = array<i32>} : memref<1024x64xf32, #tpu.memory_space<vmem>>, vector<16xf32>,
        %mul3A_741 = vector.broadcast %squeeze3A_737 : f32 to vector<16xf32>
        %mul3A_742 = arith.mulf %get3A_740, %mul3A_741 : vector<16xf32>
        %swap3A_743 = arith.index_cast %add3A_735 : i32 to index
        %swap3A_744 = arith.constant 0 : index
        %swap3A_745 = tpu.vector_load %arg16[%swap3A_743, %swap3A_744] {strides = array<i32>} : memref<1024x64xf32, #tpu.memory_space<vmem>>, vector<16xf32>,
        tpu.vector_store %arg16[%swap3A_743, %swap3A_744], %mul3A_742 {strides = array<i32>} : memref<1024x64xf32, #tpu.memory_space<vmem>>, vector<16xf32>,
        %get3A_746 = arith.index_cast %add3A_735 : i32 to index
        %get3A_747 = arith.constant 16 : index
        %get3A_748 = tpu.vector_load %arg16[%get3A_746, %get3A_747] {strides = array<i32>} : memref<1024x64xf32, #tpu.memory_space<vmem>>, vector<16xf32>,
        %mul3A_749 = vector.broadcast %squeeze3A_737 : f32 to vector<16xf32>
        %mul3A_750 = arith.mulf %get3A_748, %mul3A_749 : vector<16xf32>
        %swap3A_751 = arith.index_cast %add3A_735 : i32 to index
        %swap3A_752 = arith.constant 16 : index
        %swap3A_753 = tpu.vector_load %arg16[%swap3A_751, %swap3A_752] {strides = array<i32>} : memref<1024x64xf32, #tpu.memory_space<vmem>>, vector<16xf32>,
        tpu.vector_store %arg16[%swap3A_751, %swap3A_752], %mul3A_750 {strides = array<i32>} : memref<1024x64xf32, #tpu.memory_space<vmem>>, vector<16xf32>,
        %get3A_754 = arith.index_cast %add3A_735 : i32 to index
        %get3A_755 = arith.constant 32 : index
        %get3A_756 = tpu.vector_load %arg16[%get3A_754, %get3A_755] {strides = array<i32>} : memref<1024x64xf32, #tpu.memory_space<vmem>>, vector<16xf32>,
        %mul3A_757 = vector.broadcast %squeeze3A_737 : f32 to vector<16xf32>
        %mul3A_758 = arith.mulf %get3A_756, %mul3A_757 : vector<16xf32>
        %swap3A_759 = arith.index_cast %add3A_735 : i32 to index
        %swap3A_760 = arith.constant 32 : index
        %swap3A_761 = tpu.vector_load %arg16[%swap3A_759, %swap3A_760] {strides = array<i32>} : memref<1024x64xf32, #tpu.memory_space<vmem>>, vector<16xf32>,
        tpu.vector_store %arg16[%swap3A_759, %swap3A_760], %mul3A_758 {strides = array<i32>} : memref<1024x64xf32, #tpu.memory_space<vmem>>, vector<16xf32>,
        %get3A_762 = arith.index_cast %add3A_735 : i32 to index
        %get3A_763 = arith.constant 48 : index
        %get3A_764 = tpu.vector_load %arg16[%get3A_762, %get3A_763] {strides = array<i32>} : memref<1024x64xf32, #tpu.memory_space<vmem>>, vector<16xf32>,
        %mul3A_765 = vector.broadcast %squeeze3A_737 : f32 to vector<16xf32>
        %mul3A_766 = arith.mulf %get3A_764, %mul3A_765 : vector<16xf32>
        %swap3A_767 = arith.index_cast %add3A_735 : i32 to index
        %swap3A_768 = arith.constant 48 : index
        %swap3A_769 = tpu.vector_load %arg16[%swap3A_767, %swap3A_768] {strides = array<i32>} : memref<1024x64xf32, #tpu.memory_space<vmem>>, vector<16xf32>,
        tpu.vector_store %arg16[%swap3A_767, %swap3A_768], %mul3A_766 {strides = array<i32>} : memref<1024x64xf32, #tpu.memory_space<vmem>>, vector<16xf32>,
        %mul3A_770 = arith.constant 16 : i32
        %mul3A_771 = arith.muli %scan3A_494, %mul3A_770 : i32
        %add3A_772 = arith.constant 7 : i32
        %add3A_773 = arith.addi %mul3A_771, %add3A_772 : i32
        %slice3A_774 = vector.extract_strided_slice %div3A_503 {offsets = [7], sizes = [1], strides = [1]} : vector<16xf32> to vector<1xf32>
        %squeeze3A_775 = vector.extract %slice3A_774[0] : f32 from vector<1xf32>
        %get3A_776 = arith.index_cast %add3A_773 : i32 to index
        %get3A_777 = arith.constant 0 : index
        %get3A_778 = tpu.vector_load %arg16[%get3A_776, %get3A_777] {strides = array<i32>} : memref<1024x64xf32, #tpu.memory_space<vmem>>, vector<16xf32>,
        %mul3A_779 = vector.broadcast %squeeze3A_775 : f32 to vector<16xf32>
        %mul3A_780 = arith.mulf %get3A_778, %mul3A_779 : vector<16xf32>
        %swap3A_781 = arith.index_cast %add3A_773 : i32 to index
        %swap3A_782 = arith.constant 0 : index
        %swap3A_783 = tpu.vector_load %arg16[%swap3A_781, %swap3A_782] {strides = array<i32>} : memref<1024x64xf32, #tpu.memory_space<vmem>>, vector<16xf32>,
        tpu.vector_store %arg16[%swap3A_781, %swap3A_782], %mul3A_780 {strides = array<i32>} : memref<1024x64xf32, #tpu.memory_space<vmem>>, vector<16xf32>,
        %get3A_784 = arith.index_cast %add3A_773 : i32 to index
        %get3A_785 = arith.constant 16 : index
        %get3A_786 = tpu.vector_load %arg16[%get3A_784, %get3A_785] {strides = array<i32>} : memref<1024x64xf32, #tpu.memory_space<vmem>>, vector<16xf32>,
        %mul3A_787 = vector.broadcast %squeeze3A_775 : f32 to vector<16xf32>
        %mul3A_788 = arith.mulf %get3A_786, %mul3A_787 : vector<16xf32>
        %swap3A_789 = arith.index_cast %add3A_773 : i32 to index
        %swap3A_790 = arith.constant 16 : index
        %swap3A_791 = tpu.vector_load %arg16[%swap3A_789, %swap3A_790] {strides = array<i32>} : memref<1024x64xf32, #tpu.memory_space<vmem>>, vector<16xf32>,
        tpu.vector_store %arg16[%swap3A_789, %swap3A_790], %mul3A_788 {strides = array<i32>} : memref<1024x64xf32, #tpu.memory_space<vmem>>, vector<16xf32>,
        %get3A_792 = arith.index_cast %add3A_773 : i32 to index
        %get3A_793 = arith.constant 32 : index
        %get3A_794 = tpu.vector_load %arg16[%get3A_792, %get3A_793] {strides = array<i32>} : memref<1024x64xf32, #tpu.memory_space<vmem>>, vector<16xf32>,
        %mul3A_795 = vector.broadcast %squeeze3A_775 : f32 to vector<16xf32>
        %mul3A_796 = arith.mulf %get3A_794, %mul3A_795 : vector<16xf32>
        %swap3A_797 = arith.index_cast %add3A_773 : i32 to index
        %swap3A_798 = arith.constant 32 : index
        %swap3A_799 = tpu.vector_load %arg16[%swap3A_797, %swap3A_798] {strides = array<i32>} : memref<1024x64xf32, #tpu.memory_space<vmem>>, vector<16xf32>,
        tpu.vector_store %arg16[%swap3A_797, %swap3A_798], %mul3A_796 {strides = array<i32>} : memref<1024x64xf32, #tpu.memory_space<vmem>>, vector<16xf32>,
        %get3A_800 = arith.index_cast %add3A_773 : i32 to index
        %get3A_801 = arith.constant 48 : index
        %get3A_802 = tpu.vector_load %arg16[%get3A_800, %get3A_801] {strides = array<i32>} : memref<1024x64xf32, #tpu.memory_space<vmem>>, vector<16xf32>,
        %mul3A_803 = vector.broadcast %squeeze3A_775 : f32 to vector<16xf32>
        %mul3A_804 = arith.mulf %get3A_802, %mul3A_803 : vector<16xf32>
        %swap3A_805 = arith.index_cast %add3A_773 : i32 to index
        %swap3A_806 = arith.constant 48 : index
        %swap3A_807 = tpu.vector_load %arg16[%swap3A_805, %swap3A_806] {strides = array<i32>} : memref<1024x64xf32, #tpu.memory_space<vmem>>, vector<16xf32>,
        tpu.vector_store %arg16[%swap3A_805, %swap3A_806], %mul3A_804 {strides = array<i32>} : memref<1024x64xf32, #tpu.memory_space<vmem>>, vector<16xf32>,
        %mul3A_808 = arith.constant 16 : i32
        %mul3A_809 = arith.muli %scan3A_494, %mul3A_808 : i32
        %add3A_810 = arith.constant 8 : i32
        %add3A_811 = arith.addi %mul3A_809, %add3A_810 : i32
        %slice3A_812 = vector.extract_strided_slice %div3A_503 {offsets = [8], sizes = [1], strides = [1]} : vector<16xf32> to vector<1xf32>
        %squeeze3A_813 = vector.extract %slice3A_812[0] : f32 from vector<1xf32>
        %get3A_814 = arith.index_cast %add3A_811 : i32 to index
        %get3A_815 = arith.constant 0 : index
        %get3A_816 = tpu.vector_load %arg16[%get3A_814, %get3A_815] {strides = array<i32>} : memref<1024x64xf32, #tpu.memory_space<vmem>>, vector<16xf32>,
        %mul3A_817 = vector.broadcast %squeeze3A_813 : f32 to vector<16xf32>
        %mul3A_818 = arith.mulf %get3A_816, %mul3A_817 : vector<16xf32>
        %swap3A_819 = arith.index_cast %add3A_811 : i32 to index
        %swap3A_820 = arith.constant 0 : index
        %swap3A_821 = tpu.vector_load %arg16[%swap3A_819, %swap3A_820] {strides = array<i32>} : memref<1024x64xf32, #tpu.memory_space<vmem>>, vector<16xf32>,
        tpu.vector_store %arg16[%swap3A_819, %swap3A_820], %mul3A_818 {strides = array<i32>} : memref<1024x64xf32, #tpu.memory_space<vmem>>, vector<16xf32>,
        %get3A_822 = arith.index_cast %add3A_811 : i32 to index
        %get3A_823 = arith.constant 16 : index
        %get3A_824 = tpu.vector_load %arg16[%get3A_822, %get3A_823] {strides = array<i32>} : memref<1024x64xf32, #tpu.memory_space<vmem>>, vector<16xf32>,
        %mul3A_825 = vector.broadcast %squeeze3A_813 : f32 to vector<16xf32>
        %mul3A_826 = arith.mulf %get3A_824, %mul3A_825 : vector<16xf32>
        %swap3A_827 = arith.index_cast %add3A_811 : i32 to index
        %swap3A_828 = arith.constant 16 : index
        %swap3A_829 = tpu.vector_load %arg16[%swap3A_827, %swap3A_828] {strides = array<i32>} : memref<1024x64xf32, #tpu.memory_space<vmem>>, vector<16xf32>,
        tpu.vector_store %arg16[%swap3A_827, %swap3A_828], %mul3A_826 {strides = array<i32>} : memref<1024x64xf32, #tpu.memory_space<vmem>>, vector<16xf32>,
        %get3A_830 = arith.index_cast %add3A_811 : i32 to index
        %get3A_831 = arith.constant 32 : index
        %get3A_832 = tpu.vector_load %arg16[%get3A_830, %get3A_831] {strides = array<i32>} : memref<1024x64xf32, #tpu.memory_space<vmem>>, vector<16xf32>,
        %mul3A_833 = vector.broadcast %squeeze3A_813 : f32 to vector<16xf32>
        %mul3A_834 = arith.mulf %get3A_832, %mul3A_833 : vector<16xf32>
        %swap3A_835 = arith.index_cast %add3A_811 : i32 to index
        %swap3A_836 = arith.constant 32 : index
        %swap3A_837 = tpu.vector_load %arg16[%swap3A_835, %swap3A_836] {strides = array<i32>} : memref<1024x64xf32, #tpu.memory_space<vmem>>, vector<16xf32>,
        tpu.vector_store %arg16[%swap3A_835, %swap3A_836], %mul3A_834 {strides = array<i32>} : memref<1024x64xf32, #tpu.memory_space<vmem>>, vector<16xf32>,
        %get3A_838 = arith.index_cast %add3A_811 : i32 to index
        %get3A_839 = arith.constant 48 : index
        %get3A_840 = tpu.vector_load %arg16[%get3A_838, %get3A_839] {strides = array<i32>} : memref<1024x64xf32, #tpu.memory_space<vmem>>, vector<16xf32>,
        %mul3A_841 = vector.broadcast %squeeze3A_813 : f32 to vector<16xf32>
        %mul3A_842 = arith.mulf %get3A_840, %mul3A_841 : vector<16xf32>
        %swap3A_843 = arith.index_cast %add3A_811 : i32 to index
        %swap3A_844 = arith.constant 48 : index
        %swap3A_845 = tpu.vector_load %arg16[%swap3A_843, %swap3A_844] {strides = array<i32>} : memref<1024x64xf32, #tpu.memory_space<vmem>>, vector<16xf32>,
        tpu.vector_store %arg16[%swap3A_843, %swap3A_844], %mul3A_842 {strides = array<i32>} : memref<1024x64xf32, #tpu.memory_space<vmem>>, vector<16xf32>,
        %mul3A_846 = arith.constant 16 : i32
        %mul3A_847 = arith.muli %scan3A_494, %mul3A_846 : i32
        %add3A_848 = arith.constant 9 : i32
        %add3A_849 = arith.addi %mul3A_847, %add3A_848 : i32
        %slice3A_850 = vector.extract_strided_slice %div3A_503 {offsets = [9], sizes = [1], strides = [1]} : vector<16xf32> to vector<1xf32>
        %squeeze3A_851 = vector.extract %slice3A_850[0] : f32 from vector<1xf32>
        %get3A_852 = arith.index_cast %add3A_849 : i32 to index
        %get3A_853 = arith.constant 0 : index
        %get3A_854 = tpu.vector_load %arg16[%get3A_852, %get3A_853] {strides = array<i32>} : memref<1024x64xf32, #tpu.memory_space<vmem>>, vector<16xf32>,
        %mul3A_855 = vector.broadcast %squeeze3A_851 : f32 to vector<16xf32>
        %mul3A_856 = arith.mulf %get3A_854, %mul3A_855 : vector<16xf32>
        %swap3A_857 = arith.index_cast %add3A_849 : i32 to index
        %swap3A_858 = arith.constant 0 : index
        %swap3A_859 = tpu.vector_load %arg16[%swap3A_857, %swap3A_858] {strides = array<i32>} : memref<1024x64xf32, #tpu.memory_space<vmem>>, vector<16xf32>,
        tpu.vector_store %arg16[%swap3A_857, %swap3A_858], %mul3A_856 {strides = array<i32>} : memref<1024x64xf32, #tpu.memory_space<vmem>>, vector<16xf32>,
        %get3A_860 = arith.index_cast %add3A_849 : i32 to index
        %get3A_861 = arith.constant 16 : index
        %get3A_862 = tpu.vector_load %arg16[%get3A_860, %get3A_861] {strides = array<i32>} : memref<1024x64xf32, #tpu.memory_space<vmem>>, vector<16xf32>,
        %mul3A_863 = vector.broadcast %squeeze3A_851 : f32 to vector<16xf32>
        %mul3A_864 = arith.mulf %get3A_862, %mul3A_863 : vector<16xf32>
        %swap3A_865 = arith.index_cast %add3A_849 : i32 to index
        %swap3A_866 = arith.constant 16 : index
        %swap3A_867 = tpu.vector_load %arg16[%swap3A_865, %swap3A_866] {strides = array<i32>} : memref<1024x64xf32, #tpu.memory_space<vmem>>, vector<16xf32>,
        tpu.vector_store %arg16[%swap3A_865, %swap3A_866], %mul3A_864 {strides = array<i32>} : memref<1024x64xf32, #tpu.memory_space<vmem>>, vector<16xf32>,
        %get3A_868 = arith.index_cast %add3A_849 : i32 to index
        %get3A_869 = arith.constant 32 : index
        %get3A_870 = tpu.vector_load %arg16[%get3A_868, %get3A_869] {strides = array<i32>} : memref<1024x64xf32, #tpu.memory_space<vmem>>, vector<16xf32>,
        %mul3A_871 = vector.broadcast %squeeze3A_851 : f32 to vector<16xf32>
        %mul3A_872 = arith.mulf %get3A_870, %mul3A_871 : vector<16xf32>
        %swap3A_873 = arith.index_cast %add3A_849 : i32 to index
        %swap3A_874 = arith.constant 32 : index
        %swap3A_875 = tpu.vector_load %arg16[%swap3A_873, %swap3A_874] {strides = array<i32>} : memref<1024x64xf32, #tpu.memory_space<vmem>>, vector<16xf32>,
        tpu.vector_store %arg16[%swap3A_873, %swap3A_874], %mul3A_872 {strides = array<i32>} : memref<1024x64xf32, #tpu.memory_space<vmem>>, vector<16xf32>,
        %get3A_876 = arith.index_cast %add3A_849 : i32 to index
        %get3A_877 = arith.constant 48 : index
        %get3A_878 = tpu.vector_load %arg16[%get3A_876, %get3A_877] {strides = array<i32>} : memref<1024x64xf32, #tpu.memory_space<vmem>>, vector<16xf32>,
        %mul3A_879 = vector.broadcast %squeeze3A_851 : f32 to vector<16xf32>
        %mul3A_880 = arith.mulf %get3A_878, %mul3A_879 : vector<16xf32>
        %swap3A_881 = arith.index_cast %add3A_849 : i32 to index
        %swap3A_882 = arith.constant 48 : index
        %swap3A_883 = tpu.vector_load %arg16[%swap3A_881, %swap3A_882] {strides = array<i32>} : memref<1024x64xf32, #tpu.memory_space<vmem>>, vector<16xf32>,
        tpu.vector_store %arg16[%swap3A_881, %swap3A_882], %mul3A_880 {strides = array<i32>} : memref<1024x64xf32, #tpu.memory_space<vmem>>, vector<16xf32>,
        %mul3A_884 = arith.constant 16 : i32
        %mul3A_885 = arith.muli %scan3A_494, %mul3A_884 : i32
        %add3A_886 = arith.constant 10 : i32
        %add3A_887 = arith.addi %mul3A_885, %add3A_886 : i32
        %slice3A_888 = vector.extract_strided_slice %div3A_503 {offsets = [10], sizes = [1], strides = [1]} : vector<16xf32> to vector<1xf32>
        %squeeze3A_889 = vector.extract %slice3A_888[0] : f32 from vector<1xf32>
        %get3A_890 = arith.index_cast %add3A_887 : i32 to index
        %get3A_891 = arith.constant 0 : index
        %get3A_892 = tpu.vector_load %arg16[%get3A_890, %get3A_891] {strides = array<i32>} : memref<1024x64xf32, #tpu.memory_space<vmem>>, vector<16xf32>,
        %mul3A_893 = vector.broadcast %squeeze3A_889 : f32 to vector<16xf32>
        %mul3A_894 = arith.mulf %get3A_892, %mul3A_893 : vector<16xf32>
        %swap3A_895 = arith.index_cast %add3A_887 : i32 to index
        %swap3A_896 = arith.constant 0 : index
        %swap3A_897 = tpu.vector_load %arg16[%swap3A_895, %swap3A_896] {strides = array<i32>} : memref<1024x64xf32, #tpu.memory_space<vmem>>, vector<16xf32>,
        tpu.vector_store %arg16[%swap3A_895, %swap3A_896], %mul3A_894 {strides = array<i32>} : memref<1024x64xf32, #tpu.memory_space<vmem>>, vector<16xf32>,
        %get3A_898 = arith.index_cast %add3A_887 : i32 to index
        %get3A_899 = arith.constant 16 : index
        %get3A_900 = tpu.vector_load %arg16[%get3A_898, %get3A_899] {strides = array<i32>} : memref<1024x64xf32, #tpu.memory_space<vmem>>, vector<16xf32>,
        %mul3A_901 = vector.broadcast %squeeze3A_889 : f32 to vector<16xf32>
        %mul3A_902 = arith.mulf %get3A_900, %mul3A_901 : vector<16xf32>
        %swap3A_903 = arith.index_cast %add3A_887 : i32 to index
        %swap3A_904 = arith.constant 16 : index
        %swap3A_905 = tpu.vector_load %arg16[%swap3A_903, %swap3A_904] {strides = array<i32>} : memref<1024x64xf32, #tpu.memory_space<vmem>>, vector<16xf32>,
        tpu.vector_store %arg16[%swap3A_903, %swap3A_904], %mul3A_902 {strides = array<i32>} : memref<1024x64xf32, #tpu.memory_space<vmem>>, vector<16xf32>,
        %get3A_906 = arith.index_cast %add3A_887 : i32 to index
        %get3A_907 = arith.constant 32 : index
        %get3A_908 = tpu.vector_load %arg16[%get3A_906, %get3A_907] {strides = array<i32>} : memref<1024x64xf32, #tpu.memory_space<vmem>>, vector<16xf32>,
        %mul3A_909 = vector.broadcast %squeeze3A_889 : f32 to vector<16xf32>
        %mul3A_910 = arith.mulf %get3A_908, %mul3A_909 : vector<16xf32>
        %swap3A_911 = arith.index_cast %add3A_887 : i32 to index
        %swap3A_912 = arith.constant 32 : index
        %swap3A_913 = tpu.vector_load %arg16[%swap3A_911, %swap3A_912] {strides = array<i32>} : memref<1024x64xf32, #tpu.memory_space<vmem>>, vector<16xf32>,
        tpu.vector_store %arg16[%swap3A_911, %swap3A_912], %mul3A_910 {strides = array<i32>} : memref<1024x64xf32, #tpu.memory_space<vmem>>, vector<16xf32>,
        %get3A_914 = arith.index_cast %add3A_887 : i32 to index
        %get3A_915 = arith.constant 48 : index
        %get3A_916 = tpu.vector_load %arg16[%get3A_914, %get3A_915] {strides = array<i32>} : memref<1024x64xf32, #tpu.memory_space<vmem>>, vector<16xf32>,
        %mul3A_917 = vector.broadcast %squeeze3A_889 : f32 to vector<16xf32>
        %mul3A_918 = arith.mulf %get3A_916, %mul3A_917 : vector<16xf32>
        %swap3A_919 = arith.index_cast %add3A_887 : i32 to index
        %swap3A_920 = arith.constant 48 : index
        %swap3A_921 = tpu.vector_load %arg16[%swap3A_919, %swap3A_920] {strides = array<i32>} : memref<1024x64xf32, #tpu.memory_space<vmem>>, vector<16xf32>,
        tpu.vector_store %arg16[%swap3A_919, %swap3A_920], %mul3A_918 {strides = array<i32>} : memref<1024x64xf32, #tpu.memory_space<vmem>>, vector<16xf32>,
        %mul3A_922 = arith.constant 16 : i32
        %mul3A_923 = arith.muli %scan3A_494, %mul3A_922 : i32
        %add3A_924 = arith.constant 11 : i32
        %add3A_925 = arith.addi %mul3A_923, %add3A_924 : i32
        %slice3A_926 = vector.extract_strided_slice %div3A_503 {offsets = [11], sizes = [1], strides = [1]} : vector<16xf32> to vector<1xf32>
        %squeeze3A_927 = vector.extract %slice3A_926[0] : f32 from vector<1xf32>
        %get3A_928 = arith.index_cast %add3A_925 : i32 to index
        %get3A_929 = arith.constant 0 : index
        %get3A_930 = tpu.vector_load %arg16[%get3A_928, %get3A_929] {strides = array<i32>} : memref<1024x64xf32, #tpu.memory_space<vmem>>, vector<16xf32>,
        %mul3A_931 = vector.broadcast %squeeze3A_927 : f32 to vector<16xf32>
        %mul3A_932 = arith.mulf %get3A_930, %mul3A_931 : vector<16xf32>
        %swap3A_933 = arith.index_cast %add3A_925 : i32 to index
        %swap3A_934 = arith.constant 0 : index
        %swap3A_935 = tpu.vector_load %arg16[%swap3A_933, %swap3A_934] {strides = array<i32>} : memref<1024x64xf32, #tpu.memory_space<vmem>>, vector<16xf32>,
        tpu.vector_store %arg16[%swap3A_933, %swap3A_934], %mul3A_932 {strides = array<i32>} : memref<1024x64xf32, #tpu.memory_space<vmem>>, vector<16xf32>,
        %get3A_936 = arith.index_cast %add3A_925 : i32 to index
        %get3A_937 = arith.constant 16 : index
        %get3A_938 = tpu.vector_load %arg16[%get3A_936, %get3A_937] {strides = array<i32>} : memref<1024x64xf32, #tpu.memory_space<vmem>>, vector<16xf32>,
        %mul3A_939 = vector.broadcast %squeeze3A_927 : f32 to vector<16xf32>
        %mul3A_940 = arith.mulf %get3A_938, %mul3A_939 : vector<16xf32>
        %swap3A_941 = arith.index_cast %add3A_925 : i32 to index
        %swap3A_942 = arith.constant 16 : index
        %swap3A_943 = tpu.vector_load %arg16[%swap3A_941, %swap3A_942] {strides = array<i32>} : memref<1024x64xf32, #tpu.memory_space<vmem>>, vector<16xf32>,
        tpu.vector_store %arg16[%swap3A_941, %swap3A_942], %mul3A_940 {strides = array<i32>} : memref<1024x64xf32, #tpu.memory_space<vmem>>, vector<16xf32>,
        %get3A_944 = arith.index_cast %add3A_925 : i32 to index
        %get3A_945 = arith.constant 32 : index
        %get3A_946 = tpu.vector_load %arg16[%get3A_944, %get3A_945] {strides = array<i32>} : memref<1024x64xf32, #tpu.memory_space<vmem>>, vector<16xf32>,
        %mul3A_947 = vector.broadcast %squeeze3A_927 : f32 to vector<16xf32>
        %mul3A_948 = arith.mulf %get3A_946, %mul3A_947 : vector<16xf32>
        %swap3A_949 = arith.index_cast %add3A_925 : i32 to index
        %swap3A_950 = arith.constant 32 : index
        %swap3A_951 = tpu.vector_load %arg16[%swap3A_949, %swap3A_950] {strides = array<i32>} : memref<1024x64xf32, #tpu.memory_space<vmem>>, vector<16xf32>,
        tpu.vector_store %arg16[%swap3A_949, %swap3A_950], %mul3A_948 {strides = array<i32>} : memref<1024x64xf32, #tpu.memory_space<vmem>>, vector<16xf32>,
        %get3A_952 = arith.index_cast %add3A_925 : i32 to index
        %get3A_953 = arith.constant 48 : index
        %get3A_954 = tpu.vector_load %arg16[%get3A_952, %get3A_953] {strides = array<i32>} : memref<1024x64xf32, #tpu.memory_space<vmem>>, vector<16xf32>,
        %mul3A_955 = vector.broadcast %squeeze3A_927 : f32 to vector<16xf32>
        %mul3A_956 = arith.mulf %get3A_954, %mul3A_955 : vector<16xf32>
        %swap3A_957 = arith.index_cast %add3A_925 : i32 to index
        %swap3A_958 = arith.constant 48 : index
        %swap3A_959 = tpu.vector_load %arg16[%swap3A_957, %swap3A_958] {strides = array<i32>} : memref<1024x64xf32, #tpu.memory_space<vmem>>, vector<16xf32>,
        tpu.vector_store %arg16[%swap3A_957, %swap3A_958], %mul3A_956 {strides = array<i32>} : memref<1024x64xf32, #tpu.memory_space<vmem>>, vector<16xf32>,
        %mul3A_960 = arith.constant 16 : i32
        %mul3A_961 = arith.muli %scan3A_494, %mul3A_960 : i32
        %add3A_962 = arith.constant 12 : i32
        %add3A_963 = arith.addi %mul3A_961, %add3A_962 : i32
        %slice3A_964 = vector.extract_strided_slice %div3A_503 {offsets = [12], sizes = [1], strides = [1]} : vector<16xf32> to vector<1xf32>
        %squeeze3A_965 = vector.extract %slice3A_964[0] : f32 from vector<1xf32>
        %get3A_966 = arith.index_cast %add3A_963 : i32 to index
        %get3A_967 = arith.constant 0 : index
        %get3A_968 = tpu.vector_load %arg16[%get3A_966, %get3A_967] {strides = array<i32>} : memref<1024x64xf32, #tpu.memory_space<vmem>>, vector<16xf32>,
        %mul3A_969 = vector.broadcast %squeeze3A_965 : f32 to vector<16xf32>
        %mul3A_970 = arith.mulf %get3A_968, %mul3A_969 : vector<16xf32>
        %swap3A_971 = arith.index_cast %add3A_963 : i32 to index
        %swap3A_972 = arith.constant 0 : index
        %swap3A_973 = tpu.vector_load %arg16[%swap3A_971, %swap3A_972] {strides = array<i32>} : memref<1024x64xf32, #tpu.memory_space<vmem>>, vector<16xf32>,
        tpu.vector_store %arg16[%swap3A_971, %swap3A_972], %mul3A_970 {strides = array<i32>} : memref<1024x64xf32, #tpu.memory_space<vmem>>, vector<16xf32>,
        %get3A_974 = arith.index_cast %add3A_963 : i32 to index
        %get3A_975 = arith.constant 16 : index
        %get3A_976 = tpu.vector_load %arg16[%get3A_974, %get3A_975] {strides = array<i32>} : memref<1024x64xf32, #tpu.memory_space<vmem>>, vector<16xf32>,
        %mul3A_977 = vector.broadcast %squeeze3A_965 : f32 to vector<16xf32>
        %mul3A_978 = arith.mulf %get3A_976, %mul3A_977 : vector<16xf32>
        %swap3A_979 = arith.index_cast %add3A_963 : i32 to index
        %swap3A_980 = arith.constant 16 : index
        %swap3A_981 = tpu.vector_load %arg16[%swap3A_979, %swap3A_980] {strides = array<i32>} : memref<1024x64xf32, #tpu.memory_space<vmem>>, vector<16xf32>,
        tpu.vector_store %arg16[%swap3A_979, %swap3A_980], %mul3A_978 {strides = array<i32>} : memref<1024x64xf32, #tpu.memory_space<vmem>>, vector<16xf32>,
        %get3A_982 = arith.index_cast %add3A_963 : i32 to index
        %get3A_983 = arith.constant 32 : index
        %get3A_984 = tpu.vector_load %arg16[%get3A_982, %get3A_983] {strides = array<i32>} : memref<1024x64xf32, #tpu.memory_space<vmem>>, vector<16xf32>,
        %mul3A_985 = vector.broadcast %squeeze3A_965 : f32 to vector<16xf32>
        %mul3A_986 = arith.mulf %get3A_984, %mul3A_985 : vector<16xf32>
        %swap3A_987 = arith.index_cast %add3A_963 : i32 to index
        %swap3A_988 = arith.constant 32 : index
        %swap3A_989 = tpu.vector_load %arg16[%swap3A_987, %swap3A_988] {strides = array<i32>} : memref<1024x64xf32, #tpu.memory_space<vmem>>, vector<16xf32>,
        tpu.vector_store %arg16[%swap3A_987, %swap3A_988], %mul3A_986 {strides = array<i32>} : memref<1024x64xf32, #tpu.memory_space<vmem>>, vector<16xf32>,
        %get3A_990 = arith.index_cast %add3A_963 : i32 to index
        %get3A_991 = arith.constant 48 : index
        %get3A_992 = tpu.vector_load %arg16[%get3A_990, %get3A_991] {strides = array<i32>} : memref<1024x64xf32, #tpu.memory_space<vmem>>, vector<16xf32>,
        %mul3A_993 = vector.broadcast %squeeze3A_965 : f32 to vector<16xf32>
        %mul3A_994 = arith.mulf %get3A_992, %mul3A_993 : vector<16xf32>
        %swap3A_995 = arith.index_cast %add3A_963 : i32 to index
        %swap3A_996 = arith.constant 48 : index
        %swap3A_997 = tpu.vector_load %arg16[%swap3A_995, %swap3A_996] {strides = array<i32>} : memref<1024x64xf32, #tpu.memory_space<vmem>>, vector<16xf32>,
        tpu.vector_store %arg16[%swap3A_995, %swap3A_996], %mul3A_994 {strides = array<i32>} : memref<1024x64xf32, #tpu.memory_space<vmem>>, vector<16xf32>,
        %mul3A_998 = arith.constant 16 : i32
        %mul3A_999 = arith.muli %scan3A_494, %mul3A_998 : i32
        %add3A_1000 = arith.constant 13 : i32
        %add3A_1001 = arith.addi %mul3A_999, %add3A_1000 : i32
        %slice3A_1002 = vector.extract_strided_slice %div3A_503 {offsets = [13], sizes = [1], strides = [1]} : vector<16xf32> to vector<1xf32>
        %squeeze3A_1003 = vector.extract %slice3A_1002[0] : f32 from vector<1xf32>
        %get3A_1004 = arith.index_cast %add3A_1001 : i32 to index
        %get3A_1005 = arith.constant 0 : index
        %get3A_1006 = tpu.vector_load %arg16[%get3A_1004, %get3A_1005] {strides = array<i32>} : memref<1024x64xf32, #tpu.memory_space<vmem>>, vector<16xf32>,
        %mul3A_1007 = vector.broadcast %squeeze3A_1003 : f32 to vector<16xf32>
        %mul3A_1008 = arith.mulf %get3A_1006, %mul3A_1007 : vector<16xf32>
        %swap3A_1009 = arith.index_cast %add3A_1001 : i32 to index
        %swap3A_1010 = arith.constant 0 : index
        %swap3A_1011 = tpu.vector_load %arg16[%swap3A_1009, %swap3A_1010] {strides = array<i32>} : memref<1024x64xf32, #tpu.memory_space<vmem>>, vector<16xf32>,
        tpu.vector_store %arg16[%swap3A_1009, %swap3A_1010], %mul3A_1008 {strides = array<i32>} : memref<1024x64xf32, #tpu.memory_space<vmem>>, vector<16xf32>,
        %get3A_1012 = arith.index_cast %add3A_1001 : i32 to index
        %get3A_1013 = arith.constant 16 : index
        %get3A_1014 = tpu.vector_load %arg16[%get3A_1012, %get3A_1013] {strides = array<i32>} : memref<1024x64xf32, #tpu.memory_space<vmem>>, vector<16xf32>,
        %mul3A_1015 = vector.broadcast %squeeze3A_1003 : f32 to vector<16xf32>
        %mul3A_1016 = arith.mulf %get3A_1014, %mul3A_1015 : vector<16xf32>
        %swap3A_1017 = arith.index_cast %add3A_1001 : i32 to index
        %swap3A_1018 = arith.constant 16 : index
        %swap3A_1019 = tpu.vector_load %arg16[%swap3A_1017, %swap3A_1018] {strides = array<i32>} : memref<1024x64xf32, #tpu.memory_space<vmem>>, vector<16xf32>,
        tpu.vector_store %arg16[%swap3A_1017, %swap3A_1018], %mul3A_1016 {strides = array<i32>} : memref<1024x64xf32, #tpu.memory_space<vmem>>, vector<16xf32>,
        %get3A_1020 = arith.index_cast %add3A_1001 : i32 to index
        %get3A_1021 = arith.constant 32 : index
        %get3A_1022 = tpu.vector_load %arg16[%get3A_1020, %get3A_1021] {strides = array<i32>} : memref<1024x64xf32, #tpu.memory_space<vmem>>, vector<16xf32>,
        %mul3A_1023 = vector.broadcast %squeeze3A_1003 : f32 to vector<16xf32>
        %mul3A_1024 = arith.mulf %get3A_1022, %mul3A_1023 : vector<16xf32>
        %swap3A_1025 = arith.index_cast %add3A_1001 : i32 to index
        %swap3A_1026 = arith.constant 32 : index
        %swap3A_1027 = tpu.vector_load %arg16[%swap3A_1025, %swap3A_1026] {strides = array<i32>} : memref<1024x64xf32, #tpu.memory_space<vmem>>, vector<16xf32>,
        tpu.vector_store %arg16[%swap3A_1025, %swap3A_1026], %mul3A_1024 {strides = array<i32>} : memref<1024x64xf32, #tpu.memory_space<vmem>>, vector<16xf32>,
        %get3A_1028 = arith.index_cast %add3A_1001 : i32 to index
        %get3A_1029 = arith.constant 48 : index
        %get3A_1030 = tpu.vector_load %arg16[%get3A_1028, %get3A_1029] {strides = array<i32>} : memref<1024x64xf32, #tpu.memory_space<vmem>>, vector<16xf32>,
        %mul3A_1031 = vector.broadcast %squeeze3A_1003 : f32 to vector<16xf32>
        %mul3A_1032 = arith.mulf %get3A_1030, %mul3A_1031 : vector<16xf32>
        %swap3A_1033 = arith.index_cast %add3A_1001 : i32 to index
        %swap3A_1034 = arith.constant 48 : index
        %swap3A_1035 = tpu.vector_load %arg16[%swap3A_1033, %swap3A_1034] {strides = array<i32>} : memref<1024x64xf32, #tpu.memory_space<vmem>>, vector<16xf32>,
        tpu.vector_store %arg16[%swap3A_1033, %swap3A_1034], %mul3A_1032 {strides = array<i32>} : memref<1024x64xf32, #tpu.memory_space<vmem>>, vector<16xf32>,
        %mul3A_1036 = arith.constant 16 : i32
        %mul3A_1037 = arith.muli %scan3A_494, %mul3A_1036 : i32
        %add3A_1038 = arith.constant 14 : i32
        %add3A_1039 = arith.addi %mul3A_1037, %add3A_1038 : i32
        %slice3A_1040 = vector.extract_strided_slice %div3A_503 {offsets = [14], sizes = [1], strides = [1]} : vector<16xf32> to vector<1xf32>
        %squeeze3A_1041 = vector.extract %slice3A_1040[0] : f32 from vector<1xf32>
        %get3A_1042 = arith.index_cast %add3A_1039 : i32 to index
        %get3A_1043 = arith.constant 0 : index
        %get3A_1044 = tpu.vector_load %arg16[%get3A_1042, %get3A_1043] {strides = array<i32>} : memref<1024x64xf32, #tpu.memory_space<vmem>>, vector<16xf32>,
        %mul3A_1045 = vector.broadcast %squeeze3A_1041 : f32 to vector<16xf32>
        %mul3A_1046 = arith.mulf %get3A_1044, %mul3A_1045 : vector<16xf32>
        %swap3A_1047 = arith.index_cast %add3A_1039 : i32 to index
        %swap3A_1048 = arith.constant 0 : index
        %swap3A_1049 = tpu.vector_load %arg16[%swap3A_1047, %swap3A_1048] {strides = array<i32>} : memref<1024x64xf32, #tpu.memory_space<vmem>>, vector<16xf32>,
        tpu.vector_store %arg16[%swap3A_1047, %swap3A_1048], %mul3A_1046 {strides = array<i32>} : memref<1024x64xf32, #tpu.memory_space<vmem>>, vector<16xf32>,
        %get3A_1050 = arith.index_cast %add3A_1039 : i32 to index
        %get3A_1051 = arith.constant 16 : index
        %get3A_1052 = tpu.vector_load %arg16[%get3A_1050, %get3A_1051] {strides = array<i32>} : memref<1024x64xf32, #tpu.memory_space<vmem>>, vector<16xf32>,
        %mul3A_1053 = vector.broadcast %squeeze3A_1041 : f32 to vector<16xf32>
        %mul3A_1054 = arith.mulf %get3A_1052, %mul3A_1053 : vector<16xf32>
        %swap3A_1055 = arith.index_cast %add3A_1039 : i32 to index
        %swap3A_1056 = arith.constant 16 : index
        %swap3A_1057 = tpu.vector_load %arg16[%swap3A_1055, %swap3A_1056] {strides = array<i32>} : memref<1024x64xf32, #tpu.memory_space<vmem>>, vector<16xf32>,
        tpu.vector_store %arg16[%swap3A_1055, %swap3A_1056], %mul3A_1054 {strides = array<i32>} : memref<1024x64xf32, #tpu.memory_space<vmem>>, vector<16xf32>,
        %get3A_1058 = arith.index_cast %add3A_1039 : i32 to index
        %get3A_1059 = arith.constant 32 : index
        %get3A_1060 = tpu.vector_load %arg16[%get3A_1058, %get3A_1059] {strides = array<i32>} : memref<1024x64xf32, #tpu.memory_space<vmem>>, vector<16xf32>,
        %mul3A_1061 = vector.broadcast %squeeze3A_1041 : f32 to vector<16xf32>
        %mul3A_1062 = arith.mulf %get3A_1060, %mul3A_1061 : vector<16xf32>
        %swap3A_1063 = arith.index_cast %add3A_1039 : i32 to index
        %swap3A_1064 = arith.constant 32 : index
        %swap3A_1065 = tpu.vector_load %arg16[%swap3A_1063, %swap3A_1064] {strides = array<i32>} : memref<1024x64xf32, #tpu.memory_space<vmem>>, vector<16xf32>,
        tpu.vector_store %arg16[%swap3A_1063, %swap3A_1064], %mul3A_1062 {strides = array<i32>} : memref<1024x64xf32, #tpu.memory_space<vmem>>, vector<16xf32>,
        %get3A_1066 = arith.index_cast %add3A_1039 : i32 to index
        %get3A_1067 = arith.constant 48 : index
        %get3A_1068 = tpu.vector_load %arg16[%get3A_1066, %get3A_1067] {strides = array<i32>} : memref<1024x64xf32, #tpu.memory_space<vmem>>, vector<16xf32>,
        %mul3A_1069 = vector.broadcast %squeeze3A_1041 : f32 to vector<16xf32>
        %mul3A_1070 = arith.mulf %get3A_1068, %mul3A_1069 : vector<16xf32>
        %swap3A_1071 = arith.index_cast %add3A_1039 : i32 to index
        %swap3A_1072 = arith.constant 48 : index
        %swap3A_1073 = tpu.vector_load %arg16[%swap3A_1071, %swap3A_1072] {strides = array<i32>} : memref<1024x64xf32, #tpu.memory_space<vmem>>, vector<16xf32>,
        tpu.vector_store %arg16[%swap3A_1071, %swap3A_1072], %mul3A_1070 {strides = array<i32>} : memref<1024x64xf32, #tpu.memory_space<vmem>>, vector<16xf32>,
        %mul3A_1074 = arith.constant 16 : i32
        %mul3A_1075 = arith.muli %scan3A_494, %mul3A_1074 : i32
        %add3A_1076 = arith.constant 15 : i32
        %add3A_1077 = arith.addi %mul3A_1075, %add3A_1076 : i32
        %slice3A_1078 = vector.extract_strided_slice %div3A_503 {offsets = [15], sizes = [1], strides = [1]} : vector<16xf32> to vector<1xf32>
        %squeeze3A_1079 = vector.extract %slice3A_1078[0] : f32 from vector<1xf32>
        %get3A_1080 = arith.index_cast %add3A_1077 : i32 to index
        %get3A_1081 = arith.constant 0 : index
        %get3A_1082 = tpu.vector_load %arg16[%get3A_1080, %get3A_1081] {strides = array<i32>} : memref<1024x64xf32, #tpu.memory_space<vmem>>, vector<16xf32>,
        %mul3A_1083 = vector.broadcast %squeeze3A_1079 : f32 to vector<16xf32>
        %mul3A_1084 = arith.mulf %get3A_1082, %mul3A_1083 : vector<16xf32>
        %swap3A_1085 = arith.index_cast %add3A_1077 : i32 to index
        %swap3A_1086 = arith.constant 0 : index
        %swap3A_1087 = tpu.vector_load %arg16[%swap3A_1085, %swap3A_1086] {strides = array<i32>} : memref<1024x64xf32, #tpu.memory_space<vmem>>, vector<16xf32>,
        tpu.vector_store %arg16[%swap3A_1085, %swap3A_1086], %mul3A_1084 {strides = array<i32>} : memref<1024x64xf32, #tpu.memory_space<vmem>>, vector<16xf32>,
        %get3A_1088 = arith.index_cast %add3A_1077 : i32 to index
        %get3A_1089 = arith.constant 16 : index
        %get3A_1090 = tpu.vector_load %arg16[%get3A_1088, %get3A_1089] {strides = array<i32>} : memref<1024x64xf32, #tpu.memory_space<vmem>>, vector<16xf32>,
        %mul3A_1091 = vector.broadcast %squeeze3A_1079 : f32 to vector<16xf32>
        %mul3A_1092 = arith.mulf %get3A_1090, %mul3A_1091 : vector<16xf32>
        %swap3A_1093 = arith.index_cast %add3A_1077 : i32 to index
        %swap3A_1094 = arith.constant 16 : index
        %swap3A_1095 = tpu.vector_load %arg16[%swap3A_1093, %swap3A_1094] {strides = array<i32>} : memref<1024x64xf32, #tpu.memory_space<vmem>>, vector<16xf32>,
        tpu.vector_store %arg16[%swap3A_1093, %swap3A_1094], %mul3A_1092 {strides = array<i32>} : memref<1024x64xf32, #tpu.memory_space<vmem>>, vector<16xf32>,
        %get3A_1096 = arith.index_cast %add3A_1077 : i32 to index
        %get3A_1097 = arith.constant 32 : index
        %get3A_1098 = tpu.vector_load %arg16[%get3A_1096, %get3A_1097] {strides = array<i32>} : memref<1024x64xf32, #tpu.memory_space<vmem>>, vector<16xf32>,
        %mul3A_1099 = vector.broadcast %squeeze3A_1079 : f32 to vector<16xf32>
        %mul3A_1100 = arith.mulf %get3A_1098, %mul3A_1099 : vector<16xf32>
        %swap3A_1101 = arith.index_cast %add3A_1077 : i32 to index
        %swap3A_1102 = arith.constant 32 : index
        %swap3A_1103 = tpu.vector_load %arg16[%swap3A_1101, %swap3A_1102] {strides = array<i32>} : memref<1024x64xf32, #tpu.memory_space<vmem>>, vector<16xf32>,
        tpu.vector_store %arg16[%swap3A_1101, %swap3A_1102], %mul3A_1100 {strides = array<i32>} : memref<1024x64xf32, #tpu.memory_space<vmem>>, vector<16xf32>,
        %get3A_1104 = arith.index_cast %add3A_1077 : i32 to index
        %get3A_1105 = arith.constant 48 : index
        %get3A_1106 = tpu.vector_load %arg16[%get3A_1104, %get3A_1105] {strides = array<i32>} : memref<1024x64xf32, #tpu.memory_space<vmem>>, vector<16xf32>,
        %mul3A_1107 = vector.broadcast %squeeze3A_1079 : f32 to vector<16xf32>
        %mul3A_1108 = arith.mulf %get3A_1106, %mul3A_1107 : vector<16xf32>
        %swap3A_1109 = arith.index_cast %add3A_1077 : i32 to index
        %swap3A_1110 = arith.constant 48 : index
        %swap3A_1111 = tpu.vector_load %arg16[%swap3A_1109, %swap3A_1110] {strides = array<i32>} : memref<1024x64xf32, #tpu.memory_space<vmem>>, vector<16xf32>,
        tpu.vector_store %arg16[%swap3A_1109, %swap3A_1110], %mul3A_1108 {strides = array<i32>} : memref<1024x64xf32, #tpu.memory_space<vmem>>, vector<16xf32>,
      }
      %scan3A_319 = arith.constant 64 : i32
      %mul3A_320 = arith.constant 8 : i32
      %mul3A_321 = arith.muli %scan3A_263, %mul3A_320 : i32
      %add3A_322 = arith.constant 0 : i32
      %add3A_323 = arith.addi %mul3A_321, %add3A_322 : i32
      %dma_start3A = arith.constant 0 : i32
      %dma_start3A_324 = arith.constant 0 : i32
      %dma_start3A_325 = tpu.memref_slice %arg16[%dma_start3A, %dma_start3A_324] : memref<1024x64xf32, #tpu.memory_space<vmem>> -> memref<128x64xf32, #tpu.memory_space<vmem>>
      %dma_start3A_326 = arith.constant 0 : i32
      %dma_start3A_327 = tpu.memref_slice %arg12[%add3A_323, %dma_start3A_326] : memref<32x128xi32, #tpu.memory_space<vmem>> -> memref<1x128xi32, #tpu.memory_space<vmem>>
      %dma_start3A_328 = tpu.memref_squeeze %dma_start3A_327 : memref<1x128xi32, #tpu.memory_space<vmem>> -> memref<128xi32, #tpu.memory_space<vmem>>
      %dma_start3A_329 = arith.constant 0 : i32
      %dma_start3A_330 = arith.constant 0 : i32
      %dma_start3A_331 = tpu.memref_slice %arg7[%dma_start3A_329, %dma_start3A_330] : memref<131072x64xf32, #tpu.memory_space<hbm>> -> memref<131072x64xf32, #tpu.memory_space<hbm>>
      tpu.enqueue_indirect_dma source(%dma_start3A_325 : memref<128x64xf32, #tpu.memory_space<vmem>>) target(%dma_start3A_331 : memref<131072x64xf32, #tpu.memory_space<hbm>>) offsets(%dma_start3A_328 : memref<128xi32, #tpu.memory_space<vmem>>) semaphore(%arg18 : memref<!tpu.dma_semaphore, #tpu.memory_space<semaphore_mem>>)
      %mul3A_332 = arith.constant 8 : i32
      %mul3A_333 = arith.muli %scan3A_263, %mul3A_332 : i32
      %add3A_334 = arith.constant 1 : i32
      %add3A_335 = arith.addi %mul3A_333, %add3A_334 : i32
      %dma_start3A_336 = arith.constant 128 : i32
      %dma_start3A_337 = arith.constant 0 : i32
      %dma_start3A_338 = tpu.memref_slice %arg16[%dma_start3A_336, %dma_start3A_337] : memref<1024x64xf32, #tpu.memory_space<vmem>> -> memref<128x64xf32, #tpu.memory_space<vmem>>
      %dma_start3A_339 = arith.constant 0 : i32
      %dma_start3A_340 = tpu.memref_slice %arg12[%add3A_335, %dma_start3A_339] : memref<32x128xi32, #tpu.memory_space<vmem>> -> memref<1x128xi32, #tpu.memory_space<vmem>>
      %dma_start3A_341 = tpu.memref_squeeze %dma_start3A_340 : memref<1x128xi32, #tpu.memory_space<vmem>> -> memref<128xi32, #tpu.memory_space<vmem>>
      %dma_start3A_342 = arith.constant 0 : i32
      %dma_start3A_343 = arith.constant 0 : i32
      %dma_start3A_344 = tpu.memref_slice %arg7[%dma_start3A_342, %dma_start3A_343] : memref<131072x64xf32, #tpu.memory_space<hbm>> -> memref<131072x64xf32, #tpu.memory_space<hbm>>
      tpu.enqueue_indirect_dma source(%dma_start3A_338 : memref<128x64xf32, #tpu.memory_space<vmem>>) target(%dma_start3A_344 : memref<131072x64xf32, #tpu.memory_space<hbm>>) offsets(%dma_start3A_341 : memref<128xi32, #tpu.memory_space<vmem>>) semaphore(%arg18 : memref<!tpu.dma_semaphore, #tpu.memory_space<semaphore_mem>>)
      %mul3A_345 = arith.constant 8 : i32
      %mul3A_346 = arith.muli %scan3A_263, %mul3A_345 : i32
      %add3A_347 = arith.constant 2 : i32
      %add3A_348 = arith.addi %mul3A_346, %add3A_347 : i32
      %dma_start3A_349 = arith.constant 256 : i32
      %dma_start3A_350 = arith.constant 0 : i32
      %dma_start3A_351 = tpu.memref_slice %arg16[%dma_start3A_349, %dma_start3A_350] : memref<1024x64xf32, #tpu.memory_space<vmem>> -> memref<128x64xf32, #tpu.memory_space<vmem>>
      %dma_start3A_352 = arith.constant 0 : i32
      %dma_start3A_353 = tpu.memref_slice %arg12[%add3A_348, %dma_start3A_352] : memref<32x128xi32, #tpu.memory_space<vmem>> -> memref<1x128xi32, #tpu.memory_space<vmem>>
      %dma_start3A_354 = tpu.memref_squeeze %dma_start3A_353 : memref<1x128xi32, #tpu.memory_space<vmem>> -> memref<128xi32, #tpu.memory_space<vmem>>
      %dma_start3A_355 = arith.constant 0 : i32
      %dma_start3A_356 = arith.constant 0 : i32
      %dma_start3A_357 = tpu.memref_slice %arg7[%dma_start3A_355, %dma_start3A_356] : memref<131072x64xf32, #tpu.memory_space<hbm>> -> memref<131072x64xf32, #tpu.memory_space<hbm>>
      tpu.enqueue_indirect_dma source(%dma_start3A_351 : memref<128x64xf32, #tpu.memory_space<vmem>>) target(%dma_start3A_357 : memref<131072x64xf32, #tpu.memory_space<hbm>>) offsets(%dma_start3A_354 : memref<128xi32, #tpu.memory_space<vmem>>) semaphore(%arg18 : memref<!tpu.dma_semaphore, #tpu.memory_space<semaphore_mem>>)
      %mul3A_358 = arith.constant 8 : i32
      %mul3A_359 = arith.muli %scan3A_263, %mul3A_358 : i32
      %add3A_360 = arith.constant 3 : i32
      %add3A_361 = arith.addi %mul3A_359, %add3A_360 : i32
      %dma_start3A_362 = arith.constant 384 : i32
      %dma_start3A_363 = arith.constant 0 : i32
      %dma_start3A_364 = tpu.memref_slice %arg16[%dma_start3A_362, %dma_start3A_363] : memref<1024x64xf32, #tpu.memory_space<vmem>> -> memref<128x64xf32, #tpu.memory_space<vmem>>
      %dma_start3A_365 = arith.constant 0 : i32
      %dma_start3A_366 = tpu.memref_slice %arg12[%add3A_361, %dma_start3A_365] : memref<32x128xi32, #tpu.memory_space<vmem>> -> memref<1x128xi32, #tpu.memory_space<vmem>>
      %dma_start3A_367 = tpu.memref_squeeze %dma_start3A_366 : memref<1x128xi32, #tpu.memory_space<vmem>> -> memref<128xi32, #tpu.memory_space<vmem>>
      %dma_start3A_368 = arith.constant 0 : i32
      %dma_start3A_369 = arith.constant 0 : i32
      %dma_start3A_370 = tpu.memref_slice %arg7[%dma_start3A_368, %dma_start3A_369] : memref<131072x64xf32, #tpu.memory_space<hbm>> -> memref<131072x64xf32, #tpu.memory_space<hbm>>
      tpu.enqueue_indirect_dma source(%dma_start3A_364 : memref<128x64xf32, #tpu.memory_space<vmem>>) target(%dma_start3A_370 : memref<131072x64xf32, #tpu.memory_space<hbm>>) offsets(%dma_start3A_367 : memref<128xi32, #tpu.memory_space<vmem>>) semaphore(%arg18 : memref<!tpu.dma_semaphore, #tpu.memory_space<semaphore_mem>>)
      %mul3A_371 = arith.constant 8 : i32
      %mul3A_372 = arith.muli %scan3A_263, %mul3A_371 : i32
      %add3A_373 = arith.constant 4 : i32
      %add3A_374 = arith.addi %mul3A_372, %add3A_373 : i32
      %dma_start3A_375 = arith.constant 512 : i32
      %dma_start3A_376 = arith.constant 0 : i32
      %dma_start3A_377 = tpu.memref_slice %arg16[%dma_start3A_375, %dma_start3A_376] : memref<1024x64xf32, #tpu.memory_space<vmem>> -> memref<128x64xf32, #tpu.memory_space<vmem>>
      %dma_start3A_378 = arith.constant 0 : i32
      %dma_start3A_379 = tpu.memref_slice %arg12[%add3A_374, %dma_start3A_378] : memref<32x128xi32, #tpu.memory_space<vmem>> -> memref<1x128xi32, #tpu.memory_space<vmem>>
      %dma_start3A_380 = tpu.memref_squeeze %dma_start3A_379 : memref<1x128xi32, #tpu.memory_space<vmem>> -> memref<128xi32, #tpu.memory_space<vmem>>
      %dma_start3A_381 = arith.constant 0 : i32
      %dma_start3A_382 = arith.constant 0 : i32
      %dma_start3A_383 = tpu.memref_slice %arg7[%dma_start3A_381, %dma_start3A_382] : memref<131072x64xf32, #tpu.memory_space<hbm>> -> memref<131072x64xf32, #tpu.memory_space<hbm>>
      tpu.enqueue_indirect_dma source(%dma_start3A_377 : memref<128x64xf32, #tpu.memory_space<vmem>>) target(%dma_start3A_383 : memref<131072x64xf32, #tpu.memory_space<hbm>>) offsets(%dma_start3A_380 : memref<128xi32, #tpu.memory_space<vmem>>) semaphore(%arg18 : memref<!tpu.dma_semaphore, #tpu.memory_space<semaphore_mem>>)
      %mul3A_384 = arith.constant 8 : i32
      %mul3A_385 = arith.muli %scan3A_263, %mul3A_384 : i32
      %add3A_386 = arith.constant 5 : i32
      %add3A_387 = arith.addi %mul3A_385, %add3A_386 : i32
      %dma_start3A_388 = arith.constant 640 : i32
      %dma_start3A_389 = arith.constant 0 : i32
      %dma_start3A_390 = tpu.memref_slice %arg16[%dma_start3A_388, %dma_start3A_389] : memref<1024x64xf32, #tpu.memory_space<vmem>> -> memref<128x64xf32, #tpu.memory_space<vmem>>
      %dma_start3A_391 = arith.constant 0 : i32
      %dma_start3A_392 = tpu.memref_slice %arg12[%add3A_387, %dma_start3A_391] : memref<32x128xi32, #tpu.memory_space<vmem>> -> memref<1x128xi32, #tpu.memory_space<vmem>>
      %dma_start3A_393 = tpu.memref_squeeze %dma_start3A_392 : memref<1x128xi32, #tpu.memory_space<vmem>> -> memref<128xi32, #tpu.memory_space<vmem>>
      %dma_start3A_394 = arith.constant 0 : i32
      %dma_start3A_395 = arith.constant 0 : i32
      %dma_start3A_396 = tpu.memref_slice %arg7[%dma_start3A_394, %dma_start3A_395] : memref<131072x64xf32, #tpu.memory_space<hbm>> -> memref<131072x64xf32, #tpu.memory_space<hbm>>
      tpu.enqueue_indirect_dma source(%dma_start3A_390 : memref<128x64xf32, #tpu.memory_space<vmem>>) target(%dma_start3A_396 : memref<131072x64xf32, #tpu.memory_space<hbm>>) offsets(%dma_start3A_393 : memref<128xi32, #tpu.memory_space<vmem>>) semaphore(%arg18 : memref<!tpu.dma_semaphore, #tpu.memory_space<semaphore_mem>>)
      %mul3A_397 = arith.constant 8 : i32
      %mul3A_398 = arith.muli %scan3A_263, %mul3A_397 : i32
      %add3A_399 = arith.constant 6 : i32
      %add3A_400 = arith.addi %mul3A_398, %add3A_399 : i32
      %dma_start3A_401 = arith.constant 768 : i32
      %dma_start3A_402 = arith.constant 0 : i32
      %dma_start3A_403 = tpu.memref_slice %arg16[%dma_start3A_401, %dma_start3A_402] : memref<1024x64xf32, #tpu.memory_space<vmem>> -> memref<128x64xf32, #tpu.memory_space<vmem>>
      %dma_start3A_404 = arith.constant 0 : i32
      %dma_start3A_405 = tpu.memref_slice %arg12[%add3A_400, %dma_start3A_404] : memref<32x128xi32, #tpu.memory_space<vmem>> -> memref<1x128xi32, #tpu.memory_space<vmem>>
      %dma_start3A_406 = tpu.memref_squeeze %dma_start3A_405 : memref<1x128xi32, #tpu.memory_space<vmem>> -> memref<128xi32, #tpu.memory_space<vmem>>
      %dma_start3A_407 = arith.constant 0 : i32
      %dma_start3A_408 = arith.constant 0 : i32
      %dma_start3A_409 = tpu.memref_slice %arg7[%dma_start3A_407, %dma_start3A_408] : memref<131072x64xf32, #tpu.memory_space<hbm>> -> memref<131072x64xf32, #tpu.memory_space<hbm>>
      tpu.enqueue_indirect_dma source(%dma_start3A_403 : memref<128x64xf32, #tpu.memory_space<vmem>>) target(%dma_start3A_409 : memref<131072x64xf32, #tpu.memory_space<hbm>>) offsets(%dma_start3A_406 : memref<128xi32, #tpu.memory_space<vmem>>) semaphore(%arg18 : memref<!tpu.dma_semaphore, #tpu.memory_space<semaphore_mem>>)
      %mul3A_410 = arith.constant 8 : i32
      %mul3A_411 = arith.muli %scan3A_263, %mul3A_410 : i32
      %add3A_412 = arith.constant 7 : i32
      %add3A_413 = arith.addi %mul3A_411, %add3A_412 : i32
      %dma_start3A_414 = arith.constant 896 : i32
      %dma_start3A_415 = arith.constant 0 : i32
      %dma_start3A_416 = tpu.memref_slice %arg16[%dma_start3A_414, %dma_start3A_415] : memref<1024x64xf32, #tpu.memory_space<vmem>> -> memref<128x64xf32, #tpu.memory_space<vmem>>
      %dma_start3A_417 = arith.constant 0 : i32
      %dma_start3A_418 = tpu.memref_slice %arg12[%add3A_413, %dma_start3A_417] : memref<32x128xi32, #tpu.memory_space<vmem>> -> memref<1x128xi32, #tpu.memory_space<vmem>>
      %dma_start3A_419 = tpu.memref_squeeze %dma_start3A_418 : memref<1x128xi32, #tpu.memory_space<vmem>> -> memref<128xi32, #tpu.memory_space<vmem>>
      %dma_start3A_420 = arith.constant 0 : i32
      %dma_start3A_421 = arith.constant 0 : i32
      %dma_start3A_422 = tpu.memref_slice %arg7[%dma_start3A_420, %dma_start3A_421] : memref<131072x64xf32, #tpu.memory_space<hbm>> -> memref<131072x64xf32, #tpu.memory_space<hbm>>
      tpu.enqueue_indirect_dma source(%dma_start3A_416 : memref<128x64xf32, #tpu.memory_space<vmem>>) target(%dma_start3A_422 : memref<131072x64xf32, #tpu.memory_space<hbm>>) offsets(%dma_start3A_419 : memref<128xi32, #tpu.memory_space<vmem>>) semaphore(%arg18 : memref<!tpu.dma_semaphore, #tpu.memory_space<semaphore_mem>>)
      %dma_wait3A = arith.constant 0 : i32
      %dma_wait3A_423 = arith.constant 0 : i32
      %dma_wait3A_424 = tpu.memref_slice %arg16[%dma_wait3A, %dma_wait3A_423] : memref<1024x64xf32, #tpu.memory_space<vmem>> -> memref<128x64xf32, #tpu.memory_space<vmem>>
      %dma_wait3A_425 = arith.constant 0 : i32
      %dma_wait3A_426 = tpu.memref_slice %arg12[%add3A_323, %dma_wait3A_425] : memref<32x128xi32, #tpu.memory_space<vmem>> -> memref<1x128xi32, #tpu.memory_space<vmem>>
      %dma_wait3A_427 = tpu.memref_squeeze %dma_wait3A_426 : memref<1x128xi32, #tpu.memory_space<vmem>> -> memref<128xi32, #tpu.memory_space<vmem>>
      %dma_wait3A_428 = arith.constant 0 : i32
      %dma_wait3A_429 = arith.constant 0 : i32
      %dma_wait3A_430 = tpu.memref_slice %arg7[%dma_wait3A_428, %dma_wait3A_429] : memref<131072x64xf32, #tpu.memory_space<hbm>> -> memref<131072x64xf32, #tpu.memory_space<hbm>>
      tpu.wait_indirect_dma semaphore(%arg18 : memref<!tpu.dma_semaphore, #tpu.memory_space<semaphore_mem>>) src(%dma_wait3A_424 : memref<128x64xf32, #tpu.memory_space<vmem>>) dst(%dma_wait3A_430 : memref<131072x64xf32, #tpu.memory_space<hbm>>)
      %dma_wait3A_431 = arith.constant 128 : i32
      %dma_wait3A_432 = arith.constant 0 : i32
      %dma_wait3A_433 = tpu.memref_slice %arg16[%dma_wait3A_431, %dma_wait3A_432] : memref<1024x64xf32, #tpu.memory_space<vmem>> -> memref<128x64xf32, #tpu.memory_space<vmem>>
      %dma_wait3A_434 = arith.constant 0 : i32
      %dma_wait3A_435 = tpu.memref_slice %arg12[%add3A_335, %dma_wait3A_434] : memref<32x128xi32, #tpu.memory_space<vmem>> -> memref<1x128xi32, #tpu.memory_space<vmem>>
      %dma_wait3A_436 = tpu.memref_squeeze %dma_wait3A_435 : memref<1x128xi32, #tpu.memory_space<vmem>> -> memref<128xi32, #tpu.memory_space<vmem>>
      %dma_wait3A_437 = arith.constant 0 : i32
      %dma_wait3A_438 = arith.constant 0 : i32
      %dma_wait3A_439 = tpu.memref_slice %arg7[%dma_wait3A_437, %dma_wait3A_438] : memref<131072x64xf32, #tpu.memory_space<hbm>> -> memref<131072x64xf32, #tpu.memory_space<hbm>>
      tpu.wait_indirect_dma semaphore(%arg18 : memref<!tpu.dma_semaphore, #tpu.memory_space<semaphore_mem>>) src(%dma_wait3A_433 : memref<128x64xf32, #tpu.memory_space<vmem>>) dst(%dma_wait3A_439 : memref<131072x64xf32, #tpu.memory_space<hbm>>)
      %dma_wait3A_440 = arith.constant 256 : i32
      %dma_wait3A_441 = arith.constant 0 : i32
      %dma_wait3A_442 = tpu.memref_slice %arg16[%dma_wait3A_440, %dma_wait3A_441] : memref<1024x64xf32, #tpu.memory_space<vmem>> -> memref<128x64xf32, #tpu.memory_space<vmem>>
      %dma_wait3A_443 = arith.constant 0 : i32
      %dma_wait3A_444 = tpu.memref_slice %arg12[%add3A_348, %dma_wait3A_443] : memref<32x128xi32, #tpu.memory_space<vmem>> -> memref<1x128xi32, #tpu.memory_space<vmem>>
      %dma_wait3A_445 = tpu.memref_squeeze %dma_wait3A_444 : memref<1x128xi32, #tpu.memory_space<vmem>> -> memref<128xi32, #tpu.memory_space<vmem>>
      %dma_wait3A_446 = arith.constant 0 : i32
      %dma_wait3A_447 = arith.constant 0 : i32
      %dma_wait3A_448 = tpu.memref_slice %arg7[%dma_wait3A_446, %dma_wait3A_447] : memref<131072x64xf32, #tpu.memory_space<hbm>> -> memref<131072x64xf32, #tpu.memory_space<hbm>>
      tpu.wait_indirect_dma semaphore(%arg18 : memref<!tpu.dma_semaphore, #tpu.memory_space<semaphore_mem>>) src(%dma_wait3A_442 : memref<128x64xf32, #tpu.memory_space<vmem>>) dst(%dma_wait3A_448 : memref<131072x64xf32, #tpu.memory_space<hbm>>)
      %dma_wait3A_449 = arith.constant 384 : i32
      %dma_wait3A_450 = arith.constant 0 : i32
      %dma_wait3A_451 = tpu.memref_slice %arg16[%dma_wait3A_449, %dma_wait3A_450] : memref<1024x64xf32, #tpu.memory_space<vmem>> -> memref<128x64xf32, #tpu.memory_space<vmem>>
      %dma_wait3A_452 = arith.constant 0 : i32
      %dma_wait3A_453 = tpu.memref_slice %arg12[%add3A_361, %dma_wait3A_452] : memref<32x128xi32, #tpu.memory_space<vmem>> -> memref<1x128xi32, #tpu.memory_space<vmem>>
      %dma_wait3A_454 = tpu.memref_squeeze %dma_wait3A_453 : memref<1x128xi32, #tpu.memory_space<vmem>> -> memref<128xi32, #tpu.memory_space<vmem>>
      %dma_wait3A_455 = arith.constant 0 : i32
      %dma_wait3A_456 = arith.constant 0 : i32
      %dma_wait3A_457 = tpu.memref_slice %arg7[%dma_wait3A_455, %dma_wait3A_456] : memref<131072x64xf32, #tpu.memory_space<hbm>> -> memref<131072x64xf32, #tpu.memory_space<hbm>>
      tpu.wait_indirect_dma semaphore(%arg18 : memref<!tpu.dma_semaphore, #tpu.memory_space<semaphore_mem>>) src(%dma_wait3A_451 : memref<128x64xf32, #tpu.memory_space<vmem>>) dst(%dma_wait3A_457 : memref<131072x64xf32, #tpu.memory_space<hbm>>)
      %dma_wait3A_458 = arith.constant 512 : i32
      %dma_wait3A_459 = arith.constant 0 : i32
      %dma_wait3A_460 = tpu.memref_slice %arg16[%dma_wait3A_458, %dma_wait3A_459] : memref<1024x64xf32, #tpu.memory_space<vmem>> -> memref<128x64xf32, #tpu.memory_space<vmem>>
      %dma_wait3A_461 = arith.constant 0 : i32
      %dma_wait3A_462 = tpu.memref_slice %arg12[%add3A_374, %dma_wait3A_461] : memref<32x128xi32, #tpu.memory_space<vmem>> -> memref<1x128xi32, #tpu.memory_space<vmem>>
      %dma_wait3A_463 = tpu.memref_squeeze %dma_wait3A_462 : memref<1x128xi32, #tpu.memory_space<vmem>> -> memref<128xi32, #tpu.memory_space<vmem>>
      %dma_wait3A_464 = arith.constant 0 : i32
      %dma_wait3A_465 = arith.constant 0 : i32
      %dma_wait3A_466 = tpu.memref_slice %arg7[%dma_wait3A_464, %dma_wait3A_465] : memref<131072x64xf32, #tpu.memory_space<hbm>> -> memref<131072x64xf32, #tpu.memory_space<hbm>>
      tpu.wait_indirect_dma semaphore(%arg18 : memref<!tpu.dma_semaphore, #tpu.memory_space<semaphore_mem>>) src(%dma_wait3A_460 : memref<128x64xf32, #tpu.memory_space<vmem>>) dst(%dma_wait3A_466 : memref<131072x64xf32, #tpu.memory_space<hbm>>)
      %dma_wait3A_467 = arith.constant 640 : i32
      %dma_wait3A_468 = arith.constant 0 : i32
      %dma_wait3A_469 = tpu.memref_slice %arg16[%dma_wait3A_467, %dma_wait3A_468] : memref<1024x64xf32, #tpu.memory_space<vmem>> -> memref<128x64xf32, #tpu.memory_space<vmem>>
      %dma_wait3A_470 = arith.constant 0 : i32
      %dma_wait3A_471 = tpu.memref_slice %arg12[%add3A_387, %dma_wait3A_470] : memref<32x128xi32, #tpu.memory_space<vmem>> -> memref<1x128xi32, #tpu.memory_space<vmem>>
      %dma_wait3A_472 = tpu.memref_squeeze %dma_wait3A_471 : memref<1x128xi32, #tpu.memory_space<vmem>> -> memref<128xi32, #tpu.memory_space<vmem>>
      %dma_wait3A_473 = arith.constant 0 : i32
      %dma_wait3A_474 = arith.constant 0 : i32
      %dma_wait3A_475 = tpu.memref_slice %arg7[%dma_wait3A_473, %dma_wait3A_474] : memref<131072x64xf32, #tpu.memory_space<hbm>> -> memref<131072x64xf32, #tpu.memory_space<hbm>>
      tpu.wait_indirect_dma semaphore(%arg18 : memref<!tpu.dma_semaphore, #tpu.memory_space<semaphore_mem>>) src(%dma_wait3A_469 : memref<128x64xf32, #tpu.memory_space<vmem>>) dst(%dma_wait3A_475 : memref<131072x64xf32, #tpu.memory_space<hbm>>)
      %dma_wait3A_476 = arith.constant 768 : i32
      %dma_wait3A_477 = arith.constant 0 : i32
      %dma_wait3A_478 = tpu.memref_slice %arg16[%dma_wait3A_476, %dma_wait3A_477] : memref<1024x64xf32, #tpu.memory_space<vmem>> -> memref<128x64xf32, #tpu.memory_space<vmem>>
      %dma_wait3A_479 = arith.constant 0 : i32
      %dma_wait3A_480 = tpu.memref_slice %arg12[%add3A_400, %dma_wait3A_479] : memref<32x128xi32, #tpu.memory_space<vmem>> -> memref<1x128xi32, #tpu.memory_space<vmem>>
      %dma_wait3A_481 = tpu.memref_squeeze %dma_wait3A_480 : memref<1x128xi32, #tpu.memory_space<vmem>> -> memref<128xi32, #tpu.memory_space<vmem>>
      %dma_wait3A_482 = arith.constant 0 : i32
      %dma_wait3A_483 = arith.constant 0 : i32
      %dma_wait3A_484 = tpu.memref_slice %arg7[%dma_wait3A_482, %dma_wait3A_483] : memref<131072x64xf32, #tpu.memory_space<hbm>> -> memref<131072x64xf32, #tpu.memory_space<hbm>>
      tpu.wait_indirect_dma semaphore(%arg18 : memref<!tpu.dma_semaphore, #tpu.memory_space<semaphore_mem>>) src(%dma_wait3A_478 : memref<128x64xf32, #tpu.memory_space<vmem>>) dst(%dma_wait3A_484 : memref<131072x64xf32, #tpu.memory_space<hbm>>)
      %dma_wait3A_485 = arith.constant 896 : i32
      %dma_wait3A_486 = arith.constant 0 : i32
      %dma_wait3A_487 = tpu.memref_slice %arg16[%dma_wait3A_485, %dma_wait3A_486] : memref<1024x64xf32, #tpu.memory_space<vmem>> -> memref<128x64xf32, #tpu.memory_space<vmem>>
      %dma_wait3A_488 = arith.constant 0 : i32
      %dma_wait3A_489 = tpu.memref_slice %arg12[%add3A_413, %dma_wait3A_488] : memref<32x128xi32, #tpu.memory_space<vmem>> -> memref<1x128xi32, #tpu.memory_space<vmem>>
      %dma_wait3A_490 = tpu.memref_squeeze %dma_wait3A_489 : memref<1x128xi32, #tpu.memory_space<vmem>> -> memref<128xi32, #tpu.memory_space<vmem>>
      %dma_wait3A_491 = arith.constant 0 : i32
      %dma_wait3A_492 = arith.constant 0 : i32
      %dma_wait3A_493 = tpu.memref_slice %arg7[%dma_wait3A_491, %dma_wait3A_492] : memref<131072x64xf32, #tpu.memory_space<hbm>> -> memref<131072x64xf32, #tpu.memory_space<hbm>>
      tpu.wait_indirect_dma semaphore(%arg18 : memref<!tpu.dma_semaphore, #tpu.memory_space<semaphore_mem>>) src(%dma_wait3A_487 : memref<128x64xf32, #tpu.memory_space<vmem>>) dst(%dma_wait3A_493 : memref<131072x64xf32, #tpu.memory_space<hbm>>)
    }
    %scan3A_262 = arith.constant 4 : i32
    return
  }
}

</mosaic_0001>

<sc_bundles>
// kernel: kernel.11.cloned.1.call-start
scs
__scs_entry_jumppad:
0x0: {  	(pc) =	sbr.rel $0x88, $3  }
0x1: {  	(tag) =	ssettag $0x0;
	lr =	simm.s32 $0x1  }
0x2: {  	[smem:$0x3F9E] =	sst lr;
	_ =	strace $0xD0000000  }
0x3: {  	_ = 	snop  }
0x4: {  	_ = 	snop  }
0x5: {  	_ = 	snop  }
0x6: {  	_ = 	snop  }
0x7: {  	_ = 	snop  }
__scs_overlays_trampoline_lowered:
0x8: {  	[smem:$0x3FAD] =	sst s0  }
0x9: {  	[smem:$0x3FAE] =	sst s1  }
0xa: {  	[smem:$0x3FAF] =	sst s2  }
0xb: {  	[smem:$0x3FB0] =	sst s3  }
0xc: {  	[smem:$0x3FB1] =	sst s4  }
0xd: {  	[smem:$0x3FB2] =	sst s5  }
0xe: {  	[smem:$0x3FB3] =	sst s6  }
0xf: {  	[smem:$0x3FB4] =	sst s7  }
0x10: {  	[smem:$0x3FB5] =	sst s8  }
0x11: {  	[smem:$0x3FB6] =	sst s9;
	s0 =	simm.s32 @!p0 $0x0  }
0x12: {  	s1 =	sld [smem:$0x3F9C];
	s0 =	simm.s32 @p0 $0x1  }
0x13: {  	[smem:$0x3FB7] =	sst s0;
	s0 =	simm.s32 @!p1 $0x0  }
0x14: {  	s2 =	sld [smem:$0x3F9B];
	s0 =	simm.s32 @p1 $0x1  }
0x15: {  	[smem:$0x3FB8] =	sst s0;
	s0 =	simm.s32 @!p2 $0x0  }
0x16: {  	s3 =	sld [smem:$0x3FDB];
	s0 =	simm.s32 @p2 $0x1  }
0x17: {  	s4 =	simm.s32 $0x1BF5;
	[smem:$0x3FBA] =	sst s0  }
0x18: {  	s0 =	sld [smem:$0x3F9D];
	_ =	swait.ge [sflag:s4], $0x0  }
0x19: {  	s7 =	sld [smem:$0x3F9E]  }
0x1a: {  	s8 =	sadd.s32 $0xFFFFE003, lr  }
0x1b: {  	s9 =	sadd.s32 $0xFFFFFEF7, lr;
	s5 =	simm.s32 $0xFFFFFFFF;
	p2 =	slt.u32 s8, $0xFFFFF086  }
0x1c: {  	p1 =	slt.u32 s9, $0xF7A;
	s5 =	simm.s32 @!p2 $0x0  }
0x1d: {  	s5 =	simm.s32 @p1 $0x1;
	p0 =	seq.s32 s7, s2  }
0x1e: {  	s7 =	smul.u32 @!p0 $0xF7A, s2;
	p2 =	seq.s32 @!p0 s5, $0x0  }
0x1f: {  	s9 =	smul.u32 $0xF7A, s1;
	s8 =	simm.s32 @!p0 $0x1BF5;
	p2 =	por !p2, p0  }
0x20: {  	[sflag:s8] =	ssyncset.s32 @!p0 $0xFFFFF086;
	s6 =	sadd.s32 @!p0 s3, s7;
	s7 =	simm.s32 @!p0 $0x108  }
0x21: {  	s3 =	sadd.s32 s3, s9;
	s6 =	sadd.s32 @!p0 $0x88, s6;
	s7 =	simm.s32 @p2 $0x1082  }
0x22: {  	[simem:s7], [sflag:s8] =	dma.local @!p0 [hbm:s6], $0xF7A  }
0x23: {  	s9 =	sor.u32 $0xD0000000, s2;
	s6 =	simm.s32 $0x108;
	_ =	swait.ge @!p0 [sflag:s8], $0x0  }
0x24: {  	s3 =	sadd.s32 $0x88, s3;
	s6 =	simm.s32 @!p1 $0x1082;
	[sflag:s4] =	ssyncset.s32 $0xFFFFF086  }
0x25: {  	[simem:s6], [sflag:s4] =	dma.local [hbm:s3], $0xF7A  }
0x26: {  	[smem:$0x3F9E] =	sst s1;
	(tag) =	ssettag s2;
	_ =	strace s9  }
0x27: {  	s1 =	sld [smem:$0x3FAE]  }
0x28: {  	s2 =	sld [smem:$0x3FAF]  }
0x29: {  	s4 =	sld [smem:$0x3FB1]  }
0x2a: {  	p0 =	seq.s32 s5, $0x0;
	s5 =	sld [smem:$0x3FB2]  }
0x2b: {  	s6 =	sld [smem:$0x3FB3]  }
0x2c: {  	s7 =	sld [smem:$0x3FB4]  }
0x2d: {  	s3 =	simm.s32 $0x108;
	s8 =	sld [smem:$0x3FB5]  }
0x2e: {  	s3 =	simm.s32 @!p0 $0x1082;
	s9 =	sld [smem:$0x3FB6]  }
0x2f: {  	lr =	sadd.s32 s0, s3;
	s0 =	sld [smem:$0x3FAD]  }
0x30: {  	s3 =	sld [smem:$0x3FB0]  }
0x31: {  	[smem:$0x3FB9] =	sst s10  }
0x32: {  	s10 =	sld [smem:$0x3FB7];
	_ =	sdelay $0x3  }
0x33: {  	p0 =	seq.s32 s10, $0x1;
	s10 =	sld [smem:$0x3FB9];
	_ =	sdelay $0x3  }
0x34: {  	[smem:$0x3FB9] =	sst s10  }
0x35: {  	s10 =	sld [smem:$0x3FB8];
	_ =	sdelay $0x3  }
0x36: {  	p1 =	seq.s32 s10, $0x1;
	s10 =	sld [smem:$0x3FB9];
	_ =	sdelay $0x3  }
0x37: {  	[smem:$0x3FB9] =	sst s10  }
0x38: {  	s10 =	sld [smem:$0x3FBA]  }
0x39: {  	_ = 	snop;
	(pc) =	sbr.ind lr, $3  }
0x3a: {  	_ = 	snop  }
0x3b: {  	_ = 	snop  }
0x3c: {  	p2 =	seq.s32 s10, $0x1;
	s10 =	sld [smem:$0x3FB9]  }
0x3d: {  	_ =	shalt  }
0x3e: {  	_ =	shalt  }
0x3f: {  	_ =	shalt  }
0x40: {  	_ =	shalt  }
0x41: {  	_ =	shalt  }
0x42: {  	_ =	shalt  }
0x43: {  	_ =	shalt  }
0x44: {  	_ =	shalt  }
0x45: {  	_ =	shalt  }
0x46: {  	_ =	shalt  }
0x47: {  	_ =	shalt  }
0x48: {  	_ =	shalt  }
0x49: {  	_ =	shalt  }
0x4a: {  	_ =	shalt  }
0x4b: {  	_ =	shalt  }
0x4c: {  	_ =	shalt  }
0x4d: {  	_ =	shalt  }
0x4e: {  	_ =	shalt  }
0x4f: {  	_ =	shalt  }
0x50: {  	_ =	shalt  }
0x51: {  	_ =	shalt  }
0x52: {  	_ =	shalt  }
0x53: {  	_ =	shalt  }
0x54: {  	_ =	shalt  }
0x55: {  	_ =	shalt  }
0x56: {  	_ =	shalt  }
0x57: {  	_ =	shalt  }
0x58: {  	_ =	shalt  }
0x59: {  	_ =	shalt  }
0x5a: {  	_ =	shalt  }
0x5b: {  	_ =	shalt  }
0x5c: {  	_ =	shalt  }
0x5d: {  	_ =	shalt  }
0x5e: {  	_ =	shalt  }
0x5f: {  	_ =	shalt  }
0x60: {  	_ =	shalt  }
0x61: {  	_ =	shalt  }
0x62: {  	_ =	shalt  }
0x63: {  	_ =	shalt  }
0x64: {  	_ =	shalt  }
0x65: {  	_ =	shalt  }
0x66: {  	_ =	shalt  }
0x67: {  	_ =	shalt  }
0x68: {  	_ =	shalt  }
0x69: {  	_ =	shalt  }
0x6a: {  	_ =	shalt  }
0x6b: {  	_ =	shalt  }
0x6c: {  	_ =	shalt  }
0x6d: {  	_ =	shalt  }
0x6e: {  	_ =	shalt  }
0x6f: {  	_ =	shalt  }
0x70: {  	_ =	shalt  }
0x71: {  	_ =	shalt  }
0x72: {  	_ =	shalt  }
0x73: {  	_ =	shalt  }
0x74: {  	_ =	shalt  }
0x75: {  	_ =	shalt  }
0x76: {  	_ =	shalt  }
0x77: {  	_ =	shalt  }
0x78: {  	_ =	shalt  }
0x79: {  	_ =	shalt  }
0x7a: {  	_ =	shalt  }
0x7b: {  	_ =	shalt  }
0x7c: {  	_ =	shalt  }
0x7d: {  	_ =	shalt  }
0x7e: {  	_ =	shalt  }
0x7f: {  	_ =	shalt  }
0x80: {  	_ =	shalt  }
0x81: {  	_ =	shalt  }
0x82: {  	_ =	shalt  }
0x83: {  	_ =	shalt  }
0x84: {  	_ =	shalt  }
0x85: {  	_ =	shalt  }
0x86: {  	_ =	shalt  }
0x87: {  	_ =	shalt  }
.Lfunc_end0:
.L_simem_size_0:
called_computation.3_lowered:
.L_overlay_start_0:
0x88: {  	s2 =	sld [smem:$0x3FD9]  }
0x89: {  	s3 =	sld [smem:$0x3FFE];
	_ =	sdelay $0x1  }
0x8a: {  	s1 =	srdreg.scid  }
0x8b: {  	s0 =	sand.u32 $0x1, s1  }
0x8c: {  	s17 =	sshll.u32 s0, $0xA;
	s2 =	sadd.s32 s3, s2  }
0x8d: {  	s2 =	sadd.s32 s2, s17  }
0x8e: {  	[smem:$0x3FC5] =	sst s2  }
0x8f: {  	_ = 	snop  }
0x90: {  	s2 =	sld [smem:$0x3FC7]  }
0x91: {  	s18 =	sld [smem:$0x3FD0];
	(tm) =	ssettm $0x1  }
0x92: {  	s4 =	sld [smem:$0x3FFB];
	_ =	sdelay $0x3  }
0x93: {  	_ =	strace s4  }
0x94: {  	s4 =	sld [smem:$0x3FFC];
	_ =	sdelay $0x3  }
0x95: {  	_ =	strace s4  }
0x96: {  	s4 =	sld [smem:$0x3FFD];
	_ =	sdelay $0x3  }
0x97: {  	_ =	strace s4  }
0x98: {  	_ =	strace $0x8FFFFFFF  }
0x99: {  	s19 =	sld [smem:$0x3FDB];
	_ =	sdelay $0x1  }
0x9a: {  	s5 =	simm.s32 $_scs_section_size  }
0x9b: {  	s6 =	simm.s32 $_size__tile_overlayer_lowered;
	s7 =	simm.s32 $_tile_overlayer_lowered  }
0x9c: {  	s22 =	simm.s32 $0x1BFF;
	s21 =	sshll.u32 s7, $0x1;
	s4 =	sadd.s32 s5, s19  }
0x9d: {  	s8 =	simm.s32 $0x0;
	s20 =	sshll.u32 s6, $0x1;
	s6 =	sadd.s32 s21, s4  }
0x9e: {  	[timem:s8], [sflag:s22] =	dma.local [hbm:s6], s20  }
0x9f: {  	_ =	swait.ge [sflag:s22], s20  }
0xa0: {  	s5 =	ssub.s32 $0x0, s20;
	[sflag:s22] =	ssyncset.done $0x0  }
0xa1: {  	[sflag:s22] =	ssyncadd.s32 s5;
	_ =	sdelay $0x1  }
0xa2: {  	s23 =	simm.s32 $0x1B8B  }
0xa3: {  	_ =	swait.ge [sflag:s23], $0x1  }
0xa4: {  	[sflag:s23] =	ssyncset.done $0x0  }
0xa5: {  	s25 =	simm.s32 $0x1B8E;
	s24 =	sld [smem:$0x3FFE];
	[sflag:s23] =	ssyncadd.s32 $0xFFFFFFFF  }
0xa6: {  	s26 =	simm.s32 $execute0_lowered;
	[smem:$0x3FD2] =	sst s25  }
0xa7: {  	s6 =	sshll.u32 s26, $0x1;
	_ =	strace $0x8000004C;
	[dreg:$0x1] =	wrdreg $0xFFFFFFFF  }
0xa8: {  	s28 =	simm.s32 $_size_execute0_lowered;
	s4 =	sadd.s32 s4, s6;
	[dreg:$0x0] =	wrdreg $0x0  }
0xa9: {  	s6 =	sshll.u32 s28, $0x1;
	[dreg:$0x2] =	wrdreg s4  }
0xaa: {  	[dreg:$0x3] =	wrdreg s6  }
0xab: {  	[dreg:$0x4] =	wrdreg $0xC0  }
0xac: {  	_ =	task [dreg:s8], $0x5FFFF  }
0xad: {  	[dreg:$0x1] =	wrdreg $0xFFFFFFFF  }
0xae: {  	[dreg:$0x0] =	wrdreg $0x60  }
0xaf: {  	[dreg:$0x2] =	wrdreg s24  }
0xb0: {  	[dreg:$0x3] =	wrdreg s2  }
0xb1: {  	[dreg:$0x4] =	wrdreg s18  }
0xb2: {  	[dreg:$0x5] =	wrdreg $0x9  }
0xb3: {  	_ =	task.clear_ibuf [dreg:s8], $0x6FFFF;
	_ =	strace $0x9000004C  }
0xb4: {  	s29 =	simm.s32 $0x9;
	_ =	strace $0x8000004E  }
0xb5: {  	_ =	swait.ge [sflag:s29], $0x1  }
0xb6: {  	[sflag:s29] =	ssyncadd.s32 $0xFFFFFFFF  }
0xb7: {  	_ =	strace $0x9000004E  }
0xb8: {  	_ =	sfence  }
0xb9: {  	s30 =	sld [smem:$0x0];
	_ =	sdelay $0x2  }
0xba: {  	s31 =	sshll.u32 s1, $0xD;
	s1 =	sshrl.u32 s1, $0x2  }
0xbb: {  	s3 =	sand.u32 $0x4000, s31;
	s1 =	sadd.s32 s1, s30  }
0xbc: {  	s0 =	sor.u32 s3, s0;
	s1 =	sshll.u32 s1, $0x11  }
0xbd: {  	s0 =	sor.u32 s1, s0  }
0xbe: {  	s0 =	sadd.s32 $0x8F2B, s0  }
0xbf: {  	[sflag:s0] =	ssyncadd.remote.s32 $0x1  }
0xc0: {  	_ =	sfence.sel $0xFFFF  }
0xc1: {  	[dreg:$0x0] =	wrdreg $0xFFFFFFFF;
	(pc) =	sbr.abs _section_cstart, $3  }
0xc2: {  	[dreg:$0x1] =	wrdreg $0xFFFFFFFF  }
0xc3: {  	_ =	task.clear_ibuf [dreg:s8], $0x2FFFF;
	_ =	strace $0x9FFFFFFF  }
0xc4: {  	(tm) =	ssettm $0x7FFFFFFF  }
0xc5: {  	_ =	shalt  }
tec
execute0_lowered:
.L_overlay_start_1:
0x0: {  	(tag) =	ssettag $0x1  }
0x1: {  	s0 =	rddreg [dreg:$0x0]  }
0x2: {  	s3 =	simm.s32 $0x0;
	s1 =	srdreg.scid;
	s4 =	stileid.u32  }
0x3: {  	s13 =	simm.s32 $0x2;
	s31 =	simm.s32 $0x1900;
	[smem:$0x7FF] =	sst s3  }
0x4: {  	s15 =	sadd.s32 $0x821A00, s0;
	s2 =	sadd.s32 $0x1400, s0;
	s7 =	sadd.s32 $0x1600, s0  }
0x5: {  	s1 =	sand.u32 $0x1, s1;
	_ =	strace $0x8000004D;
	[dreg:$0x6] =	wrdreg s2  }
0x6: {  	s16 =	sadd.s32 $0x11800, s0;
	s19 =	sadd.s32 $0x3FEA, s4;
	[dreg:$0x4] =	wrdreg s31  }
0x7: {  	v0 =	vimm.s32 $0xECA86420;
	v1 =	vlaneseq.u32;
	s28 =	ssub.s32 $0x2, s1;
	s1 =	sshll.u32 s1, $0x4;
	[dreg:$0x5] =	wrdreg s15  }
0x8: {  	vm0 =	vcmask $0xB08;
	vm1 =	vcmask $0x1310;
	vm2 =	vcmask $0x1B18;
	[dreg:$0x7] =	wrdreg s16;
	s29 =	sshrl.u32 s28, $0x1;
	s1 =	sor.u32 s4, s1  }
0x9: {  	vm3 =	vcmask $0x300;
	vm4 =	vcmask $0x2320;
	vm5 =	vcmask $0x2B28;
	[dreg:$0xa] =	wrdreg s19;
	s0 =	ssub.s32 s28, s29;
	s17 =	sshll.u32 s1, $0x2  }
0xa: {  	s21 =	simm.s32 $0x1;
	vm6 =	vcmask $0x3330;
	vm7 =	vcmask $0x3B38;
	v2 =	vunpack.c.l.s4.s8 v0;
	s0 =	smax.u32 s0, $0x1;
	[dreg:$0x8] =	wrdreg s17  }
0xb: {  	vm8 =	vmmov $0xff;
	v4 =	vimm.f32 $0.0e+00;
	v5 =	vimm.f32 $1.000000000e+00;
	s30 =	sshll.u32 s1, $0xC;
	s18 =	sand.u32 $0x70, s17;
	[dreg:$0xb] =	wrdreg s0  }
0xc: {  	s22 =	simm.s32 $0x16B00;
	v3 =	vmul.u32 $0x2, v1;
	v2 =	vunpack.c.0.s8.s32 v2;
	s1 =	simm.s32 $0x0;
	v0 =	vmov s30;
	[dreg:$0x9] =	wrdreg s18  }
.LBB2_1:
0xd: {  	v7 =	vor.u32 s3, v1;
	s0 =	rddreg [dreg:$0x6]  }
0xe: {  	[tilespmem:s3], [sflag:$0x2] =	stream.linear.gather [hbm4b:s0+s3], $0x1000, $0x38;
	[tilespmem:$0x16F00] =	vst v63  }
0xf: {  	_ =	swait.ge [sflag:s13], $0x1000  }
0x10: {  	[sflag:s13] =	ssyncset.done $0x0  }
0x11: {  	[sflag:s13] =	ssyncadd.s32 $0xFFFFF000  }
0x12: {  	v6 =	vimm.s32 $0x0;
	s0 =	simm.s32 $0x80;
	v7 =	vld.idx.msk [tilespmem:v7+s3+$0x0], $0xffff  }
.LBB2_2:
0x13: {  	v8 =	vor.u32 s0, v1;
	p0 =	sne.s32 s0, $0xF80;
	s0 =	sadd.s32 $0x80, s0  }
.Ltmp0:
0x14: {  	(pc) =	sbr.rel @p0 .LBB2_2-.Ltmp0, $2  }
0x15: {  	_ =	sdelay $0x2  }
0x16: {  	v6 =	vadd.s32 v6, v7;
	v7 =	vld.idx.msk [tilespmem:v8+s3+$0x0], $0xffff  }
0x17: {  	s0 =	simm.s32 $0x10  }
0x18: {  	v8 =	vor.u32 s0, v1;
	_ =	sdelay $0x2  }
0x19: {  	v6 =	vadd.s32 v6, v7  }
0x1a: {  	[tilespmem:$0x1000] =	vst v6  }
0x1b: {  	s0 =	simm.s32 $0x90;
	v7 =	vimm.s32 $0x0;
	v8 =	vld.idx.msk [tilespmem:v8+s3+$0x0], $0xffff  }
.LBB2_4:
0x1c: {  	v9 =	vor.u32 s0, v1;
	p0 =	sne.s32 s0, $0xF90;
	s0 =	sadd.s32 $0x80, s0  }
.Ltmp1:
0x1d: {  	(pc) =	sbr.rel @p0 .LBB2_4-.Ltmp1, $2  }
0x1e: {  	_ =	sdelay $0x2  }
0x1f: {  	v7 =	vadd.s32 v7, v8;
	v8 =	vld.idx.msk [tilespmem:v9+s3+$0x0], $0xffff  }
0x20: {  	s0 =	simm.s32 $0x20  }
0x21: {  	v9 =	vor.u32 s0, v1;
	_ =	sdelay $0x2  }
0x22: {  	v7 =	vadd.s32 v7, v8  }
0x23: {  	[tilespmem:$0x1010] =	vst v7  }
0x24: {  	s0 =	simm.s32 $0xA0;
	v7 =	vimm.s32 $0x0;
	v8 =	vld.idx.msk [tilespmem:v9+s3+$0x0], $0xffff  }
.LBB2_6:
0x25: {  	v9 =	vor.u32 s0, v1;
	p0 =	sne.s32 s0, $0xFA0;
	s0 =	sadd.s32 $0x80, s0  }
.Ltmp2:
0x26: {  	(pc) =	sbr.rel @p0 .LBB2_6-.Ltmp2, $2  }
0x27: {  	_ =	sdelay $0x2  }
0x28: {  	v7 =	vadd.s32 v7, v8;
	v8 =	vld.idx.msk [tilespmem:v9+s3+$0x0], $0xffff  }
0x29: {  	s0 =	simm.s32 $0x30  }
0x2a: {  	v9 =	vor.u32 s0, v1;
	_ =	sdelay $0x2  }
0x2b: {  	v7 =	vadd.s32 v7, v8  }
0x2c: {  	[tilespmem:$0x1020] =	vst v7  }
0x2d: {  	s0 =	simm.s32 $0xB0;
	v7 =	vimm.s32 $0x0;
	v8 =	vld.idx.msk [tilespmem:v9+s3+$0x0], $0xffff  }
.LBB2_8:
0x2e: {  	v9 =	vor.u32 s0, v1;
	p0 =	sne.s32 s0, $0xFB0;
	s0 =	sadd.s32 $0x80, s0  }
.Ltmp3:
0x2f: {  	(pc) =	sbr.rel @p0 .LBB2_8-.Ltmp3, $2  }
0x30: {  	_ =	sdelay $0x2  }
0x31: {  	v7 =	vadd.s32 v7, v8;
	v8 =	vld.idx.msk [tilespmem:v9+s3+$0x0], $0xffff  }
0x32: {  	s0 =	simm.s32 $0x40  }
0x33: {  	v9 =	vor.u32 s0, v1;
	_ =	sdelay $0x2  }
0x34: {  	v7 =	vadd.s32 v7, v8  }
0x35: {  	[tilespmem:$0x1030] =	vst v7  }
0x36: {  	s0 =	simm.s32 $0xC0;
	v7 =	vimm.s32 $0x0;
	v8 =	vld.idx.msk [tilespmem:v9+s3+$0x0], $0xffff  }
.LBB2_10:
0x37: {  	v9 =	vor.u32 s0, v1;
	p0 =	sne.s32 s0, $0xFC0;
	s0 =	sadd.s32 $0x80, s0  }
.Ltmp4:
0x38: {  	(pc) =	sbr.rel @p0 .LBB2_10-.Ltmp4, $2  }
0x39: {  	_ =	sdelay $0x2  }
0x3a: {  	v7 =	vadd.s32 v7, v8;
	v8 =	vld.idx.msk [tilespmem:v9+s3+$0x0], $0xffff  }
0x3b: {  	s0 =	simm.s32 $0x50  }
0x3c: {  	v9 =	vor.u32 s0, v1;
	_ =	sdelay $0x2  }
0x3d: {  	v7 =	vadd.s32 v7, v8  }
0x3e: {  	[tilespmem:$0x1040] =	vst v7  }
0x3f: {  	s0 =	simm.s32 $0xD0;
	v7 =	vimm.s32 $0x0;
	v8 =	vld.idx.msk [tilespmem:v9+s3+$0x0], $0xffff  }
.LBB2_12:
0x40: {  	v9 =	vor.u32 s0, v1;
	p0 =	sne.s32 s0, $0xFD0;
	s0 =	sadd.s32 $0x80, s0  }
.Ltmp5:
0x41: {  	(pc) =	sbr.rel @p0 .LBB2_12-.Ltmp5, $2  }
0x42: {  	_ =	sdelay $0x2  }
0x43: {  	v7 =	vadd.s32 v7, v8;
	v8 =	vld.idx.msk [tilespmem:v9+s3+$0x0], $0xffff  }
0x44: {  	s0 =	simm.s32 $0x60  }
0x45: {  	v9 =	vor.u32 s0, v1;
	_ =	sdelay $0x2  }
0x46: {  	v7 =	vadd.s32 v7, v8  }
0x47: {  	[tilespmem:$0x1050] =	vst v7  }
0x48: {  	s0 =	simm.s32 $0xE0;
	v7 =	vimm.s32 $0x0;
	v8 =	vld.idx.msk [tilespmem:v9+s3+$0x0], $0xffff  }
.LBB2_14:
0x49: {  	v9 =	vor.u32 s0, v1;
	p0 =	sne.s32 s0, $0xFE0;
	s0 =	sadd.s32 $0x80, s0  }
.Ltmp6:
0x4a: {  	(pc) =	sbr.rel @p0 .LBB2_14-.Ltmp6, $2  }
0x4b: {  	_ =	sdelay $0x2  }
0x4c: {  	v7 =	vadd.s32 v7, v8;
	v8 =	vld.idx.msk [tilespmem:v9+s3+$0x0], $0xffff  }
0x4d: {  	s0 =	simm.s32 $0x70  }
0x4e: {  	v9 =	vor.u32 s0, v1;
	_ =	sdelay $0x2  }
0x4f: {  	v7 =	vadd.s32 v7, v8  }
0x50: {  	[tilespmem:$0x1060] =	vst v7  }
0x51: {  	[dreg:$0xc] =	wrdreg s1;
	s0 =	simm.s32 $0xF0;
	v7 =	vimm.s32 $0x0;
	v8 =	vld.idx.msk [tilespmem:v9+s3+$0x0], $0xffff  }
.LBB2_16:
0x52: {  	v9 =	vor.u32 s0, v1;
	p0 =	sne.s32 s0, $0xFF0;
	s0 =	sadd.s32 $0x80, s0  }
.Ltmp7:
0x53: {  	(pc) =	sbr.rel @p0 .LBB2_16-.Ltmp7, $2  }
0x54: {  	_ =	sdelay $0x2  }
0x55: {  	v7 =	vadd.s32 v7, v8;
	v8 =	vld.idx.msk [tilespmem:v9+s3+$0x0], $0xffff  }
0x56: {  	v9 =	vld [tilespmem:$0x1010]  }
0x57: {  	v10 =	vld [tilespmem:$0x1020]  }
0x58: {  	v11 =	vld [tilespmem:$0x1030]  }
0x59: {  	v12 =	vld [tilespmem:$0x1040]  }
0x5a: {  	v6 =	vadd.s32 $0x7, v6;
	v13 =	vld [tilespmem:$0x1050]  }
0x5b: {  	v14 =	vld [tilespmem:$0x1060];
	v6 =	vand.u32 $0xFFFFFFF8, v6;
	v9 =	vadd.s32 $0x7, v9  }
0x5c: {  	(xrf0) =	vadd.scan.msk.s32 $0xffff, v6;
	v10 =	vadd.s32 $0x7, v10;
	v9 =	vand.u32 $0xFFFFFFF8, v9  }
0x5d: {  	v11 =	vadd.s32 $0x7, v11;
	v10 =	vand.u32 $0xFFFFFFF8, v10;
	(xrf0) =	vadd.scan.msk.s32 $0xffff, v9  }
0x5e: {  	v12 =	vadd.s32 $0x7, v12;
	v11 =	vand.u32 $0xFFFFFFF8, v11;
	(xrf0) =	vadd.scan.msk.s32 $0xffff, v10  }
0x5f: {  	v13 =	vadd.s32 $0x7, v13;
	v12 =	vand.u32 $0xFFFFFFF8, v12;
	(xrf0) =	vadd.scan.msk.s32 $0xffff, v11  }
0x60: {  	v14 =	vadd.s32 $0x7, v14;
	v13 =	vand.u32 $0xFFFFFFF8, v13;
	(xrf0) =	vadd.scan.msk.s32 $0xffff, v12  }
0x61: {  	v14 =	vand.u32 $0xFFFFFFF8, v14;
	(xrf0) =	vadd.scan.msk.s32 $0xffff, v13  }
0x62: {  	v15, _, _ =	vpop (xrf0);
	(xrf0) =	vadd.scan.msk.s32 $0xffff, v14  }
0x63: {  	(v2sf) =	vpush v15, $0xF;
	v16, _, _ =	vpop (xrf0)  }
0x64: {  	v17, _, _ =	vpop (xrf0);
	(v2sf) =	vpush v16, $0xF  }
0x65: {  	v18, _, _ =	vpop (xrf0);
	(v2sf) =	vpush v17, $0xF  }
0x66: {  	v19, _, _ =	vpop (xrf0);
	(v2sf) =	vpush v18, $0xF  }
0x67: {  	v20, _, _ =	vpop (xrf0);
	(v2sf) =	vpush v19, $0xF  }
0x68: {  	(v2sf) =	vpush v20, $0xF;
	v21, _, _ =	vpop (xrf0)  }
0x69: {  	v7 =	vadd.s32 v7, v8;
	(v2sf) =	vpush v21, $0xF  }
0x6a: {  	[tilespmem:$0x1070] =	vst v7  }
0x6b: {  	v7 =	vld [tilespmem:$0x1070];
	_ =	sdelay $0x4  }
0x6c: {  	v7 =	vadd.s32 $0x7, v7  }
0x6d: {  	v59 =	vbroadcast v15, $0xF;
	v7 =	vand.u32 $0xFFFFFFF8, v7  }
0x6e: {  	(xrf0) =	vadd.scan.msk.s32 $0xffff, v7;
	s0 =	spop (v2sf)  }
0x6f: {  	v6 =	vsub.s32 v15, v6;
	v8 =	vsub.s32 v59, v9;
	s1 =	spop (v2sf)  }
0x70: {  	[tilespmem:$0x1080] =	vst v6;
	v6 =	vadd.s32 v16, v8;
	v60 =	vsub.s32 v17, v10;
	s2 =	spop (v2sf);
	s0 =	sadd.s32 s0, s1  }
0x71: {  	[tilespmem:$0x1090] =	vst v6;
	v6 =	vsub.s32 v18, v11;
	s28 =	spop (v2sf);
	v8 =	vadd.s32 s0, v60;
	s0 =	sadd.s32 s0, s2  }
0x72: {  	v61 =	vsub.s32 v19, v12;
	[tilespmem:$0x10A0] =	vst v8;
	s29 =	spop (v2sf);
	v6 =	vadd.s32 s0, v6;
	s0 =	sadd.s32 s0, s28  }
0x73: {  	[tilespmem:$0x10B0] =	vst v6;
	v6 =	vsub.s32 v20, v13;
	s30 =	spop (v2sf);
	v8 =	vadd.s32 s0, v61;
	s0 =	sadd.s32 s0, s29  }
0x74: {  	v62 =	vsub.s32 v21, v14;
	v63, _, _ =	vpop (xrf0);
	[tilespmem:$0x10C0] =	vst v8;
	v6 =	vadd.s32 s0, v6;
	s0 =	sadd.s32 s0, s30;
	s31 =	spop (v2sf)  }
0x75: {  	v7 =	vsub.s32 v63, v7;
	[tilespmem:$0x10D0] =	vst v6;
	v6 =	vadd.s32 s0, v62;
	s0 =	sadd.s32 s0, s31  }
0x76: {  	[tilespmem:$0x10E0] =	vst v6;
	v6 =	vadd.s32 s0, v7  }
0x77: {  	s4 =	simm.s32 $0x0;
	s1 =	simm.s32 $0x0;
	[tilespmem:$0x10F0] =	vst v6  }
.LBB2_18:
0x78: {  	[dreg:$0xe] =	wrdreg s1  }
0x79: {  	s12 =	sshll.u32 s1, $0x8;
	s0 =	rddreg [dreg:$0x1]  }
0x7a: {  	s14 =	simm.s32 $0x1100;
	s2 =	simm.s32 $0x0;
	s1 =	sadd.s32 s0, s12  }
0x7b: {  	[tilespmem:s14], [sflag:$0x2] =	stream.linear.gather [hbm4b:s1+s2], $0x800, $0x38;
	[tilespmem:$0x16F00] =	vst v63  }
0x7c: {  	_ =	swait.ge [sflag:s13], $0x800  }
0x7d: {  	[sflag:s13] =	ssyncset.done $0x0  }
0x7e: {  	s15 =	simm.s32 $0x0;
	[sflag:s13] =	ssyncadd.s32 $0xFFFFF800  }
0x7f: {  	v6 =	vld [tilespmem:s15+$0x1100];
	_ =	sdelay $0x4  }
0x80: {  	v6 =	vadd.s32 $0xFFFFFFFD, v6  }
0x81: {  	(v2sf) =	vpush v6, $0x5  }
0x82: {  	(v2sf) =	vpush v6, $0xE;
	_ =	sdelay $0x1  }
0x83: {  	(v2sf) =	vpush v6, $0xD  }
0x84: {  	(v2sf) =	vpush v6, $0x3  }
0x85: {  	(v2sf) =	vpush v6, $0x8  }
0x86: {  	(v2sf) =	vpush v6, $0xC  }
0x87: {  	(v2sf) =	vpush v6, $0x1;
	_ =	sdelay $0x1  }
0x88: {  	(v2sf) =	vpush v6, $0x2;
	_ =	sdelay $0x1  }
0x89: {  	(v2sf) =	vpush v6, $0x0;
	_ =	sdelay $0x3  }
0x8a: {  	(v2sf) =	vpush v6, $0x9;
	s1 =	spop (v2sf)  }
0x8b: {  	s2 =	smulhi.u32 $0x92492493, s1;
	s6 =	spop (v2sf)  }
0x8c: {  	[dreg:$0xd] =	wrdreg s4;
	s17 =	sshra.s32 s1, $0x1F;
	s8 =	smulhi.u32 $0x92492493, s6  }
0x8d: {  	s5 =	sshra.s32 s6, $0x1F;
	s9 =	spop (v2sf);
	s23 =	smul.u32 $0x92492493, s17  }
0x8e: {  	(v2sf) =	vpush v6, $0x4;
	s10 =	smul.u32 $0x92492493, s5;
	s12 =	spop (v2sf)  }
0x8f: {  	s14 =	smulhi.u32 $0x92492493, s9;
	s20 =	spop (v2sf)  }
0x90: {  	(v2sf) =	vpush v6, $0xA;
	s19 =	smulhi.u32 $0x92492493, s12;
	s16 =	spop (v2sf)  }
0x91: {  	s24 =	smulhi.u32 $0x92492493, s16;
	s26 =	spop (v2sf)  }
0x92: {  	(v2sf) =	vpush v6, $0xF;
	s5 =	simm.s32 $0x40;
	s11 =	sshra.s32 s16, $0x1F;
	s18 =	smulhi.u32 $0x92492493, s26  }
0x93: {  	(v2sf) =	vpush v6, $0x6;
	s25 =	sshra.s32 s9, $0x1F;
	s28 =	spop (v2sf);
	s11 =	smul.u32 $0x92492493, s11  }
0x94: {  	s6 =	ssub.s32 s8, s6;
	s30 =	sshra.s32 s26, $0x1F;
	s31 =	smulhi.u32 $0x92492493, s28  }
0x95: {  	(v2sf) =	vpush v6, $0xB;
	s15 =	spop (v2sf);
	s30 =	smul.u32 $0x92492493, s30;
	s17 =	ssub.s32 s24, s16  }
0x96: {  	s16 =	sshra.s32 s12, $0x1F;
	s12 =	ssub.s32 s19, s12;
	s19 =	smulhi.u32 $0x92492493, s20  }
0x97: {  	(v2sf) =	vpush v6, $0x7;
	s29 =	sshra.s32 s20, $0x1F;
	s9 =	ssub.s32 s14, s9;
	s0 =	smulhi.u32 $0x92492493, s15  }
0x98: {  	s14 =	sadd.s32 s10, s6;
	s8 =	ssub.s32 s18, s26;
	s16 =	smul.u32 $0x92492493, s16  }
0x99: {  	s18 =	spop (v2sf);
	s11 =	sadd.s32 s11, s17;
	s8 =	sadd.s32 s30, s8  }
0x9a: {  	s30 =	sshra.s32 s15, $0x1F;
	s31 =	ssub.s32 s31, s28;
	s26 =	smulhi.u32 $0x92492493, s18  }
0x9b: {  	s28 =	sshra.s32 s28, $0x1F;
	s24 =	sshra.s32 s18, $0x1F;
	s30 =	smul.u32 $0x92492493, s30  }
0x9c: {  	s10 =	ssub.s32 s19, s20;
	s15 =	ssub.s32 s0, s15;
	s19 =	smul.u32 $0x92492493, s28  }
0x9d: {  	s0 =	spop (v2sf);
	s28 =	smul.u32 $0x92492493, s25;
	s25 =	ssub.s32 s2, s1  }
0x9e: {  	s17 =	sshra.s32 s0, $0x1F;
	s6 =	smulhi.u32 $0x92492493, s0;
	s15 =	sadd.s32 s30, s15  }
0x9f: {  	s2 =	sadd.s32 s19, s31;
	s19 =	smul.u32 $0x92492493, s29;
	v7 =	vmov s15;
	s20 =	spop (v2sf)  }
0xa0: {  	v8 =	vmov s11;
	s26 =	ssub.s32 s26, s18;
	s9 =	sadd.s32 s28, s9;
	v7 =	vnsel vm3, $0x0, v7;
	s11 =	smulhi.u32 $0x92492493, s20  }
0xa1: {  	s1 =	sshra.s32 s20, $0x1F;
	s31 =	spop (v2sf);
	v7 =	vsel vm0, s8, v7;
	s8 =	smul.u32 $0x92492493, s17  }
0xa2: {  	s28 =	smul.u32 $0x92492493, s1;
	s1 =	sadd.s32 s16, s12;
	s12 =	spop (v2sf)  }
0xa3: {  	s29 =	sshra.s32 s31, $0x1F;
	s15 =	smulhi.u32 $0x92492493, s31;
	s16 =	sadd.s32 s19, s10  }
0xa4: {  	s19 =	ssub.s32 s6, s0;
	v9 =	vsel vm1, s2, v7;
	s10 =	smulhi.u32 $0x92492493, s12;
	s30 =	spop (v2sf)  }
0xa5: {  	s18 =	sshra.s32 s12, $0x1F;
	v9 =	vsel vm2, s1, v9;
	s20 =	ssub.s32 s11, s20;
	s1 =	smov.u32 s4  }
0xa6: {  	v7 =	vsel vm0, s9, v8;
	s31 =	ssub.s32 s15, s31;
	s2 =	sshra.s32 s30, $0x1F;
	s17 =	spop (v2sf)  }
0xa7: {  	v7 =	vsel vm1, s14, v7;
	v8 =	vmov s16;
	s6 =	ssub.s32 s10, s12;
	s10 =	smul.u32 $0x92492493, s18;
	s12 =	smov.u32 s4  }
.LBB2_19:
0xa8: {  	s0 =	smulhi.u32 $0x92492493, s17  }
0xa9: {  	s11 =	smul.u32 $0x92492493, s24  }
0xaa: {  	s16 =	smulhi.u32 $0x92492493, s30  }
0xab: {  	s15 =	sadd.s32 s28, s20;
	s2 =	smul.u32 $0x92492493, s2  }
0xac: {  	s8 =	sadd.s32 s8, s19;
	s19 =	smul.u32 $0x92492493, s29;
	s20 =	sadd.s32 s11, s26  }
0xad: {  	s14 =	sshra.s32 s17, $0x1F;
	s18 =	sadd.s32 s23, s25;
	s23 =	ssub.s32 s16, s30;
	v8 =	vsel vm0, s20, v8  }
0xae: {  	s24 =	smul.u32 $0x92492493, s14;
	v9 =	vsel vm4, s8, v9;
	s2 =	sadd.s32 s2, s23;
	s8 =	sadd.s32 s19, s31;
	v8 =	vsel vm1, s15, v8  }
0xaf: {  	s6 =	sadd.s32 s10, s6;
	s0 =	ssub.s32 s0, s17;
	v9 =	vsel vm5, s18, v9;
	v7 =	vsel vm2, s8, v7;
	v8 =	vsel vm2, s2, v8  }
0xb0: {  	s0 =	sadd.s32 s24, s0;
	v9 =	vsel vm6, s6, v9;
	v7 =	vcombine.low v8, v7  }
0xb1: {  	v8 =	vsel vm7, s0, v9  }
0xb2: {  	v8 =	vperm.xlane v8, v3;
	v7 =	vperm.xlane v7, v2;
	_ =	sdelay $0x1  }
0xb3: {  	v7 =	vsel vm8, v8, v7  }
0xb4: {  	v6 =	vadd.s32 v6, v7  }
0xb5: {  	v7 =	vshrl.u32 v6, $0x1F;
	v6 =	vshra.s32 v6, $0x2  }
0xb6: {  	v6 =	vadd.s32 v7, v6  }
0xb7: {  	v6 =	vsub.s32 v6, v0  }
0xb8: {  	vm9 =	vlt.u32 v6, $0x1000  }
0xb9: {  	v6 =	vnsel vm9, $0x0, v6;
	_ =	sdelay $0x3  }
0xba: {  	s9 =	smov.u32 s5;
	s25 =	rddreg [dreg:$0x4];
	v7 =	vor.u32 s12, v1  }
0xbb: {  	s26 =	sshra.s32 s9, $0x2;
	[tilespmem:v6+s25+$0x0] =	vst.idx.msk vm9, v7  }
0xbc: {  	v6 =	vld [tilespmem:s26+$0x1100];
	_ =	sdelay $0x4  }
0xbd: {  	v6 =	vadd.s32 $0xFFFFFFFD, v6  }
0xbe: {  	(v2sf) =	vpush v6, $0x5  }
0xbf: {  	(v2sf) =	vpush v6, $0xE  }
0xc0: {  	(v2sf) =	vpush v6, $0xD  }
0xc1: {  	(v2sf) =	vpush v6, $0x3  }
0xc2: {  	(v2sf) =	vpush v6, $0x8  }
0xc3: {  	(v2sf) =	vpush v6, $0xC;
	_ =	sdelay $0x1  }
0xc4: {  	(v2sf) =	vpush v6, $0x1;
	_ =	sdelay $0x1  }
0xc5: {  	(v2sf) =	vpush v6, $0x2;
	_ =	sdelay $0x1  }
0xc6: {  	(v2sf) =	vpush v6, $0x0;
	_ =	sdelay $0x1  }
0xc7: {  	(v2sf) =	vpush v6, $0x9;
	_ =	sdelay $0x1  }
0xc8: {  	s25 =	spop (v2sf)  }
0xc9: {  	s26 =	smulhi.u32 $0x92492493, s25;
	s14 =	spop (v2sf)  }
0xca: {  	(v2sf) =	vpush v6, $0x4;
	s4 =	sshra.s32 s25, $0x1F;
	s15 =	smulhi.u32 $0x92492493, s14;
	s9 =	spop (v2sf)  }
0xcb: {  	s16 =	sshra.s32 s14, $0x1F;
	s23 =	smul.u32 $0x92492493, s4;
	s10 =	spop (v2sf)  }
0xcc: {  	p0 =	sne.s32 s5, $0x1FC0;
	s8 =	smul.u32 $0x92492493, s16;
	s11 =	spop (v2sf)  }
0xcd: {  	s1 =	sadd.s32 $0x10, s1;
	(v2sf) =	vpush v6, $0xA;
	s6 =	smulhi.u32 $0x92492493, s10;
	s0 =	spop (v2sf)  }
0xce: {  	s2 =	ssub.s32 s15, s14;
	s31 =	sshra.s32 s10, $0x1F;
	s14 =	smulhi.u32 $0x92492493, s0  }
0xcf: {  	s17 =	spop (v2sf);
	s6 =	ssub.s32 s6, s10;
	s10 =	smulhi.u32 $0x92492493, s11  }
0xd0: {  	s29 =	sshra.s32 s9, $0x1F;
	s15 =	sshra.s32 s0, $0x1F;
	s19 =	smulhi.u32 $0x92492493, s17  }
0xd1: {  	s25 =	ssub.s32 s26, s25;
	(v2sf) =	vpush v6, $0xF;
	s20 =	spop (v2sf);
	s15 =	smul.u32 $0x92492493, s15  }
0xd2: {  	(v2sf) =	vpush v6, $0x6;
	s18 =	sshra.s32 s17, $0x1F;
	s4 =	smulhi.u32 $0x92492493, s20;
	s30 =	sshra.s32 s20, $0x1F  }
0xd3: {  	(v2sf) =	vpush v6, $0xB;
	s24 =	spop (v2sf);
	s16 =	ssub.s32 s19, s17;
	s17 =	smul.u32 $0x92492493, s18  }
0xd4: {  	s0 =	ssub.s32 s14, s0;
	s18 =	sshra.s32 s24, $0x1F;
	s14 =	smulhi.u32 $0x92492493, s24  }
0xd5: {  	s19 =	ssub.s32 s4, s20;
	s20 =	smulhi.u32 $0x92492493, s9;
	s4 =	spop (v2sf);
	(v2sf) =	vpush v6, $0x7  }
0xd6: {  	s2 =	sadd.s32 s8, s2;
	s0 =	sadd.s32 s15, s0;
	s18 =	smul.u32 $0x92492493, s18  }
0xd7: {  	v8 =	vmov s0;
	s0 =	ssub.s32 s10, s11;
	s10 =	smul.u32 $0x92492493, s30;
	s14 =	ssub.s32 s14, s24  }
0xd8: {  	s16 =	sadd.s32 s17, s16;
	s8 =	smulhi.u32 $0x92492493, s4;
	s14 =	sadd.s32 s18, s14  }
0xd9: {  	s17 =	smul.u32 $0x92492493, s31;
	s9 =	ssub.s32 s20, s9;
	s20 =	spop (v2sf);
	v7 =	vmov s14  }
0xda: {  	s28 =	sshra.s32 s11, $0x1F;
	s26 =	ssub.s32 s8, s4;
	s8 =	smulhi.u32 $0x92492493, s20;
	v7 =	vnsel vm3, $0x0, v7  }
0xdb: {  	s5 =	sadd.s32 $0x40, s5;
	v7 =	vsel vm0, s16, v7;
	s16 =	sadd.s32 s10, s19;
	s19 =	smul.u32 $0x92492493, s28  }
0xdc: {  	s18 =	sshra.s32 s20, $0x1F;
	s14 =	smul.u32 $0x92492493, s29;
	s11 =	spop (v2sf)  }
0xdd: {  	s0 =	sadd.s32 s19, s0;
	s19 =	ssub.s32 s8, s20;
	s8 =	smul.u32 $0x92492493, s18  }
0xde: {  	s6 =	sadd.s32 s17, s6;
	s15 =	sshra.s32 s11, $0x1F;
	s17 =	smulhi.u32 $0x92492493, s11  }
0xdf: {  	s12 =	smov.u32 s1;
	s24 =	sshra.s32 s4, $0x1F;
	s28 =	smul.u32 $0x92492493, s15  }
.Ltmp8:
0xe0: {  	s9 =	sadd.s32 s14, s9;
	s14 =	spop (v2sf);
	(pc) =	sbr.rel @p0 .LBB2_19-.Ltmp8, $4  }
0xe1: {  	v9 =	vsel vm1, s16, v7;
	v7 =	vsel vm0, s9, v8;
	s9 =	spop (v2sf);
	s29 =	sshra.s32 s14, $0x1F;
	s16 =	smulhi.u32 $0x92492493, s14  }
0xe2: {  	s15 =	smulhi.u32 $0x92492493, s9;
	s30 =	spop (v2sf);
	s20 =	sshra.s32 s9, $0x1F  }
0xe3: {  	v7 =	vsel vm1, s2, v7;
	s2 =	sshra.s32 s30, $0x1F;
	s31 =	ssub.s32 s16, s14;
	s10 =	smul.u32 $0x92492493, s20  }
0xe4: {  	v9 =	vsel vm2, s6, v9;
	v8 =	vmov s0;
	s20 =	ssub.s32 s17, s11;
	s6 =	ssub.s32 s15, s9;
	s17 =	spop (v2sf)  }
0xe5: {  	s0 =	smulhi.u32 $0x92492493, s17  }
0xe6: {  	s1 =	smul.u32 $0x92492493, s24  }
0xe7: {  	s4 =	smulhi.u32 $0x92492493, s30  }
0xe8: {  	s5 =	sadd.s32 s8, s19;
	s2 =	smul.u32 $0x92492493, s2  }
0xe9: {  	s19 =	sshra.s32 s17, $0x1F;
	s9 =	smul.u32 $0x92492493, s29;
	s1 =	sadd.s32 s1, s26  }
0xea: {  	s11 =	sadd.s32 s28, s20;
	s14 =	sadd.s32 s23, s25;
	s4 =	ssub.s32 s4, s30;
	v8 =	vsel vm0, s1, v8  }
0xeb: {  	v9 =	vsel vm4, s5, v9;
	s25 =	smul.u32 $0x92492493, s19;
	s26 =	sadd.s32 s9, s31;
	s24 =	sadd.s32 s2, s4;
	v8 =	vsel vm1, s11, v8  }
0xec: {  	s28 =	sadd.s32 s10, s6;
	v9 =	vsel vm5, s14, v9;
	s0 =	ssub.s32 s0, s17;
	v7 =	vsel vm2, s26, v7;
	v8 =	vsel vm2, s24, v8  }
0xed: {  	v9 =	vsel vm6, s28, v9;
	s0 =	sadd.s32 s25, s0;
	v7 =	vcombine.low v8, v7  }
0xee: {  	v63 =	vsel vm7, s0, v9  }
0xef: {  	v8 =	vperm.xlane v63, v3;
	v7 =	vperm.xlane v7, v2;
	_ =	sdelay $0x1  }
0xf0: {  	v7 =	vsel vm8, v8, v7  }
0xf1: {  	v6 =	vadd.s32 v6, v7  }
0xf2: {  	v7 =	vshrl.u32 v6, $0x1F;
	v6 =	vshra.s32 v6, $0x2  }
0xf3: {  	v6 =	vadd.s32 v7, v6  }
0xf4: {  	s30 =	rddreg [dreg:$0xe];
	v6 =	vsub.s32 v6, v0  }
0xf5: {  	s1 =	sadd.s32 $0x1, s30;
	vm9 =	vlt.u32 v6, $0x1000  }
0xf6: {  	p0 =	sne.s32 s1, $0x40;
	v6 =	vnsel vm9, $0x0, v6  }
.Ltmp9:
0xf7: {  	_ = 	snop;
	(pc) =	sbr.rel @p0 .LBB2_18-.Ltmp9, $4  }
0xf8: {  	_ = 	snop  }
0xf9: {  	s29 =	rddreg [dreg:$0x4]  }
0xfa: {  	s31 =	rddreg [dreg:$0xd];
	v7 =	vor.u32 s12, v1  }
0xfb: {  	s5 =	simm.s32 $0x0;
	s4 =	sadd.s32 $0x800, s31;
	[tilespmem:v6+s29+$0x0] =	vst.idx.msk vm9, v7  }
0xfc: {  	s11 =	rddreg [dreg:$0x2]  }
0xfd: {  	s15 =	rddreg [dreg:$0x5]  }
0xfe: {  	s16 =	rddreg [dreg:$0x7]  }
0xff: {  	s17 =	rddreg [dreg:$0x8]  }
0x100: {  	s18 =	rddreg [dreg:$0x9]  }
0x101: {  	s19 =	rddreg [dreg:$0xa]  }
0x102: {  	s20 =	simm.s32 $0x2900;
	s23 =	simm.s32 $0x2980;
	s24 =	simm.s32 $0x2A00  }
0x103: {  	s25 =	simm.s32 $0x80;
	s26 =	simm.s32 $0x2B00;
	s28 =	simm.s32 $0x4B00  }
0x104: {  	s29 =	simm.s32 $0x6B00;
	s30 =	simm.s32 $0x8B00;
	s31 =	simm.s32 $0xAB00  }
.LBB2_22:
0x105: {  	s0 =	simm.s32 $0x0  }
.LBB2_23:
0x106: {  	p0 =	sne.s32 s0, $0x3FF00  }
.Ltmp10:
0x107: {  	s1 =	sshra.s32 s0, $0x2;
	(pc) =	sbr.rel @p0 .LBB2_23-.Ltmp10, $4  }
0x108: {  	[tilespmem:s1+$0x6B00] =	vst v4  }
0x109: {  	[tilespmem:s1+$0x6B10] =	vst v4  }
0x10a: {  	[tilespmem:s1+$0x6B20] =	vst v4  }
0x10b: {  	s0 =	sadd.s32 $0x100, s0;
	[tilespmem:s1+$0x6B30] =	vst v4  }
0x10c: {  	s0 =	simm.s32 $0x40;
	s1 =	simm.s32 $0x0  }
.LBB2_25:
0x10d: {  	p0 =	sne.s32 s0, $0xFC0;
	[tilespmem:s1+$0x16B00] =	vst v4;
	s1 =	smov.u32 s0;
	s0 =	sadd.s32 $0x40, s0  }
.Ltmp11:
0x10e: {  	(pc) =	sbr.rel @p0 .LBB2_25-.Ltmp11, $2  }
0x10f: {  	_ =	sdelay $0x2  }
0x110: {  	s1 =	sshra.s32 s1, $0x2  }
0x111: {  	[tilespmem:s1+$0x16B00] =	vst v4  }
0x112: {  	v6 =	vld [tilespmem:s18+$0x1000]  }
0x113: {  	s2 =	sor.u32 s17, s5  }
0x114: {  	s0 =	sand.u32 $0xF, s2  }
0x115: {  	v7 =	vmov s0  }
0x116: {  	v8 =	vld [tilespmem:s18+$0x1080];
	vm9 =	veq.s32 v7, v1  }
0x117: {  	v6 =	vnsel vm9, $0x0, v6  }
0x118: {  	(xrf0) =	vadd.scan.msk.s32 $0xffff, v6;
	_ =	sdelay $0x2  }
0x119: {  	v6 =	vnsel vm9, $0x0, v8;
	_ =	sdelay $0x2  }
0x11a: {  	(xrf0) =	vadd.scan.msk.s32 $0xffff, v6;
	v6, _, _ =	vpop (xrf0)  }
0x11b: {  	(v2sf) =	vpush v6, $0xF;
	_ =	sdelay $0x5  }
0x11c: {  	v6, _, _ =	vpop (xrf0)  }
0x11d: {  	(v2sf) =	vpush v6, $0xF;
	_ =	sdelay $0x7  }
0x11e: {  	s0 =	spop (v2sf)  }
0x11f: {  	s6 =	sadd.s32 $0xFF, s0  }
0x120: {  	p0 =	slt.s32 s6, $0x100  }
.Ltmp12:
0x121: {  	_ = 	snop;
	(pc) =	sbr.rel @p0 .LBB2_33-.Ltmp12, $2  }
0x122: {  	_ =	sdelay $0x2  }
0x123: {  	s1 =	spop (v2sf)  }
0x124: {  	s4 =	sshra.s32 s6, $0x1F  }
0x125: {  	s14 =	sand.u32 $0x7, s1;
	s4 =	sshrl.u32 s4, $0x18  }
0x126: {  	s2 =	sshll.u32 s2, $0xA;
	s12 =	simm.s32 $0x0;
	s4 =	sadd.s32 s4, s6  }
0x127: {  	v6 =	vmov s2;
	p0 =	seq.s32 s14, $0x0;
	s14 =	simm.s32 $0x0;
	s6 =	sshra.s32 s4, $0x8  }
.LBB2_28:
0x128: {  	s2 =	sshll.u32 s14, $0x8  }
0x129: {  	s4 =	sadd.s32 s1, s2  }
0x12a: {  	s8 =	sshrl.u32 s4, $0x3  }
0x12b: {  	s9 =	sadd.s32 s7, s8  }
0x12c: {  	[tilespmem:s20], [sflag:$0x2] =	stream.linear.gather [hbm4b:s9+s3], $0x80, $0x38;
	[tilespmem:$0x16F00] =	vst v63  }
0x12d: {  	_ =	swait.ge [sflag:s13], $0x80  }
0x12e: {  	s9 =	sld [smem:$0x7FF];
	_ =	sdelay $0x2  }
0x12f: {  	p1 =	sne.s32 @!p0 s9, $0x1  }
0x130: {  	[sflag:s13] =	ssyncset.done $0x0;
	p1 =	por !p1, p0  }
0x131: {  	[sflag:s13] =	ssyncadd.s32 $0xFFFFFF80;
	s9 =	sor.u32 @!p1 $0x100000, s19  }
0x132: {  	[smem:s9], [sflag:$0x0] =	smem.add.s32 @!p1 $0x141;
	s9 =	simm.s32 @!p1 $0x0  }
0x133: {  	s10 =	simm.s32 @!p1 $0x1;
	_ =	swait.done @!p1 [sflag:s9]  }
0x134: {  	s4 =	sadd.s32 $0x80, s4;
	[smem:$0x7FF] =	sst @!p1 s10  }
0x135: {  	s4 =	sshrl.u32 s4, $0x3;
	_ =	sint @!p1 $0x2  }
0x136: {  	s4 =	sadd.s32 s7, s4;
	_ =	swait.notdone @!p1 [sflag:s9]  }
0x137: {  	[tilespmem:s23], [sflag:$0x2] =	stream.linear.gather [hbm4b:s4+s12], $0x80, $0x38;
	[tilespmem:$0x16F00] =	vst v63  }
0x138: {  	_ =	swait.ge [sflag:s13], $0x80  }
0x139: {  	[sflag:s13] =	ssyncset.done $0x0  }
0x13a: {  	s10 =	sadd.s32 s16, s8;
	[sflag:s13] =	ssyncadd.s32 $0xFFFFFF80  }
0x13b: {  	[tilespmem:s24], [sflag:$0x2] =	stream.linear.gather [hbm4b:s10+s12], $0x100, $0x38;
	[tilespmem:$0x16F00] =	vst v63  }
0x13c: {  	s2 =	ssub.s32 s0, s2;
	_ =	swait.ge [sflag:s13], $0x100  }
0x13d: {  	v7 =	vmov s2;
	s2 =	sand.u32 $0xF0, s12;
	[sflag:s13] =	ssyncset.done $0x0  }
0x13e: {  	s9 =	simm.s32 $0x0;
	s10 =	simm.s32 $0x10;
	[sflag:s13] =	ssyncadd.s32 $0xFFFFFF00  }
.LBB2_29:
0x13f: {  	p1 =	sne.s32 s10, $0xF0;
	v8 =	vld [tilespmem:s2+$0x2900];
	_ =	sdelay $0x1  }
.Ltmp13:
0x140: {  	(pc) =	sbr.rel @p1 .LBB2_29-.Ltmp13, $4  }
0x141: {  	v9 =	vor.u32 s9, v1;
	s9 =	smov.u32 s10  }
0x142: {  	vm9 =	vlt.s32 v9, v7  }
0x143: {  	v8 =	vnsel vm9, $0x0, v8  }
0x144: {  	s10 =	sadd.s32 $0x10, s10;
	[tilespmem:s2+$0x2900] =	vst v8;
	s2 =	sand.u32 $0xF0, s9  }
0x145: {  	v8 =	vld [tilespmem:s2+$0x2900];
	_ =	sdelay $0x2  }
0x146: {  	v9 =	vor.u32 s9, v1  }
0x147: {  	vm9 =	vlt.s32 v9, v7  }
0x148: {  	v8 =	vnsel vm9, $0x0, v8  }
0x149: {  	[tilespmem:s2+$0x2900] =	vst v8  }
0x14a: {  	[tilespmem:s26], [sflag:$0x1] =	stream.indirect.gather [hbm4b:s15+s25], $0x40, s20, s25, $0xb8;
	[tilespmem:$0x16F00] =	vst v63  }
0x14b: {  	_ = 	snop  }
0x14c: {  	[tilespmem:s28], [sflag:$0x1] =	stream.indirect.gather [hbm4b:s15+s25], $0x40, s23, s25, $0xb8;
	[tilespmem:$0x16F00] =	vst v63  }
0x14d: {  	_ =	swait.ge [sflag:s21], $0x2000  }
0x14e: {  	[sflag:s21] =	ssyncset.done $0x0  }
0x14f: {  	[sflag:s21] =	ssyncadd.s32 $0xFFFFE000  }
0x150: {  	_ =	swait.ge [sflag:s21], $0x2000  }
0x151: {  	[sflag:s21] =	ssyncset.done $0x0  }
0x152: {  	s2 =	simm.s32 $0x2A00;
	[sflag:s21] =	ssyncadd.s32 $0xFFFFE000  }
0x153: {  	s9 =	simm.s32 $0x0;
	s10 =	simm.s32 $0x10;
	v8 =	vld [tilespmem:s2+$0x0]  }
.LBB2_31:
0x154: {  	p1 =	sne.s32 s10, $0xF0;
	_ =	sdelay $0x2  }
0x155: {  	v9 =	vor.u32 s9, v1;
	s9 =	smov.u32 s10  }
0x156: {  	vm9 =	vlt.s32 v9, v7;
	v8 =	vsub.s32 v8, v6  }
0x157: {  	v8 =	vnsel vm9, $0x0, v8;
	_ =	sdelay $0x1  }
.Ltmp14:
0x158: {  	(pc) =	sbr.rel @p1 .LBB2_31-.Ltmp14, $3  }
0x159: {  	_ =	sdelay $0x1  }
0x15a: {  	s2 =	sadd.s32 $0x10, s2;
	[tilespmem:v8+s22+$0x0] =	vst.idx.add.f32.msk vm9, v5  }
0x15b: {  	s10 =	sadd.s32 $0x10, s10;
	v8 =	vld [tilespmem:s2+$0x0]  }
0x15c: {  	_ =	sdelay $0x2  }
0x15d: {  	v9 =	vor.u32 s9, v1  }
0x15e: {  	s14 =	sadd.s32 $0x1, s14;
	vm9 =	vlt.s32 v9, v7;
	v8 =	vsub.s32 v8, v6  }
0x15f: {  	p1 =	sne.s32 s14, s6;
	v7 =	vnsel vm9, $0x0, v8  }
.Ltmp15:
0x160: {  	_ = 	snop;
	(pc) =	sbr.rel @p1 .LBB2_28-.Ltmp15, $2  }
0x161: {  	_ =	sdelay $0x2  }
0x162: {  	[tilespmem:v7+s22+$0x0] =	vst.idx.add.f32.msk vm9, v5  }
.LBB2_33:
0x163: {  	s0 =	simm.s32 $0x0;
	s1 =	simm.s32 $0x6D00  }
.LBB2_34:
0x164: {  	s2 =	sshra.s32 s0, $0x2  }
0x165: {  	v6 =	vld [tilespmem:s2+$0x16B00];
	_ =	sdelay $0x4  }
0x166: {  	v6 =	vmax.f32 v6, $1.000000000e+00  }
0x167: {  	(erf) = vrcp.f32 v6;
	_ =	sdelay $0x6  }
0x168: {  	v7 =	vld [tilespmem:s1+$0xFFFFFE00];
	_ =	sdelay $0x1  }
0x169: {  	v6 =	vpop (erf)  }
0x16a: {  	v8 =	vbroadcast v6, $0x0;
	_ =	sdelay $0x1  }
0x16b: {  	v7 =	vmul.f32 v8, v7;
	_ =	sdelay $0x1  }
0x16c: {  	[tilespmem:s1+$0xFFFFFE00] =	vst v7;
	v7 =	vld [tilespmem:s1+$0xFFFFFE10];
	_ =	sdelay $0x4  }
0x16d: {  	v7 =	vmul.f32 v8, v7;
	_ =	sdelay $0x1  }
0x16e: {  	[tilespmem:s1+$0xFFFFFE10] =	vst v7;
	v7 =	vld [tilespmem:s1+$0xFFFFFE20];
	_ =	sdelay $0x4  }
0x16f: {  	v7 =	vmul.f32 v7, v8;
	_ =	sdelay $0x1  }
0x170: {  	[tilespmem:s1+$0xFFFFFE20] =	vst v7;
	v7 =	vld [tilespmem:s1+$0xFFFFFE30];
	_ =	sdelay $0x4  }
0x171: {  	v7 =	vmul.f32 v7, v8;
	_ =	sdelay $0x1  }
0x172: {  	[tilespmem:s1+$0xFFFFFE30] =	vst v7;
	v7 =	vld [tilespmem:s1+$0xFFFFFE40];
	_ =	sdelay $0x2  }
0x173: {  	v50 =	vbroadcast v6, $0x1;
	_ =	sdelay $0x1  }
0x174: {  	v7 =	vmul.f32 v7, v50;
	_ =	sdelay $0x1  }
0x175: {  	[tilespmem:s1+$0xFFFFFE40] =	vst v7;
	v7 =	vld [tilespmem:s1+$0xFFFFFE50];
	_ =	sdelay $0x4  }
0x176: {  	v7 =	vmul.f32 v7, v50;
	_ =	sdelay $0x1  }
0x177: {  	[tilespmem:s1+$0xFFFFFE50] =	vst v7;
	v7 =	vld [tilespmem:s1+$0xFFFFFE60];
	_ =	sdelay $0x4  }
0x178: {  	v7 =	vmul.f32 v7, v50;
	_ =	sdelay $0x1  }
0x179: {  	[tilespmem:s1+$0xFFFFFE60] =	vst v7;
	v7 =	vld [tilespmem:s1+$0xFFFFFE70];
	_ =	sdelay $0x4  }
0x17a: {  	v7 =	vmul.f32 v7, v50;
	_ =	sdelay $0x1  }
0x17b: {  	[tilespmem:s1+$0xFFFFFE70] =	vst v7;
	v7 =	vld [tilespmem:s1+$0xFFFFFE80];
	_ =	sdelay $0x2  }
0x17c: {  	v51 =	vbroadcast v6, $0x2;
	_ =	sdelay $0x1  }
0x17d: {  	v7 =	vmul.f32 v7, v51;
	_ =	sdelay $0x1  }
0x17e: {  	[tilespmem:s1+$0xFFFFFE80] =	vst v7;
	v7 =	vld [tilespmem:s1+$0xFFFFFE90];
	_ =	sdelay $0x4  }
0x17f: {  	v7 =	vmul.f32 v7, v51;
	_ =	sdelay $0x1  }
0x180: {  	[tilespmem:s1+$0xFFFFFE90] =	vst v7;
	v7 =	vld [tilespmem:s1+$0xFFFFFEA0];
	_ =	sdelay $0x4  }
0x181: {  	v7 =	vmul.f32 v7, v51;
	_ =	sdelay $0x1  }
0x182: {  	[tilespmem:s1+$0xFFFFFEA0] =	vst v7;
	v7 =	vld [tilespmem:s1+$0xFFFFFEB0];
	_ =	sdelay $0x4  }
0x183: {  	v7 =	vmul.f32 v7, v51;
	_ =	sdelay $0x1  }
0x184: {  	[tilespmem:s1+$0xFFFFFEB0] =	vst v7;
	v7 =	vld [tilespmem:s1+$0xFFFFFEC0];
	_ =	sdelay $0x2  }
0x185: {  	v52 =	vbroadcast v6, $0x3;
	_ =	sdelay $0x1  }
0x186: {  	v7 =	vmul.f32 v7, v52;
	_ =	sdelay $0x1  }
0x187: {  	[tilespmem:s1+$0xFFFFFEC0] =	vst v7;
	v7 =	vld [tilespmem:s1+$0xFFFFFED0];
	_ =	sdelay $0x4  }
0x188: {  	v7 =	vmul.f32 v7, v52;
	_ =	sdelay $0x1  }
0x189: {  	[tilespmem:s1+$0xFFFFFED0] =	vst v7;
	v7 =	vld [tilespmem:s1+$0xFFFFFEE0];
	_ =	sdelay $0x4  }
0x18a: {  	v7 =	vmul.f32 v7, v52;
	_ =	sdelay $0x1  }
0x18b: {  	[tilespmem:s1+$0xFFFFFEE0] =	vst v7;
	v7 =	vld [tilespmem:s1+$0xFFFFFEF0];
	_ =	sdelay $0x4  }
0x18c: {  	v7 =	vmul.f32 v7, v52;
	_ =	sdelay $0x1  }
0x18d: {  	[tilespmem:s1+$0xFFFFFEF0] =	vst v7;
	v7 =	vld [tilespmem:s1+$0xFFFFFF00];
	_ =	sdelay $0x2  }
0x18e: {  	v53 =	vbroadcast v6, $0x4;
	_ =	sdelay $0x1  }
0x18f: {  	v7 =	vmul.f32 v7, v53;
	_ =	sdelay $0x1  }
0x190: {  	[tilespmem:s1+$0xFFFFFF00] =	vst v7;
	v7 =	vld [tilespmem:s1+$0xFFFFFF10];
	_ =	sdelay $0x4  }
0x191: {  	v7 =	vmul.f32 v7, v53;
	_ =	sdelay $0x1  }
0x192: {  	[tilespmem:s1+$0xFFFFFF10] =	vst v7;
	v7 =	vld [tilespmem:s1+$0xFFFFFF20];
	_ =	sdelay $0x4  }
0x193: {  	v7 =	vmul.f32 v7, v53;
	_ =	sdelay $0x1  }
0x194: {  	[tilespmem:s1+$0xFFFFFF20] =	vst v7;
	v7 =	vld [tilespmem:s1+$0xFFFFFF30];
	_ =	sdelay $0x4  }
0x195: {  	v7 =	vmul.f32 v7, v53;
	_ =	sdelay $0x1  }
0x196: {  	[tilespmem:s1+$0xFFFFFF30] =	vst v7;
	v7 =	vld [tilespmem:s1+$0xFFFFFF40];
	_ =	sdelay $0x2  }
0x197: {  	v54 =	vbroadcast v6, $0x5;
	_ =	sdelay $0x1  }
0x198: {  	v7 =	vmul.f32 v7, v54;
	_ =	sdelay $0x1  }
0x199: {  	[tilespmem:s1+$0xFFFFFF40] =	vst v7;
	v7 =	vld [tilespmem:s1+$0xFFFFFF50];
	_ =	sdelay $0x4  }
0x19a: {  	v7 =	vmul.f32 v7, v54;
	_ =	sdelay $0x1  }
0x19b: {  	[tilespmem:s1+$0xFFFFFF50] =	vst v7;
	v7 =	vld [tilespmem:s1+$0xFFFFFF60];
	_ =	sdelay $0x4  }
0x19c: {  	v7 =	vmul.f32 v7, v54;
	_ =	sdelay $0x1  }
0x19d: {  	[tilespmem:s1+$0xFFFFFF60] =	vst v7;
	v7 =	vld [tilespmem:s1+$0xFFFFFF70];
	_ =	sdelay $0x4  }
0x19e: {  	v7 =	vmul.f32 v7, v54;
	_ =	sdelay $0x1  }
0x19f: {  	[tilespmem:s1+$0xFFFFFF70] =	vst v7;
	v7 =	vld [tilespmem:s1+$0xFFFFFF80];
	_ =	sdelay $0x2  }
0x1a0: {  	v55 =	vbroadcast v6, $0x6;
	_ =	sdelay $0x1  }
0x1a1: {  	v7 =	vmul.f32 v7, v55;
	_ =	sdelay $0x1  }
0x1a2: {  	[tilespmem:s1+$0xFFFFFF80] =	vst v7;
	v7 =	vld [tilespmem:s1+$0xFFFFFF90];
	_ =	sdelay $0x4  }
0x1a3: {  	v7 =	vmul.f32 v7, v55;
	_ =	sdelay $0x1  }
0x1a4: {  	[tilespmem:s1+$0xFFFFFF90] =	vst v7;
	v7 =	vld [tilespmem:s1+$0xFFFFFFA0];
	_ =	sdelay $0x4  }
0x1a5: {  	v7 =	vmul.f32 v7, v55;
	_ =	sdelay $0x1  }
0x1a6: {  	[tilespmem:s1+$0xFFFFFFA0] =	vst v7;
	v7 =	vld [tilespmem:s1+$0xFFFFFFB0];
	_ =	sdelay $0x4  }
0x1a7: {  	v7 =	vmul.f32 v7, v55;
	_ =	sdelay $0x1  }
0x1a8: {  	[tilespmem:s1+$0xFFFFFFB0] =	vst v7;
	v7 =	vld [tilespmem:s1+$0xFFFFFFC0];
	_ =	sdelay $0x2  }
0x1a9: {  	v56 =	vbroadcast v6, $0x7;
	_ =	sdelay $0x1  }
0x1aa: {  	v7 =	vmul.f32 v7, v56;
	_ =	sdelay $0x1  }
0x1ab: {  	[tilespmem:s1+$0xFFFFFFC0] =	vst v7;
	v7 =	vld [tilespmem:s1+$0xFFFFFFD0];
	_ =	sdelay $0x4  }
0x1ac: {  	v7 =	vmul.f32 v7, v56;
	_ =	sdelay $0x1  }
0x1ad: {  	[tilespmem:s1+$0xFFFFFFD0] =	vst v7;
	v7 =	vld [tilespmem:s1+$0xFFFFFFE0];
	_ =	sdelay $0x4  }
0x1ae: {  	v7 =	vmul.f32 v7, v56;
	_ =	sdelay $0x1  }
0x1af: {  	[tilespmem:s1+$0xFFFFFFE0] =	vst v7;
	v7 =	vld [tilespmem:s1+$0xFFFFFFF0];
	_ =	sdelay $0x4  }
0x1b0: {  	v7 =	vmul.f32 v7, v56;
	_ =	sdelay $0x1  }
0x1b1: {  	[tilespmem:s1+$0xFFFFFFF0] =	vst v7;
	v7 =	vld [tilespmem:s1+$0x0];
	_ =	sdelay $0x2  }
0x1b2: {  	v57 =	vbroadcast v6, $0x8;
	_ =	sdelay $0x1  }
0x1b3: {  	v7 =	vmul.f32 v7, v57;
	_ =	sdelay $0x1  }
0x1b4: {  	[tilespmem:s1+$0x0] =	vst v7;
	v7 =	vld [tilespmem:s1+$0x10];
	_ =	sdelay $0x4  }
0x1b5: {  	v7 =	vmul.f32 v7, v57;
	_ =	sdelay $0x1  }
0x1b6: {  	[tilespmem:s1+$0x10] =	vst v7;
	v7 =	vld [tilespmem:s1+$0x20];
	_ =	sdelay $0x4  }
0x1b7: {  	v7 =	vmul.f32 v7, v57;
	_ =	sdelay $0x1  }
0x1b8: {  	[tilespmem:s1+$0x20] =	vst v7;
	v7 =	vld [tilespmem:s1+$0x30];
	_ =	sdelay $0x4  }
0x1b9: {  	v7 =	vmul.f32 v7, v57;
	_ =	sdelay $0x1  }
0x1ba: {  	[tilespmem:s1+$0x30] =	vst v7;
	v7 =	vld [tilespmem:s1+$0x40];
	_ =	sdelay $0x2  }
0x1bb: {  	v58 =	vbroadcast v6, $0x9;
	_ =	sdelay $0x1  }
0x1bc: {  	v7 =	vmul.f32 v7, v58;
	_ =	sdelay $0x1  }
0x1bd: {  	[tilespmem:s1+$0x40] =	vst v7;
	v7 =	vld [tilespmem:s1+$0x50];
	_ =	sdelay $0x4  }
0x1be: {  	v7 =	vmul.f32 v7, v58;
	_ =	sdelay $0x1  }
0x1bf: {  	[tilespmem:s1+$0x50] =	vst v7;
	v7 =	vld [tilespmem:s1+$0x60];
	_ =	sdelay $0x4  }
0x1c0: {  	v7 =	vmul.f32 v7, v58;
	_ =	sdelay $0x1  }
0x1c1: {  	[tilespmem:s1+$0x60] =	vst v7;
	v7 =	vld [tilespmem:s1+$0x70];
	_ =	sdelay $0x4  }
0x1c2: {  	v7 =	vmul.f32 v7, v58;
	_ =	sdelay $0x1  }
0x1c3: {  	[tilespmem:s1+$0x70] =	vst v7;
	v7 =	vld [tilespmem:s1+$0x80];
	_ =	sdelay $0x2  }
0x1c4: {  	v59 =	vbroadcast v6, $0xA;
	_ =	sdelay $0x1  }
0x1c5: {  	v7 =	vmul.f32 v7, v59;
	_ =	sdelay $0x1  }
0x1c6: {  	[tilespmem:s1+$0x80] =	vst v7;
	v7 =	vld [tilespmem:s1+$0x90];
	_ =	sdelay $0x4  }
0x1c7: {  	v7 =	vmul.f32 v7, v59;
	_ =	sdelay $0x1  }
0x1c8: {  	[tilespmem:s1+$0x90] =	vst v7;
	v7 =	vld [tilespmem:s1+$0xA0];
	_ =	sdelay $0x4  }
0x1c9: {  	v7 =	vmul.f32 v7, v59;
	_ =	sdelay $0x1  }
0x1ca: {  	[tilespmem:s1+$0xA0] =	vst v7;
	v7 =	vld [tilespmem:s1+$0xB0];
	_ =	sdelay $0x4  }
0x1cb: {  	v7 =	vmul.f32 v7, v59;
	_ =	sdelay $0x1  }
0x1cc: {  	[tilespmem:s1+$0xB0] =	vst v7;
	v7 =	vld [tilespmem:s1+$0xC0];
	_ =	sdelay $0x2  }
0x1cd: {  	v60 =	vbroadcast v6, $0xB;
	_ =	sdelay $0x1  }
0x1ce: {  	v7 =	vmul.f32 v7, v60;
	_ =	sdelay $0x1  }
0x1cf: {  	[tilespmem:s1+$0xC0] =	vst v7;
	v7 =	vld [tilespmem:s1+$0xD0];
	_ =	sdelay $0x4  }
0x1d0: {  	v7 =	vmul.f32 v7, v60;
	_ =	sdelay $0x1  }
0x1d1: {  	[tilespmem:s1+$0xD0] =	vst v7;
	v7 =	vld [tilespmem:s1+$0xE0];
	_ =	sdelay $0x4  }
0x1d2: {  	v7 =	vmul.f32 v7, v60;
	_ =	sdelay $0x1  }
0x1d3: {  	[tilespmem:s1+$0xE0] =	vst v7;
	v7 =	vld [tilespmem:s1+$0xF0];
	_ =	sdelay $0x4  }
0x1d4: {  	v7 =	vmul.f32 v7, v60;
	_ =	sdelay $0x1  }
0x1d5: {  	[tilespmem:s1+$0xF0] =	vst v7;
	v7 =	vld [tilespmem:s1+$0x100];
	_ =	sdelay $0x2  }
0x1d6: {  	v61 =	vbroadcast v6, $0xC;
	_ =	sdelay $0x1  }
0x1d7: {  	v7 =	vmul.f32 v7, v61;
	_ =	sdelay $0x1  }
0x1d8: {  	[tilespmem:s1+$0x100] =	vst v7;
	v7 =	vld [tilespmem:s1+$0x110];
	_ =	sdelay $0x4  }
0x1d9: {  	v7 =	vmul.f32 v7, v61;
	_ =	sdelay $0x1  }
0x1da: {  	[tilespmem:s1+$0x110] =	vst v7;
	v7 =	vld [tilespmem:s1+$0x120];
	_ =	sdelay $0x4  }
0x1db: {  	v7 =	vmul.f32 v7, v61;
	_ =	sdelay $0x1  }
0x1dc: {  	[tilespmem:s1+$0x120] =	vst v7;
	v7 =	vld [tilespmem:s1+$0x130];
	_ =	sdelay $0x4  }
0x1dd: {  	v7 =	vmul.f32 v7, v61;
	_ =	sdelay $0x1  }
0x1de: {  	[tilespmem:s1+$0x130] =	vst v7;
	v7 =	vld [tilespmem:s1+$0x140];
	_ =	sdelay $0x2  }
0x1df: {  	v62 =	vbroadcast v6, $0xD;
	_ =	sdelay $0x1  }
0x1e0: {  	v7 =	vmul.f32 v7, v62;
	_ =	sdelay $0x1  }
0x1e1: {  	[tilespmem:s1+$0x140] =	vst v7;
	v7 =	vld [tilespmem:s1+$0x150];
	_ =	sdelay $0x4  }
0x1e2: {  	v7 =	vmul.f32 v7, v62;
	_ =	sdelay $0x1  }
0x1e3: {  	[tilespmem:s1+$0x150] =	vst v7;
	v7 =	vld [tilespmem:s1+$0x160];
	_ =	sdelay $0x4  }
0x1e4: {  	v7 =	vmul.f32 v7, v62;
	_ =	sdelay $0x1  }
0x1e5: {  	[tilespmem:s1+$0x160] =	vst v7;
	v7 =	vld [tilespmem:s1+$0x170];
	_ =	sdelay $0x4  }
0x1e6: {  	v7 =	vmul.f32 v7, v62;
	_ =	sdelay $0x1  }
0x1e7: {  	[tilespmem:s1+$0x170] =	vst v7;
	v7 =	vld [tilespmem:s1+$0x180];
	_ =	sdelay $0x2  }
0x1e8: {  	v63 =	vbroadcast v6, $0xE;
	_ =	sdelay $0x1  }
0x1e9: {  	v7 =	vmul.f32 v7, v63;
	_ =	sdelay $0x1  }
0x1ea: {  	[tilespmem:s1+$0x180] =	vst v7;
	v7 =	vld [tilespmem:s1+$0x190];
	_ =	sdelay $0x4  }
0x1eb: {  	v7 =	vmul.f32 v7, v63;
	_ =	sdelay $0x1  }
0x1ec: {  	[tilespmem:s1+$0x190] =	vst v7;
	v7 =	vld [tilespmem:s1+$0x1A0];
	_ =	sdelay $0x4  }
0x1ed: {  	v7 =	vmul.f32 v7, v63;
	_ =	sdelay $0x1  }
0x1ee: {  	[tilespmem:s1+$0x1A0] =	vst v7;
	v7 =	vld [tilespmem:s1+$0x1B0];
	_ =	sdelay $0x4  }
0x1ef: {  	v7 =	vmul.f32 v7, v63;
	_ =	sdelay $0x1  }
0x1f0: {  	[tilespmem:s1+$0x1B0] =	vst v7;
	v7 =	vld [tilespmem:s1+$0x1C0];
	_ =	sdelay $0x2  }
0x1f1: {  	v6 =	vbroadcast v6, $0xF;
	_ =	sdelay $0x1  }
0x1f2: {  	v7 =	vmul.f32 v7, v6;
	_ =	sdelay $0x1  }
0x1f3: {  	[tilespmem:s1+$0x1C0] =	vst v7;
	v7 =	vld [tilespmem:s1+$0x1D0];
	_ =	sdelay $0x4  }
0x1f4: {  	v7 =	vmul.f32 v7, v6;
	_ =	sdelay $0x1  }
0x1f5: {  	[tilespmem:s1+$0x1D0] =	vst v7;
	v7 =	vld [tilespmem:s1+$0x1E0];
	_ =	sdelay $0x4  }
0x1f6: {  	v7 =	vmul.f32 v7, v6;
	_ =	sdelay $0x1  }
0x1f7: {  	[tilespmem:s1+$0x1E0] =	vst v7;
	v7 =	vld [tilespmem:s1+$0x1F0];
	_ =	sdelay $0x1  }
0x1f8: {  	p0 =	sne.s32 s0, $0xFC0  }
.Ltmp16:
0x1f9: {  	_ = 	snop;
	(pc) =	sbr.rel @p0 .LBB2_34-.Ltmp16, $3  }
0x1fa: {  	_ = 	snop  }
0x1fb: {  	v6 =	vmul.f32 v7, v6;
	_ =	sdelay $0x1  }
0x1fc: {  	s0 =	sadd.s32 $0x40, s0;
	[tilespmem:s1+$0x1F0] =	vst v6;
	s1 =	sadd.s32 $0x400, s1  }
0x1fd: {  	s0 =	sshll.u32 s5, $0xA  }
0x1fe: {  	s0 =	sand.u32 $0x3FFFFC00, s0  }
0x1ff: {  	s1 =	sadd.s32 $0x1900, s0  }
0x200: {  	[hbm4b:s11+s25] =	stream.indirect.scatter [tilespmem:s29], [sflag:$0x1], $0x40, s1, s25, $0xb8;
	[tilespmem:$0x16F00] =	vst v63  }
0x201: {  	s10 =	sadd.s32 $0x1980, s0  }
0x202: {  	[hbm4b:s11+s25] =	stream.indirect.scatter [tilespmem:s30], [sflag:$0x1], $0x40, s10, s25, $0xb8;
	[tilespmem:$0x16F00] =	vst v63  }
0x203: {  	s12 =	sadd.s32 $0x1A00, s0  }
0x204: {  	[hbm4b:s11+s25] =	stream.indirect.scatter [tilespmem:s31], [sflag:$0x1], $0x40, s12, s25, $0xb8;
	[tilespmem:$0x16F00] =	vst v63  }
0x205: {  	s2 =	simm.s32 $0xCB00;
	s14 =	sadd.s32 $0x1A80, s0  }
0x206: {  	[hbm4b:s11+s25] =	stream.indirect.scatter [tilespmem:s2], [sflag:$0x1], $0x40, s14, s25, $0xb8;
	[tilespmem:$0x16F00] =	vst v63  }
0x207: {  	s6 =	simm.s32 $0xEB00;
	s4 =	sadd.s32 $0x1B00, s0  }
0x208: {  	[hbm4b:s11+s25] =	stream.indirect.scatter [tilespmem:s6], [sflag:$0x1], $0x40, s4, s25, $0xb8;
	[tilespmem:$0x16F00] =	vst v63  }
0x209: {  	s9 =	simm.s32 $0x10B00;
	s8 =	sadd.s32 $0x1B80, s0  }
0x20a: {  	[hbm4b:s11+s25] =	stream.indirect.scatter [tilespmem:s9], [sflag:$0x1], $0x40, s8, s25, $0xb8;
	[tilespmem:$0x16F00] =	vst v63  }
0x20b: {  	s10 =	sadd.s32 $0x1C00, s0;
	s12 =	simm.s32 $0x12B00  }
0x20c: {  	[hbm4b:s11+s25] =	stream.indirect.scatter [tilespmem:s12], [sflag:$0x1], $0x40, s10, s25, $0xb8;
	[tilespmem:$0x16F00] =	vst v63  }
0x20d: {  	s0 =	sadd.s32 $0x1C80, s0;
	s14 =	simm.s32 $0x14B00  }
0x20e: {  	[hbm4b:s11+s25] =	stream.indirect.scatter [tilespmem:s14], [sflag:$0x1], $0x40, s0, s25, $0xb8;
	[tilespmem:$0x16F00] =	vst v63  }
0x20f: {  	_ =	swait.ge [sflag:s21], $0x2000  }
0x210: {  	[sflag:s21] =	ssyncset.done $0x0  }
0x211: {  	[sflag:s21] =	ssyncadd.s32 $0xFFFFE000  }
0x212: {  	_ =	swait.ge [sflag:s21], $0x2000  }
0x213: {  	[sflag:s21] =	ssyncset.done $0x0  }
0x214: {  	[sflag:s21] =	ssyncadd.s32 $0xFFFFE000  }
0x215: {  	_ =	swait.ge [sflag:s21], $0x2000  }
0x216: {  	[sflag:s21] =	ssyncset.done $0x0  }
0x217: {  	[sflag:s21] =	ssyncadd.s32 $0xFFFFE000  }
0x218: {  	_ =	swait.ge [sflag:s21], $0x2000  }
0x219: {  	[sflag:s21] =	ssyncset.done $0x0  }
0x21a: {  	[sflag:s21] =	ssyncadd.s32 $0xFFFFE000  }
0x21b: {  	_ =	swait.ge [sflag:s21], $0x2000  }
0x21c: {  	[sflag:s21] =	ssyncset.done $0x0  }
0x21d: {  	[sflag:s21] =	ssyncadd.s32 $0xFFFFE000  }
0x21e: {  	_ =	swait.ge [sflag:s21], $0x2000  }
0x21f: {  	[sflag:s21] =	ssyncset.done $0x0  }
0x220: {  	s5 =	sadd.s32 $0x1, s5;
	[sflag:s21] =	ssyncadd.s32 $0xFFFFE000  }
0x221: {  	p0 =	sne.s32 s5, $0x4;
	_ =	swait.ge [sflag:s21], $0x2000  }
.Ltmp17:
0x222: {  	[sflag:s21] =	ssyncset.done $0x0;
	(pc) =	sbr.rel @p0 .LBB2_22-.Ltmp17, $4  }
0x223: {  	[sflag:s21] =	ssyncadd.s32 $0xFFFFE000  }
0x224: {  	_ =	swait.ge [sflag:s21], $0x2000  }
0x225: {  	[sflag:s21] =	ssyncset.done $0x0  }
0x226: {  	[sflag:s21] =	ssyncadd.s32 $0xFFFFE000  }
0x227: {  	s1 =	rddreg [dreg:$0xc]  }
0x228: {  	s0 =	rddreg [dreg:$0xb];
	s1 =	sadd.s32 $0x1, s1  }
0x229: {  	p0 =	sne.s32 s1, s0  }
.Ltmp18:
0x22a: {  	_ = 	snop;
	(pc) =	sbr.rel @p0 .LBB2_1-.Ltmp18, $1  }
0x22b: {  	_ =	sdelay $0x3  }
0x22c: {  	_ =	sfence.sel $0x180000  }
0x22d: {  	[bflag:$0x0] =	sbarrier.arrive $0xFFFF  }
0x22e: {  	_ =	strace $0x9000004D  }
0x22f: {  	s0 =	stileid.u32;
	[bflag:$0x2] =	sbarrier.arrive $0xFFFF  }
0x230: {  	p0 =	sne.s32 s0, $0x0;
	s0 =	rddreg [dreg:$0x3]  }
0x231: {  	s0 =	sadd.s32 @!p0 $0x100000, s0  }
0x232: {  	[sflag:s0] =	ssyncadd.tile.s32 @!p0 $0x1;
	_ =	shalt  }
.Lfunc_end2:
_tile_overlayer_lowered:
.L_overlay_start_2:
0x233: {  	(tag) =	ssettag $0x2  }
0x234: {  	s0 =	rddreg [dreg:$0x0];
	s2 =	stileid.u32  }
0x235: {  	s1 =	rddreg [dreg:$0x1];
	p0 =	sne.s32 s2, $0x0  }
0x236: {  	s3 =	rddreg [dreg:$0x2];
	[bflag:$0x3] =	sbarrier.arrive $0xFFFF;
	s2 =	simm.s32 @!p0 $0x1C02  }
0x237: {  	[timem:s3], [sflag:s2] =	dma.local @!p0 [hbm:s0], s1  }
0x238: {  	s0 =	simm.s32 @!p0 $0x2  }
0x239: {  	_ =	swait.ge @!p0 [sflag:s0], s1  }
0x23a: {  	s1 =	ssub.s32 @!p0 $0x0, s1;
	[sflag:s0] =	ssyncset.done @!p0 $0x0  }
0x23b: {  	[sflag:s0] =	ssyncadd.s32 @!p0 s1  }
0x23c: {  	[bflag:$0x3] =	sbarrier.arrive $0xFFFF  }
0x23d: {  	_ =	shalt  }

// kernel: kernel.5.cloned.1.call-start
scs
__scs_entry_jumppad:
0x0: {  	(pc) =	sbr.rel $0x88, $3  }
0x1: {  	(tag) =	ssettag $0x0;
	lr =	simm.s32 $0x1  }
0x2: {  	[smem:$0x3F9E] =	sst lr;
	_ =	strace $0xD0000000  }
0x3: {  	_ = 	snop  }
0x4: {  	_ = 	snop  }
0x5: {  	_ = 	snop  }
0x6: {  	_ = 	snop  }
0x7: {  	_ = 	snop  }
__scs_overlays_trampoline_lowered:
0x8: {  	[smem:$0x3FAD] =	sst s0  }
0x9: {  	[smem:$0x3FAE] =	sst s1  }
0xa: {  	[smem:$0x3FAF] =	sst s2  }
0xb: {  	[smem:$0x3FB0] =	sst s3  }
0xc: {  	[smem:$0x3FB1] =	sst s4  }
0xd: {  	[smem:$0x3FB2] =	sst s5  }
0xe: {  	[smem:$0x3FB3] =	sst s6  }
0xf: {  	[smem:$0x3FB4] =	sst s7  }
0x10: {  	[smem:$0x3FB5] =	sst s8  }
0x11: {  	[smem:$0x3FB6] =	sst s9;
	s0 =	simm.s32 @!p0 $0x0  }
0x12: {  	s1 =	sld [smem:$0x3F9C];
	s0 =	simm.s32 @p0 $0x1  }
0x13: {  	[smem:$0x3FB7] =	sst s0;
	s0 =	simm.s32 @!p1 $0x0  }
0x14: {  	s2 =	sld [smem:$0x3F9B];
	s0 =	simm.s32 @p1 $0x1  }
0x15: {  	[smem:$0x3FB8] =	sst s0;
	s0 =	simm.s32 @!p2 $0x0  }
0x16: {  	s3 =	sld [smem:$0x3FDB];
	s0 =	simm.s32 @p2 $0x1  }
0x17: {  	s4 =	simm.s32 $0x1BF5;
	[smem:$0x3FBA] =	sst s0  }
0x18: {  	s0 =	sld [smem:$0x3F9D];
	_ =	swait.ge [sflag:s4], $0x0  }
0x19: {  	s7 =	sld [smem:$0x3F9E]  }
0x1a: {  	s8 =	sadd.s32 $0xFFFFE003, lr  }
0x1b: {  	s9 =	sadd.s32 $0xFFFFFEF7, lr;
	s5 =	simm.s32 $0xFFFFFFFF;
	p2 =	slt.u32 s8, $0xFFFFF086  }
0x1c: {  	p1 =	slt.u32 s9, $0xF7A;
	s5 =	simm.s32 @!p2 $0x0  }
0x1d: {  	s5 =	simm.s32 @p1 $0x1;
	p0 =	seq.s32 s7, s2  }
0x1e: {  	s7 =	smul.u32 @!p0 $0xF7A, s2;
	p2 =	seq.s32 @!p0 s5, $0x0  }
0x1f: {  	s9 =	smul.u32 $0xF7A, s1;
	s8 =	simm.s32 @!p0 $0x1BF5;
	p2 =	por !p2, p0  }
0x20: {  	[sflag:s8] =	ssyncset.s32 @!p0 $0xFFFFF086;
	s6 =	sadd.s32 @!p0 s3, s7;
	s7 =	simm.s32 @!p0 $0x108  }
0x21: {  	s3 =	sadd.s32 s3, s9;
	s6 =	sadd.s32 @!p0 $0x88, s6;
	s7 =	simm.s32 @p2 $0x1082  }
0x22: {  	[simem:s7], [sflag:s8] =	dma.local @!p0 [hbm:s6], $0xF7A  }
0x23: {  	s9 =	sor.u32 $0xD0000000, s2;
	s6 =	simm.s32 $0x108;
	_ =	swait.ge @!p0 [sflag:s8], $0x0  }
0x24: {  	s3 =	sadd.s32 $0x88, s3;
	s6 =	simm.s32 @!p1 $0x1082;
	[sflag:s4] =	ssyncset.s32 $0xFFFFF086  }
0x25: {  	[simem:s6], [sflag:s4] =	dma.local [hbm:s3], $0xF7A  }
0x26: {  	[smem:$0x3F9E] =	sst s1;
	(tag) =	ssettag s2;
	_ =	strace s9  }
0x27: {  	s1 =	sld [smem:$0x3FAE]  }
0x28: {  	s2 =	sld [smem:$0x3FAF]  }
0x29: {  	s4 =	sld [smem:$0x3FB1]  }
0x2a: {  	p0 =	seq.s32 s5, $0x0;
	s5 =	sld [smem:$0x3FB2]  }
0x2b: {  	s6 =	sld [smem:$0x3FB3]  }
0x2c: {  	s7 =	sld [smem:$0x3FB4]  }
0x2d: {  	s3 =	simm.s32 $0x108;
	s8 =	sld [smem:$0x3FB5]  }
0x2e: {  	s3 =	simm.s32 @!p0 $0x1082;
	s9 =	sld [smem:$0x3FB6]  }
0x2f: {  	lr =	sadd.s32 s0, s3;
	s0 =	sld [smem:$0x3FAD]  }
0x30: {  	s3 =	sld [smem:$0x3FB0]  }
0x31: {  	[smem:$0x3FB9] =	sst s10  }
0x32: {  	s10 =	sld [smem:$0x3FB7];
	_ =	sdelay $0x3  }
0x33: {  	p0 =	seq.s32 s10, $0x1;
	s10 =	sld [smem:$0x3FB9];
	_ =	sdelay $0x3  }
0x34: {  	[smem:$0x3FB9] =	sst s10  }
0x35: {  	s10 =	sld [smem:$0x3FB8];
	_ =	sdelay $0x3  }
0x36: {  	p1 =	seq.s32 s10, $0x1;
	s10 =	sld [smem:$0x3FB9];
	_ =	sdelay $0x3  }
0x37: {  	[smem:$0x3FB9] =	sst s10  }
0x38: {  	s10 =	sld [smem:$0x3FBA]  }
0x39: {  	_ = 	snop;
	(pc) =	sbr.ind lr, $3  }
0x3a: {  	_ = 	snop  }
0x3b: {  	_ = 	snop  }
0x3c: {  	p2 =	seq.s32 s10, $0x1;
	s10 =	sld [smem:$0x3FB9]  }
0x3d: {  	_ =	shalt  }
0x3e: {  	_ =	shalt  }
0x3f: {  	_ =	shalt  }
0x40: {  	_ =	shalt  }
0x41: {  	_ =	shalt  }
0x42: {  	_ =	shalt  }
0x43: {  	_ =	shalt  }
0x44: {  	_ =	shalt  }
0x45: {  	_ =	shalt  }
0x46: {  	_ =	shalt  }
0x47: {  	_ =	shalt  }
0x48: {  	_ =	shalt  }
0x49: {  	_ =	shalt  }
0x4a: {  	_ =	shalt  }
0x4b: {  	_ =	shalt  }
0x4c: {  	_ =	shalt  }
0x4d: {  	_ =	shalt  }
0x4e: {  	_ =	shalt  }
0x4f: {  	_ =	shalt  }
0x50: {  	_ =	shalt  }
0x51: {  	_ =	shalt  }
0x52: {  	_ =	shalt  }
0x53: {  	_ =	shalt  }
0x54: {  	_ =	shalt  }
0x55: {  	_ =	shalt  }
0x56: {  	_ =	shalt  }
0x57: {  	_ =	shalt  }
0x58: {  	_ =	shalt  }
0x59: {  	_ =	shalt  }
0x5a: {  	_ =	shalt  }
0x5b: {  	_ =	shalt  }
0x5c: {  	_ =	shalt  }
0x5d: {  	_ =	shalt  }
0x5e: {  	_ =	shalt  }
0x5f: {  	_ =	shalt  }
0x60: {  	_ =	shalt  }
0x61: {  	_ =	shalt  }
0x62: {  	_ =	shalt  }
0x63: {  	_ =	shalt  }
0x64: {  	_ =	shalt  }
0x65: {  	_ =	shalt  }
0x66: {  	_ =	shalt  }
0x67: {  	_ =	shalt  }
0x68: {  	_ =	shalt  }
0x69: {  	_ =	shalt  }
0x6a: {  	_ =	shalt  }
0x6b: {  	_ =	shalt  }
0x6c: {  	_ =	shalt  }
0x6d: {  	_ =	shalt  }
0x6e: {  	_ =	shalt  }
0x6f: {  	_ =	shalt  }
0x70: {  	_ =	shalt  }
0x71: {  	_ =	shalt  }
0x72: {  	_ =	shalt  }
0x73: {  	_ =	shalt  }
0x74: {  	_ =	shalt  }
0x75: {  	_ =	shalt  }
0x76: {  	_ =	shalt  }
0x77: {  	_ =	shalt  }
0x78: {  	_ =	shalt  }
0x79: {  	_ =	shalt  }
0x7a: {  	_ =	shalt  }
0x7b: {  	_ =	shalt  }
0x7c: {  	_ =	shalt  }
0x7d: {  	_ =	shalt  }
0x7e: {  	_ =	shalt  }
0x7f: {  	_ =	shalt  }
0x80: {  	_ =	shalt  }
0x81: {  	_ =	shalt  }
0x82: {  	_ =	shalt  }
0x83: {  	_ =	shalt  }
0x84: {  	_ =	shalt  }
0x85: {  	_ =	shalt  }
0x86: {  	_ =	shalt  }
0x87: {  	_ =	shalt  }
.Lfunc_end0:
.L_simem_size_0:
called_computation.1_lowered:
.L_overlay_start_0:
0x88: {  	s2 =	sld [smem:$0x3FD9]  }
0x89: {  	s3 =	sld [smem:$0x3FFE];
	_ =	sdelay $0x1  }
0x8a: {  	s1 =	srdreg.scid  }
0x8b: {  	s0 =	sand.u32 $0x1, s1  }
0x8c: {  	s17 =	sshll.u32 s0, $0xA;
	s2 =	sadd.s32 s3, s2  }
0x8d: {  	s2 =	sadd.s32 s2, s17  }
0x8e: {  	[smem:$0x3FC5] =	sst s2  }
0x8f: {  	_ = 	snop  }
0x90: {  	s2 =	sld [smem:$0x3FC8];
	(tm) =	ssettm $0x1  }
0x91: {  	s18 =	sld [smem:$0x3FFB];
	_ =	sdelay $0x3  }
0x92: {  	_ =	strace s18  }
0x93: {  	s3 =	sld [smem:$0x3FFC];
	_ =	sdelay $0x3  }
0x94: {  	_ =	strace s3  }
0x95: {  	s3 =	sld [smem:$0x3FFD];
	_ =	sdelay $0x3  }
0x96: {  	_ =	strace s3  }
0x97: {  	_ =	strace $0x8FFFFFFF  }
0x98: {  	s19 =	sld [smem:$0x3FDB];
	_ =	sdelay $0x1  }
0x99: {  	s4 =	simm.s32 $_scs_section_size  }
0x9a: {  	s5 =	simm.s32 $_size__tile_overlayer_lowered;
	s6 =	simm.s32 $_tile_overlayer_lowered  }
0x9b: {  	s22 =	simm.s32 $0x1BFF;
	s21 =	sshll.u32 s6, $0x1;
	s3 =	sadd.s32 s4, s19  }
0x9c: {  	s7 =	simm.s32 $0x0;
	s20 =	sshll.u32 s5, $0x1;
	s5 =	sadd.s32 s21, s3  }
0x9d: {  	[timem:s7], [sflag:s22] =	dma.local [hbm:s5], s20  }
0x9e: {  	_ =	swait.ge [sflag:s22], s20  }
0x9f: {  	s4 =	ssub.s32 $0x0, s20;
	[sflag:s22] =	ssyncset.done $0x0  }
0xa0: {  	[sflag:s22] =	ssyncadd.s32 s4;
	_ =	sdelay $0x1  }
0xa1: {  	s23 =	simm.s32 $0x1B8B  }
0xa2: {  	_ =	swait.ge [sflag:s23], $0x1  }
0xa3: {  	[sflag:s23] =	ssyncset.done $0x0  }
0xa4: {  	s25 =	simm.s32 $0x1B8E;
	s24 =	sld [smem:$0x3FFE];
	[sflag:s23] =	ssyncadd.s32 $0xFFFFFFFF  }
0xa5: {  	s26 =	simm.s32 $execute0_lowered;
	[smem:$0x3FD2] =	sst s25  }
0xa6: {  	s5 =	sshll.u32 s26, $0x1;
	_ =	strace $0x80000046;
	[dreg:$0x1] =	wrdreg $0xFFFFFFFF  }
0xa7: {  	s28 =	simm.s32 $_size_execute0_lowered;
	s3 =	sadd.s32 s3, s5;
	[dreg:$0x0] =	wrdreg $0x0  }
0xa8: {  	s5 =	sshll.u32 s28, $0x1;
	[dreg:$0x2] =	wrdreg s3  }
0xa9: {  	[dreg:$0x3] =	wrdreg s5  }
0xaa: {  	[dreg:$0x4] =	wrdreg $0xC0  }
0xab: {  	_ =	task [dreg:s7], $0x5FFFF  }
0xac: {  	[dreg:$0x1] =	wrdreg $0xFFFFFFFF  }
0xad: {  	[dreg:$0x0] =	wrdreg $0x60  }
0xae: {  	[dreg:$0x2] =	wrdreg s2  }
0xaf: {  	[dreg:$0x3] =	wrdreg s24  }
0xb0: {  	[dreg:$0x4] =	wrdreg $0x9  }
0xb1: {  	_ =	task.clear_ibuf [dreg:s7], $0x5FFFF;
	_ =	strace $0x90000046  }
0xb2: {  	s29 =	simm.s32 $0x9;
	_ =	strace $0x80000048  }
0xb3: {  	_ =	swait.ge [sflag:s29], $0x1  }
0xb4: {  	[sflag:s29] =	ssyncadd.s32 $0xFFFFFFFF  }
0xb5: {  	_ =	strace $0x90000048  }
0xb6: {  	_ =	sfence  }
0xb7: {  	s30 =	sld [smem:$0x0];
	_ =	sdelay $0x2  }
0xb8: {  	s31 =	sshll.u32 s1, $0xD;
	s1 =	sshrl.u32 s1, $0x2  }
0xb9: {  	s3 =	sand.u32 $0x4000, s31;
	s1 =	sadd.s32 s1, s30  }
0xba: {  	s0 =	sor.u32 s3, s0;
	s1 =	sshll.u32 s1, $0x11  }
0xbb: {  	s0 =	sor.u32 s1, s0  }
0xbc: {  	s0 =	sadd.s32 $0x8F2B, s0  }
0xbd: {  	[sflag:s0] =	ssyncadd.remote.s32 $0x1  }
0xbe: {  	_ =	sfence.sel $0xFFFF  }
0xbf: {  	[dreg:$0x0] =	wrdreg $0xFFFFFFFF;
	(pc) =	sbr.abs _section_cstart, $3  }
0xc0: {  	[dreg:$0x1] =	wrdreg $0xFFFFFFFF  }
0xc1: {  	_ =	task.clear_ibuf [dreg:s7], $0x2FFFF;
	_ =	strace $0x9FFFFFFF  }
0xc2: {  	(tm) =	ssettm $0x7FFFFFFF  }
0xc3: {  	_ =	shalt  }
tec
execute0_lowered:
.L_overlay_start_1:
0x0: {  	(tag) =	ssettag $0x1  }
0x1: {  	s3 =	rddreg [dreg:$0x0]  }
0x2: {  	s4 =	rddreg [dreg:$0x1];
	s1 =	srdreg.scid  }
0x3: {  	s29 =	simm.s32 $0x0;
	s0 =	stileid.u32;
	s5 =	sand.u32 $0x1, s1  }
0x4: {  	v0 =	vimm.s32 $0xECA86420;
	[smem:$0x7FF] =	sst s29;
	s6 =	sshll.u32 s5, $0x4;
	s5 =	ssub.s32 $0x2, s5  }
0x5: {  	vm0 =	vcmask $0xB08;
	vm1 =	vcmask $0x1310;
	vm2 =	vcmask $0x1B18;
	s1 =	simm.s32 $0x0;
	s6 =	sor.u32 s0, s6;
	s8 =	sshrl.u32 s5, $0x1  }
0x6: {  	vm3 =	vcmask $0x300;
	vm4 =	vcmask $0x2320;
	vm5 =	vcmask $0x2B28;
	_ =	strace $0x80000047;
	s7 =	sshll.u32 s6, $0x4;
	s5 =	ssub.s32 s5, s8  }
0x7: {  	vm6 =	vcmask $0x3330;
	vm7 =	vcmask $0x3B38;
	v1 =	vunpack.c.l.s4.s8 v0;
	s6 =	sshll.u32 s6, $0xB;
	s4 =	sadd.s32 s7, s4;
	s31 =	smax.u32 s5, $0x1  }
0x8: {  	v2 =	vlaneseq.u32;
	vm8 =	vmmov $0xff;
	v3 =	vimm.s32 $0x1;
	s3 =	sadd.s32 s3, s6;
	s30 =	sadd.s32 $0x1400, s4;
	[dreg:$0x4] =	wrdreg s31  }
0x9: {  	v0 =	vimm.s32 $0x0;
	v2 =	vmul.u32 $0x2, v2;
	v1 =	vunpack.c.0.s8.s32 v1;
	s6 =	simm.s32 $0x1;
	s7 =	simm.s32 $0x800;
	[dreg:$0x3] =	wrdreg s30  }
.LBB2_1:
0xa: {  	[tilespmem:$0x800] =	vst v0  }
0xb: {  	[tilespmem:$0x810] =	vst v0  }
0xc: {  	[tilespmem:$0x820] =	vst v0  }
0xd: {  	[tilespmem:$0x830] =	vst v0  }
0xe: {  	[tilespmem:$0x840] =	vst v0  }
0xf: {  	[tilespmem:$0x850] =	vst v0  }
0x10: {  	[tilespmem:$0x860] =	vst v0  }
0x11: {  	[dreg:$0x5] =	wrdreg s1;
	[tilespmem:$0x870] =	vst v0;
	s9 =	simm.s32 $0x0  }
.LBB2_2:
0x12: {  	s10 =	sshll.u32 s9, $0x8  }
0x13: {  	s11 =	simm.s32 $0x0;
	s10 =	sadd.s32 s10, s3  }
0x14: {  	[tilespmem:s11], [sflag:$0x1] =	stream.linear.gather [hbm4b:s10+s11], $0x800, $0x38;
	[tilespmem:$0x880] =	vst v63  }
0x15: {  	_ =	swait.ge [sflag:s6], $0x800  }
0x16: {  	[sflag:s6] =	ssyncset.done $0x0  }
0x17: {  	s0 =	simm.s32 $0x0;
	[sflag:s6] =	ssyncadd.s32 $0xFFFFF800  }
0x18: {  	v4 =	vld [tilespmem:s0+$0x0];
	_ =	sdelay $0x4  }
0x19: {  	v4 =	vadd.s32 $0xFFFFFFFD, v4  }
0x1a: {  	(v2sf) =	vpush v4, $0x5;
	_ =	sdelay $0x2  }
0x1b: {  	(v2sf) =	vpush v4, $0xE  }
0x1c: {  	(v2sf) =	vpush v4, $0xD  }
0x1d: {  	(v2sf) =	vpush v4, $0x3  }
0x1e: {  	(v2sf) =	vpush v4, $0x8  }
0x1f: {  	(v2sf) =	vpush v4, $0xC  }
0x20: {  	(v2sf) =	vpush v4, $0x1  }
0x21: {  	(v2sf) =	vpush v4, $0x2  }
0x22: {  	(v2sf) =	vpush v4, $0x0;
	_ =	sdelay $0x2  }
0x23: {  	(v2sf) =	vpush v4, $0x9  }
0x24: {  	(v2sf) =	vpush v4, $0x4  }
0x25: {  	s16 =	spop (v2sf);
	(v2sf) =	vpush v4, $0xA;
	_ =	sdelay $0x2  }
0x26: {  	s18 =	smulhi.u32 $0x92492493, s16;
	s12 =	spop (v2sf)  }
0x27: {  	s13 =	smulhi.u32 $0x92492493, s12;
	s14 =	sshra.s32 s12, $0x1F;
	s17 =	spop (v2sf)  }
0x28: {  	s1 =	sshra.s32 s16, $0x1F;
	s20 =	smul.u32 $0x92492493, s14;
	s14 =	spop (v2sf)  }
0x29: {  	s11 =	smul.u32 $0x92492493, s1;
	s19 =	sshra.s32 s17, $0x1F;
	s22 =	spop (v2sf)  }
0x2a: {  	s21 =	ssub.s32 s13, s12;
	s12 =	smulhi.u32 $0x92492493, s14;
	s2 =	spop (v2sf)  }
0x2b: {  	s19 =	smul.u32 $0x92492493, s19;
	s25 =	spop (v2sf)  }
0x2c: {  	(v2sf) =	vpush v4, $0x6;
	s15 =	smulhi.u32 $0x92492493, s2;
	s29 =	spop (v2sf)  }
0x2d: {  	s26 =	smulhi.u32 $0x92492493, s25;
	s0 =	spop (v2sf)  }
0x2e: {  	(v2sf) =	vpush v4, $0xB;
	s8 =	sshra.s32 s14, $0x1F;
	s28 =	sshra.s32 s25, $0x1F;
	s4 =	smulhi.u32 $0x92492493, s0  }
0x2f: {  	(v2sf) =	vpush v4, $0xF;
	s24 =	sshra.s32 s2, $0x1F;
	s5 =	smul.u32 $0x92492493, s28;
	s1 =	sshra.s32 s0, $0x1F  }
0x30: {  	s28 =	spop (v2sf);
	s0 =	ssub.s32 s4, s0;
	s4 =	smulhi.u32 $0x92492493, s17  }
0x31: {  	s24 =	smul.u32 $0x92492493, s24;
	s2 =	ssub.s32 s15, s2;
	s15 =	spop (v2sf)  }
0x32: {  	s30 =	smulhi.u32 $0x92492493, s29;
	s4 =	ssub.s32 s4, s17;
	s17 =	spop (v2sf);
	(v2sf) =	vpush v4, $0x7  }
0x33: {  	s25 =	ssub.s32 s26, s25;
	s26 =	smul.u32 $0x92492493, s8  }
0x34: {  	s10 =	simm.s32 $0x40;
	s18 =	ssub.s32 s18, s16;
	s1 =	smul.u32 $0x92492493, s1  }
0x35: {  	s23 =	sshra.s32 s22, $0x1F;
	s5 =	sadd.s32 s5, s25;
	s25 =	smulhi.u32 $0x92492493, s22  }
0x36: {  	s14 =	ssub.s32 s12, s14;
	s31 =	sshra.s32 s29, $0x1F;
	s8 =	smulhi.u32 $0x92492493, s28  }
0x37: {  	s29 =	ssub.s32 s30, s29;
	s13 =	sshra.s32 s28, $0x1F;
	s30 =	smul.u32 $0x92492493, s31  }
0x38: {  	s31 =	sadd.s32 s20, s21;
	s21 =	smul.u32 $0x92492493, s23;
	s12 =	sshra.s32 s15, $0x1F  }
0x39: {  	s14 =	sadd.s32 s26, s14;
	s0 =	sadd.s32 s1, s0;
	s1 =	sadd.s32 s24, s2  }
0x3a: {  	s22 =	ssub.s32 s25, s22;
	s16 =	ssub.s32 s8, s28;
	s24 =	smulhi.u32 $0x92492493, s15  }
0x3b: {  	s28 =	sadd.s32 s30, s29;
	s2 =	spop (v2sf);
	s29 =	smulhi.u32 $0x92492493, s17  }
0x3c: {  	s4 =	sadd.s32 s19, s4;
	s26 =	sshra.s32 s17, $0x1F;
	s23 =	smulhi.u32 $0x92492493, s2  }
0x3d: {  	v5 =	vmov s0;
	v6 =	vmov s1;
	s8 =	sshra.s32 s2, $0x1F;
	s25 =	spop (v2sf);
	s20 =	smul.u32 $0x92492493, s26  }
0x3e: {  	v5 =	vnsel vm3, $0x0, v5;
	v7 =	vsel vm0, s4, v6;
	s26 =	sadd.s32 s21, s22;
	s19 =	sshra.s32 s25, $0x1F;
	s22 =	spop (v2sf)  }
0x3f: {  	v6 =	vsel vm0, s5, v5;
	v5 =	vsel vm1, s31, v7;
	s21 =	smul.u32 $0x92492493, s8;
	s30 =	sshra.s32 s22, $0x1F;
	s23 =	ssub.s32 s23, s2  }
.LBB2_3:
0x40: {  	s0 =	smulhi.u32 $0x92492493, s25  }
0x41: {  	s1 =	ssub.s32 s24, s15;
	s2 =	spop (v2sf);
	s15 =	smov.u32 s10  }
0x42: {  	p0 =	sne.s32 s10, $0x1FC0;
	s4 =	smulhi.u32 $0x92492493, s2;
	s5 =	sshra.s32 s2, $0x1F  }
0x43: {  	s10 =	sadd.s32 $0x40, s10;
	s24 =	smulhi.u32 $0x92492493, s22;
	v6 =	vsel vm1, s28, v6;
	s0 =	ssub.s32 s0, s25  }
0x44: {  	v7 =	vmov s26;
	v6 =	vsel vm2, s14, v6;
	s25 =	smul.u32 $0x92492493, s30;
	s2 =	ssub.s32 s4, s2  }
0x45: {  	s11 =	sadd.s32 s11, s18;
	s4 =	smul.u32 $0x92492493, s13;
	s13 =	ssub.s32 s29, s17  }
0x46: {  	s12 =	smul.u32 $0x92492493, s12;
	s14 =	sadd.s32 s21, s23;
	s13 =	sadd.s32 s20, s13  }
0x47: {  	s17 =	ssub.s32 s24, s22;
	s4 =	sadd.s32 s4, s16;
	s16 =	smul.u32 $0x92492493, s19  }
0x48: {  	s1 =	sadd.s32 s12, s1;
	s17 =	sadd.s32 s25, s17;
	v7 =	vsel vm0, s4, v7;
	s4 =	smul.u32 $0x92492493, s5  }
0x49: {  	v6 =	vsel vm4, s1, v6;
	v5 =	vsel vm2, s17, v5;
	v7 =	vsel vm1, s13, v7;
	s0 =	sadd.s32 s16, s0  }
0x4a: {  	v6 =	vsel vm5, s11, v6;
	v7 =	vsel vm2, s0, v7;
	s0 =	sadd.s32 s4, s2  }
0x4b: {  	v6 =	vsel vm6, s14, v6;
	v5 =	vcombine.low v7, v5  }
0x4c: {  	v6 =	vsel vm7, s0, v6  }
0x4d: {  	v6 =	vperm.xlane v6, v2;
	v5 =	vperm.xlane v5, v1;
	_ =	sdelay $0x1  }
0x4e: {  	v5 =	vsel vm8, v6, v5  }
0x4f: {  	v4 =	vadd.s32 v4, v5  }
0x50: {  	v5 =	vshrl.u32 v4, $0x1F;
	v4 =	vshra.s32 v4, $0x2  }
0x51: {  	v4 =	vadd.s32 v5, v4  }
0x52: {  	v4 =	vshrl.u32 v4, $0xA;
	_ =	sdelay $0x4  }
0x53: {  	s0 =	sshra.s32 s15, $0x2;
	[tilespmem:v4+s7+$0x0] =	vst.idx.add.s32.msk $0xffff, v3  }
0x54: {  	v4 =	vld [tilespmem:s0+$0x0];
	_ =	sdelay $0x4  }
0x55: {  	v4 =	vadd.s32 $0xFFFFFFFD, v4  }
0x56: {  	(v2sf) =	vpush v4, $0x5  }
0x57: {  	(v2sf) =	vpush v4, $0xE  }
0x58: {  	(v2sf) =	vpush v4, $0xD  }
0x59: {  	(v2sf) =	vpush v4, $0x3  }
0x5a: {  	(v2sf) =	vpush v4, $0x8  }
0x5b: {  	(v2sf) =	vpush v4, $0xC  }
0x5c: {  	(v2sf) =	vpush v4, $0x1  }
0x5d: {  	(v2sf) =	vpush v4, $0x2  }
0x5e: {  	(v2sf) =	vpush v4, $0x0;
	_ =	sdelay $0x2  }
0x5f: {  	(v2sf) =	vpush v4, $0x9;
	_ =	sdelay $0x1  }
0x60: {  	(v2sf) =	vpush v4, $0x4;
	_ =	sdelay $0x1  }
0x61: {  	s16 =	spop (v2sf)  }
0x62: {  	s18 =	smulhi.u32 $0x92492493, s16;
	s0 =	sshra.s32 s16, $0x1F;
	s1 =	spop (v2sf)  }
0x63: {  	s2 =	smulhi.u32 $0x92492493, s1;
	s4 =	sshra.s32 s1, $0x1F;
	s5 =	spop (v2sf);
	(v2sf) =	vpush v4, $0xA  }
0x64: {  	s22 =	sshra.s32 s5, $0x1F;
	s19 =	smul.u32 $0x92492493, s4;
	s4 =	spop (v2sf)  }
0x65: {  	s20 =	ssub.s32 s2, s1;
	s1 =	smulhi.u32 $0x92492493, s4;
	s2 =	spop (v2sf);
	(v2sf) =	vpush v4, $0x6  }
0x66: {  	s11 =	smul.u32 $0x92492493, s0;
	s21 =	sshra.s32 s2, $0x1F;
	s0 =	spop (v2sf)  }
0x67: {  	s12 =	smulhi.u32 $0x92492493, s0;
	s13 =	sshra.s32 s0, $0x1F;
	(v2sf) =	vpush v4, $0xB;
	s14 =	spop (v2sf)  }
0x68: {  	s15 =	smulhi.u32 $0x92492493, s14;
	s17 =	sshra.s32 s14, $0x1F;
	(v2sf) =	vpush v4, $0xF;
	s23 =	spop (v2sf)  }
0x69: {  	s24 =	smulhi.u32 $0x92492493, s23;
	s25 =	sshra.s32 s23, $0x1F;
	s26 =	spop (v2sf)  }
0x6a: {  	s14 =	ssub.s32 s15, s14;
	s15 =	smulhi.u32 $0x92492493, s26;
	s28 =	sshra.s32 s26, $0x1F  }
0x6b: {  	s0 =	ssub.s32 s12, s0;
	s12 =	smul.u32 $0x92492493, s17;
	s17 =	sshra.s32 s4, $0x1F;
	(v2sf) =	vpush v4, $0x7  }
0x6c: {  	s17 =	smul.u32 $0x92492493, s17;
	s26 =	ssub.s32 s15, s26;
	s29 =	spop (v2sf)  }
0x6d: {  	s30 =	smulhi.u32 $0x92492493, s5;
	s1 =	ssub.s32 s1, s4;
	s31 =	sadd.s32 s12, s14  }
0x6e: {  	s4 =	smul.u32 $0x92492493, s28;
	s23 =	ssub.s32 s24, s23;
	s15 =	spop (v2sf)  }
0x6f: {  	s5 =	ssub.s32 s30, s5;
	s14 =	smul.u32 $0x92492493, s13;
	s13 =	sshra.s32 s29, $0x1F  }
0x70: {  	s24 =	smulhi.u32 $0x92492493, s2;
	s4 =	sadd.s32 s4, s26;
	s12 =	sshra.s32 s15, $0x1F  }
0x71: {  	s0 =	sadd.s32 s14, s0;
	s26 =	smulhi.u32 $0x92492493, s29;
	s14 =	sadd.s32 s17, s1;
	v5 =	vmov s4  }
0x72: {  	s1 =	smul.u32 $0x92492493, s25;
	v7 =	vmov s0;
	s0 =	ssub.s32 s24, s2;
	v5 =	vnsel vm3, $0x0, v5;
	s17 =	spop (v2sf)  }
0x73: {  	s18 =	ssub.s32 s18, s16;
	s2 =	smul.u32 $0x92492493, s22;
	v6 =	vsel vm0, s31, v5;
	s4 =	sshra.s32 s17, $0x1F  }
0x74: {  	s24 =	smulhi.u32 $0x92492493, s15;
	s31 =	spop (v2sf)  }
0x75: {  	s16 =	ssub.s32 s26, s29;
	s8 =	smulhi.u32 $0x92492493, s31  }
.Ltmp0:
0x76: {  	s2 =	sadd.s32 s2, s5;
	s5 =	sadd.s32 s19, s20;
	(pc) =	sbr.rel @p0 .LBB2_3-.Ltmp0, $4  }
0x77: {  	v5 =	vsel vm0, s2, v7;
	s2 =	smul.u32 $0x92492493, s21;
	s21 =	sshra.s32 s31, $0x1F;
	s25 =	spop (v2sf)  }
0x78: {  	v5 =	vsel vm1, s5, v5;
	s20 =	smul.u32 $0x92492493, s4;
	s19 =	sshra.s32 s25, $0x1F;
	s22 =	spop (v2sf)  }
0x79: {  	s26 =	sadd.s32 s2, s0;
	s21 =	smul.u32 $0x92492493, s21;
	s30 =	sshra.s32 s22, $0x1F  }
0x7a: {  	s28 =	sadd.s32 s1, s23;
	s29 =	smulhi.u32 $0x92492493, s17;
	s23 =	ssub.s32 s8, s31  }
0x7b: {  	s0 =	smulhi.u32 $0x92492493, s25  }
0x7c: {  	s4 =	smulhi.u32 $0x92492493, s22  }
0x7d: {  	s5 =	smul.u32 $0x92492493, s30  }
0x7e: {  	s13 =	smul.u32 $0x92492493, s13  }
0x7f: {  	s12 =	smul.u32 $0x92492493, s12  }
0x80: {  	s1 =	spop (v2sf);
	s8 =	ssub.s32 s24, s15;
	v7 =	vmov s26;
	s26 =	smul.u32 $0x92492493, s19  }
0x81: {  	s11 =	sadd.s32 s11, s18;
	s2 =	smulhi.u32 $0x92492493, s1;
	s10 =	sshra.s32 s1, $0x1F  }
0x82: {  	v6 =	vsel vm1, s28, v6;
	s0 =	ssub.s32 s0, s25;
	s25 =	ssub.s32 s29, s17;
	s13 =	sadd.s32 s13, s16  }
0x83: {  	v6 =	vsel vm2, s14, v6;
	s4 =	ssub.s32 s4, s22;
	s8 =	sadd.s32 s12, s8;
	s28 =	sadd.s32 s20, s25;
	v7 =	vsel vm0, s13, v7  }
0x84: {  	s29 =	smul.u32 $0x92492493, s10;
	s4 =	sadd.s32 s5, s4;
	s0 =	sadd.s32 s26, s0;
	v6 =	vsel vm4, s8, v6;
	v7 =	vsel vm1, s28, v7  }
0x85: {  	s30 =	sadd.s32 s21, s23;
	s1 =	ssub.s32 s2, s1;
	v5 =	vsel vm2, s4, v5;
	v6 =	vsel vm5, s11, v6;
	v7 =	vsel vm2, s0, v7  }
0x86: {  	s31 =	sadd.s32 s29, s1;
	v6 =	vsel vm6, s30, v6;
	v5 =	vcombine.low v7, v5  }
0x87: {  	v6 =	vsel vm7, s31, v6  }
0x88: {  	v6 =	vperm.xlane v6, v2;
	v5 =	vperm.xlane v5, v1;
	_ =	sdelay $0x1  }
0x89: {  	v5 =	vsel vm8, v6, v5  }
0x8a: {  	v4 =	vadd.s32 v4, v5  }
0x8b: {  	v5 =	vshrl.u32 v4, $0x1F;
	v4 =	vshra.s32 v4, $0x2  }
0x8c: {  	s9 =	sadd.s32 $0x1, s9;
	v4 =	vadd.s32 v5, v4  }
0x8d: {  	p0 =	sne.s32 s9, $0x8;
	v4 =	vshrl.u32 v4, $0xA  }
.Ltmp1:
0x8e: {  	_ = 	snop;
	(pc) =	sbr.rel @p0 .LBB2_2-.Ltmp1, $2  }
0x8f: {  	_ =	sdelay $0x2  }
0x90: {  	[tilespmem:v4+s7+$0x0] =	vst.idx.add.s32.msk $0xffff, v3  }
0x91: {  	s0 =	simm.s32 $0x0;
	s1 =	rddreg [dreg:$0x3]  }
0x92: {  	[hbm4b:s1+s0] =	stream.linear.scatter [tilespmem:s7], [sflag:$0x1], $0x80, $0x38;
	[tilespmem:$0x880] =	vst v63  }
0x93: {  	_ =	swait.ge [sflag:s6], $0x80  }
0x94: {  	s30 =	rddreg [dreg:$0x5]  }
0x95: {  	s31 =	rddreg [dreg:$0x4];
	s1 =	sadd.s32 $0x1, s30  }
0x96: {  	p0 =	sne.s32 s1, s31  }
.Ltmp2:
0x97: {  	_ = 	snop;
	(pc) =	sbr.rel @p0 .LBB2_1-.Ltmp2, $3  }
0x98: {  	_ =	sdelay $0x1  }
0x99: {  	[sflag:s6] =	ssyncset.done $0x0  }
0x9a: {  	[sflag:s6] =	ssyncadd.s32 $0xFFFFFF80  }
0x9b: {  	_ =	sfence.sel $0x180000  }
0x9c: {  	[bflag:$0x0] =	sbarrier.arrive $0xFFFF  }
0x9d: {  	_ =	strace $0x90000047  }
0x9e: {  	s0 =	stileid.u32;
	[bflag:$0x2] =	sbarrier.arrive $0xFFFF  }
0x9f: {  	p0 =	sne.s32 s0, $0x0;
	s0 =	rddreg [dreg:$0x2]  }
0xa0: {  	s0 =	sadd.s32 @!p0 $0x100000, s0  }
0xa1: {  	[sflag:s0] =	ssyncadd.tile.s32 @!p0 $0x1;
	_ =	shalt  }
.Lfunc_end2:
_tile_overlayer_lowered:
.L_overlay_start_2:
0xa2: {  	(tag) =	ssettag $0x2  }
0xa3: {  	s0 =	rddreg [dreg:$0x0];
	s2 =	stileid.u32  }
0xa4: {  	s1 =	rddreg [dreg:$0x1];
	p0 =	sne.s32 s2, $0x0  }
0xa5: {  	s3 =	rddreg [dreg:$0x2];
	[bflag:$0x3] =	sbarrier.arrive $0xFFFF;
	s2 =	simm.s32 @!p0 $0x1C01  }
0xa6: {  	[timem:s3], [sflag:s2] =	dma.local @!p0 [hbm:s0], s1  }
0xa7: {  	s0 =	simm.s32 @!p0 $0x1  }
0xa8: {  	_ =	swait.ge @!p0 [sflag:s0], s1  }
0xa9: {  	s1 =	ssub.s32 @!p0 $0x0, s1;
	[sflag:s0] =	ssyncset.done @!p0 $0x0  }
0xaa: {  	[sflag:s0] =	ssyncadd.s32 @!p0 s1  }
0xab: {  	[bflag:$0x3] =	sbarrier.arrive $0xFFFF  }
0xac: {  	_ =	shalt  }

// kernel: kernel.8.cloned.1.call-start
scs
__scs_entry_jumppad:
0x0: {  	(pc) =	sbr.rel $0x88, $3  }
0x1: {  	(tag) =	ssettag $0x0;
	lr =	simm.s32 $0x1  }
0x2: {  	[smem:$0x3F9E] =	sst lr;
	_ =	strace $0xD0000000  }
0x3: {  	_ = 	snop  }
0x4: {  	_ = 	snop  }
0x5: {  	_ = 	snop  }
0x6: {  	_ = 	snop  }
0x7: {  	_ = 	snop  }
__scs_overlays_trampoline_lowered:
0x8: {  	[smem:$0x3FAD] =	sst s0  }
0x9: {  	[smem:$0x3FAE] =	sst s1  }
0xa: {  	[smem:$0x3FAF] =	sst s2  }
0xb: {  	[smem:$0x3FB0] =	sst s3  }
0xc: {  	[smem:$0x3FB1] =	sst s4  }
0xd: {  	[smem:$0x3FB2] =	sst s5  }
0xe: {  	[smem:$0x3FB3] =	sst s6  }
0xf: {  	[smem:$0x3FB4] =	sst s7  }
0x10: {  	[smem:$0x3FB5] =	sst s8  }
0x11: {  	[smem:$0x3FB6] =	sst s9;
	s0 =	simm.s32 @!p0 $0x0  }
0x12: {  	s1 =	sld [smem:$0x3F9C];
	s0 =	simm.s32 @p0 $0x1  }
0x13: {  	[smem:$0x3FB7] =	sst s0;
	s0 =	simm.s32 @!p1 $0x0  }
0x14: {  	s2 =	sld [smem:$0x3F9B];
	s0 =	simm.s32 @p1 $0x1  }
0x15: {  	[smem:$0x3FB8] =	sst s0;
	s0 =	simm.s32 @!p2 $0x0  }
0x16: {  	s3 =	sld [smem:$0x3FDB];
	s0 =	simm.s32 @p2 $0x1  }
0x17: {  	s4 =	simm.s32 $0x1BF5;
	[smem:$0x3FBA] =	sst s0  }
0x18: {  	s0 =	sld [smem:$0x3F9D];
	_ =	swait.ge [sflag:s4], $0x0  }
0x19: {  	s7 =	sld [smem:$0x3F9E]  }
0x1a: {  	s8 =	sadd.s32 $0xFFFFE003, lr  }
0x1b: {  	s9 =	sadd.s32 $0xFFFFFEF7, lr;
	s5 =	simm.s32 $0xFFFFFFFF;
	p2 =	slt.u32 s8, $0xFFFFF086  }
0x1c: {  	p1 =	slt.u32 s9, $0xF7A;
	s5 =	simm.s32 @!p2 $0x0  }
0x1d: {  	s5 =	simm.s32 @p1 $0x1;
	p0 =	seq.s32 s7, s2  }
0x1e: {  	s7 =	smul.u32 @!p0 $0xF7A, s2;
	p2 =	seq.s32 @!p0 s5, $0x0  }
0x1f: {  	s9 =	smul.u32 $0xF7A, s1;
	s8 =	simm.s32 @!p0 $0x1BF5;
	p2 =	por !p2, p0  }
0x20: {  	[sflag:s8] =	ssyncset.s32 @!p0 $0xFFFFF086;
	s6 =	sadd.s32 @!p0 s3, s7;
	s7 =	simm.s32 @!p0 $0x108  }
0x21: {  	s3 =	sadd.s32 s3, s9;
	s6 =	sadd.s32 @!p0 $0x88, s6;
	s7 =	simm.s32 @p2 $0x1082  }
0x22: {  	[simem:s7], [sflag:s8] =	dma.local @!p0 [hbm:s6], $0xF7A  }
0x23: {  	s9 =	sor.u32 $0xD0000000, s2;
	s6 =	simm.s32 $0x108;
	_ =	swait.ge @!p0 [sflag:s8], $0x0  }
0x24: {  	s3 =	sadd.s32 $0x88, s3;
	s6 =	simm.s32 @!p1 $0x1082;
	[sflag:s4] =	ssyncset.s32 $0xFFFFF086  }
0x25: {  	[simem:s6], [sflag:s4] =	dma.local [hbm:s3], $0xF7A  }
0x26: {  	[smem:$0x3F9E] =	sst s1;
	(tag) =	ssettag s2;
	_ =	strace s9  }
0x27: {  	s1 =	sld [smem:$0x3FAE]  }
0x28: {  	s2 =	sld [smem:$0x3FAF]  }
0x29: {  	s4 =	sld [smem:$0x3FB1]  }
0x2a: {  	p0 =	seq.s32 s5, $0x0;
	s5 =	sld [smem:$0x3FB2]  }
0x2b: {  	s6 =	sld [smem:$0x3FB3]  }
0x2c: {  	s7 =	sld [smem:$0x3FB4]  }
0x2d: {  	s3 =	simm.s32 $0x108;
	s8 =	sld [smem:$0x3FB5]  }
0x2e: {  	s3 =	simm.s32 @!p0 $0x1082;
	s9 =	sld [smem:$0x3FB6]  }
0x2f: {  	lr =	sadd.s32 s0, s3;
	s0 =	sld [smem:$0x3FAD]  }
0x30: {  	s3 =	sld [smem:$0x3FB0]  }
0x31: {  	[smem:$0x3FB9] =	sst s10  }
0x32: {  	s10 =	sld [smem:$0x3FB7];
	_ =	sdelay $0x3  }
0x33: {  	p0 =	seq.s32 s10, $0x1;
	s10 =	sld [smem:$0x3FB9];
	_ =	sdelay $0x3  }
0x34: {  	[smem:$0x3FB9] =	sst s10  }
0x35: {  	s10 =	sld [smem:$0x3FB8];
	_ =	sdelay $0x3  }
0x36: {  	p1 =	seq.s32 s10, $0x1;
	s10 =	sld [smem:$0x3FB9];
	_ =	sdelay $0x3  }
0x37: {  	[smem:$0x3FB9] =	sst s10  }
0x38: {  	s10 =	sld [smem:$0x3FBA]  }
0x39: {  	_ = 	snop;
	(pc) =	sbr.ind lr, $3  }
0x3a: {  	_ = 	snop  }
0x3b: {  	_ = 	snop  }
0x3c: {  	p2 =	seq.s32 s10, $0x1;
	s10 =	sld [smem:$0x3FB9]  }
0x3d: {  	_ =	shalt  }
0x3e: {  	_ =	shalt  }
0x3f: {  	_ =	shalt  }
0x40: {  	_ =	shalt  }
0x41: {  	_ =	shalt  }
0x42: {  	_ =	shalt  }
0x43: {  	_ =	shalt  }
0x44: {  	_ =	shalt  }
0x45: {  	_ =	shalt  }
0x46: {  	_ =	shalt  }
0x47: {  	_ =	shalt  }
0x48: {  	_ =	shalt  }
0x49: {  	_ =	shalt  }
0x4a: {  	_ =	shalt  }
0x4b: {  	_ =	shalt  }
0x4c: {  	_ =	shalt  }
0x4d: {  	_ =	shalt  }
0x4e: {  	_ =	shalt  }
0x4f: {  	_ =	shalt  }
0x50: {  	_ =	shalt  }
0x51: {  	_ =	shalt  }
0x52: {  	_ =	shalt  }
0x53: {  	_ =	shalt  }
0x54: {  	_ =	shalt  }
0x55: {  	_ =	shalt  }
0x56: {  	_ =	shalt  }
0x57: {  	_ =	shalt  }
0x58: {  	_ =	shalt  }
0x59: {  	_ =	shalt  }
0x5a: {  	_ =	shalt  }
0x5b: {  	_ =	shalt  }
0x5c: {  	_ =	shalt  }
0x5d: {  	_ =	shalt  }
0x5e: {  	_ =	shalt  }
0x5f: {  	_ =	shalt  }
0x60: {  	_ =	shalt  }
0x61: {  	_ =	shalt  }
0x62: {  	_ =	shalt  }
0x63: {  	_ =	shalt  }
0x64: {  	_ =	shalt  }
0x65: {  	_ =	shalt  }
0x66: {  	_ =	shalt  }
0x67: {  	_ =	shalt  }
0x68: {  	_ =	shalt  }
0x69: {  	_ =	shalt  }
0x6a: {  	_ =	shalt  }
0x6b: {  	_ =	shalt  }
0x6c: {  	_ =	shalt  }
0x6d: {  	_ =	shalt  }
0x6e: {  	_ =	shalt  }
0x6f: {  	_ =	shalt  }
0x70: {  	_ =	shalt  }
0x71: {  	_ =	shalt  }
0x72: {  	_ =	shalt  }
0x73: {  	_ =	shalt  }
0x74: {  	_ =	shalt  }
0x75: {  	_ =	shalt  }
0x76: {  	_ =	shalt  }
0x77: {  	_ =	shalt  }
0x78: {  	_ =	shalt  }
0x79: {  	_ =	shalt  }
0x7a: {  	_ =	shalt  }
0x7b: {  	_ =	shalt  }
0x7c: {  	_ =	shalt  }
0x7d: {  	_ =	shalt  }
0x7e: {  	_ =	shalt  }
0x7f: {  	_ =	shalt  }
0x80: {  	_ =	shalt  }
0x81: {  	_ =	shalt  }
0x82: {  	_ =	shalt  }
0x83: {  	_ =	shalt  }
0x84: {  	_ =	shalt  }
0x85: {  	_ =	shalt  }
0x86: {  	_ =	shalt  }
0x87: {  	_ =	shalt  }
.Lfunc_end0:
.L_simem_size_0:
called_computation.2_lowered:
.L_overlay_start_0:
0x88: {  	s2 =	sld [smem:$0x3FD9]  }
0x89: {  	s3 =	sld [smem:$0x3FFE];
	_ =	sdelay $0x1  }
0x8a: {  	s1 =	srdreg.scid  }
0x8b: {  	s0 =	sand.u32 $0x1, s1  }
0x8c: {  	s17 =	sshll.u32 s0, $0xA;
	s2 =	sadd.s32 s3, s2  }
0x8d: {  	s2 =	sadd.s32 s2, s17  }
0x8e: {  	[smem:$0x3FC5] =	sst s2  }
0x8f: {  	_ = 	snop  }
0x90: {  	s2 =	sld [smem:$0x3FC8];
	(tm) =	ssettm $0x1  }
0x91: {  	s18 =	sld [smem:$0x3FFB];
	_ =	sdelay $0x3  }
0x92: {  	_ =	strace s18  }
0x93: {  	s3 =	sld [smem:$0x3FFC];
	_ =	sdelay $0x3  }
0x94: {  	_ =	strace s3  }
0x95: {  	s3 =	sld [smem:$0x3FFD];
	_ =	sdelay $0x3  }
0x96: {  	_ =	strace s3  }
0x97: {  	_ =	strace $0x8FFFFFFF  }
0x98: {  	s19 =	sld [smem:$0x3FDB];
	_ =	sdelay $0x1  }
0x99: {  	s4 =	simm.s32 $_scs_section_size  }
0x9a: {  	s5 =	simm.s32 $_size__tile_overlayer_lowered;
	s6 =	simm.s32 $_tile_overlayer_lowered  }
0x9b: {  	s22 =	simm.s32 $0x1BFF;
	s21 =	sshll.u32 s6, $0x1;
	s3 =	sadd.s32 s4, s19  }
0x9c: {  	s7 =	simm.s32 $0x0;
	s20 =	sshll.u32 s5, $0x1;
	s5 =	sadd.s32 s21, s3  }
0x9d: {  	[timem:s7], [sflag:s22] =	dma.local [hbm:s5], s20  }
0x9e: {  	_ =	swait.ge [sflag:s22], s20  }
0x9f: {  	s4 =	ssub.s32 $0x0, s20;
	[sflag:s22] =	ssyncset.done $0x0  }
0xa0: {  	[sflag:s22] =	ssyncadd.s32 s4;
	_ =	sdelay $0x1  }
0xa1: {  	s23 =	simm.s32 $0x1B8B  }
0xa2: {  	_ =	swait.ge [sflag:s23], $0x1  }
0xa3: {  	[sflag:s23] =	ssyncset.done $0x0  }
0xa4: {  	s25 =	simm.s32 $0x1B8E;
	s24 =	sld [smem:$0x3FFE];
	[sflag:s23] =	ssyncadd.s32 $0xFFFFFFFF  }
0xa5: {  	s26 =	simm.s32 $execute0_lowered;
	[smem:$0x3FD2] =	sst s25  }
0xa6: {  	s5 =	sshll.u32 s26, $0x1;
	_ =	strace $0x80000049;
	[dreg:$0x1] =	wrdreg $0xFFFFFFFF  }
0xa7: {  	s28 =	simm.s32 $_size_execute0_lowered;
	s3 =	sadd.s32 s3, s5;
	[dreg:$0x0] =	wrdreg $0x0  }
0xa8: {  	s5 =	sshll.u32 s28, $0x1;
	[dreg:$0x2] =	wrdreg s3  }
0xa9: {  	[dreg:$0x3] =	wrdreg s5  }
0xaa: {  	[dreg:$0x4] =	wrdreg $0xC0  }
0xab: {  	_ =	task [dreg:s7], $0x5FFFF  }
0xac: {  	[dreg:$0x1] =	wrdreg $0xFFFFFFFF  }
0xad: {  	[dreg:$0x0] =	wrdreg $0x60  }
0xae: {  	[dreg:$0x2] =	wrdreg s2  }
0xaf: {  	[dreg:$0x3] =	wrdreg s24  }
0xb0: {  	[dreg:$0x4] =	wrdreg $0x9  }
0xb1: {  	_ =	task.clear_ibuf [dreg:s7], $0x5FFFF;
	_ =	strace $0x90000049  }
0xb2: {  	s29 =	simm.s32 $0x9;
	_ =	strace $0x8000004B  }
0xb3: {  	_ =	swait.ge [sflag:s29], $0x1  }
0xb4: {  	[sflag:s29] =	ssyncadd.s32 $0xFFFFFFFF  }
0xb5: {  	_ =	strace $0x9000004B  }
0xb6: {  	_ =	sfence  }
0xb7: {  	s30 =	sld [smem:$0x0];
	_ =	sdelay $0x2  }
0xb8: {  	s31 =	sshll.u32 s1, $0xD;
	s1 =	sshrl.u32 s1, $0x2  }
0xb9: {  	s3 =	sand.u32 $0x4000, s31;
	s1 =	sadd.s32 s1, s30  }
0xba: {  	s0 =	sor.u32 s3, s0;
	s1 =	sshll.u32 s1, $0x11  }
0xbb: {  	s0 =	sor.u32 s1, s0  }
0xbc: {  	s0 =	sadd.s32 $0x8F2B, s0  }
0xbd: {  	[sflag:s0] =	ssyncadd.remote.s32 $0x1  }
0xbe: {  	_ =	sfence.sel $0xFFFF  }
0xbf: {  	[dreg:$0x0] =	wrdreg $0xFFFFFFFF;
	(pc) =	sbr.abs _section_cstart, $3  }
0xc0: {  	[dreg:$0x1] =	wrdreg $0xFFFFFFFF  }
0xc1: {  	_ =	task.clear_ibuf [dreg:s7], $0x2FFFF;
	_ =	strace $0x9FFFFFFF  }
0xc2: {  	(tm) =	ssettm $0x7FFFFFFF  }
0xc3: {  	_ =	shalt  }
tec
execute0_lowered:
.L_overlay_start_1:
0x0: {  	(tag) =	ssettag $0x1  }
0x1: {  	s0 =	rddreg [dreg:$0x1];
	s2 =	simm.s32 $0x0  }
0x2: {  	s1 =	srdreg.scid;
	s3 =	stileid.u32;
	s11 =	simm.s32 $0x800  }
0x3: {  	s13 =	simm.s32 $0x1900;
	[smem:$0x7FF] =	sst s2;
	s1 =	sand.u32 $0x1, s1  }
0x4: {  	s24 =	sadd.s32 $0x1400, s0;
	s5 =	sadd.s32 $0x1600, s0;
	s6 =	sadd.s32 $0x11800, s0  }
0x5: {  	s29 =	sshll.u32 s3, $0xE;
	_ =	strace $0x8000004A;
	[dreg:$0x3] =	wrdreg s24  }
0x6: {  	v1 =	vimm.s32 $0xECA86420;
	v0 =	vlaneseq.u32;
	vm0 =	vcmask $0xB08;
	s25 =	ssub.s32 $0x2, s1;
	s28 =	sshll.u32 s1, $0x4;
	s1 =	sshll.u32 s1, $0x12  }
0x7: {  	vm1 =	vcmask $0x1310;
	vm2 =	vcmask $0x1B18;
	vm3 =	vcmask $0x300;
	s26 =	sshrl.u32 s25, $0x1;
	s7 =	sor.u32 s3, s28;
	s31 =	sor.u32 s29, s1  }
0x8: {  	vm4 =	vcmask $0x2320;
	vm5 =	vcmask $0x2B28;
	v1 =	vunpack.c.l.s4.s8 v1;
	s0 =	ssub.s32 s25, s26;
	s30 =	sshll.u32 s7, $0xE;
	[dreg:$0x6] =	wrdreg s31  }
0x9: {  	s14 =	simm.s32 $0x80;
	vm6 =	vcmask $0x3330;
	vm7 =	vcmask $0x3B38;
	vm8 =	vmmov $0xff;
	[dreg:$0x4] =	wrdreg s30;
	s0 =	smax.u32 s0, $0x1  }
0xa: {  	v3 =	vimm.s32 $0x1;
	s16 =	simm.s32 $0x1;
	v2 =	vmul.u32 $0x2, v0;
	v1 =	vunpack.c.0.s8.s32 v1;
	s1 =	simm.s32 $0x0;
	[dreg:$0x5] =	wrdreg s0  }
.LBB2_1:
0xb: {  	[dreg:$0x7] =	wrdreg s1;
	s0 =	simm.s32 $0x0  }
0xc: {  	s29 =	rddreg [dreg:$0x3];
	s30 =	simm.s32 $0x2;
	v4 =	vor.u32 s0, v0  }
0xd: {  	[tilespmem:s11], [sflag:$0x2] =	stream.linear.gather [hbm4b:s29+s0], $0x1000, $0x38;
	[tilespmem:$0x3180] =	vst v63  }
0xe: {  	_ =	swait.ge [sflag:s30], $0x1000  }
0xf: {  	[sflag:s30] =	ssyncset.done $0x0  }
0x10: {  	s31 =	simm.s32 $0x80;
	[sflag:s30] =	ssyncadd.s32 $0xFFFFF000  }
0x11: {  	v5 =	vor.u32 s31, v0;
	v7 =	vld.idx.msk [tilespmem:v4+s11+$0x0], $0xffff;
	_ =	sdelay $0x3  }
0x12: {  	p0 =	sgt.u32 s7, $0x0;
	v4 =	vimm.s32 $0x0  }
0x13: {  	s1 =	simm.s32 $0x1;
	s2 =	simm.s32 $0x2;
	s3 =	simm.s32 $0x100;
	v5 =	vld.idx.msk [tilespmem:v5+s11+$0x0], $0xffff;
	v6 =	vadd.s32 v4, v7;
	v7 =	vpsel !p0, $0x0, v7  }
.LBB2_2:
0x14: {  	v8 =	vor.u32 s3, v0;
	p0 =	sne.s32 s2, $0x1F;
	v4 =	vadd.s32 v4, v7;
	s8 =	smov.u32 s2;
	s2 =	sadd.s32 $0x1, s2  }
.Ltmp0:
0x15: {  	(pc) =	sbr.rel @p0 .LBB2_2-.Ltmp0, $3  }
0x16: {  	_ =	sdelay $0x1  }
0x17: {  	p1 =	slt.u32 s1, s7;
	s1 =	smov.u32 s8  }
0x18: {  	s3 =	sadd.s32 $0x80, s3;
	v6 =	vadd.s32 v6, v5;
	v7 =	vpsel !p1, $0x0, v5;
	v5 =	vld.idx.msk [tilespmem:v8+s11+$0x0], $0xffff  }
0x19: {  	_ = 	snop  }
0x1a: {  	s2 =	simm.s32 $0x10  }
0x1b: {  	v8 =	vor.u32 s2, v0  }
0x1c: {  	p0 =	slt.u32 s1, s7  }
0x1d: {  	v4 =	vadd.s32 v4, v7;
	v6 =	vadd.s32 v6, v5;
	v5 =	vpsel !p0, $0x0, v5  }
0x1e: {  	v4 =	vadd.s32 v4, v5;
	[tilespmem:$0x1800] =	vst v6  }
0x1f: {  	s31 =	simm.s32 $0x90;
	[tilespmem:$0x1880] =	vst v4  }
0x20: {  	v5 =	vor.u32 s31, v0;
	v7 =	vld.idx.msk [tilespmem:v8+s11+$0x0], $0xffff;
	_ =	sdelay $0x3  }
0x21: {  	p6 =	sgt.u32 s7, $0x0;
	v4 =	vimm.s32 $0x0  }
0x22: {  	s1 =	simm.s32 $0x0;
	s2 =	simm.s32 $0x110;
	v5 =	vld.idx.msk [tilespmem:v5+s11+$0x0], $0xffff;
	v6 =	vadd.s32 v4, v7;
	v7 =	vpsel !p6, $0x0, v7  }
.LBB2_4:
0x23: {  	v8 =	vor.u32 s2, v0;
	p0 =	sne.s32 s2, $0xF90;
	s2 =	sadd.s32 $0x80, s2;
	v4 =	vadd.s32 v4, v7  }
.Ltmp1:
0x24: {  	(pc) =	sbr.rel @p0 .LBB2_4-.Ltmp1, $4  }
0x25: {  	_ = 	snop  }
0x26: {  	s1 =	sadd.s32 $0x1, s1  }
0x27: {  	p1 =	slt.u32 s1, s7  }
0x28: {  	v6 =	vadd.s32 v6, v5;
	v7 =	vpsel !p1, $0x0, v5;
	v5 =	vld.idx.msk [tilespmem:v8+s11+$0x0], $0xffff  }
0x29: {  	_ = 	snop  }
0x2a: {  	s2 =	simm.s32 $0x20  }
0x2b: {  	s1 =	sadd.s32 $0x1, s1;
	v8 =	vor.u32 s2, v0  }
0x2c: {  	p0 =	slt.u32 s1, s7  }
0x2d: {  	v4 =	vadd.s32 v4, v7;
	v6 =	vadd.s32 v6, v5;
	v5 =	vpsel !p0, $0x0, v5  }
0x2e: {  	v4 =	vadd.s32 v4, v5;
	[tilespmem:$0x1810] =	vst v6  }
0x2f: {  	s31 =	simm.s32 $0xA0;
	[tilespmem:$0x1890] =	vst v4  }
0x30: {  	v5 =	vor.u32 s31, v0;
	v7 =	vld.idx.msk [tilespmem:v8+s11+$0x0], $0xffff;
	_ =	sdelay $0x3  }
0x31: {  	p6 =	sgt.u32 s7, $0x0;
	v4 =	vimm.s32 $0x0  }
0x32: {  	s1 =	simm.s32 $0x0;
	s2 =	simm.s32 $0x120;
	v5 =	vld.idx.msk [tilespmem:v5+s11+$0x0], $0xffff;
	v6 =	vadd.s32 v4, v7;
	v7 =	vpsel !p6, $0x0, v7  }
.LBB2_6:
0x33: {  	v8 =	vor.u32 s2, v0;
	p0 =	sne.s32 s2, $0xFA0;
	s2 =	sadd.s32 $0x80, s2;
	v4 =	vadd.s32 v4, v7  }
.Ltmp2:
0x34: {  	(pc) =	sbr.rel @p0 .LBB2_6-.Ltmp2, $4  }
0x35: {  	_ = 	snop  }
0x36: {  	s1 =	sadd.s32 $0x1, s1  }
0x37: {  	p1 =	slt.u32 s1, s7  }
0x38: {  	v6 =	vadd.s32 v6, v5;
	v7 =	vpsel !p1, $0x0, v5;
	v5 =	vld.idx.msk [tilespmem:v8+s11+$0x0], $0xffff  }
0x39: {  	_ = 	snop  }
0x3a: {  	s2 =	simm.s32 $0x30  }
0x3b: {  	s1 =	sadd.s32 $0x1, s1;
	v8 =	vor.u32 s2, v0  }
0x3c: {  	p0 =	slt.u32 s1, s7  }
0x3d: {  	v4 =	vadd.s32 v4, v7;
	v6 =	vadd.s32 v6, v5;
	v5 =	vpsel !p0, $0x0, v5  }
0x3e: {  	v4 =	vadd.s32 v4, v5;
	[tilespmem:$0x1820] =	vst v6  }
0x3f: {  	s31 =	simm.s32 $0xB0;
	[tilespmem:$0x18A0] =	vst v4  }
0x40: {  	v5 =	vor.u32 s31, v0;
	v7 =	vld.idx.msk [tilespmem:v8+s11+$0x0], $0xffff;
	_ =	sdelay $0x3  }
0x41: {  	p6 =	sgt.u32 s7, $0x0;
	v4 =	vimm.s32 $0x0  }
0x42: {  	s1 =	simm.s32 $0x0;
	s2 =	simm.s32 $0x130;
	v5 =	vld.idx.msk [tilespmem:v5+s11+$0x0], $0xffff;
	v6 =	vadd.s32 v4, v7;
	v7 =	vpsel !p6, $0x0, v7  }
.LBB2_8:
0x43: {  	v8 =	vor.u32 s2, v0;
	p0 =	sne.s32 s2, $0xFB0;
	s2 =	sadd.s32 $0x80, s2;
	v4 =	vadd.s32 v4, v7  }
.Ltmp3:
0x44: {  	(pc) =	sbr.rel @p0 .LBB2_8-.Ltmp3, $4  }
0x45: {  	_ = 	snop  }
0x46: {  	s1 =	sadd.s32 $0x1, s1  }
0x47: {  	p1 =	slt.u32 s1, s7  }
0x48: {  	v6 =	vadd.s32 v6, v5;
	v7 =	vpsel !p1, $0x0, v5;
	v5 =	vld.idx.msk [tilespmem:v8+s11+$0x0], $0xffff  }
0x49: {  	_ = 	snop  }
0x4a: {  	s2 =	simm.s32 $0x40  }
0x4b: {  	s1 =	sadd.s32 $0x1, s1;
	v8 =	vor.u32 s2, v0  }
0x4c: {  	p0 =	slt.u32 s1, s7  }
0x4d: {  	v4 =	vadd.s32 v4, v7;
	v6 =	vadd.s32 v6, v5;
	v5 =	vpsel !p0, $0x0, v5  }
0x4e: {  	v4 =	vadd.s32 v4, v5;
	[tilespmem:$0x1830] =	vst v6  }
0x4f: {  	s31 =	simm.s32 $0xC0;
	[tilespmem:$0x18B0] =	vst v4  }
0x50: {  	v5 =	vor.u32 s31, v0;
	v7 =	vld.idx.msk [tilespmem:v8+s11+$0x0], $0xffff;
	_ =	sdelay $0x3  }
0x51: {  	p6 =	sgt.u32 s7, $0x0;
	v4 =	vimm.s32 $0x0  }
0x52: {  	s1 =	simm.s32 $0x0;
	s2 =	simm.s32 $0x140;
	v5 =	vld.idx.msk [tilespmem:v5+s11+$0x0], $0xffff;
	v6 =	vadd.s32 v4, v7;
	v7 =	vpsel !p6, $0x0, v7  }
.LBB2_10:
0x53: {  	v8 =	vor.u32 s2, v0;
	p0 =	sne.s32 s2, $0xFC0;
	s2 =	sadd.s32 $0x80, s2;
	v4 =	vadd.s32 v4, v7  }
.Ltmp4:
0x54: {  	(pc) =	sbr.rel @p0 .LBB2_10-.Ltmp4, $4  }
0x55: {  	_ = 	snop  }
0x56: {  	s1 =	sadd.s32 $0x1, s1  }
0x57: {  	p1 =	slt.u32 s1, s7  }
0x58: {  	v6 =	vadd.s32 v6, v5;
	v7 =	vpsel !p1, $0x0, v5;
	v5 =	vld.idx.msk [tilespmem:v8+s11+$0x0], $0xffff  }
0x59: {  	_ = 	snop  }
0x5a: {  	s2 =	simm.s32 $0x50  }
0x5b: {  	s1 =	sadd.s32 $0x1, s1;
	v8 =	vor.u32 s2, v0  }
0x5c: {  	p0 =	slt.u32 s1, s7  }
0x5d: {  	v4 =	vadd.s32 v4, v7;
	v6 =	vadd.s32 v6, v5;
	v5 =	vpsel !p0, $0x0, v5  }
0x5e: {  	v4 =	vadd.s32 v4, v5;
	[tilespmem:$0x1840] =	vst v6  }
0x5f: {  	s31 =	simm.s32 $0xD0;
	[tilespmem:$0x18C0] =	vst v4  }
0x60: {  	v5 =	vor.u32 s31, v0;
	v7 =	vld.idx.msk [tilespmem:v8+s11+$0x0], $0xffff;
	_ =	sdelay $0x3  }
0x61: {  	p6 =	sgt.u32 s7, $0x0;
	v4 =	vimm.s32 $0x0  }
0x62: {  	s1 =	simm.s32 $0x0;
	s2 =	simm.s32 $0x150;
	v5 =	vld.idx.msk [tilespmem:v5+s11+$0x0], $0xffff;
	v6 =	vadd.s32 v4, v7;
	v7 =	vpsel !p6, $0x0, v7  }
.LBB2_12:
0x63: {  	v8 =	vor.u32 s2, v0;
	p0 =	sne.s32 s2, $0xFD0;
	s2 =	sadd.s32 $0x80, s2;
	v4 =	vadd.s32 v4, v7  }
.Ltmp5:
0x64: {  	(pc) =	sbr.rel @p0 .LBB2_12-.Ltmp5, $4  }
0x65: {  	_ = 	snop  }
0x66: {  	s1 =	sadd.s32 $0x1, s1  }
0x67: {  	p1 =	slt.u32 s1, s7  }
0x68: {  	v6 =	vadd.s32 v6, v5;
	v7 =	vpsel !p1, $0x0, v5;
	v5 =	vld.idx.msk [tilespmem:v8+s11+$0x0], $0xffff  }
0x69: {  	_ = 	snop  }
0x6a: {  	s2 =	simm.s32 $0x60  }
0x6b: {  	s1 =	sadd.s32 $0x1, s1;
	v8 =	vor.u32 s2, v0  }
0x6c: {  	p0 =	slt.u32 s1, s7  }
0x6d: {  	v4 =	vadd.s32 v4, v7;
	v6 =	vadd.s32 v6, v5;
	v5 =	vpsel !p0, $0x0, v5  }
0x6e: {  	v4 =	vadd.s32 v4, v5;
	[tilespmem:$0x1850] =	vst v6  }
0x6f: {  	s31 =	simm.s32 $0xE0;
	[tilespmem:$0x18D0] =	vst v4  }
0x70: {  	v5 =	vor.u32 s31, v0;
	v7 =	vld.idx.msk [tilespmem:v8+s11+$0x0], $0xffff;
	_ =	sdelay $0x3  }
0x71: {  	p6 =	sgt.u32 s7, $0x0;
	v4 =	vimm.s32 $0x0  }
0x72: {  	s1 =	simm.s32 $0x0;
	s2 =	simm.s32 $0x160;
	v5 =	vld.idx.msk [tilespmem:v5+s11+$0x0], $0xffff;
	v6 =	vadd.s32 v4, v7;
	v7 =	vpsel !p6, $0x0, v7  }
.LBB2_14:
0x73: {  	v8 =	vor.u32 s2, v0;
	p0 =	sne.s32 s2, $0xFE0;
	s2 =	sadd.s32 $0x80, s2;
	v4 =	vadd.s32 v4, v7  }
.Ltmp6:
0x74: {  	(pc) =	sbr.rel @p0 .LBB2_14-.Ltmp6, $4  }
0x75: {  	_ = 	snop  }
0x76: {  	s1 =	sadd.s32 $0x1, s1  }
0x77: {  	p1 =	slt.u32 s1, s7  }
0x78: {  	v6 =	vadd.s32 v6, v5;
	v7 =	vpsel !p1, $0x0, v5;
	v5 =	vld.idx.msk [tilespmem:v8+s11+$0x0], $0xffff  }
0x79: {  	_ = 	snop  }
0x7a: {  	s2 =	simm.s32 $0x70  }
0x7b: {  	s1 =	sadd.s32 $0x1, s1;
	v8 =	vor.u32 s2, v0  }
0x7c: {  	p0 =	slt.u32 s1, s7  }
0x7d: {  	v4 =	vadd.s32 v4, v7;
	v6 =	vadd.s32 v6, v5;
	v5 =	vpsel !p0, $0x0, v5  }
0x7e: {  	v4 =	vadd.s32 v4, v5;
	[tilespmem:$0x1860] =	vst v6  }
0x7f: {  	s31 =	simm.s32 $0xF0;
	[tilespmem:$0x18E0] =	vst v4  }
0x80: {  	v5 =	vor.u32 s31, v0;
	v6 =	vld.idx.msk [tilespmem:v8+s11+$0x0], $0xffff;
	_ =	sdelay $0x3  }
0x81: {  	p6 =	sgt.u32 s7, $0x0;
	v4 =	vimm.s32 $0x0  }
0x82: {  	s1 =	simm.s32 $0x0;
	s2 =	simm.s32 $0x170;
	v5 =	vld.idx.msk [tilespmem:v5+s11+$0x0], $0xffff;
	v7 =	vadd.s32 v4, v6;
	v6 =	vpsel !p6, $0x0, v6  }
.LBB2_16:
0x83: {  	v8 =	vor.u32 s2, v0;
	p0 =	sne.s32 s2, $0xFF0;
	s2 =	sadd.s32 $0x80, s2;
	v4 =	vadd.s32 v4, v6  }
.Ltmp7:
0x84: {  	(pc) =	sbr.rel @p0 .LBB2_16-.Ltmp7, $4  }
0x85: {  	_ = 	snop  }
0x86: {  	s1 =	sadd.s32 $0x1, s1  }
0x87: {  	p1 =	slt.u32 s1, s7  }
0x88: {  	v7 =	vadd.s32 v7, v5;
	v6 =	vpsel !p1, $0x0, v5;
	v5 =	vld.idx.msk [tilespmem:v8+s11+$0x0], $0xffff  }
0x89: {  	v8 =	vld [tilespmem:$0x1800]  }
0x8a: {  	v9 =	vld [tilespmem:$0x1810]  }
0x8b: {  	v10 =	vld [tilespmem:$0x1820]  }
0x8c: {  	v11 =	vld [tilespmem:$0x1830]  }
0x8d: {  	v12 =	vld [tilespmem:$0x1840]  }
0x8e: {  	v13 =	vld [tilespmem:$0x1850];
	v8 =	vadd.s32 $0x7, v8  }
0x8f: {  	v14 =	vld [tilespmem:$0x1860];
	v9 =	vadd.s32 $0x7, v9;
	v8 =	vand.u32 $0xFFFFFFF8, v8  }
0x90: {  	v10 =	vadd.s32 $0x7, v10;
	v9 =	vand.u32 $0xFFFFFFF8, v9;
	(xrf0) =	vadd.scan.msk.s32 $0xffff, v8  }
0x91: {  	v11 =	vadd.s32 $0x7, v11;
	v10 =	vand.u32 $0xFFFFFFF8, v10;
	(xrf0) =	vadd.scan.msk.s32 $0xffff, v9  }
0x92: {  	v12 =	vadd.s32 $0x7, v12;
	v11 =	vand.u32 $0xFFFFFFF8, v11;
	(xrf0) =	vadd.scan.msk.s32 $0xffff, v10  }
0x93: {  	v13 =	vadd.s32 $0x7, v13;
	v12 =	vand.u32 $0xFFFFFFF8, v12;
	(xrf0) =	vadd.scan.msk.s32 $0xffff, v11  }
0x94: {  	v14 =	vadd.s32 $0x7, v14;
	v13 =	vand.u32 $0xFFFFFFF8, v13;
	(xrf0) =	vadd.scan.msk.s32 $0xffff, v12  }
0x95: {  	v14 =	vand.u32 $0xFFFFFFF8, v14;
	(xrf0) =	vadd.scan.msk.s32 $0xffff, v13  }
0x96: {  	v15, _, _ =	vpop (xrf0);
	(xrf0) =	vadd.scan.msk.s32 $0xffff, v14  }
0x97: {  	v16, _, _ =	vpop (xrf0);
	(v2sf) =	vpush v15, $0xF  }
0x98: {  	v17, _, _ =	vpop (xrf0);
	(v2sf) =	vpush v16, $0xF  }
0x99: {  	v18, _, _ =	vpop (xrf0);
	(v2sf) =	vpush v17, $0xF  }
0x9a: {  	v19, _, _ =	vpop (xrf0);
	(v2sf) =	vpush v18, $0xF  }
0x9b: {  	v20, _, _ =	vpop (xrf0);
	(v2sf) =	vpush v19, $0xF  }
0x9c: {  	(v2sf) =	vpush v20, $0xF;
	v21, _, _ =	vpop (xrf0)  }
0x9d: {  	v7 =	vadd.s32 v7, v5;
	(v2sf) =	vpush v21, $0xF  }
0x9e: {  	[tilespmem:$0x1870] =	vst v7  }
0x9f: {  	v7 =	vld [tilespmem:$0x1870]  }
0xa0: {  	v22 =	vld [tilespmem:$0x1880]  }
0xa1: {  	v23 =	vld [tilespmem:$0x1890]  }
0xa2: {  	s1 =	sadd.s32 $0x1, s1;
	v24 =	vld [tilespmem:$0x18A0]  }
0xa3: {  	v25 =	vld [tilespmem:$0x18B0];
	p0 =	slt.u32 s1, s7  }
0xa4: {  	v4 =	vadd.s32 v4, v6;
	v54 =	vld [tilespmem:$0x18C0];
	v5 =	vpsel !p0, $0x0, v5;
	v7 =	vadd.s32 $0x7, v7  }
0xa5: {  	v26 =	vld [tilespmem:$0x18D0];
	v4 =	vadd.s32 v4, v5;
	v7 =	vand.u32 $0xFFFFFFF8, v7;
	v5 =	vbroadcast v15, $0xF  }
0xa6: {  	v56 =	vld [tilespmem:$0x18E0];
	[tilespmem:$0x18F0] =	vst v4;
	v4 =	vsub.s32 v22, v8;
	v55 =	vsub.s32 v23, v9;
	(xrf0) =	vadd.scan.msk.s32 $0xffff, v7;
	s26 =	spop (v2sf)  }
0xa7: {  	v57 =	vsub.s32 v24, v10;
	v58 =	vld [tilespmem:$0x18F0];
	v4 =	vadd.s32 v15, v4;
	v5 =	vadd.s32 v5, v55;
	s2 =	spop (v2sf)  }
0xa8: {  	v59 =	vsub.s32 v25, v11;
	[tilespmem:$0x1900] =	vst v4;
	v4 =	vadd.s32 v16, v5;
	v5 =	vadd.s32 v17, v57;
	s3 =	spop (v2sf);
	s1 =	sadd.s32 s26, s2  }
0xa9: {  	v6 =	vsub.s32 v54, v12;
	[tilespmem:$0x1910] =	vst v4;
	v4 =	vadd.s32 v18, v59;
	s28 =	spop (v2sf);
	v5 =	vadd.s32 s1, v5;
	s1 =	sadd.s32 s1, s3  }
0xaa: {  	v60 =	vsub.s32 v26, v13;
	[tilespmem:$0x1920] =	vst v5;
	v5 =	vadd.s32 v19, v6;
	s29 =	spop (v2sf);
	v4 =	vadd.s32 s1, v4;
	s1 =	sadd.s32 s1, s28  }
0xab: {  	v61 =	vsub.s32 v56, v14;
	[tilespmem:$0x1930] =	vst v4;
	v4 =	vadd.s32 v20, v60;
	s30 =	spop (v2sf);
	v5 =	vadd.s32 s1, v5;
	s1 =	sadd.s32 s1, s29  }
0xac: {  	v62 =	vsub.s32 v58, v7;
	v63, _, _ =	vpop (xrf0);
	[tilespmem:$0x1940] =	vst v5;
	v5 =	vadd.s32 v21, v61;
	v4 =	vadd.s32 s1, v4;
	s1 =	sadd.s32 s1, s30;
	s31 =	spop (v2sf)  }
0xad: {  	[tilespmem:$0x1950] =	vst v4;
	v4 =	vadd.s32 s1, v5;
	s1 =	sadd.s32 s1, s31;
	v5 =	vadd.s32 v63, v62  }
0xae: {  	[tilespmem:$0x1960] =	vst v4;
	v4 =	vadd.s32 s1, v5  }
0xaf: {  	s8 =	rddreg [dreg:$0x6];
	s0 =	simm.s32 $0x0;
	[tilespmem:$0x1970] =	vst v4  }
.LBB2_18:
0xb0: {  	s1 =	sshll.u32 s0, $0xB;
	s21 =	rddreg [dreg:$0x4]  }
0xb1: {  	[dreg:$0x9] =	wrdreg s0;
	s1 =	sadd.s32 s21, s1  }
0xb2: {  	s22 =	rddreg [dreg:$0x0];
	s1 =	sshrl.u32 s1, $0x3  }
0xb3: {  	s23 =	simm.s32 $0x0;
	s24 =	simm.s32 $0x2;
	s1 =	sadd.s32 s22, s1  }
0xb4: {  	[tilespmem:s23], [sflag:$0x2] =	stream.linear.gather [hbm4b:s1+s23], $0x800, $0x38;
	[tilespmem:$0x3180] =	vst v63  }
0xb5: {  	_ =	swait.ge [sflag:s24], $0x800  }
0xb6: {  	[sflag:s24] =	ssyncset.done $0x0  }
0xb7: {  	s30 =	simm.s32 $0x0;
	[sflag:s24] =	ssyncadd.s32 $0xFFFFF800  }
0xb8: {  	v4 =	vld [tilespmem:s30+$0x0];
	_ =	sdelay $0x4  }
0xb9: {  	v4 =	vadd.s32 $0xFFFFFFFD, v4  }
0xba: {  	(v2sf) =	vpush v4, $0x0;
	_ =	sdelay $0x1  }
0xbb: {  	(v2sf) =	vpush v4, $0x1;
	_ =	sdelay $0x1  }
0xbc: {  	(v2sf) =	vpush v4, $0xC  }
0xbd: {  	(v2sf) =	vpush v4, $0x8;
	_ =	sdelay $0x1  }
0xbe: {  	(v2sf) =	vpush v4, $0x2  }
0xbf: {  	(v2sf) =	vpush v4, $0xD;
	_ =	sdelay $0x1  }
0xc0: {  	(v2sf) =	vpush v4, $0x9  }
0xc1: {  	(v2sf) =	vpush v4, $0x3;
	_ =	sdelay $0x1  }
0xc2: {  	(v2sf) =	vpush v4, $0xE  }
0xc3: {  	(v2sf) =	vpush v4, $0x4  }
0xc4: {  	(v2sf) =	vpush v4, $0x5;
	s25 =	spop (v2sf)  }
0xc5: {  	(v2sf) =	vpush v4, $0xA;
	s2 =	smulhi.u32 $0x92492493, s25;
	s3 =	sshra.s32 s25, $0x1F  }
0xc6: {  	s15 =	spop (v2sf);
	(v2sf) =	vpush v4, $0x6;
	s3 =	smul.u32 $0x92492493, s3  }
0xc7: {  	s18 =	sshra.s32 s15, $0x1F;
	(v2sf) =	vpush v4, $0xF;
	s24 =	smulhi.u32 $0x92492493, s15  }
0xc8: {  	s20 =	spop (v2sf);
	s18 =	smul.u32 $0x92492493, s18  }
0xc9: {  	s21 =	spop (v2sf);
	s23 =	smulhi.u32 $0x92492493, s20;
	s1 =	ssub.s32 s2, s25  }
0xca: {  	s26 =	sshra.s32 s20, $0x1F;
	s1 =	sadd.s32 s3, s1;
	s3 =	smulhi.u32 $0x92492493, s21  }
0xcb: {  	s28 =	spop (v2sf);
	s2 =	smul.u32 $0x92492493, s26;
	s26 =	sshra.s32 s21, $0x1F  }
0xcc: {  	s15 =	ssub.s32 s24, s15;
	s31 =	smulhi.u32 $0x92492493, s28;
	s10 =	spop (v2sf)  }
0xcd: {  	(v2sf) =	vpush v4, $0xB;
	s20 =	ssub.s32 s23, s20;
	s19 =	sshra.s32 s28, $0x1F;
	s26 =	smul.u32 $0x92492493, s26  }
0xce: {  	s17 =	sshra.s32 s10, $0x1F;
	s22 =	spop (v2sf);
	s19 =	smul.u32 $0x92492493, s19  }
0xcf: {  	s3 =	ssub.s32 s3, s21;
	s17 =	smul.u32 $0x92492493, s17;
	s0 =	spop (v2sf)  }
0xd0: {  	s28 =	ssub.s32 s31, s28;
	s25 =	sshra.s32 s22, $0x1F;
	s29 =	smulhi.u32 $0x92492493, s0  }
0xd1: {  	s9 =	sshra.s32 s0, $0x1F;
	s24 =	spop (v2sf);
	s21 =	smul.u32 $0x92492493, s25  }
0xd2: {  	s19 =	sadd.s32 s19, s28;
	s28 =	smulhi.u32 $0x92492493, s10;
	s31 =	spop (v2sf)  }
0xd3: {  	s15 =	sadd.s32 s18, s15;
	s9 =	smul.u32 $0x92492493, s9;
	s12 =	spop (v2sf)  }
0xd4: {  	(v2sf) =	vpush v4, $0x7;
	s2 =	sadd.s32 s2, s20;
	s18 =	smulhi.u32 $0x92492493, s24;
	s25 =	spop (v2sf)  }
0xd5: {  	s3 =	sadd.s32 s26, s3;
	s4 =	smulhi.u32 $0x92492493, s31;
	s20 =	spop (v2sf)  }
0xd6: {  	s0 =	ssub.s32 s29, s0;
	s23 =	smulhi.u32 $0x92492493, s25;
	s29 =	spop (v2sf)  }
0xd7: {  	s0 =	sadd.s32 s9, s0;
	s26 =	sshra.s32 s25, $0x1F;
	s9 =	smulhi.u32 $0x92492493, s29  }
0xd8: {  	s23 =	ssub.s32 s23, s25;
	s25 =	smul.u32 $0x92492493, s26  }
0xd9: {  	s26 =	sshra.s32 s29, $0x1F;
	s9 =	ssub.s32 s9, s29;
	s29 =	smulhi.u32 $0x92492493, s22  }
0xda: {  	s23 =	sadd.s32 s25, s23;
	s25 =	smul.u32 $0x92492493, s26  }
0xdb: {  	s10 =	ssub.s32 s28, s10;
	s26 =	smulhi.u32 $0x92492493, s20  }
0xdc: {  	s10 =	sadd.s32 s17, s10;
	s22 =	ssub.s32 s29, s22;
	s29 =	spop (v2sf)  }
0xdd: {  	v5 =	vmov s1;
	s1 =	ssub.s32 s18, s24;
	s17 =	ssub.s32 s26, s20;
	s28 =	smulhi.u32 $0x92492493, s29  }
0xde: {  	s20 =	sshra.s32 s20, $0x1F;
	s21 =	sadd.s32 s21, s22;
	s22 =	smulhi.u32 $0x92492493, s12  }
0xdf: {  	s9 =	sadd.s32 s25, s9;
	s20 =	smul.u32 $0x92492493, s20;
	s26 =	sshra.s32 s29, $0x1F  }
0xe0: {  	s25 =	ssub.s32 s28, s29;
	s29 =	sshra.s32 s24, $0x1F;
	s24 =	smul.u32 $0x92492493, s26  }
0xe1: {  	v5 =	vnsel vm3, $0x0, v5;
	s4 =	ssub.s32 s4, s31;
	s28 =	sshra.s32 s31, $0x1F;
	s18 =	smul.u32 $0x92492493, s29  }
0xe2: {  	v5 =	vsel vm0, s15, v5;
	s29 =	ssub.s32 s22, s12;
	s12 =	sshra.s32 s12, $0x1F;
	s31 =	smul.u32 $0x92492493, s28  }
0xe3: {  	v6 =	vmov s2;
	v7 =	vmov s3;
	v5 =	vsel vm1, s19, v5;
	s19 =	smul.u32 $0x92492493, s12;
	s1 =	sadd.s32 s18, s1;
	s18 =	spop (v2sf)  }
0xe4: {  	v5 =	vsel vm2, s0, v5;
	v6 =	vsel vm0, s10, v6;
	v7 =	vsel vm0, s21, v7;
	s4 =	sadd.s32 s31, s4;
	s26 =	sshra.s32 s18, $0x1F;
	s28 =	smulhi.u32 $0x92492493, s18  }
0xe5: {  	v7 =	vsel vm1, s23, v7;
	s3 =	sadd.s32 s19, s29;
	s29 =	sadd.s32 s24, s25;
	v6 =	vsel vm1, s1, v6;
	v5 =	vsel vm4, s4, v5;
	s0 =	smul.u32 $0x92492493, s26  }
0xe6: {  	s31 =	sadd.s32 s20, s17;
	v6 =	vsel vm2, s9, v6;
	v7 =	vsel vm2, s29, v7;
	v5 =	vsel vm5, s3, v5;
	s2 =	ssub.s32 s28, s18  }
0xe7: {  	v6 =	vcombine.low v7, v6;
	v5 =	vsel vm6, s31, v5;
	s0 =	sadd.s32 s0, s2  }
0xe8: {  	[dreg:$0x8] =	wrdreg s8;
	s23 =	smov.u32 s8;
	v7 =	vsel vm7, s0, v5  }
0xe9: {  	s20 =	simm.s32 $0x40;
	s1 =	simm.s32 $0x0;
	s3 =	smov.u32 s8;
	v5 =	vperm.xlane v6, v1;
	v6 =	vperm.xlane v7, v2  }
.LBB2_19:
0xea: {  	p0 =	sne.s32 s20, $0x1FC0  }
0xeb: {  	s3 =	sadd.s32 $0x10, s3;
	s0 =	smov.u32 s20;
	s20 =	sadd.s32 $0x40, s20  }
0xec: {  	v5 =	vsel vm8, v6, v5  }
0xed: {  	v4 =	vadd.s32 v4, v5  }
0xee: {  	v5 =	vshrl.u32 v4, $0x1F;
	v4 =	vshra.s32 v4, $0x2  }
0xef: {  	v4 =	vadd.s32 v5, v4  }
0xf0: {  	v5 =	vshrl.u32 v4, $0xA  }
0xf1: {  	(xrf1) =	vunique.msk.u32 $0xffff, v5;
	_ =	sdelay $0x8  }
0xf2: {  	v6 =	vld.idx.msk [tilespmem:v5+s13+$0x0], $0xffff;
	_ =	sdelay $0x4  }
0xf3: {  	_, v7, _ =	vpop (xrf1)  }
0xf4: {  	s2 =	sand.u32 $0x1FC0, s1;
	s1 =	smov.u32 s0;
	v6 =	vadd.s32 v7, v6  }
0xf5: {  	s0 =	sshrl.u32 s2, $0x2;
	v6 =	vadd.s32 $0xFFFFFFFF, v6;
	[tilespmem:v5+s13+$0x0] =	vst.idx.add.s32.msk $0xffff, v3  }
0xf6: {  	s2 =	sshra.s32 s1, $0x2;
	v5 =	vor.u32 s23, v0;
	s23 =	smov.u32 s3;
	[tilespmem:s0+$0x1980] =	vst v6  }
0xf7: {  	v6 =	vld [tilespmem:s2+$0x0];
	[tilespmem:s30+$0x2180] =	vst v5  }
0xf8: {  	[tilespmem:s30+$0x2980] =	vst v4;
	s30 =	smov.u32 s2;
	_ =	sdelay $0x3  }
0xf9: {  	v4 =	vadd.s32 $0xFFFFFFFD, v6  }
0xfa: {  	(v2sf) =	vpush v4, $0x0  }
0xfb: {  	(v2sf) =	vpush v4, $0x1  }
0xfc: {  	(v2sf) =	vpush v4, $0xC  }
0xfd: {  	(v2sf) =	vpush v4, $0x8;
	_ =	sdelay $0x1  }
0xfe: {  	(v2sf) =	vpush v4, $0x2;
	_ =	sdelay $0x1  }
0xff: {  	(v2sf) =	vpush v4, $0xD;
	_ =	sdelay $0x1  }
0x100: {  	(v2sf) =	vpush v4, $0x9  }
0x101: {  	(v2sf) =	vpush v4, $0x3;
	_ =	sdelay $0x1  }
0x102: {  	(v2sf) =	vpush v4, $0xE;
	_ =	sdelay $0x1  }
0x103: {  	(v2sf) =	vpush v4, $0x4  }
0x104: {  	s0 =	spop (v2sf)  }
0x105: {  	s2 =	smulhi.u32 $0x92492493, s0;
	s4 =	sshra.s32 s0, $0x1F;
	s9 =	spop (v2sf);
	(v2sf) =	vpush v4, $0x5  }
0x106: {  	s10 =	sshra.s32 s9, $0x1F;
	s4 =	smul.u32 $0x92492493, s4;
	s12 =	spop (v2sf)  }
0x107: {  	s10 =	smul.u32 $0x92492493, s10;
	s0 =	ssub.s32 s2, s0;
	s2 =	spop (v2sf);
	(v2sf) =	vpush v4, $0xA  }
0x108: {  	s15 =	smulhi.u32 $0x92492493, s12;
	s17 =	sshra.s32 s12, $0x1F;
	s0 =	sadd.s32 s4, s0  }
0x109: {  	s18 =	smulhi.u32 $0x92492493, s9;
	s4 =	sshra.s32 s2, $0x1F;
	v5 =	vmov s0;
	s0 =	spop (v2sf);
	(v2sf) =	vpush v4, $0x6  }
0x10a: {  	s12 =	ssub.s32 s15, s12;
	v5 =	vnsel vm3, $0x0, v5;
	s19 =	smulhi.u32 $0x92492493, s0;
	s22 =	sshra.s32 s0, $0x1F  }
0x10b: {  	s21 =	smulhi.u32 $0x92492493, s2;
	s9 =	ssub.s32 s18, s9;
	s15 =	spop (v2sf);
	(v2sf) =	vpush v4, $0xF  }
0x10c: {  	s9 =	sadd.s32 s10, s9;
	s24 =	sshra.s32 s15, $0x1F;
	s0 =	ssub.s32 s19, s0  }
0x10d: {  	s10 =	smul.u32 $0x92492493, s17;
	s2 =	ssub.s32 s21, s2;
	v5 =	vsel vm0, s9, v5;
	s18 =	spop (v2sf);
	(v2sf) =	vpush v4, $0xB  }
0x10e: {  	s21 =	smul.u32 $0x92492493, s24;
	s9 =	sshra.s32 s18, $0x1F;
	s17 =	spop (v2sf)  }
0x10f: {  	s10 =	sadd.s32 s10, s12;
	s12 =	smulhi.u32 $0x92492493, s17;
	s19 =	sshra.s32 s17, $0x1F;
	(v2sf) =	vpush v4, $0x7  }
0x110: {  	s19 =	smul.u32 $0x92492493, s19;
	s24 =	spop (v2sf)  }
0x111: {  	v6 =	vmov s10;
	s10 =	smulhi.u32 $0x92492493, s24;
	s28 =	sshra.s32 s24, $0x1F;
	s12 =	ssub.s32 s12, s17  }
0x112: {  	s4 =	smul.u32 $0x92492493, s4;
	s12 =	sadd.s32 s19, s12;
	s17 =	spop (v2sf)  }
0x113: {  	s24 =	ssub.s32 s10, s24;
	s10 =	smulhi.u32 $0x92492493, s17;
	s19 =	sshra.s32 s17, $0x1F  }
0x114: {  	s2 =	sadd.s32 s4, s2;
	s31 =	smul.u32 $0x92492493, s9;
	s4 =	spop (v2sf)  }
0x115: {  	v7 =	vmov s2;
	s9 =	smul.u32 $0x92492493, s22;
	s2 =	ssub.s32 s10, s17;
	s10 =	sshra.s32 s4, $0x1F  }
0x116: {  	s17 =	smulhi.u32 $0x92492493, s4;
	s22 =	spop (v2sf)  }
0x117: {  	s0 =	sadd.s32 s9, s0;
	s25 =	smulhi.u32 $0x92492493, s22;
	s26 =	sshra.s32 s22, $0x1F  }
0x118: {  	v5 =	vsel vm1, s0, v5;
	s0 =	ssub.s32 s17, s4;
	s9 =	smul.u32 $0x92492493, s26;
	s4 =	spop (v2sf)  }
0x119: {  	s17 =	ssub.s32 s25, s22;
	s22 =	smulhi.u32 $0x92492493, s4;
	s25 =	sshra.s32 s4, $0x1F  }
0x11a: {  	v5 =	vsel vm2, s12, v5;
	s12 =	smul.u32 $0x92492493, s25;
	s25 =	spop (v2sf)  }
0x11b: {  	s26 =	smulhi.u32 $0x92492493, s25;
	s29 =	sshra.s32 s25, $0x1F;
	s4 =	ssub.s32 s22, s4  }
0x11c: {  	s22 =	smul.u32 $0x92492493, s29;
	s4 =	sadd.s32 s12, s4;
	s12 =	spop (v2sf)  }
0x11d: {  	s25 =	ssub.s32 s26, s25;
	s26 =	smulhi.u32 $0x92492493, s12;
	s29 =	sshra.s32 s12, $0x1F  }
0x11e: {  	s9 =	sadd.s32 s9, s17;
	s17 =	smul.u32 $0x92492493, s29;
	s29 =	spop (v2sf)  }
0x11f: {  	s8 =	smulhi.u32 $0x92492493, s15;
	s12 =	ssub.s32 s26, s12;
	s26 =	sshra.s32 s29, $0x1F  }
0x120: {  	s10 =	smul.u32 $0x92492493, s10  }
0x121: {  	s8 =	ssub.s32 s8, s15;
	s15 =	smulhi.u32 $0x92492493, s18  }
0x122: {  	s8 =	sadd.s32 s21, s8;
	s19 =	smul.u32 $0x92492493, s19;
	s21 =	sadd.s32 s22, s25  }
0x123: {  	s15 =	ssub.s32 s15, s18;
	s0 =	sadd.s32 s10, s0;
	s22 =	smul.u32 $0x92492493, s28  }
0x124: {  	v6 =	vsel vm0, s8, v6;
	s8 =	sadd.s32 s31, s15;
	s10 =	sadd.s32 s17, s12;
	s12 =	smulhi.u32 $0x92492493, s29  }
0x125: {  	v7 =	vsel vm0, s8, v7;
	s2 =	sadd.s32 s19, s2;
	s15 =	sadd.s32 s22, s24;
	s8 =	smul.u32 $0x92492493, s26  }
.Ltmp8:
0x126: {  	v5 =	vsel vm4, s2, v5;
	v7 =	vsel vm1, s9, v7;
	v6 =	vsel vm1, s15, v6;
	s2 =	ssub.s32 s12, s29;
	(pc) =	sbr.rel @p0 .LBB2_19-.Ltmp8, $4  }
0x127: {  	v5 =	vsel vm5, s0, v5;
	v7 =	vsel vm2, s10, v7;
	v6 =	vsel vm2, s21, v6  }
0x128: {  	v5 =	vsel vm6, s4, v5;
	v6 =	vcombine.low v7, v6;
	s0 =	sadd.s32 s8, s2  }
0x129: {  	v7 =	vsel vm7, s0, v5  }
0x12a: {  	v5 =	vperm.xlane v6, v1;
	v6 =	vperm.xlane v7, v2  }
0x12b: {  	_ = 	snop  }
0x12c: {  	v5 =	vsel vm8, v6, v5  }
0x12d: {  	v4 =	vadd.s32 v4, v5  }
0x12e: {  	v5 =	vshrl.u32 v4, $0x1F;
	v4 =	vshra.s32 v4, $0x2  }
0x12f: {  	v4 =	vadd.s32 v5, v4  }
0x130: {  	v5 =	vshrl.u32 v4, $0xA  }
0x131: {  	(xrf1) =	vunique.msk.u32 $0xffff, v5;
	_ =	sdelay $0x9  }
0x132: {  	v63 =	vld.idx.msk [tilespmem:v5+s13+$0x0], $0xffff;
	_ =	sdelay $0x3  }
0x133: {  	_, v7, _ =	vpop (xrf1)  }
0x134: {  	s0 =	sand.u32 $0x1FC0, s1;
	v6 =	vadd.s32 v7, v63  }
0x135: {  	s0 =	sshrl.u32 s0, $0x2;
	[tilespmem:v5+s13+$0x0] =	vst.idx.add.s32.msk $0xffff, v3;
	v6 =	vadd.s32 $0xFFFFFFFF, v6  }
0x136: {  	v5 =	vor.u32 s23, v0;
	[tilespmem:s0+$0x1980] =	vst v6  }
0x137: {  	[tilespmem:s30+$0x2180] =	vst v5  }
0x138: {  	s26 =	simm.s32 $0x1980;
	s28 =	simm.s32 $0x2180;
	[tilespmem:s30+$0x2980] =	vst v4  }
0x139: {  	[hbm4b:s5+s14] =	stream.indirect.scatter [tilespmem:s28], [sflag:$0x1], $0x1, s26, s14, $0xb8;
	[tilespmem:$0x3180] =	vst v63  }
0x13a: {  	s29 =	simm.s32 $0x2980  }
0x13b: {  	[hbm4b:s6+s14] =	stream.indirect.scatter [tilespmem:s29], [sflag:$0x1], $0x1, s26, s14, $0xb8;
	[tilespmem:$0x3180] =	vst v63  }
0x13c: {  	s31 =	simm.s32 $0x2200;
	s30 =	simm.s32 $0x1A00  }
0x13d: {  	[hbm4b:s5+s14] =	stream.indirect.scatter [tilespmem:s31], [sflag:$0x1], $0x1, s30, s14, $0xb8;
	[tilespmem:$0x3180] =	vst v63  }
0x13e: {  	s2 =	simm.s32 $0x2A00  }
0x13f: {  	[hbm4b:s6+s14] =	stream.indirect.scatter [tilespmem:s2], [sflag:$0x1], $0x1, s30, s14, $0xb8;
	[tilespmem:$0x3180] =	vst v63  }
0x140: {  	s3 =	simm.s32 $0x1A80;
	s4 =	simm.s32 $0x2280  }
0x141: {  	[hbm4b:s5+s14] =	stream.indirect.scatter [tilespmem:s4], [sflag:$0x1], $0x1, s3, s14, $0xb8;
	[tilespmem:$0x3180] =	vst v63  }
0x142: {  	s8 =	simm.s32 $0x2A80  }
0x143: {  	[hbm4b:s6+s14] =	stream.indirect.scatter [tilespmem:s8], [sflag:$0x1], $0x1, s3, s14, $0xb8;
	[tilespmem:$0x3180] =	vst v63  }
0x144: {  	s9 =	simm.s32 $0x1B00;
	s10 =	simm.s32 $0x2300  }
0x145: {  	[hbm4b:s5+s14] =	stream.indirect.scatter [tilespmem:s10], [sflag:$0x1], $0x1, s9, s14, $0xb8;
	[tilespmem:$0x3180] =	vst v63  }
0x146: {  	s12 =	simm.s32 $0x2B00  }
0x147: {  	[hbm4b:s6+s14] =	stream.indirect.scatter [tilespmem:s12], [sflag:$0x1], $0x1, s9, s14, $0xb8;
	[tilespmem:$0x3180] =	vst v63  }
0x148: {  	s15 =	simm.s32 $0x1B80;
	s17 =	simm.s32 $0x2380  }
0x149: {  	[hbm4b:s5+s14] =	stream.indirect.scatter [tilespmem:s17], [sflag:$0x1], $0x1, s15, s14, $0xb8;
	[tilespmem:$0x3180] =	vst v63  }
0x14a: {  	s18 =	simm.s32 $0x2B80  }
0x14b: {  	[hbm4b:s6+s14] =	stream.indirect.scatter [tilespmem:s18], [sflag:$0x1], $0x1, s15, s14, $0xb8;
	[tilespmem:$0x3180] =	vst v63  }
0x14c: {  	s19 =	simm.s32 $0x1C00;
	s20 =	simm.s32 $0x2400  }
0x14d: {  	[hbm4b:s5+s14] =	stream.indirect.scatter [tilespmem:s20], [sflag:$0x1], $0x1, s19, s14, $0xb8;
	[tilespmem:$0x3180] =	vst v63  }
0x14e: {  	s21 =	simm.s32 $0x2C00  }
0x14f: {  	[hbm4b:s6+s14] =	stream.indirect.scatter [tilespmem:s21], [sflag:$0x1], $0x1, s19, s14, $0xb8;
	[tilespmem:$0x3180] =	vst v63  }
0x150: {  	s22 =	simm.s32 $0x1C80;
	s23 =	simm.s32 $0x2480  }
0x151: {  	[hbm4b:s5+s14] =	stream.indirect.scatter [tilespmem:s23], [sflag:$0x1], $0x1, s22, s14, $0xb8;
	[tilespmem:$0x3180] =	vst v63  }
0x152: {  	s24 =	simm.s32 $0x2C80  }
0x153: {  	[hbm4b:s6+s14] =	stream.indirect.scatter [tilespmem:s24], [sflag:$0x1], $0x1, s22, s14, $0xb8;
	[tilespmem:$0x3180] =	vst v63  }
0x154: {  	s25 =	simm.s32 $0x1D00;
	s26 =	simm.s32 $0x2500  }
0x155: {  	[hbm4b:s5+s14] =	stream.indirect.scatter [tilespmem:s26], [sflag:$0x1], $0x1, s25, s14, $0xb8;
	[tilespmem:$0x3180] =	vst v63  }
0x156: {  	s28 =	simm.s32 $0x2D00  }
0x157: {  	[hbm4b:s6+s14] =	stream.indirect.scatter [tilespmem:s28], [sflag:$0x1], $0x1, s25, s14, $0xb8;
	[tilespmem:$0x3180] =	vst v63  }
0x158: {  	s29 =	simm.s32 $0x1D80;
	s30 =	simm.s32 $0x2580  }
0x159: {  	[hbm4b:s5+s14] =	stream.indirect.scatter [tilespmem:s30], [sflag:$0x1], $0x1, s29, s14, $0xb8;
	[tilespmem:$0x3180] =	vst v63  }
0x15a: {  	s31 =	simm.s32 $0x2D80  }
0x15b: {  	[hbm4b:s6+s14] =	stream.indirect.scatter [tilespmem:s31], [sflag:$0x1], $0x1, s29, s14, $0xb8;
	[tilespmem:$0x3180] =	vst v63  }
0x15c: {  	s2 =	simm.s32 $0x1E00;
	s3 =	simm.s32 $0x2600  }
0x15d: {  	[hbm4b:s5+s14] =	stream.indirect.scatter [tilespmem:s3], [sflag:$0x1], $0x1, s2, s14, $0xb8;
	[tilespmem:$0x3180] =	vst v63  }
0x15e: {  	s4 =	simm.s32 $0x2E00  }
0x15f: {  	[hbm4b:s6+s14] =	stream.indirect.scatter [tilespmem:s4], [sflag:$0x1], $0x1, s2, s14, $0xb8;
	[tilespmem:$0x3180] =	vst v63  }
0x160: {  	s8 =	simm.s32 $0x1E80;
	s9 =	simm.s32 $0x2680  }
0x161: {  	[hbm4b:s5+s14] =	stream.indirect.scatter [tilespmem:s9], [sflag:$0x1], $0x1, s8, s14, $0xb8;
	[tilespmem:$0x3180] =	vst v63  }
0x162: {  	s10 =	simm.s32 $0x2E80  }
0x163: {  	[hbm4b:s6+s14] =	stream.indirect.scatter [tilespmem:s10], [sflag:$0x1], $0x1, s8, s14, $0xb8;
	[tilespmem:$0x3180] =	vst v63  }
0x164: {  	s12 =	simm.s32 $0x1F00;
	s15 =	simm.s32 $0x2700  }
0x165: {  	[hbm4b:s5+s14] =	stream.indirect.scatter [tilespmem:s15], [sflag:$0x1], $0x1, s12, s14, $0xb8;
	[tilespmem:$0x3180] =	vst v63  }
0x166: {  	s17 =	simm.s32 $0x2F00  }
0x167: {  	[hbm4b:s6+s14] =	stream.indirect.scatter [tilespmem:s17], [sflag:$0x1], $0x1, s12, s14, $0xb8;
	[tilespmem:$0x3180] =	vst v63  }
0x168: {  	s18 =	simm.s32 $0x1F80;
	s19 =	simm.s32 $0x2780  }
0x169: {  	[hbm4b:s5+s14] =	stream.indirect.scatter [tilespmem:s19], [sflag:$0x1], $0x1, s18, s14, $0xb8;
	[tilespmem:$0x3180] =	vst v63  }
0x16a: {  	s20 =	simm.s32 $0x2F80  }
0x16b: {  	[hbm4b:s6+s14] =	stream.indirect.scatter [tilespmem:s20], [sflag:$0x1], $0x1, s18, s14, $0xb8;
	[tilespmem:$0x3180] =	vst v63  }
0x16c: {  	s21 =	simm.s32 $0x2000;
	s22 =	simm.s32 $0x2800  }
0x16d: {  	[hbm4b:s5+s14] =	stream.indirect.scatter [tilespmem:s22], [sflag:$0x1], $0x1, s21, s14, $0xb8;
	[tilespmem:$0x3180] =	vst v63  }
0x16e: {  	s23 =	simm.s32 $0x3000  }
0x16f: {  	[hbm4b:s6+s14] =	stream.indirect.scatter [tilespmem:s23], [sflag:$0x1], $0x1, s21, s14, $0xb8;
	[tilespmem:$0x3180] =	vst v63  }
0x170: {  	s24 =	simm.s32 $0x2080;
	s25 =	simm.s32 $0x2880  }
0x171: {  	[hbm4b:s5+s14] =	stream.indirect.scatter [tilespmem:s25], [sflag:$0x1], $0x1, s24, s14, $0xb8;
	[tilespmem:$0x3180] =	vst v63  }
0x172: {  	s26 =	simm.s32 $0x3080  }
0x173: {  	[hbm4b:s6+s14] =	stream.indirect.scatter [tilespmem:s26], [sflag:$0x1], $0x1, s24, s14, $0xb8;
	[tilespmem:$0x3180] =	vst v63  }
0x174: {  	s28 =	simm.s32 $0x2100;
	s29 =	simm.s32 $0x2900  }
0x175: {  	[hbm4b:s5+s14] =	stream.indirect.scatter [tilespmem:s29], [sflag:$0x1], $0x1, s28, s14, $0xb8;
	[tilespmem:$0x3180] =	vst v63  }
0x176: {  	s30 =	simm.s32 $0x3100  }
0x177: {  	[hbm4b:s6+s14] =	stream.indirect.scatter [tilespmem:s30], [sflag:$0x1], $0x1, s28, s14, $0xb8;
	[tilespmem:$0x3180] =	vst v63  }
0x178: {  	_ =	swait.ge [sflag:s16], $0x80  }
0x179: {  	[sflag:s16] =	ssyncset.done $0x0  }
0x17a: {  	[sflag:s16] =	ssyncadd.s32 $0xFFFFFF80  }
0x17b: {  	_ =	swait.ge [sflag:s16], $0x80  }
0x17c: {  	[sflag:s16] =	ssyncset.done $0x0  }
0x17d: {  	[sflag:s16] =	ssyncadd.s32 $0xFFFFFF80  }
0x17e: {  	_ =	swait.ge [sflag:s16], $0x80  }
0x17f: {  	[sflag:s16] =	ssyncset.done $0x0  }
0x180: {  	[sflag:s16] =	ssyncadd.s32 $0xFFFFFF80  }
0x181: {  	_ =	swait.ge [sflag:s16], $0x80  }
0x182: {  	[sflag:s16] =	ssyncset.done $0x0  }
0x183: {  	[sflag:s16] =	ssyncadd.s32 $0xFFFFFF80  }
0x184: {  	_ =	swait.ge [sflag:s16], $0x80  }
0x185: {  	[sflag:s16] =	ssyncset.done $0x0  }
0x186: {  	[sflag:s16] =	ssyncadd.s32 $0xFFFFFF80  }
0x187: {  	_ =	swait.ge [sflag:s16], $0x80  }
0x188: {  	[sflag:s16] =	ssyncset.done $0x0  }
0x189: {  	[sflag:s16] =	ssyncadd.s32 $0xFFFFFF80  }
0x18a: {  	_ =	swait.ge [sflag:s16], $0x80  }
0x18b: {  	[sflag:s16] =	ssyncset.done $0x0  }
0x18c: {  	[sflag:s16] =	ssyncadd.s32 $0xFFFFFF80  }
0x18d: {  	_ =	swait.ge [sflag:s16], $0x80  }
0x18e: {  	[sflag:s16] =	ssyncset.done $0x0  }
0x18f: {  	[sflag:s16] =	ssyncadd.s32 $0xFFFFFF80  }
0x190: {  	_ =	swait.ge [sflag:s16], $0x80  }
0x191: {  	[sflag:s16] =	ssyncset.done $0x0  }
0x192: {  	[sflag:s16] =	ssyncadd.s32 $0xFFFFFF80  }
0x193: {  	_ =	swait.ge [sflag:s16], $0x80  }
0x194: {  	[sflag:s16] =	ssyncset.done $0x0  }
0x195: {  	[sflag:s16] =	ssyncadd.s32 $0xFFFFFF80  }
0x196: {  	_ =	swait.ge [sflag:s16], $0x80  }
0x197: {  	[sflag:s16] =	ssyncset.done $0x0  }
0x198: {  	[sflag:s16] =	ssyncadd.s32 $0xFFFFFF80  }
0x199: {  	_ =	swait.ge [sflag:s16], $0x80  }
0x19a: {  	[sflag:s16] =	ssyncset.done $0x0  }
0x19b: {  	[sflag:s16] =	ssyncadd.s32 $0xFFFFFF80  }
0x19c: {  	_ =	swait.ge [sflag:s16], $0x80  }
0x19d: {  	[sflag:s16] =	ssyncset.done $0x0  }
0x19e: {  	[sflag:s16] =	ssyncadd.s32 $0xFFFFFF80  }
0x19f: {  	_ =	swait.ge [sflag:s16], $0x80  }
0x1a0: {  	[sflag:s16] =	ssyncset.done $0x0  }
0x1a1: {  	[sflag:s16] =	ssyncadd.s32 $0xFFFFFF80  }
0x1a2: {  	_ =	swait.ge [sflag:s16], $0x80  }
0x1a3: {  	[sflag:s16] =	ssyncset.done $0x0  }
0x1a4: {  	[sflag:s16] =	ssyncadd.s32 $0xFFFFFF80  }
0x1a5: {  	_ =	swait.ge [sflag:s16], $0x80  }
0x1a6: {  	[sflag:s16] =	ssyncset.done $0x0  }
0x1a7: {  	[sflag:s16] =	ssyncadd.s32 $0xFFFFFF80  }
0x1a8: {  	_ =	swait.ge [sflag:s16], $0x80  }
0x1a9: {  	[sflag:s16] =	ssyncset.done $0x0  }
0x1aa: {  	[sflag:s16] =	ssyncadd.s32 $0xFFFFFF80  }
0x1ab: {  	_ =	swait.ge [sflag:s16], $0x80  }
0x1ac: {  	[sflag:s16] =	ssyncset.done $0x0  }
0x1ad: {  	[sflag:s16] =	ssyncadd.s32 $0xFFFFFF80  }
0x1ae: {  	_ =	swait.ge [sflag:s16], $0x80  }
0x1af: {  	[sflag:s16] =	ssyncset.done $0x0  }
0x1b0: {  	[sflag:s16] =	ssyncadd.s32 $0xFFFFFF80  }
0x1b1: {  	_ =	swait.ge [sflag:s16], $0x80  }
0x1b2: {  	[sflag:s16] =	ssyncset.done $0x0  }
0x1b3: {  	[sflag:s16] =	ssyncadd.s32 $0xFFFFFF80  }
0x1b4: {  	_ =	swait.ge [sflag:s16], $0x80  }
0x1b5: {  	[sflag:s16] =	ssyncset.done $0x0  }
0x1b6: {  	[sflag:s16] =	ssyncadd.s32 $0xFFFFFF80  }
0x1b7: {  	_ =	swait.ge [sflag:s16], $0x80  }
0x1b8: {  	[sflag:s16] =	ssyncset.done $0x0  }
0x1b9: {  	[sflag:s16] =	ssyncadd.s32 $0xFFFFFF80  }
0x1ba: {  	_ =	swait.ge [sflag:s16], $0x80  }
0x1bb: {  	[sflag:s16] =	ssyncset.done $0x0  }
0x1bc: {  	[sflag:s16] =	ssyncadd.s32 $0xFFFFFF80  }
0x1bd: {  	_ =	swait.ge [sflag:s16], $0x80  }
0x1be: {  	[sflag:s16] =	ssyncset.done $0x0  }
0x1bf: {  	[sflag:s16] =	ssyncadd.s32 $0xFFFFFF80  }
0x1c0: {  	_ =	swait.ge [sflag:s16], $0x80  }
0x1c1: {  	[sflag:s16] =	ssyncset.done $0x0  }
0x1c2: {  	[sflag:s16] =	ssyncadd.s32 $0xFFFFFF80  }
0x1c3: {  	_ =	swait.ge [sflag:s16], $0x80  }
0x1c4: {  	[sflag:s16] =	ssyncset.done $0x0  }
0x1c5: {  	[sflag:s16] =	ssyncadd.s32 $0xFFFFFF80  }
0x1c6: {  	_ =	swait.ge [sflag:s16], $0x80  }
0x1c7: {  	[sflag:s16] =	ssyncset.done $0x0  }
0x1c8: {  	[sflag:s16] =	ssyncadd.s32 $0xFFFFFF80  }
0x1c9: {  	_ =	swait.ge [sflag:s16], $0x80  }
0x1ca: {  	[sflag:s16] =	ssyncset.done $0x0  }
0x1cb: {  	[sflag:s16] =	ssyncadd.s32 $0xFFFFFF80  }
0x1cc: {  	_ =	swait.ge [sflag:s16], $0x80  }
0x1cd: {  	[sflag:s16] =	ssyncset.done $0x0  }
0x1ce: {  	[sflag:s16] =	ssyncadd.s32 $0xFFFFFF80  }
0x1cf: {  	_ =	swait.ge [sflag:s16], $0x80  }
0x1d0: {  	[sflag:s16] =	ssyncset.done $0x0  }
0x1d1: {  	[sflag:s16] =	ssyncadd.s32 $0xFFFFFF80  }
0x1d2: {  	_ =	swait.ge [sflag:s16], $0x80  }
0x1d3: {  	[sflag:s16] =	ssyncset.done $0x0  }
0x1d4: {  	[sflag:s16] =	ssyncadd.s32 $0xFFFFFF80  }
0x1d5: {  	_ =	swait.ge [sflag:s16], $0x80  }
0x1d6: {  	s31 =	rddreg [dreg:$0x9]  }
0x1d7: {  	s0 =	sadd.s32 $0x1, s31  }
0x1d8: {  	p0 =	sne.s32 s0, $0x8  }
.Ltmp9:
0x1d9: {  	_ = 	snop;
	(pc) =	sbr.rel @p0 .LBB2_18-.Ltmp9, $3  }
0x1da: {  	_ =	sdelay $0x1  }
0x1db: {  	[sflag:s16] =	ssyncset.done $0x0;
	s8 =	rddreg [dreg:$0x8]  }
0x1dc: {  	[sflag:s16] =	ssyncadd.s32 $0xFFFFFF80;
	s8 =	sadd.s32 $0x800, s8  }
0x1dd: {  	s1 =	rddreg [dreg:$0x7]  }
0x1de: {  	s0 =	rddreg [dreg:$0x5];
	s1 =	sadd.s32 $0x1, s1  }
0x1df: {  	p0 =	sne.s32 s1, s0  }
.Ltmp10:
0x1e0: {  	_ = 	snop;
	(pc) =	sbr.rel @p0 .LBB2_1-.Ltmp10, $1  }
0x1e1: {  	_ =	sdelay $0x3  }
0x1e2: {  	_ =	sfence.sel $0x180000  }
0x1e3: {  	[bflag:$0x0] =	sbarrier.arrive $0xFFFF  }
0x1e4: {  	_ =	strace $0x9000004A  }
0x1e5: {  	s0 =	stileid.u32;
	[bflag:$0x2] =	sbarrier.arrive $0xFFFF  }
0x1e6: {  	p0 =	sne.s32 s0, $0x0;
	s0 =	rddreg [dreg:$0x2]  }
0x1e7: {  	s0 =	sadd.s32 @!p0 $0x100000, s0  }
0x1e8: {  	[sflag:s0] =	ssyncadd.tile.s32 @!p0 $0x1;
	_ =	shalt  }
.Lfunc_end2:
_tile_overlayer_lowered:
.L_overlay_start_2:
0x1e9: {  	(tag) =	ssettag $0x2  }
0x1ea: {  	s0 =	rddreg [dreg:$0x0];
	s2 =	stileid.u32  }
0x1eb: {  	s1 =	rddreg [dreg:$0x1];
	p0 =	sne.s32 s2, $0x0  }
0x1ec: {  	s3 =	rddreg [dreg:$0x2];
	[bflag:$0x3] =	sbarrier.arrive $0xFFFF;
	s2 =	simm.s32 @!p0 $0x1C02  }
0x1ed: {  	[timem:s3], [sflag:s2] =	dma.local @!p0 [hbm:s0], s1  }
0x1ee: {  	s0 =	simm.s32 @!p0 $0x2  }
0x1ef: {  	_ =	swait.ge @!p0 [sflag:s0], s1  }
0x1f0: {  	s1 =	ssub.s32 @!p0 $0x0, s1;
	[sflag:s0] =	ssyncset.done @!p0 $0x0  }
0x1f1: {  	[sflag:s0] =	ssyncadd.s32 @!p0 s1  }
0x1f2: {  	[bflag:$0x3] =	sbarrier.arrive $0xFFFF  }
0x1f3: {  	_ =	shalt  }

// kernel: sparse-core-data-format-call.cloned.1.call-start
scs
called_computation_lowered:
.L_overlay_start_0:
0x0: {  	s2 =	sld [smem:$0x3FD9]  }
0x1: {  	s3 =	sld [smem:$0x3FFE];
	_ =	sdelay $0x1  }
0x2: {  	s1 =	srdreg.scid  }
0x3: {  	s0 =	sand.u32 $0x1, s1  }
0x4: {  	s18 =	sshll.u32 s0, $0xA;
	s2 =	sadd.s32 s3, s2  }
0x5: {  	s2 =	sadd.s32 s2, s18  }
0x6: {  	[smem:$0x3FC5] =	sst s2  }
0x7: {  	_ = 	snop  }
0x8: {  	s2 =	sld [smem:$0x3FD0];
	(tm) =	ssettm $0x1  }
0x9: {  	s19 =	sld [smem:$0x3FFB];
	_ =	sdelay $0x3  }
0xa: {  	_ =	strace s19  }
0xb: {  	s3 =	sld [smem:$0x3FFC];
	_ =	sdelay $0x3  }
0xc: {  	_ =	strace s3  }
0xd: {  	s3 =	sld [smem:$0x3FFD];
	_ =	sdelay $0x3  }
0xe: {  	_ =	strace s3  }
0xf: {  	_ =	strace $0x8FFFFFFF  }
0x10: {  	s20 =	sld [smem:$0x3FDB];
	_ =	sdelay $0x1  }
0x11: {  	s4 =	simm.s32 $_scs_section_size  }
0x12: {  	s5 =	simm.s32 $_size__tile_overlayer_lowered;
	s6 =	simm.s32 $_tile_overlayer_lowered  }
0x13: {  	s23 =	simm.s32 $0x1BFF;
	s22 =	sshll.u32 s6, $0x1;
	s3 =	sadd.s32 s4, s20  }
0x14: {  	s7 =	simm.s32 $0x0;
	s21 =	sshll.u32 s5, $0x1;
	s5 =	sadd.s32 s22, s3  }
0x15: {  	[timem:s7], [sflag:s23] =	dma.local [hbm:s5], s21  }
0x16: {  	_ =	swait.ge [sflag:s23], s21  }
0x17: {  	s4 =	ssub.s32 $0x0, s21;
	[sflag:s23] =	ssyncset.done $0x0  }
0x18: {  	[sflag:s23] =	ssyncadd.s32 s4;
	_ =	sdelay $0x1  }
0x19: {  	s24 =	simm.s32 $0x1B8B  }
0x1a: {  	_ =	swait.ge [sflag:s24], $0x1  }
0x1b: {  	[sflag:s24] =	ssyncset.done $0x0  }
0x1c: {  	s26 =	simm.s32 $0x1B8E;
	s25 =	sld [smem:$0x3FFE];
	[sflag:s24] =	ssyncadd.s32 $0xFFFFFFFF  }
0x1d: {  	s27 =	simm.s32 $execute0_lowered;
	[smem:$0x3FD2] =	sst s26  }
0x1e: {  	s5 =	sshll.u32 s27, $0x1;
	_ =	strace $0x8000004F;
	[dreg:$0x1] =	wrdreg $0xFFFFFFFF  }
0x1f: {  	s28 =	simm.s32 $_size_execute0_lowered;
	s3 =	sadd.s32 s3, s5;
	[dreg:$0x0] =	wrdreg $0x0  }
0x20: {  	s5 =	sshll.u32 s28, $0x1;
	[dreg:$0x2] =	wrdreg s3  }
0x21: {  	[dreg:$0x3] =	wrdreg s5  }
0x22: {  	[dreg:$0x4] =	wrdreg $0xC0  }
0x23: {  	_ =	task [dreg:s7], $0x5FFFF  }
0x24: {  	[dreg:$0x1] =	wrdreg $0xFFFFFFFF  }
0x25: {  	[dreg:$0x0] =	wrdreg $0x60  }
0x26: {  	[dreg:$0x2] =	wrdreg s25  }
0x27: {  	[dreg:$0x3] =	wrdreg s2  }
0x28: {  	[dreg:$0x4] =	wrdreg $0x9  }
0x29: {  	_ =	task.clear_ibuf [dreg:s7], $0x5FFFF;
	_ =	strace $0x9000004F  }
0x2a: {  	s29 =	simm.s32 $0x9;
	_ =	strace $0x80000051  }
0x2b: {  	_ =	swait.ge [sflag:s29], $0x1  }
0x2c: {  	[sflag:s29] =	ssyncadd.s32 $0xFFFFFFFF  }
0x2d: {  	_ =	strace $0x90000051  }
0x2e: {  	_ =	sfence  }
0x2f: {  	s30 =	sld [smem:$0x0];
	_ =	sdelay $0x2  }
0x30: {  	s31 =	sshll.u32 s1, $0xD;
	s1 =	sshrl.u32 s1, $0x2  }
0x31: {  	s3 =	sand.u32 $0x4000, s31;
	s1 =	sadd.s32 s1, s30  }
0x32: {  	s0 =	sor.u32 s3, s0;
	s1 =	sshll.u32 s1, $0x11  }
0x33: {  	s0 =	sor.u32 s1, s0  }
0x34: {  	s0 =	sadd.s32 $0x8F2B, s0  }
0x35: {  	[sflag:s0] =	ssyncadd.remote.s32 $0x1  }
0x36: {  	_ =	sfence.sel $0xFFFF  }
0x37: {  	[dreg:$0x0] =	wrdreg $0xFFFFFFFF;
	(pc) =	sbr.abs _section_cstart, $3  }
0x38: {  	[dreg:$0x1] =	wrdreg $0xFFFFFFFF  }
0x39: {  	_ =	task.clear_ibuf [dreg:s7], $0x2FFFF;
	_ =	strace $0x9FFFFFFF  }
0x3a: {  	(tm) =	ssettm $0x7FFFFFFF  }
0x3b: {  	_ =	shalt  }
tec
execute0_lowered:
.L_overlay_start_1:
0x0: {  	(tag) =	ssettag $0x1  }
0x1: {  	s0 =	srdreg.scid  }
0x2: {  	s1 =	sshll.u32 s0, $0x4  }
0x3: {  	s4 =	rddreg [dreg:$0x0];
	s0 =	stileid.u32;
	s1 =	sand.u32 $0x10, s1  }
0x4: {  	s2 =	rddreg [dreg:$0x1];
	s7 =	simm.s32 $0x1;
	s1 =	sor.u32 s0, s1  }
0x5: {  	s8 =	simm.s32 $0x2;
	s11 =	simm.s32 $0x0;
	s3 =	sshll.u32 s1, $0x7  }
0x6: {  	s10 =	simm.s32 $0x0;
	s4 =	sadd.s32 $0x1400, s4;
	s6 =	ssub.s32 $0x20000, s3  }
.Ltmp0:
0x7: {  	s1 =	rddreg [dreg:$0x2];
	s5 =	sand.u32 $0xF80, s6;
	(pc) =	sbr.rel .LBB1_1-.Ltmp0, $4  }
0x8: {  	_ =	strace $0x80000050;
	s9 =	smov.u32 s3;
	p0 =	sne.s32 s5, $0x0  }
0x9: {  	s6 =	sshrl.u32 s6, $0xC;
	s5 =	simm.s32 $0x1;
	s7 =	simm.s32 @!p0 $0x0  }
0xa: {  	[sflag:s5] =	ssyncpa.u1 $0x0;
	p0 =	por $0x0, $0x0;
	s6 =	sadd.s32 s7, s6  }
0xb: {  	[sflag:s8] =	ssyncpa.u1 $0x0;
	s8 =	simm.s32 $0x100000;
	s7 =	sadd.s32 $0x1, s6  }
.LBB1_4:
0xc: {  	s14 =	sshll.u32 s11, $0x3  }
0xd: {  	s15 =	sand.u32 $0x78, s11;
	s14 =	sand.u32 $0x1FC00, s14  }
0xe: {  	[tilespmem:s13+$0x810 ss:$0x81] =	vst.msk $0xffff, v2;
	s29 =	sand.u32 $0xFC000, s11;
	s30 =	sand.u32 $0x7, s11;
	s14 =	sor.u32 s15, s14  }
0xf: {  	[tilespmem:s13+$0x1020 ss:$0x81] =	vst.msk $0xffff, v0;
	s11 =	sshll.u32 s30, $0x12;
	s15 =	sadd.s32 s2, s29;
	s14 =	sshrl.u32 s14, $0x3  }
0x10: {  	[tilespmem:s13+$0x0 ss:$0x81] =	vst.msk $0xffff, v1;
	s11 =	sor.u32 $0x400, s11;
	s31 =	sadd.s32 s14, s15  }
0x11: {  	[hbm4b:s31+s11] =	stream.strided.scatter [tilespmem:s12], [sflag:$0x2], $0x2000, s8, s11, $0x20;
	[tilespmem:$0x8080] =	vst v63  }
.LBB1_5:
0x12: {  	s13 =	sadd.s32 $0x1000, s9  }
0x13: {  	p2 =	sgt.s32 s13, $0x1FFFF  }
0x14: {  	s13 =	smov.u32 @p2 s3;
	p2 =	sne.s32 s10, s7  }
.Ltmp1:
0x15: {  	p1 =	slt.u32 s10, $0x2;
	(pc) =	sbr.rel @!p2 .LBB1_6-.Ltmp1, $4  }
0x16: {  	s12 =	simm.s32 @!p1 $0x2  }
0x17: {  	s14 =	sadd.s32 $0x1, s10;
	_ =	swait.ge @!p1 [sflag:s12], $0x2000  }
0x18: {  	s11 =	smov.u32 s9;
	p0 =	por !p0, !p0;
	[sflag:s12] =	ssyncset.done @!p1 $0x0  }
0x19: {  	s10 =	smov.u32 s14;
	s9 =	smov.u32 s13;
	[sflag:s12] =	ssyncadd.s32 @!p1 $0xFFFFE000  }
.LBB1_1:
0x1a: {  	p1 =	sge.u32 s10, s6  }
0x1b: {  	s31 =	sadd.s32 $0xFFFFFFFF, s10;
	s12 =	sxor.u32 @!p1 $0xFFFFFFFF, s10;
	s13 =	sshll.u32 @!p1 s9, $0x4  }
0x1c: {  	s14 =	simm.s32 @!p1 $0x40;
	s12 =	sshll.u32 @!p1 s12, $0xD;
	s13 =	sand.u32 @!p1 $0x1FFFF0, s13  }
0x1d: {  	s15 =	simm.s32 @!p1 $0x80;
	s12 =	sand.u32 @!p1 $0x2000, s12;
	s13 =	sadd.s32 @!p1 s4, s13  }
0x1e: {  	[tilespmem:s12], [sflag:$0x1] =	stream.strided.gather @!p1 [hbm4b:s13+s14], $0x2000, s15, s14, $0x38;
	[tilespmem:$0x8080] =	vst v63  }
0x1f: {  	p1 =	sge.u32 s31, s6  }
.Ltmp2:
0x20: {  	_ = 	snop;
	(pc) =	sbr.rel @p1 .LBB1_5-.Ltmp2, $1  }
0x21: {  	_ =	sdelay $0x3  }
0x22: {  	s12 =	simm.s32 $0x1  }
0x23: {  	_ =	swait.ge [sflag:s5], $0x2000;
	s12 =	simm.s32 @!p0 $0x0  }
0x24: {  	[sflag:s5] =	ssyncset.done $0x0;
	s13 =	sshll.u32 s12, $0xD  }
0x25: {  	[sflag:s5] =	ssyncadd.s32 $0xFFFFE000;
	s16 =	sor.u32 $0x20, s13  }
0x26: {  	s12 =	smul.u32 $0x8100, s12;
	v3 =	vld [tilespmem:s16+$0x10]  }
0x27: {  	s30 =	sand.u32 $0x1, s10;
	v2 =	vld [tilespmem:s16+$0xFFFFFFF0]  }
0x28: {  	s13 =	smul.u32 $0x8100, s30;
	s12 =	sshrl.u32 s12, $0x2;
	v0 =	vld [tilespmem:s16+$0x0]  }
0x29: {  	v1 =	vld [tilespmem:s16+$0xFFFFFFE0];
	s14 =	sor.u32 $0x4000, s12  }
0x2a: {  	s31 =	sshrl.u32 s13, $0x2;
	s13 =	sadd.s32 $0x0, s14  }
0x2b: {  	s15 =	simm.s32 $0x4;
	s16 =	sadd.s32 $0x40, s16;
	s12 =	sor.u32 $0x4000, s31;
	[tilespmem:s13+$0x1830 ss:$0x81] =	vst.msk $0xffff, v3  }
.LBB1_3:
0x2c: {  	v3 =	vld [tilespmem:s16+$0x10];
	p1 =	sne.s32 s15, $0x1FC;
	[tilespmem:s13+$0x810 ss:$0x81] =	vst.msk $0xffff, v2;
	s17 =	smov.u32 s15;
	s15 =	sadd.s32 $0x4, s15  }
.Ltmp3:
0x2d: {  	v2 =	vld [tilespmem:s16+$0xFFFFFFF0];
	[tilespmem:s13+$0x1020 ss:$0x81] =	vst.msk $0xffff, v0;
	(pc) =	sbr.rel @p1 .LBB1_3-.Ltmp3, $4  }
0x2e: {  	v0 =	vld [tilespmem:s16+$0x0];
	[tilespmem:s13+$0x0 ss:$0x81] =	vst.msk $0xffff, v1  }
0x2f: {  	s13 =	sshra.s32 s17, $0x2;
	v1 =	vld [tilespmem:s16+$0xFFFFFFE0]  }
0x30: {  	s13 =	sadd.s32 s13, s14  }
0x31: {  	s16 =	sadd.s32 $0x40, s16;
	[tilespmem:s13+$0x1830 ss:$0x81] =	vst.msk $0xffff, v3  }
.Ltmp4:
0x32: {  	_ = 	snop;
	(pc) =	sbr.rel .LBB1_4-.Ltmp4, $1  }
0x33: {  	_ =	sdelay $0x3  }
.LBB1_6:
0x34: {  	_ =	sfence.sel $0x180000  }
0x35: {  	s2 =	simm.s32 $0x1;
	[bflag:$0x0] =	sbarrier.arrive $0xFFFF  }
0x36: {  	s31 =	simm.s32 $0x2;
	[sflag:s2] =	ssyncpa.u1 $0x1  }
0x37: {  	[sflag:s31] =	ssyncpa.u1 $0x1  }
0x38: {  	p0 =	sne.s32 s0, $0x0;
	_ =	strace $0x90000050  }
0x39: {  	s0 =	sadd.s32 @!p0 $0x100000, s1;
	[bflag:$0x2] =	sbarrier.arrive $0xFFFF  }
0x3a: {  	[sflag:s0] =	ssyncadd.tile.s32 @!p0 $0x1;
	_ =	shalt  }
.Lfunc_end1:
_tile_overlayer_lowered:
.L_overlay_start_2:
0x3b: {  	(tag) =	ssettag $0x2  }
0x3c: {  	s0 =	rddreg [dreg:$0x0];
	s2 =	stileid.u32  }
0x3d: {  	s1 =	rddreg [dreg:$0x1];
	p0 =	sne.s32 s2, $0x0  }
0x3e: {  	s3 =	rddreg [dreg:$0x2];
	[bflag:$0x3] =	sbarrier.arrive $0xFFFF;
	s2 =	simm.s32 @!p0 $0x1C01  }
0x3f: {  	[timem:s3], [sflag:s2] =	dma.local @!p0 [hbm:s0], s1  }
0x40: {  	s0 =	simm.s32 @!p0 $0x1  }
0x41: {  	_ =	swait.ge @!p0 [sflag:s0], s1  }
0x42: {  	s1 =	ssub.s32 @!p0 $0x0, s1;
	[sflag:s0] =	ssyncset.done @!p0 $0x0  }
0x43: {  	[sflag:s0] =	ssyncadd.s32 @!p0 s1  }
0x44: {  	[bflag:$0x3] =	sbarrier.arrive $0xFFFF  }
0x45: {  	_ =	shalt  }

</sc_bundles>
